<compile_context>
chip_gen: v7x
topology: tpu7x:2x2x1
jax: 0.10.2.dev20260603
libtpu: 0.0.44.dev20260713+nightly
codegen_flags: <defaults>
</compile_context>

<pallas_src>
import functools

import jax
import jax.numpy as jnp
from jax import lax
from jax.experimental import pallas as pl
from jax.experimental.pallas import tpu as pltpu
from jax.experimental.pallas import tpu_sc as plsc

_MAX_DIST = 1000
_NSHIFT = 16
_NUM_CORES = 2
_NUM_SUBCORES = 16
_H_SC = 2


@functools.lru_cache(maxsize=None)
def _build_sc_kernel(S, H, H_SC, VLEN):
    NW = _NUM_CORES * _NUM_SUBCORES
    RPW = H_SC * S // NW
    HEAD0 = H - H_SC
    assert (H_SC * S) % NW == 0 and S % RPW == 0 and RPW % _NSHIFT == 0
    W = 2 * S
    assert VLEN >= W + _NSHIFT
    CH = 16

    mesh = plsc.VectorSubcoreMesh(
        core_axis_name="c", subcore_axis_name="s",
        num_cores=_NUM_CORES, num_subcores=_NUM_SUBCORES)

    @functools.partial(
        pl.kernel,
        out_type=jax.ShapeDtypeStruct((H_SC * S * S,), jnp.float32),
        mesh=mesh,
        scratch_types=(
            [pltpu.VMEM((VLEN,), jnp.float32)]
            + [pltpu.VMEM((W,), jnp.float32)] * _NSHIFT
            + [pltpu.SemaphoreType.DMA]
        ),
    )
    def sc_kernel(v_hbm, out_hbm, vsrc, *rest):
        vs = rest[:_NSHIFT]
        sem = rest[_NSHIFT]
        wid = lax.axis_index("s") * _NUM_CORES + lax.axis_index("c")
        r0 = wid * RPW
        h = r0 // S
        i0 = r0 - h * S

        pltpu.sync_copy(v_hbm.at[HEAD0 + h], vsrc)

        for m in range(_NSHIFT):
            def shift_body(kc, _, m=m):
                vs[m][pl.ds(kc * CH, CH)] = vsrc[pl.ds(m + kc * CH, CH)]
                return _
            lax.fori_loop(0, W // CH, shift_body, None)

        for m in range(_NSHIFT):
            o = (S - 1 - m) % _NSHIFT

            def fire(t, _, m=m, o=o):
                i = i0 + o + t * _NSHIFT
                a = pl.multiple_of((S - 1) - i - m, _NSHIFT)
                pltpu.make_async_copy(
                    vs[m].at[pl.ds(a, S)],
                    out_hbm.at[pl.ds((r0 + o + t * _NSHIFT) * S, S)],
                    sem).start()
                return _
            lax.fori_loop(0, RPW // _NSHIFT, fire, None)

        def drain(t, _):
            pltpu.make_async_copy(
                vs[0].at[pl.ds(0, S)], out_hbm.at[pl.ds(r0 * S, S)],
                sem).wait()
            return _
        lax.fori_loop(0, RPW, drain, None)

    return sc_kernel


@functools.lru_cache(maxsize=None)
def _build_tc_kernel(S, H, H_TC, VLEN):
    NP = 128
    RB = 1024
    WV = 2 * S
    assert S % RB == 0 and RB % 128 == 0
    assert VLEN >= WV + NP

    def body(v_ref, out_ref, varrev):
        b = pl.program_id(1)

        @pl.when(b == 0)
        def _build():
            for p in range(NP):
                src_off = 8 * (p // 8) + 7 - (p % 8)
                varrev[p, :] = v_ref[0, 0, pl.ds(src_off, WV)]

        for rg in range(RB // 8):
            m = (S - 8 - 8 * rg) % NP
            a128 = pl.multiple_of((S - 8 - 8 * rg - m) - b * RB, NP)
            out_ref[0, pl.ds(rg * 8, 8), :] = varrev[
                pl.ds(m, 8), pl.ds(a128, S)]

    return pl.pallas_call(
        body,
        grid=(H_TC, S // RB),
        in_specs=[
            pl.BlockSpec((1, 1, VLEN), lambda h, b: (h, 0, 0)),
        ],
        out_specs=pl.BlockSpec((1, RB, S), lambda h, b: (h, b, 0)),
        out_shape=jax.ShapeDtypeStruct((H, S, S), jnp.float32),
        scratch_shapes=[pltpu.VMEM((NP, WV), jnp.float32)],
    )


def kernel(x, bias_values):
    S = x.shape[1]
    NB, H = bias_values.shape
    assert NB == 2 * _MAX_DIST
    VLEN = 2 * S + 128
    n_left = (S - 1) - _MAX_DIST
    n_right = VLEN - n_left - NB
    assert n_left >= 0 and n_right >= 1

    v = jnp.concatenate([
        jnp.broadcast_to(bias_values[0], (n_left, H)),
        bias_values,
        jnp.broadcast_to(bias_values[-1], (n_right, H)),
    ], axis=0).T

    h_tc = H - _H_SC
    tc = _build_tc_kernel(S, H, h_tc, VLEN)(v[:h_tc].reshape(h_tc, 1, VLEN))
    sc = _build_sc_kernel(S, H, _H_SC, VLEN)(v)
    out = lax.dynamic_update_slice(
        tc, sc.reshape(_H_SC, S, S), (h_tc, 0, 0))
    return out.reshape(1, H, S, S)

# --- scband reference (transcript-rebuilt; emitter-appended) ---
"""Pipeline reference for scband-phi4-audio-relative-attention-logit-bias-2989297238130 (READ-ONLY COPY).

The authoritative reference and input builder live on the scoring server;
editing this copy changes nothing except your own understanding.
"""

import jax, jax.numpy as jnp
import numpy as np

NUM_HEADS = 16
MAX_DISTANCE = 1000
SYMMETRIC = False
NUM_BUCKETS = MAX_DISTANCE * (1 if SYMMETRIC else 2)


def setup_inputs(seed: int = 0) -> dict:
    key = jax.random.key(seed)
    k1, k2 = jax.random.split(key)
    x = jax.random.normal(k1, (1, 2048, 1024), dtype=jnp.float32)
    # learned parameter: nn.Embedding(num_buckets, num_heads).weight
    bias_values = jax.random.normal(k2, (NUM_BUCKETS, NUM_HEADS), dtype=jnp.float32) * 0.02
    return {"x": x, "bias_values": bias_values}


def reference(x, bias_values):
    max_pos = x.shape[1]
    context_position = jnp.arange(max_pos, dtype=jnp.int32)[:, None]
    memory_position = jnp.arange(max_pos, dtype=jnp.int32)[None, :]
    relative_position = memory_position - context_position
    relative_position = jnp.clip(relative_position, -MAX_DISTANCE, MAX_DISTANCE - 1)
    if SYMMETRIC:
        bias_idx = jnp.abs(relative_position)
    else:
        bias_idx = relative_position + NUM_BUCKETS // 2
    # embedding gather: [S, S] int indices into [num_buckets, num_heads] table -> [S, S, H]
    t5_rel_att_bias = jnp.take(bias_values, bias_idx, axis=0)
    # permute(2, 0, 1).unsqueeze(0) -> [1, H, S, S]
    t5_rel_att_bias = jnp.transpose(t5_rel_att_bias, (2, 0, 1))[None, :, :, :]
    return t5_rel_att_bias

if __name__ == "__main__":
    import jax
    _d = setup_inputs()
    print(jax.jit(kernel)(*tuple(_d.values())))

</pallas_src>

<mosaic_0001>
#map = affine_map<(d0, d1) -> (0, 0)>
#map1 = affine_map<(d0, d1) -> (0)>
module attributes {stable_mosaic.version = 14 : i64} {
  func.func @sc_kernel(%arg0: i32, %arg1: i32, %arg2: memref<16x4224xf32, #tpu.memory_space<hbm>>, %arg3: memref<8388608xf32, #tpu.memory_space<hbm>>, %arg4: memref<4224xf32, #tpu.memory_space<vmem>>, %arg5: memref<4096xf32, #tpu.memory_space<vmem>>, %arg6: memref<4096xf32, #tpu.memory_space<vmem>>, %arg7: memref<4096xf32, #tpu.memory_space<vmem>>, %arg8: memref<4096xf32, #tpu.memory_space<vmem>>, %arg9: memref<4096xf32, #tpu.memory_space<vmem>>, %arg10: memref<4096xf32, #tpu.memory_space<vmem>>, %arg11: memref<4096xf32, #tpu.memory_space<vmem>>, %arg12: memref<4096xf32, #tpu.memory_space<vmem>>, %arg13: memref<4096xf32, #tpu.memory_space<vmem>>, %arg14: memref<4096xf32, #tpu.memory_space<vmem>>, %arg15: memref<4096xf32, #tpu.memory_space<vmem>>, %arg16: memref<4096xf32, #tpu.memory_space<vmem>>, %arg17: memref<4096xf32, #tpu.memory_space<vmem>>, %arg18: memref<4096xf32, #tpu.memory_space<vmem>>, %arg19: memref<4096xf32, #tpu.memory_space<vmem>>, %arg20: memref<4096xf32, #tpu.memory_space<vmem>>, %arg21: memref<!tpu.dma_semaphore, #tpu.memory_space<semaphore_mem>>) attributes {dimension_semantics = [#tpu.dimension_semantics<core_parallel>, #tpu.dimension_semantics<subcore_parallel>], iteration_bounds = array<i64: 2, 16>, scalar_prefetch = 0 : i64, scratch_operands = 18 : i64, tpu.core_type = #tpu.core_type<sc_vector_subcore>, window_params = [{transform_indices = #map}, {transform_indices = #map1}]} {
    %mul3A = arith.constant 2 : i32
    %mul3A_0 = arith.muli %arg1, %mul3A : i32
    %add3A = arith.addi %mul3A_0, %arg0 : i32
    %mul3A_1 = arith.constant 128 : i32
    %mul3A_2 = arith.muli %add3A, %mul3A_1 : i32
    %jit3A = arith.constant 2048 : i32
    %div3A = arith.divsi %mul3A_2, %jit3A : i32
    %sign3A = arith.constant 0 : i32
    %sign3A_3 = arith.cmpi sgt, %mul3A_2, %sign3A : i32
    %sign3A_4 = arith.extui %sign3A_3 : i1 to i32
    %sign3A_5 = arith.constant 0 : i32
    %sign3A_6 = arith.cmpi slt, %mul3A_2, %sign3A_5 : i32
    %sign3A_7 = arith.extui %sign3A_6 : i1 to i32
    %sign3A_8 = arith.subi %sign3A_4, %sign3A_7 : i32
    %sign3A_9 = arith.constant 0 : i32
    %sign3A_10 = arith.cmpi sgt, %jit3A, %sign3A_9 : i32
    %sign3A_11 = arith.extui %sign3A_10 : i1 to i32
    %sign3A_12 = arith.constant 0 : i32
    %sign3A_13 = arith.cmpi slt, %jit3A, %sign3A_12 : i32
    %sign3A_14 = arith.extui %sign3A_13 : i1 to i32
    %sign3A_15 = arith.subi %sign3A_11, %sign3A_14 : i32
    %ne3A = arith.cmpi ne, %sign3A_8, %sign3A_15 : i32
    %rem3A = arith.remsi %mul3A_2, %jit3A : i32
    %ne3A_16 = arith.constant 0 : i32
    %ne3A_17 = arith.cmpi ne, %rem3A, %ne3A_16 : i32
    %and3A = arith.andi %ne3A, %ne3A_17 : i1
    %sub3A = arith.constant 1 : i32
    %sub3A_18 = arith.subi %div3A, %sub3A : i32
    %select_n3A = arith.select %and3A, %sub3A_18, %div3A : i32
    %mul3A_19 = arith.constant 2048 : i32
    %mul3A_20 = arith.muli %select_n3A, %mul3A_19 : i32
    %sub3A_21 = arith.subi %mul3A_2, %mul3A_20 : i32
    %add3A_22 = arith.constant 14 : i32
    %add3A_23 = arith.addi %add3A_22, %select_n3A : i32
    "tpu.region"() ({
      %run_scoped3A = tpu.sem_alloc : memref<!tpu.dma_semaphore, #tpu.memory_space<semaphore_mem>>
      %dma_start3A = arith.constant 0 : i32
      %dma_start3A_188 = tpu.memref_slice %arg2[%add3A_23, %dma_start3A] : memref<16x4224xf32, #tpu.memory_space<hbm>> -> memref<1x4224xf32, #tpu.memory_space<hbm>>
      %dma_start3A_189 = tpu.memref_squeeze %dma_start3A_188 : memref<1x4224xf32, #tpu.memory_space<hbm>> -> memref<4224xf32, #tpu.memory_space<hbm>>
      %dma_start3A_190 = arith.constant 0 : i32
      %dma_start3A_191 = tpu.memref_slice %arg2[%add3A_23, %dma_start3A_190] : memref<16x4224xf32, #tpu.memory_space<hbm>> -> memref<1x4224xf32, #tpu.memory_space<hbm>>
      %dma_start3A_192 = tpu.memref_squeeze %dma_start3A_191 : memref<1x4224xf32, #tpu.memory_space<hbm>> -> memref<4224xf32, #tpu.memory_space<hbm>>
      tpu.enqueue_dma source(%dma_start3A_192 : memref<4224xf32, #tpu.memory_space<hbm>>) target(%arg4 : memref<4224xf32, #tpu.memory_space<vmem>>) target_semaphore(%run_scoped3A : memref<!tpu.dma_semaphore, #tpu.memory_space<semaphore_mem>>)
      %dma_wait3A = arith.constant 0 : i32
      %dma_wait3A_193 = tpu.memref_slice %arg2[%add3A_23, %dma_wait3A] : memref<16x4224xf32, #tpu.memory_space<hbm>> -> memref<1x4224xf32, #tpu.memory_space<hbm>>
      %dma_wait3A_194 = tpu.memref_squeeze %dma_wait3A_193 : memref<1x4224xf32, #tpu.memory_space<hbm>> -> memref<4224xf32, #tpu.memory_space<hbm>>
      %dma_wait3A_195 = arith.constant 0 : i32
      %dma_wait3A_196 = tpu.memref_slice %arg2[%add3A_23, %dma_wait3A_195] : memref<16x4224xf32, #tpu.memory_space<hbm>> -> memref<1x4224xf32, #tpu.memory_space<hbm>>
      %dma_wait3A_197 = tpu.memref_squeeze %dma_wait3A_196 : memref<1x4224xf32, #tpu.memory_space<hbm>> -> memref<4224xf32, #tpu.memory_space<hbm>>
      tpu.wait_dma2 semaphore(%run_scoped3A : memref<!tpu.dma_semaphore, #tpu.memory_space<semaphore_mem>>) src(%dma_wait3A_197 : memref<4224xf32, #tpu.memory_space<hbm>>) dst(%arg4 : memref<4224xf32, #tpu.memory_space<vmem>>)
      tpu.yield
    }) : () -> ()
    %scan3A = arith.constant 0 : i32
    %scan3A_24 = arith.constant 256 : i32
    %scan3A_25 = arith.addi %scan3A, %scan3A_24 : i32
    %scan3A_26 = arith.constant 1 : i32
    scf.for %scan3A_188 = %scan3A to %scan3A_25 step %scan3A_26  : i32 {
      %mul3A_189 = arith.constant 16 : i32
      %mul3A_190 = arith.muli %scan3A_188, %mul3A_189 : i32
      %add3A_191 = arith.constant 0 : i32
      %add3A_192 = arith.addi %add3A_191, %mul3A_190 : i32
      %get3A = arith.index_cast %add3A_192 : i32 to index
      %get3A_193 = tpu.vector_load %arg4[%get3A] {strides = array<i32>} : memref<4224xf32, #tpu.memory_space<vmem>>, vector<16xf32>,
      %get3A_194 = vector.shape_cast %get3A_193 : vector<16xf32> to vector<16xf32>
      %mul3A_195 = arith.constant 16 : i32
      %mul3A_196 = arith.muli %scan3A_188, %mul3A_195 : i32
      %swap3A = arith.index_cast %mul3A_196 : i32 to index
      %swap3A_197 = tpu.vector_load %arg5[%swap3A] {strides = array<i32>} : memref<4096xf32, #tpu.memory_space<vmem>>, vector<16xf32>,
      %swap3A_198 = vector.shape_cast %swap3A_197 : vector<16xf32> to vector<16xf32>
      %swap3A_199 = vector.shape_cast %get3A_194 : vector<16xf32> to vector<16xf32>
      tpu.vector_store %arg5[%swap3A], %swap3A_199 {strides = array<i32>} : memref<4096xf32, #tpu.memory_space<vmem>>, vector<16xf32>,
    }
    %scan3A_27 = arith.constant 256 : i32
    %scan3A_28 = arith.constant 0 : i32
    %scan3A_29 = arith.constant 256 : i32
    %scan3A_30 = arith.addi %scan3A_28, %scan3A_29 : i32
    %scan3A_31 = arith.constant 1 : i32
    scf.for %scan3A_188 = %scan3A_28 to %scan3A_30 step %scan3A_31  : i32 {
      %mul3A_189 = arith.constant 16 : i32
      %mul3A_190 = arith.muli %scan3A_188, %mul3A_189 : i32
      %add3A_191 = arith.constant 1 : i32
      %add3A_192 = arith.addi %add3A_191, %mul3A_190 : i32
      %get3A = arith.index_cast %add3A_192 : i32 to index
      %get3A_193 = tpu.vector_load %arg4[%get3A] {strides = array<i32>} : memref<4224xf32, #tpu.memory_space<vmem>>, vector<16xf32>,
      %get3A_194 = vector.shape_cast %get3A_193 : vector<16xf32> to vector<16xf32>
      %mul3A_195 = arith.constant 16 : i32
      %mul3A_196 = arith.muli %scan3A_188, %mul3A_195 : i32
      %swap3A = arith.index_cast %mul3A_196 : i32 to index
      %swap3A_197 = tpu.vector_load %arg6[%swap3A] {strides = array<i32>} : memref<4096xf32, #tpu.memory_space<vmem>>, vector<16xf32>,
      %swap3A_198 = vector.shape_cast %swap3A_197 : vector<16xf32> to vector<16xf32>
      %swap3A_199 = vector.shape_cast %get3A_194 : vector<16xf32> to vector<16xf32>
      tpu.vector_store %arg6[%swap3A], %swap3A_199 {strides = array<i32>} : memref<4096xf32, #tpu.memory_space<vmem>>, vector<16xf32>,
    }
    %scan3A_32 = arith.constant 256 : i32
    %scan3A_33 = arith.constant 0 : i32
    %scan3A_34 = arith.constant 256 : i32
    %scan3A_35 = arith.addi %scan3A_33, %scan3A_34 : i32
    %scan3A_36 = arith.constant 1 : i32
    scf.for %scan3A_188 = %scan3A_33 to %scan3A_35 step %scan3A_36  : i32 {
      %mul3A_189 = arith.constant 16 : i32
      %mul3A_190 = arith.muli %scan3A_188, %mul3A_189 : i32
      %add3A_191 = arith.constant 2 : i32
      %add3A_192 = arith.addi %add3A_191, %mul3A_190 : i32
      %get3A = arith.index_cast %add3A_192 : i32 to index
      %get3A_193 = tpu.vector_load %arg4[%get3A] {strides = array<i32>} : memref<4224xf32, #tpu.memory_space<vmem>>, vector<16xf32>,
      %get3A_194 = vector.shape_cast %get3A_193 : vector<16xf32> to vector<16xf32>
      %mul3A_195 = arith.constant 16 : i32
      %mul3A_196 = arith.muli %scan3A_188, %mul3A_195 : i32
      %swap3A = arith.index_cast %mul3A_196 : i32 to index
      %swap3A_197 = tpu.vector_load %arg7[%swap3A] {strides = array<i32>} : memref<4096xf32, #tpu.memory_space<vmem>>, vector<16xf32>,
      %swap3A_198 = vector.shape_cast %swap3A_197 : vector<16xf32> to vector<16xf32>
      %swap3A_199 = vector.shape_cast %get3A_194 : vector<16xf32> to vector<16xf32>
      tpu.vector_store %arg7[%swap3A], %swap3A_199 {strides = array<i32>} : memref<4096xf32, #tpu.memory_space<vmem>>, vector<16xf32>,
    }
    %scan3A_37 = arith.constant 256 : i32
    %scan3A_38 = arith.constant 0 : i32
    %scan3A_39 = arith.constant 256 : i32
    %scan3A_40 = arith.addi %scan3A_38, %scan3A_39 : i32
    %scan3A_41 = arith.constant 1 : i32
    scf.for %scan3A_188 = %scan3A_38 to %scan3A_40 step %scan3A_41  : i32 {
      %mul3A_189 = arith.constant 16 : i32
      %mul3A_190 = arith.muli %scan3A_188, %mul3A_189 : i32
      %add3A_191 = arith.constant 3 : i32
      %add3A_192 = arith.addi %add3A_191, %mul3A_190 : i32
      %get3A = arith.index_cast %add3A_192 : i32 to index
      %get3A_193 = tpu.vector_load %arg4[%get3A] {strides = array<i32>} : memref<4224xf32, #tpu.memory_space<vmem>>, vector<16xf32>,
      %get3A_194 = vector.shape_cast %get3A_193 : vector<16xf32> to vector<16xf32>
      %mul3A_195 = arith.constant 16 : i32
      %mul3A_196 = arith.muli %scan3A_188, %mul3A_195 : i32
      %swap3A = arith.index_cast %mul3A_196 : i32 to index
      %swap3A_197 = tpu.vector_load %arg8[%swap3A] {strides = array<i32>} : memref<4096xf32, #tpu.memory_space<vmem>>, vector<16xf32>,
      %swap3A_198 = vector.shape_cast %swap3A_197 : vector<16xf32> to vector<16xf32>
      %swap3A_199 = vector.shape_cast %get3A_194 : vector<16xf32> to vector<16xf32>
      tpu.vector_store %arg8[%swap3A], %swap3A_199 {strides = array<i32>} : memref<4096xf32, #tpu.memory_space<vmem>>, vector<16xf32>,
    }
    %scan3A_42 = arith.constant 256 : i32
    %scan3A_43 = arith.constant 0 : i32
    %scan3A_44 = arith.constant 256 : i32
    %scan3A_45 = arith.addi %scan3A_43, %scan3A_44 : i32
    %scan3A_46 = arith.constant 1 : i32
    scf.for %scan3A_188 = %scan3A_43 to %scan3A_45 step %scan3A_46  : i32 {
      %mul3A_189 = arith.constant 16 : i32
      %mul3A_190 = arith.muli %scan3A_188, %mul3A_189 : i32
      %add3A_191 = arith.constant 4 : i32
      %add3A_192 = arith.addi %add3A_191, %mul3A_190 : i32
      %get3A = arith.index_cast %add3A_192 : i32 to index
      %get3A_193 = tpu.vector_load %arg4[%get3A] {strides = array<i32>} : memref<4224xf32, #tpu.memory_space<vmem>>, vector<16xf32>,
      %get3A_194 = vector.shape_cast %get3A_193 : vector<16xf32> to vector<16xf32>
      %mul3A_195 = arith.constant 16 : i32
      %mul3A_196 = arith.muli %scan3A_188, %mul3A_195 : i32
      %swap3A = arith.index_cast %mul3A_196 : i32 to index
      %swap3A_197 = tpu.vector_load %arg9[%swap3A] {strides = array<i32>} : memref<4096xf32, #tpu.memory_space<vmem>>, vector<16xf32>,
      %swap3A_198 = vector.shape_cast %swap3A_197 : vector<16xf32> to vector<16xf32>
      %swap3A_199 = vector.shape_cast %get3A_194 : vector<16xf32> to vector<16xf32>
      tpu.vector_store %arg9[%swap3A], %swap3A_199 {strides = array<i32>} : memref<4096xf32, #tpu.memory_space<vmem>>, vector<16xf32>,
    }
    %scan3A_47 = arith.constant 256 : i32
    %scan3A_48 = arith.constant 0 : i32
    %scan3A_49 = arith.constant 256 : i32
    %scan3A_50 = arith.addi %scan3A_48, %scan3A_49 : i32
    %scan3A_51 = arith.constant 1 : i32
    scf.for %scan3A_188 = %scan3A_48 to %scan3A_50 step %scan3A_51  : i32 {
      %mul3A_189 = arith.constant 16 : i32
      %mul3A_190 = arith.muli %scan3A_188, %mul3A_189 : i32
      %add3A_191 = arith.constant 5 : i32
      %add3A_192 = arith.addi %add3A_191, %mul3A_190 : i32
      %get3A = arith.index_cast %add3A_192 : i32 to index
      %get3A_193 = tpu.vector_load %arg4[%get3A] {strides = array<i32>} : memref<4224xf32, #tpu.memory_space<vmem>>, vector<16xf32>,
      %get3A_194 = vector.shape_cast %get3A_193 : vector<16xf32> to vector<16xf32>
      %mul3A_195 = arith.constant 16 : i32
      %mul3A_196 = arith.muli %scan3A_188, %mul3A_195 : i32
      %swap3A = arith.index_cast %mul3A_196 : i32 to index
      %swap3A_197 = tpu.vector_load %arg10[%swap3A] {strides = array<i32>} : memref<4096xf32, #tpu.memory_space<vmem>>, vector<16xf32>,
      %swap3A_198 = vector.shape_cast %swap3A_197 : vector<16xf32> to vector<16xf32>
      %swap3A_199 = vector.shape_cast %get3A_194 : vector<16xf32> to vector<16xf32>
      tpu.vector_store %arg10[%swap3A], %swap3A_199 {strides = array<i32>} : memref<4096xf32, #tpu.memory_space<vmem>>, vector<16xf32>,
    }
    %scan3A_52 = arith.constant 256 : i32
    %scan3A_53 = arith.constant 0 : i32
    %scan3A_54 = arith.constant 256 : i32
    %scan3A_55 = arith.addi %scan3A_53, %scan3A_54 : i32
    %scan3A_56 = arith.constant 1 : i32
    scf.for %scan3A_188 = %scan3A_53 to %scan3A_55 step %scan3A_56  : i32 {
      %mul3A_189 = arith.constant 16 : i32
      %mul3A_190 = arith.muli %scan3A_188, %mul3A_189 : i32
      %add3A_191 = arith.constant 6 : i32
      %add3A_192 = arith.addi %add3A_191, %mul3A_190 : i32
      %get3A = arith.index_cast %add3A_192 : i32 to index
      %get3A_193 = tpu.vector_load %arg4[%get3A] {strides = array<i32>} : memref<4224xf32, #tpu.memory_space<vmem>>, vector<16xf32>,
      %get3A_194 = vector.shape_cast %get3A_193 : vector<16xf32> to vector<16xf32>
      %mul3A_195 = arith.constant 16 : i32
      %mul3A_196 = arith.muli %scan3A_188, %mul3A_195 : i32
      %swap3A = arith.index_cast %mul3A_196 : i32 to index
      %swap3A_197 = tpu.vector_load %arg11[%swap3A] {strides = array<i32>} : memref<4096xf32, #tpu.memory_space<vmem>>, vector<16xf32>,
      %swap3A_198 = vector.shape_cast %swap3A_197 : vector<16xf32> to vector<16xf32>
      %swap3A_199 = vector.shape_cast %get3A_194 : vector<16xf32> to vector<16xf32>
      tpu.vector_store %arg11[%swap3A], %swap3A_199 {strides = array<i32>} : memref<4096xf32, #tpu.memory_space<vmem>>, vector<16xf32>,
    }
    %scan3A_57 = arith.constant 256 : i32
    %scan3A_58 = arith.constant 0 : i32
    %scan3A_59 = arith.constant 256 : i32
    %scan3A_60 = arith.addi %scan3A_58, %scan3A_59 : i32
    %scan3A_61 = arith.constant 1 : i32
    scf.for %scan3A_188 = %scan3A_58 to %scan3A_60 step %scan3A_61  : i32 {
      %mul3A_189 = arith.constant 16 : i32
      %mul3A_190 = arith.muli %scan3A_188, %mul3A_189 : i32
      %add3A_191 = arith.constant 7 : i32
      %add3A_192 = arith.addi %add3A_191, %mul3A_190 : i32
      %get3A = arith.index_cast %add3A_192 : i32 to index
      %get3A_193 = tpu.vector_load %arg4[%get3A] {strides = array<i32>} : memref<4224xf32, #tpu.memory_space<vmem>>, vector<16xf32>,
      %get3A_194 = vector.shape_cast %get3A_193 : vector<16xf32> to vector<16xf32>
      %mul3A_195 = arith.constant 16 : i32
      %mul3A_196 = arith.muli %scan3A_188, %mul3A_195 : i32
      %swap3A = arith.index_cast %mul3A_196 : i32 to index
      %swap3A_197 = tpu.vector_load %arg12[%swap3A] {strides = array<i32>} : memref<4096xf32, #tpu.memory_space<vmem>>, vector<16xf32>,
      %swap3A_198 = vector.shape_cast %swap3A_197 : vector<16xf32> to vector<16xf32>
      %swap3A_199 = vector.shape_cast %get3A_194 : vector<16xf32> to vector<16xf32>
      tpu.vector_store %arg12[%swap3A], %swap3A_199 {strides = array<i32>} : memref<4096xf32, #tpu.memory_space<vmem>>, vector<16xf32>,
    }
    %scan3A_62 = arith.constant 256 : i32
    %scan3A_63 = arith.constant 0 : i32
    %scan3A_64 = arith.constant 256 : i32
    %scan3A_65 = arith.addi %scan3A_63, %scan3A_64 : i32
    %scan3A_66 = arith.constant 1 : i32
    scf.for %scan3A_188 = %scan3A_63 to %scan3A_65 step %scan3A_66  : i32 {
      %mul3A_189 = arith.constant 16 : i32
      %mul3A_190 = arith.muli %scan3A_188, %mul3A_189 : i32
      %add3A_191 = arith.constant 8 : i32
      %add3A_192 = arith.addi %add3A_191, %mul3A_190 : i32
      %get3A = arith.index_cast %add3A_192 : i32 to index
      %get3A_193 = tpu.vector_load %arg4[%get3A] {strides = array<i32>} : memref<4224xf32, #tpu.memory_space<vmem>>, vector<16xf32>,
      %get3A_194 = vector.shape_cast %get3A_193 : vector<16xf32> to vector<16xf32>
      %mul3A_195 = arith.constant 16 : i32
      %mul3A_196 = arith.muli %scan3A_188, %mul3A_195 : i32
      %swap3A = arith.index_cast %mul3A_196 : i32 to index
      %swap3A_197 = tpu.vector_load %arg13[%swap3A] {strides = array<i32>} : memref<4096xf32, #tpu.memory_space<vmem>>, vector<16xf32>,
      %swap3A_198 = vector.shape_cast %swap3A_197 : vector<16xf32> to vector<16xf32>
      %swap3A_199 = vector.shape_cast %get3A_194 : vector<16xf32> to vector<16xf32>
      tpu.vector_store %arg13[%swap3A], %swap3A_199 {strides = array<i32>} : memref<4096xf32, #tpu.memory_space<vmem>>, vector<16xf32>,
    }
    %scan3A_67 = arith.constant 256 : i32
    %scan3A_68 = arith.constant 0 : i32
    %scan3A_69 = arith.constant 256 : i32
    %scan3A_70 = arith.addi %scan3A_68, %scan3A_69 : i32
    %scan3A_71 = arith.constant 1 : i32
    scf.for %scan3A_188 = %scan3A_68 to %scan3A_70 step %scan3A_71  : i32 {
      %mul3A_189 = arith.constant 16 : i32
      %mul3A_190 = arith.muli %scan3A_188, %mul3A_189 : i32
      %add3A_191 = arith.constant 9 : i32
      %add3A_192 = arith.addi %add3A_191, %mul3A_190 : i32
      %get3A = arith.index_cast %add3A_192 : i32 to index
      %get3A_193 = tpu.vector_load %arg4[%get3A] {strides = array<i32>} : memref<4224xf32, #tpu.memory_space<vmem>>, vector<16xf32>,
      %get3A_194 = vector.shape_cast %get3A_193 : vector<16xf32> to vector<16xf32>
      %mul3A_195 = arith.constant 16 : i32
      %mul3A_196 = arith.muli %scan3A_188, %mul3A_195 : i32
      %swap3A = arith.index_cast %mul3A_196 : i32 to index
      %swap3A_197 = tpu.vector_load %arg14[%swap3A] {strides = array<i32>} : memref<4096xf32, #tpu.memory_space<vmem>>, vector<16xf32>,
      %swap3A_198 = vector.shape_cast %swap3A_197 : vector<16xf32> to vector<16xf32>
      %swap3A_199 = vector.shape_cast %get3A_194 : vector<16xf32> to vector<16xf32>
      tpu.vector_store %arg14[%swap3A], %swap3A_199 {strides = array<i32>} : memref<4096xf32, #tpu.memory_space<vmem>>, vector<16xf32>,
    }
    %scan3A_72 = arith.constant 256 : i32
    %scan3A_73 = arith.constant 0 : i32
    %scan3A_74 = arith.constant 256 : i32
    %scan3A_75 = arith.addi %scan3A_73, %scan3A_74 : i32
    %scan3A_76 = arith.constant 1 : i32
    scf.for %scan3A_188 = %scan3A_73 to %scan3A_75 step %scan3A_76  : i32 {
      %mul3A_189 = arith.constant 16 : i32
      %mul3A_190 = arith.muli %scan3A_188, %mul3A_189 : i32
      %add3A_191 = arith.constant 10 : i32
      %add3A_192 = arith.addi %add3A_191, %mul3A_190 : i32
      %get3A = arith.index_cast %add3A_192 : i32 to index
      %get3A_193 = tpu.vector_load %arg4[%get3A] {strides = array<i32>} : memref<4224xf32, #tpu.memory_space<vmem>>, vector<16xf32>,
      %get3A_194 = vector.shape_cast %get3A_193 : vector<16xf32> to vector<16xf32>
      %mul3A_195 = arith.constant 16 : i32
      %mul3A_196 = arith.muli %scan3A_188, %mul3A_195 : i32
      %swap3A = arith.index_cast %mul3A_196 : i32 to index
      %swap3A_197 = tpu.vector_load %arg15[%swap3A] {strides = array<i32>} : memref<4096xf32, #tpu.memory_space<vmem>>, vector<16xf32>,
      %swap3A_198 = vector.shape_cast %swap3A_197 : vector<16xf32> to vector<16xf32>
      %swap3A_199 = vector.shape_cast %get3A_194 : vector<16xf32> to vector<16xf32>
      tpu.vector_store %arg15[%swap3A], %swap3A_199 {strides = array<i32>} : memref<4096xf32, #tpu.memory_space<vmem>>, vector<16xf32>,
    }
    %scan3A_77 = arith.constant 256 : i32
    %scan3A_78 = arith.constant 0 : i32
    %scan3A_79 = arith.constant 256 : i32
    %scan3A_80 = arith.addi %scan3A_78, %scan3A_79 : i32
    %scan3A_81 = arith.constant 1 : i32
    scf.for %scan3A_188 = %scan3A_78 to %scan3A_80 step %scan3A_81  : i32 {
      %mul3A_189 = arith.constant 16 : i32
      %mul3A_190 = arith.muli %scan3A_188, %mul3A_189 : i32
      %add3A_191 = arith.constant 11 : i32
      %add3A_192 = arith.addi %add3A_191, %mul3A_190 : i32
      %get3A = arith.index_cast %add3A_192 : i32 to index
      %get3A_193 = tpu.vector_load %arg4[%get3A] {strides = array<i32>} : memref<4224xf32, #tpu.memory_space<vmem>>, vector<16xf32>,
      %get3A_194 = vector.shape_cast %get3A_193 : vector<16xf32> to vector<16xf32>
      %mul3A_195 = arith.constant 16 : i32
      %mul3A_196 = arith.muli %scan3A_188, %mul3A_195 : i32
      %swap3A = arith.index_cast %mul3A_196 : i32 to index
      %swap3A_197 = tpu.vector_load %arg16[%swap3A] {strides = array<i32>} : memref<4096xf32, #tpu.memory_space<vmem>>, vector<16xf32>,
      %swap3A_198 = vector.shape_cast %swap3A_197 : vector<16xf32> to vector<16xf32>
      %swap3A_199 = vector.shape_cast %get3A_194 : vector<16xf32> to vector<16xf32>
      tpu.vector_store %arg16[%swap3A], %swap3A_199 {strides = array<i32>} : memref<4096xf32, #tpu.memory_space<vmem>>, vector<16xf32>,
    }
    %scan3A_82 = arith.constant 256 : i32
    %scan3A_83 = arith.constant 0 : i32
    %scan3A_84 = arith.constant 256 : i32
    %scan3A_85 = arith.addi %scan3A_83, %scan3A_84 : i32
    %scan3A_86 = arith.constant 1 : i32
    scf.for %scan3A_188 = %scan3A_83 to %scan3A_85 step %scan3A_86  : i32 {
      %mul3A_189 = arith.constant 16 : i32
      %mul3A_190 = arith.muli %scan3A_188, %mul3A_189 : i32
      %add3A_191 = arith.constant 12 : i32
      %add3A_192 = arith.addi %add3A_191, %mul3A_190 : i32
      %get3A = arith.index_cast %add3A_192 : i32 to index
      %get3A_193 = tpu.vector_load %arg4[%get3A] {strides = array<i32>} : memref<4224xf32, #tpu.memory_space<vmem>>, vector<16xf32>,
      %get3A_194 = vector.shape_cast %get3A_193 : vector<16xf32> to vector<16xf32>
      %mul3A_195 = arith.constant 16 : i32
      %mul3A_196 = arith.muli %scan3A_188, %mul3A_195 : i32
      %swap3A = arith.index_cast %mul3A_196 : i32 to index
      %swap3A_197 = tpu.vector_load %arg17[%swap3A] {strides = array<i32>} : memref<4096xf32, #tpu.memory_space<vmem>>, vector<16xf32>,
      %swap3A_198 = vector.shape_cast %swap3A_197 : vector<16xf32> to vector<16xf32>
      %swap3A_199 = vector.shape_cast %get3A_194 : vector<16xf32> to vector<16xf32>
      tpu.vector_store %arg17[%swap3A], %swap3A_199 {strides = array<i32>} : memref<4096xf32, #tpu.memory_space<vmem>>, vector<16xf32>,
    }
    %scan3A_87 = arith.constant 256 : i32
    %scan3A_88 = arith.constant 0 : i32
    %scan3A_89 = arith.constant 256 : i32
    %scan3A_90 = arith.addi %scan3A_88, %scan3A_89 : i32
    %scan3A_91 = arith.constant 1 : i32
    scf.for %scan3A_188 = %scan3A_88 to %scan3A_90 step %scan3A_91  : i32 {
      %mul3A_189 = arith.constant 16 : i32
      %mul3A_190 = arith.muli %scan3A_188, %mul3A_189 : i32
      %add3A_191 = arith.constant 13 : i32
      %add3A_192 = arith.addi %add3A_191, %mul3A_190 : i32
      %get3A = arith.index_cast %add3A_192 : i32 to index
      %get3A_193 = tpu.vector_load %arg4[%get3A] {strides = array<i32>} : memref<4224xf32, #tpu.memory_space<vmem>>, vector<16xf32>,
      %get3A_194 = vector.shape_cast %get3A_193 : vector<16xf32> to vector<16xf32>
      %mul3A_195 = arith.constant 16 : i32
      %mul3A_196 = arith.muli %scan3A_188, %mul3A_195 : i32
      %swap3A = arith.index_cast %mul3A_196 : i32 to index
      %swap3A_197 = tpu.vector_load %arg18[%swap3A] {strides = array<i32>} : memref<4096xf32, #tpu.memory_space<vmem>>, vector<16xf32>,
      %swap3A_198 = vector.shape_cast %swap3A_197 : vector<16xf32> to vector<16xf32>
      %swap3A_199 = vector.shape_cast %get3A_194 : vector<16xf32> to vector<16xf32>
      tpu.vector_store %arg18[%swap3A], %swap3A_199 {strides = array<i32>} : memref<4096xf32, #tpu.memory_space<vmem>>, vector<16xf32>,
    }
    %scan3A_92 = arith.constant 256 : i32
    %scan3A_93 = arith.constant 0 : i32
    %scan3A_94 = arith.constant 256 : i32
    %scan3A_95 = arith.addi %scan3A_93, %scan3A_94 : i32
    %scan3A_96 = arith.constant 1 : i32
    scf.for %scan3A_188 = %scan3A_93 to %scan3A_95 step %scan3A_96  : i32 {
      %mul3A_189 = arith.constant 16 : i32
      %mul3A_190 = arith.muli %scan3A_188, %mul3A_189 : i32
      %add3A_191 = arith.constant 14 : i32
      %add3A_192 = arith.addi %add3A_191, %mul3A_190 : i32
      %get3A = arith.index_cast %add3A_192 : i32 to index
      %get3A_193 = tpu.vector_load %arg4[%get3A] {strides = array<i32>} : memref<4224xf32, #tpu.memory_space<vmem>>, vector<16xf32>,
      %get3A_194 = vector.shape_cast %get3A_193 : vector<16xf32> to vector<16xf32>
      %mul3A_195 = arith.constant 16 : i32
      %mul3A_196 = arith.muli %scan3A_188, %mul3A_195 : i32
      %swap3A = arith.index_cast %mul3A_196 : i32 to index
      %swap3A_197 = tpu.vector_load %arg19[%swap3A] {strides = array<i32>} : memref<4096xf32, #tpu.memory_space<vmem>>, vector<16xf32>,
      %swap3A_198 = vector.shape_cast %swap3A_197 : vector<16xf32> to vector<16xf32>
      %swap3A_199 = vector.shape_cast %get3A_194 : vector<16xf32> to vector<16xf32>
      tpu.vector_store %arg19[%swap3A], %swap3A_199 {strides = array<i32>} : memref<4096xf32, #tpu.memory_space<vmem>>, vector<16xf32>,
    }
    %scan3A_97 = arith.constant 256 : i32
    %scan3A_98 = arith.constant 0 : i32
    %scan3A_99 = arith.constant 256 : i32
    %scan3A_100 = arith.addi %scan3A_98, %scan3A_99 : i32
    %scan3A_101 = arith.constant 1 : i32
    scf.for %scan3A_188 = %scan3A_98 to %scan3A_100 step %scan3A_101  : i32 {
      %mul3A_189 = arith.constant 16 : i32
      %mul3A_190 = arith.muli %scan3A_188, %mul3A_189 : i32
      %add3A_191 = arith.constant 15 : i32
      %add3A_192 = arith.addi %add3A_191, %mul3A_190 : i32
      %get3A = arith.index_cast %add3A_192 : i32 to index
      %get3A_193 = tpu.vector_load %arg4[%get3A] {strides = array<i32>} : memref<4224xf32, #tpu.memory_space<vmem>>, vector<16xf32>,
      %get3A_194 = vector.shape_cast %get3A_193 : vector<16xf32> to vector<16xf32>
      %mul3A_195 = arith.constant 16 : i32
      %mul3A_196 = arith.muli %scan3A_188, %mul3A_195 : i32
      %swap3A = arith.index_cast %mul3A_196 : i32 to index
      %swap3A_197 = tpu.vector_load %arg20[%swap3A] {strides = array<i32>} : memref<4096xf32, #tpu.memory_space<vmem>>, vector<16xf32>,
      %swap3A_198 = vector.shape_cast %swap3A_197 : vector<16xf32> to vector<16xf32>
      %swap3A_199 = vector.shape_cast %get3A_194 : vector<16xf32> to vector<16xf32>
      tpu.vector_store %arg20[%swap3A], %swap3A_199 {strides = array<i32>} : memref<4096xf32, #tpu.memory_space<vmem>>, vector<16xf32>,
    }
    %scan3A_102 = arith.constant 256 : i32
    %scan3A_103 = arith.constant 0 : i32
    %scan3A_104 = arith.constant 8 : i32
    %scan3A_105 = arith.addi %scan3A_103, %scan3A_104 : i32
    %scan3A_106 = arith.constant 1 : i32
    scf.for %scan3A_188 = %scan3A_103 to %scan3A_105 step %scan3A_106  : i32 {
      %add3A_189 = arith.constant 15 : i32
      %add3A_190 = arith.addi %sub3A_21, %add3A_189 : i32
      %mul3A_191 = arith.constant 16 : i32
      %mul3A_192 = arith.muli %scan3A_188, %mul3A_191 : i32
      %add3A_193 = arith.addi %add3A_190, %mul3A_192 : i32
      %sub3A_194 = arith.constant 2047 : i32
      %sub3A_195 = arith.subi %sub3A_194, %add3A_193 : i32
      %sub3A_196 = arith.constant 0 : i32
      %sub3A_197 = arith.subi %sub3A_195, %sub3A_196 : i32
      %multiple_of3A = tpu.assume_multiple %sub3A_197, 16 : i32
      %add3A_198 = arith.constant 15 : i32
      %add3A_199 = arith.addi %mul3A_2, %add3A_198 : i32
      %mul3A_200 = arith.constant 16 : i32
      %mul3A_201 = arith.muli %scan3A_188, %mul3A_200 : i32
      %add3A_202 = arith.addi %add3A_199, %mul3A_201 : i32
      %mul3A_203 = arith.constant 2048 : i32
      %mul3A_204 = arith.muli %add3A_202, %mul3A_203 : i32
      %dma_start3A = tpu.memref_slice %arg5[%multiple_of3A] : memref<4096xf32, #tpu.memory_space<vmem>> -> memref<2048xf32, #tpu.memory_space<vmem>>
      %dma_start3A_205 = tpu.memref_slice %arg3[%mul3A_204] : memref<8388608xf32, #tpu.memory_space<hbm>> -> memref<2048xf32, #tpu.memory_space<hbm>>
      %dma_start3A_206 = tpu.memref_slice %arg3[%mul3A_204] : memref<8388608xf32, #tpu.memory_space<hbm>> -> memref<2048xf32, #tpu.memory_space<hbm>>
      %dma_start3A_207 = tpu.memref_slice %arg5[%multiple_of3A] : memref<4096xf32, #tpu.memory_space<vmem>> -> memref<2048xf32, #tpu.memory_space<vmem>>
      tpu.enqueue_dma source(%dma_start3A_207 : memref<2048xf32, #tpu.memory_space<vmem>>) target(%dma_start3A_206 : memref<2048xf32, #tpu.memory_space<hbm>>) target_semaphore(%arg21 : memref<!tpu.dma_semaphore, #tpu.memory_space<semaphore_mem>>)
    }
    %scan3A_107 = arith.constant 8 : i32
    %scan3A_108 = arith.constant 0 : i32
    %scan3A_109 = arith.constant 8 : i32
    %scan3A_110 = arith.addi %scan3A_108, %scan3A_109 : i32
    %scan3A_111 = arith.constant 1 : i32
    scf.for %scan3A_188 = %scan3A_108 to %scan3A_110 step %scan3A_111  : i32 {
      %add3A_189 = arith.constant 14 : i32
      %add3A_190 = arith.addi %sub3A_21, %add3A_189 : i32
      %mul3A_191 = arith.constant 16 : i32
      %mul3A_192 = arith.muli %scan3A_188, %mul3A_191 : i32
      %add3A_193 = arith.addi %add3A_190, %mul3A_192 : i32
      %sub3A_194 = arith.constant 2047 : i32
      %sub3A_195 = arith.subi %sub3A_194, %add3A_193 : i32
      %sub3A_196 = arith.constant 1 : i32
      %sub3A_197 = arith.subi %sub3A_195, %sub3A_196 : i32
      %multiple_of3A = tpu.assume_multiple %sub3A_197, 16 : i32
      %add3A_198 = arith.constant 14 : i32
      %add3A_199 = arith.addi %mul3A_2, %add3A_198 : i32
      %mul3A_200 = arith.constant 16 : i32
      %mul3A_201 = arith.muli %scan3A_188, %mul3A_200 : i32
      %add3A_202 = arith.addi %add3A_199, %mul3A_201 : i32
      %mul3A_203 = arith.constant 2048 : i32
      %mul3A_204 = arith.muli %add3A_202, %mul3A_203 : i32
      %dma_start3A = tpu.memref_slice %arg6[%multiple_of3A] : memref<4096xf32, #tpu.memory_space<vmem>> -> memref<2048xf32, #tpu.memory_space<vmem>>
      %dma_start3A_205 = tpu.memref_slice %arg3[%mul3A_204] : memref<8388608xf32, #tpu.memory_space<hbm>> -> memref<2048xf32, #tpu.memory_space<hbm>>
      %dma_start3A_206 = tpu.memref_slice %arg3[%mul3A_204] : memref<8388608xf32, #tpu.memory_space<hbm>> -> memref<2048xf32, #tpu.memory_space<hbm>>
      %dma_start3A_207 = tpu.memref_slice %arg6[%multiple_of3A] : memref<4096xf32, #tpu.memory_space<vmem>> -> memref<2048xf32, #tpu.memory_space<vmem>>
      tpu.enqueue_dma source(%dma_start3A_207 : memref<2048xf32, #tpu.memory_space<vmem>>) target(%dma_start3A_206 : memref<2048xf32, #tpu.memory_space<hbm>>) target_semaphore(%arg21 : memref<!tpu.dma_semaphore, #tpu.memory_space<semaphore_mem>>)
    }
    %scan3A_112 = arith.constant 8 : i32
    %scan3A_113 = arith.constant 0 : i32
    %scan3A_114 = arith.constant 8 : i32
    %scan3A_115 = arith.addi %scan3A_113, %scan3A_114 : i32
    %scan3A_116 = arith.constant 1 : i32
    scf.for %scan3A_188 = %scan3A_113 to %scan3A_115 step %scan3A_116  : i32 {
      %add3A_189 = arith.constant 13 : i32
      %add3A_190 = arith.addi %sub3A_21, %add3A_189 : i32
      %mul3A_191 = arith.constant 16 : i32
      %mul3A_192 = arith.muli %scan3A_188, %mul3A_191 : i32
      %add3A_193 = arith.addi %add3A_190, %mul3A_192 : i32
      %sub3A_194 = arith.constant 2047 : i32
      %sub3A_195 = arith.subi %sub3A_194, %add3A_193 : i32
      %sub3A_196 = arith.constant 2 : i32
      %sub3A_197 = arith.subi %sub3A_195, %sub3A_196 : i32
      %multiple_of3A = tpu.assume_multiple %sub3A_197, 16 : i32
      %add3A_198 = arith.constant 13 : i32
      %add3A_199 = arith.addi %mul3A_2, %add3A_198 : i32
      %mul3A_200 = arith.constant 16 : i32
      %mul3A_201 = arith.muli %scan3A_188, %mul3A_200 : i32
      %add3A_202 = arith.addi %add3A_199, %mul3A_201 : i32
      %mul3A_203 = arith.constant 2048 : i32
      %mul3A_204 = arith.muli %add3A_202, %mul3A_203 : i32
      %dma_start3A = tpu.memref_slice %arg7[%multiple_of3A] : memref<4096xf32, #tpu.memory_space<vmem>> -> memref<2048xf32, #tpu.memory_space<vmem>>
      %dma_start3A_205 = tpu.memref_slice %arg3[%mul3A_204] : memref<8388608xf32, #tpu.memory_space<hbm>> -> memref<2048xf32, #tpu.memory_space<hbm>>
      %dma_start3A_206 = tpu.memref_slice %arg3[%mul3A_204] : memref<8388608xf32, #tpu.memory_space<hbm>> -> memref<2048xf32, #tpu.memory_space<hbm>>
      %dma_start3A_207 = tpu.memref_slice %arg7[%multiple_of3A] : memref<4096xf32, #tpu.memory_space<vmem>> -> memref<2048xf32, #tpu.memory_space<vmem>>
      tpu.enqueue_dma source(%dma_start3A_207 : memref<2048xf32, #tpu.memory_space<vmem>>) target(%dma_start3A_206 : memref<2048xf32, #tpu.memory_space<hbm>>) target_semaphore(%arg21 : memref<!tpu.dma_semaphore, #tpu.memory_space<semaphore_mem>>)
    }
    %scan3A_117 = arith.constant 8 : i32
    %scan3A_118 = arith.constant 0 : i32
    %scan3A_119 = arith.constant 8 : i32
    %scan3A_120 = arith.addi %scan3A_118, %scan3A_119 : i32
    %scan3A_121 = arith.constant 1 : i32
    scf.for %scan3A_188 = %scan3A_118 to %scan3A_120 step %scan3A_121  : i32 {
      %add3A_189 = arith.constant 12 : i32
      %add3A_190 = arith.addi %sub3A_21, %add3A_189 : i32
      %mul3A_191 = arith.constant 16 : i32
      %mul3A_192 = arith.muli %scan3A_188, %mul3A_191 : i32
      %add3A_193 = arith.addi %add3A_190, %mul3A_192 : i32
      %sub3A_194 = arith.constant 2047 : i32
      %sub3A_195 = arith.subi %sub3A_194, %add3A_193 : i32
      %sub3A_196 = arith.constant 3 : i32
      %sub3A_197 = arith.subi %sub3A_195, %sub3A_196 : i32
      %multiple_of3A = tpu.assume_multiple %sub3A_197, 16 : i32
      %add3A_198 = arith.constant 12 : i32
      %add3A_199 = arith.addi %mul3A_2, %add3A_198 : i32
      %mul3A_200 = arith.constant 16 : i32
      %mul3A_201 = arith.muli %scan3A_188, %mul3A_200 : i32
      %add3A_202 = arith.addi %add3A_199, %mul3A_201 : i32
      %mul3A_203 = arith.constant 2048 : i32
      %mul3A_204 = arith.muli %add3A_202, %mul3A_203 : i32
      %dma_start3A = tpu.memref_slice %arg8[%multiple_of3A] : memref<4096xf32, #tpu.memory_space<vmem>> -> memref<2048xf32, #tpu.memory_space<vmem>>
      %dma_start3A_205 = tpu.memref_slice %arg3[%mul3A_204] : memref<8388608xf32, #tpu.memory_space<hbm>> -> memref<2048xf32, #tpu.memory_space<hbm>>
      %dma_start3A_206 = tpu.memref_slice %arg3[%mul3A_204] : memref<8388608xf32, #tpu.memory_space<hbm>> -> memref<2048xf32, #tpu.memory_space<hbm>>
      %dma_start3A_207 = tpu.memref_slice %arg8[%multiple_of3A] : memref<4096xf32, #tpu.memory_space<vmem>> -> memref<2048xf32, #tpu.memory_space<vmem>>
      tpu.enqueue_dma source(%dma_start3A_207 : memref<2048xf32, #tpu.memory_space<vmem>>) target(%dma_start3A_206 : memref<2048xf32, #tpu.memory_space<hbm>>) target_semaphore(%arg21 : memref<!tpu.dma_semaphore, #tpu.memory_space<semaphore_mem>>)
    }
    %scan3A_122 = arith.constant 8 : i32
    %scan3A_123 = arith.constant 0 : i32
    %scan3A_124 = arith.constant 8 : i32
    %scan3A_125 = arith.addi %scan3A_123, %scan3A_124 : i32
    %scan3A_126 = arith.constant 1 : i32
    scf.for %scan3A_188 = %scan3A_123 to %scan3A_125 step %scan3A_126  : i32 {
      %add3A_189 = arith.constant 11 : i32
      %add3A_190 = arith.addi %sub3A_21, %add3A_189 : i32
      %mul3A_191 = arith.constant 16 : i32
      %mul3A_192 = arith.muli %scan3A_188, %mul3A_191 : i32
      %add3A_193 = arith.addi %add3A_190, %mul3A_192 : i32
      %sub3A_194 = arith.constant 2047 : i32
      %sub3A_195 = arith.subi %sub3A_194, %add3A_193 : i32
      %sub3A_196 = arith.constant 4 : i32
      %sub3A_197 = arith.subi %sub3A_195, %sub3A_196 : i32
      %multiple_of3A = tpu.assume_multiple %sub3A_197, 16 : i32
      %add3A_198 = arith.constant 11 : i32
      %add3A_199 = arith.addi %mul3A_2, %add3A_198 : i32
      %mul3A_200 = arith.constant 16 : i32
      %mul3A_201 = arith.muli %scan3A_188, %mul3A_200 : i32
      %add3A_202 = arith.addi %add3A_199, %mul3A_201 : i32
      %mul3A_203 = arith.constant 2048 : i32
      %mul3A_204 = arith.muli %add3A_202, %mul3A_203 : i32
      %dma_start3A = tpu.memref_slice %arg9[%multiple_of3A] : memref<4096xf32, #tpu.memory_space<vmem>> -> memref<2048xf32, #tpu.memory_space<vmem>>
      %dma_start3A_205 = tpu.memref_slice %arg3[%mul3A_204] : memref<8388608xf32, #tpu.memory_space<hbm>> -> memref<2048xf32, #tpu.memory_space<hbm>>
      %dma_start3A_206 = tpu.memref_slice %arg3[%mul3A_204] : memref<8388608xf32, #tpu.memory_space<hbm>> -> memref<2048xf32, #tpu.memory_space<hbm>>
      %dma_start3A_207 = tpu.memref_slice %arg9[%multiple_of3A] : memref<4096xf32, #tpu.memory_space<vmem>> -> memref<2048xf32, #tpu.memory_space<vmem>>
      tpu.enqueue_dma source(%dma_start3A_207 : memref<2048xf32, #tpu.memory_space<vmem>>) target(%dma_start3A_206 : memref<2048xf32, #tpu.memory_space<hbm>>) target_semaphore(%arg21 : memref<!tpu.dma_semaphore, #tpu.memory_space<semaphore_mem>>)
    }
    %scan3A_127 = arith.constant 8 : i32
    %scan3A_128 = arith.constant 0 : i32
    %scan3A_129 = arith.constant 8 : i32
    %scan3A_130 = arith.addi %scan3A_128, %scan3A_129 : i32
    %scan3A_131 = arith.constant 1 : i32
    scf.for %scan3A_188 = %scan3A_128 to %scan3A_130 step %scan3A_131  : i32 {
      %add3A_189 = arith.constant 10 : i32
      %add3A_190 = arith.addi %sub3A_21, %add3A_189 : i32
      %mul3A_191 = arith.constant 16 : i32
      %mul3A_192 = arith.muli %scan3A_188, %mul3A_191 : i32
      %add3A_193 = arith.addi %add3A_190, %mul3A_192 : i32
      %sub3A_194 = arith.constant 2047 : i32
      %sub3A_195 = arith.subi %sub3A_194, %add3A_193 : i32
      %sub3A_196 = arith.constant 5 : i32
      %sub3A_197 = arith.subi %sub3A_195, %sub3A_196 : i32
      %multiple_of3A = tpu.assume_multiple %sub3A_197, 16 : i32
      %add3A_198 = arith.constant 10 : i32
      %add3A_199 = arith.addi %mul3A_2, %add3A_198 : i32
      %mul3A_200 = arith.constant 16 : i32
      %mul3A_201 = arith.muli %scan3A_188, %mul3A_200 : i32
      %add3A_202 = arith.addi %add3A_199, %mul3A_201 : i32
      %mul3A_203 = arith.constant 2048 : i32
      %mul3A_204 = arith.muli %add3A_202, %mul3A_203 : i32
      %dma_start3A = tpu.memref_slice %arg10[%multiple_of3A] : memref<4096xf32, #tpu.memory_space<vmem>> -> memref<2048xf32, #tpu.memory_space<vmem>>
      %dma_start3A_205 = tpu.memref_slice %arg3[%mul3A_204] : memref<8388608xf32, #tpu.memory_space<hbm>> -> memref<2048xf32, #tpu.memory_space<hbm>>
      %dma_start3A_206 = tpu.memref_slice %arg3[%mul3A_204] : memref<8388608xf32, #tpu.memory_space<hbm>> -> memref<2048xf32, #tpu.memory_space<hbm>>
      %dma_start3A_207 = tpu.memref_slice %arg10[%multiple_of3A] : memref<4096xf32, #tpu.memory_space<vmem>> -> memref<2048xf32, #tpu.memory_space<vmem>>
      tpu.enqueue_dma source(%dma_start3A_207 : memref<2048xf32, #tpu.memory_space<vmem>>) target(%dma_start3A_206 : memref<2048xf32, #tpu.memory_space<hbm>>) target_semaphore(%arg21 : memref<!tpu.dma_semaphore, #tpu.memory_space<semaphore_mem>>)
    }
    %scan3A_132 = arith.constant 8 : i32
    %scan3A_133 = arith.constant 0 : i32
    %scan3A_134 = arith.constant 8 : i32
    %scan3A_135 = arith.addi %scan3A_133, %scan3A_134 : i32
    %scan3A_136 = arith.constant 1 : i32
    scf.for %scan3A_188 = %scan3A_133 to %scan3A_135 step %scan3A_136  : i32 {
      %add3A_189 = arith.constant 9 : i32
      %add3A_190 = arith.addi %sub3A_21, %add3A_189 : i32
      %mul3A_191 = arith.constant 16 : i32
      %mul3A_192 = arith.muli %scan3A_188, %mul3A_191 : i32
      %add3A_193 = arith.addi %add3A_190, %mul3A_192 : i32
      %sub3A_194 = arith.constant 2047 : i32
      %sub3A_195 = arith.subi %sub3A_194, %add3A_193 : i32
      %sub3A_196 = arith.constant 6 : i32
      %sub3A_197 = arith.subi %sub3A_195, %sub3A_196 : i32
      %multiple_of3A = tpu.assume_multiple %sub3A_197, 16 : i32
      %add3A_198 = arith.constant 9 : i32
      %add3A_199 = arith.addi %mul3A_2, %add3A_198 : i32
      %mul3A_200 = arith.constant 16 : i32
      %mul3A_201 = arith.muli %scan3A_188, %mul3A_200 : i32
      %add3A_202 = arith.addi %add3A_199, %mul3A_201 : i32
      %mul3A_203 = arith.constant 2048 : i32
      %mul3A_204 = arith.muli %add3A_202, %mul3A_203 : i32
      %dma_start3A = tpu.memref_slice %arg11[%multiple_of3A] : memref<4096xf32, #tpu.memory_space<vmem>> -> memref<2048xf32, #tpu.memory_space<vmem>>
      %dma_start3A_205 = tpu.memref_slice %arg3[%mul3A_204] : memref<8388608xf32, #tpu.memory_space<hbm>> -> memref<2048xf32, #tpu.memory_space<hbm>>
      %dma_start3A_206 = tpu.memref_slice %arg3[%mul3A_204] : memref<8388608xf32, #tpu.memory_space<hbm>> -> memref<2048xf32, #tpu.memory_space<hbm>>
      %dma_start3A_207 = tpu.memref_slice %arg11[%multiple_of3A] : memref<4096xf32, #tpu.memory_space<vmem>> -> memref<2048xf32, #tpu.memory_space<vmem>>
      tpu.enqueue_dma source(%dma_start3A_207 : memref<2048xf32, #tpu.memory_space<vmem>>) target(%dma_start3A_206 : memref<2048xf32, #tpu.memory_space<hbm>>) target_semaphore(%arg21 : memref<!tpu.dma_semaphore, #tpu.memory_space<semaphore_mem>>)
    }
    %scan3A_137 = arith.constant 8 : i32
    %scan3A_138 = arith.constant 0 : i32
    %scan3A_139 = arith.constant 8 : i32
    %scan3A_140 = arith.addi %scan3A_138, %scan3A_139 : i32
    %scan3A_141 = arith.constant 1 : i32
    scf.for %scan3A_188 = %scan3A_138 to %scan3A_140 step %scan3A_141  : i32 {
      %add3A_189 = arith.constant 8 : i32
      %add3A_190 = arith.addi %sub3A_21, %add3A_189 : i32
      %mul3A_191 = arith.constant 16 : i32
      %mul3A_192 = arith.muli %scan3A_188, %mul3A_191 : i32
      %add3A_193 = arith.addi %add3A_190, %mul3A_192 : i32
      %sub3A_194 = arith.constant 2047 : i32
      %sub3A_195 = arith.subi %sub3A_194, %add3A_193 : i32
      %sub3A_196 = arith.constant 7 : i32
      %sub3A_197 = arith.subi %sub3A_195, %sub3A_196 : i32
      %multiple_of3A = tpu.assume_multiple %sub3A_197, 16 : i32
      %add3A_198 = arith.constant 8 : i32
      %add3A_199 = arith.addi %mul3A_2, %add3A_198 : i32
      %mul3A_200 = arith.constant 16 : i32
      %mul3A_201 = arith.muli %scan3A_188, %mul3A_200 : i32
      %add3A_202 = arith.addi %add3A_199, %mul3A_201 : i32
      %mul3A_203 = arith.constant 2048 : i32
      %mul3A_204 = arith.muli %add3A_202, %mul3A_203 : i32
      %dma_start3A = tpu.memref_slice %arg12[%multiple_of3A] : memref<4096xf32, #tpu.memory_space<vmem>> -> memref<2048xf32, #tpu.memory_space<vmem>>
      %dma_start3A_205 = tpu.memref_slice %arg3[%mul3A_204] : memref<8388608xf32, #tpu.memory_space<hbm>> -> memref<2048xf32, #tpu.memory_space<hbm>>
      %dma_start3A_206 = tpu.memref_slice %arg3[%mul3A_204] : memref<8388608xf32, #tpu.memory_space<hbm>> -> memref<2048xf32, #tpu.memory_space<hbm>>
      %dma_start3A_207 = tpu.memref_slice %arg12[%multiple_of3A] : memref<4096xf32, #tpu.memory_space<vmem>> -> memref<2048xf32, #tpu.memory_space<vmem>>
      tpu.enqueue_dma source(%dma_start3A_207 : memref<2048xf32, #tpu.memory_space<vmem>>) target(%dma_start3A_206 : memref<2048xf32, #tpu.memory_space<hbm>>) target_semaphore(%arg21 : memref<!tpu.dma_semaphore, #tpu.memory_space<semaphore_mem>>)
    }
    %scan3A_142 = arith.constant 8 : i32
    %scan3A_143 = arith.constant 0 : i32
    %scan3A_144 = arith.constant 8 : i32
    %scan3A_145 = arith.addi %scan3A_143, %scan3A_144 : i32
    %scan3A_146 = arith.constant 1 : i32
    scf.for %scan3A_188 = %scan3A_143 to %scan3A_145 step %scan3A_146  : i32 {
      %add3A_189 = arith.constant 7 : i32
      %add3A_190 = arith.addi %sub3A_21, %add3A_189 : i32
      %mul3A_191 = arith.constant 16 : i32
      %mul3A_192 = arith.muli %scan3A_188, %mul3A_191 : i32
      %add3A_193 = arith.addi %add3A_190, %mul3A_192 : i32
      %sub3A_194 = arith.constant 2047 : i32
      %sub3A_195 = arith.subi %sub3A_194, %add3A_193 : i32
      %sub3A_196 = arith.constant 8 : i32
      %sub3A_197 = arith.subi %sub3A_195, %sub3A_196 : i32
      %multiple_of3A = tpu.assume_multiple %sub3A_197, 16 : i32
      %add3A_198 = arith.constant 7 : i32
      %add3A_199 = arith.addi %mul3A_2, %add3A_198 : i32
      %mul3A_200 = arith.constant 16 : i32
      %mul3A_201 = arith.muli %scan3A_188, %mul3A_200 : i32
      %add3A_202 = arith.addi %add3A_199, %mul3A_201 : i32
      %mul3A_203 = arith.constant 2048 : i32
      %mul3A_204 = arith.muli %add3A_202, %mul3A_203 : i32
      %dma_start3A = tpu.memref_slice %arg13[%multiple_of3A] : memref<4096xf32, #tpu.memory_space<vmem>> -> memref<2048xf32, #tpu.memory_space<vmem>>
      %dma_start3A_205 = tpu.memref_slice %arg3[%mul3A_204] : memref<8388608xf32, #tpu.memory_space<hbm>> -> memref<2048xf32, #tpu.memory_space<hbm>>
      %dma_start3A_206 = tpu.memref_slice %arg3[%mul3A_204] : memref<8388608xf32, #tpu.memory_space<hbm>> -> memref<2048xf32, #tpu.memory_space<hbm>>
      %dma_start3A_207 = tpu.memref_slice %arg13[%multiple_of3A] : memref<4096xf32, #tpu.memory_space<vmem>> -> memref<2048xf32, #tpu.memory_space<vmem>>
      tpu.enqueue_dma source(%dma_start3A_207 : memref<2048xf32, #tpu.memory_space<vmem>>) target(%dma_start3A_206 : memref<2048xf32, #tpu.memory_space<hbm>>) target_semaphore(%arg21 : memref<!tpu.dma_semaphore, #tpu.memory_space<semaphore_mem>>)
    }
    %scan3A_147 = arith.constant 8 : i32
    %scan3A_148 = arith.constant 0 : i32
    %scan3A_149 = arith.constant 8 : i32
    %scan3A_150 = arith.addi %scan3A_148, %scan3A_149 : i32
    %scan3A_151 = arith.constant 1 : i32
    scf.for %scan3A_188 = %scan3A_148 to %scan3A_150 step %scan3A_151  : i32 {
      %add3A_189 = arith.constant 6 : i32
      %add3A_190 = arith.addi %sub3A_21, %add3A_189 : i32
      %mul3A_191 = arith.constant 16 : i32
      %mul3A_192 = arith.muli %scan3A_188, %mul3A_191 : i32
      %add3A_193 = arith.addi %add3A_190, %mul3A_192 : i32
      %sub3A_194 = arith.constant 2047 : i32
      %sub3A_195 = arith.subi %sub3A_194, %add3A_193 : i32
      %sub3A_196 = arith.constant 9 : i32
      %sub3A_197 = arith.subi %sub3A_195, %sub3A_196 : i32
      %multiple_of3A = tpu.assume_multiple %sub3A_197, 16 : i32
      %add3A_198 = arith.constant 6 : i32
      %add3A_199 = arith.addi %mul3A_2, %add3A_198 : i32
      %mul3A_200 = arith.constant 16 : i32
      %mul3A_201 = arith.muli %scan3A_188, %mul3A_200 : i32
      %add3A_202 = arith.addi %add3A_199, %mul3A_201 : i32
      %mul3A_203 = arith.constant 2048 : i32
      %mul3A_204 = arith.muli %add3A_202, %mul3A_203 : i32
      %dma_start3A = tpu.memref_slice %arg14[%multiple_of3A] : memref<4096xf32, #tpu.memory_space<vmem>> -> memref<2048xf32, #tpu.memory_space<vmem>>
      %dma_start3A_205 = tpu.memref_slice %arg3[%mul3A_204] : memref<8388608xf32, #tpu.memory_space<hbm>> -> memref<2048xf32, #tpu.memory_space<hbm>>
      %dma_start3A_206 = tpu.memref_slice %arg3[%mul3A_204] : memref<8388608xf32, #tpu.memory_space<hbm>> -> memref<2048xf32, #tpu.memory_space<hbm>>
      %dma_start3A_207 = tpu.memref_slice %arg14[%multiple_of3A] : memref<4096xf32, #tpu.memory_space<vmem>> -> memref<2048xf32, #tpu.memory_space<vmem>>
      tpu.enqueue_dma source(%dma_start3A_207 : memref<2048xf32, #tpu.memory_space<vmem>>) target(%dma_start3A_206 : memref<2048xf32, #tpu.memory_space<hbm>>) target_semaphore(%arg21 : memref<!tpu.dma_semaphore, #tpu.memory_space<semaphore_mem>>)
    }
    %scan3A_152 = arith.constant 8 : i32
    %scan3A_153 = arith.constant 0 : i32
    %scan3A_154 = arith.constant 8 : i32
    %scan3A_155 = arith.addi %scan3A_153, %scan3A_154 : i32
    %scan3A_156 = arith.constant 1 : i32
    scf.for %scan3A_188 = %scan3A_153 to %scan3A_155 step %scan3A_156  : i32 {
      %add3A_189 = arith.constant 5 : i32
      %add3A_190 = arith.addi %sub3A_21, %add3A_189 : i32
      %mul3A_191 = arith.constant 16 : i32
      %mul3A_192 = arith.muli %scan3A_188, %mul3A_191 : i32
      %add3A_193 = arith.addi %add3A_190, %mul3A_192 : i32
      %sub3A_194 = arith.constant 2047 : i32
      %sub3A_195 = arith.subi %sub3A_194, %add3A_193 : i32
      %sub3A_196 = arith.constant 10 : i32
      %sub3A_197 = arith.subi %sub3A_195, %sub3A_196 : i32
      %multiple_of3A = tpu.assume_multiple %sub3A_197, 16 : i32
      %add3A_198 = arith.constant 5 : i32
      %add3A_199 = arith.addi %mul3A_2, %add3A_198 : i32
      %mul3A_200 = arith.constant 16 : i32
      %mul3A_201 = arith.muli %scan3A_188, %mul3A_200 : i32
      %add3A_202 = arith.addi %add3A_199, %mul3A_201 : i32
      %mul3A_203 = arith.constant 2048 : i32
      %mul3A_204 = arith.muli %add3A_202, %mul3A_203 : i32
      %dma_start3A = tpu.memref_slice %arg15[%multiple_of3A] : memref<4096xf32, #tpu.memory_space<vmem>> -> memref<2048xf32, #tpu.memory_space<vmem>>
      %dma_start3A_205 = tpu.memref_slice %arg3[%mul3A_204] : memref<8388608xf32, #tpu.memory_space<hbm>> -> memref<2048xf32, #tpu.memory_space<hbm>>
      %dma_start3A_206 = tpu.memref_slice %arg3[%mul3A_204] : memref<8388608xf32, #tpu.memory_space<hbm>> -> memref<2048xf32, #tpu.memory_space<hbm>>
      %dma_start3A_207 = tpu.memref_slice %arg15[%multiple_of3A] : memref<4096xf32, #tpu.memory_space<vmem>> -> memref<2048xf32, #tpu.memory_space<vmem>>
      tpu.enqueue_dma source(%dma_start3A_207 : memref<2048xf32, #tpu.memory_space<vmem>>) target(%dma_start3A_206 : memref<2048xf32, #tpu.memory_space<hbm>>) target_semaphore(%arg21 : memref<!tpu.dma_semaphore, #tpu.memory_space<semaphore_mem>>)
    }
    %scan3A_157 = arith.constant 8 : i32
    %scan3A_158 = arith.constant 0 : i32
    %scan3A_159 = arith.constant 8 : i32
    %scan3A_160 = arith.addi %scan3A_158, %scan3A_159 : i32
    %scan3A_161 = arith.constant 1 : i32
    scf.for %scan3A_188 = %scan3A_158 to %scan3A_160 step %scan3A_161  : i32 {
      %add3A_189 = arith.constant 4 : i32
      %add3A_190 = arith.addi %sub3A_21, %add3A_189 : i32
      %mul3A_191 = arith.constant 16 : i32
      %mul3A_192 = arith.muli %scan3A_188, %mul3A_191 : i32
      %add3A_193 = arith.addi %add3A_190, %mul3A_192 : i32
      %sub3A_194 = arith.constant 2047 : i32
      %sub3A_195 = arith.subi %sub3A_194, %add3A_193 : i32
      %sub3A_196 = arith.constant 11 : i32
      %sub3A_197 = arith.subi %sub3A_195, %sub3A_196 : i32
      %multiple_of3A = tpu.assume_multiple %sub3A_197, 16 : i32
      %add3A_198 = arith.constant 4 : i32
      %add3A_199 = arith.addi %mul3A_2, %add3A_198 : i32
      %mul3A_200 = arith.constant 16 : i32
      %mul3A_201 = arith.muli %scan3A_188, %mul3A_200 : i32
      %add3A_202 = arith.addi %add3A_199, %mul3A_201 : i32
      %mul3A_203 = arith.constant 2048 : i32
      %mul3A_204 = arith.muli %add3A_202, %mul3A_203 : i32
      %dma_start3A = tpu.memref_slice %arg16[%multiple_of3A] : memref<4096xf32, #tpu.memory_space<vmem>> -> memref<2048xf32, #tpu.memory_space<vmem>>
      %dma_start3A_205 = tpu.memref_slice %arg3[%mul3A_204] : memref<8388608xf32, #tpu.memory_space<hbm>> -> memref<2048xf32, #tpu.memory_space<hbm>>
      %dma_start3A_206 = tpu.memref_slice %arg3[%mul3A_204] : memref<8388608xf32, #tpu.memory_space<hbm>> -> memref<2048xf32, #tpu.memory_space<hbm>>
      %dma_start3A_207 = tpu.memref_slice %arg16[%multiple_of3A] : memref<4096xf32, #tpu.memory_space<vmem>> -> memref<2048xf32, #tpu.memory_space<vmem>>
      tpu.enqueue_dma source(%dma_start3A_207 : memref<2048xf32, #tpu.memory_space<vmem>>) target(%dma_start3A_206 : memref<2048xf32, #tpu.memory_space<hbm>>) target_semaphore(%arg21 : memref<!tpu.dma_semaphore, #tpu.memory_space<semaphore_mem>>)
    }
    %scan3A_162 = arith.constant 8 : i32
    %scan3A_163 = arith.constant 0 : i32
    %scan3A_164 = arith.constant 8 : i32
    %scan3A_165 = arith.addi %scan3A_163, %scan3A_164 : i32
    %scan3A_166 = arith.constant 1 : i32
    scf.for %scan3A_188 = %scan3A_163 to %scan3A_165 step %scan3A_166  : i32 {
      %add3A_189 = arith.constant 3 : i32
      %add3A_190 = arith.addi %sub3A_21, %add3A_189 : i32
      %mul3A_191 = arith.constant 16 : i32
      %mul3A_192 = arith.muli %scan3A_188, %mul3A_191 : i32
      %add3A_193 = arith.addi %add3A_190, %mul3A_192 : i32
      %sub3A_194 = arith.constant 2047 : i32
      %sub3A_195 = arith.subi %sub3A_194, %add3A_193 : i32
      %sub3A_196 = arith.constant 12 : i32
      %sub3A_197 = arith.subi %sub3A_195, %sub3A_196 : i32
      %multiple_of3A = tpu.assume_multiple %sub3A_197, 16 : i32
      %add3A_198 = arith.constant 3 : i32
      %add3A_199 = arith.addi %mul3A_2, %add3A_198 : i32
      %mul3A_200 = arith.constant 16 : i32
      %mul3A_201 = arith.muli %scan3A_188, %mul3A_200 : i32
      %add3A_202 = arith.addi %add3A_199, %mul3A_201 : i32
      %mul3A_203 = arith.constant 2048 : i32
      %mul3A_204 = arith.muli %add3A_202, %mul3A_203 : i32
      %dma_start3A = tpu.memref_slice %arg17[%multiple_of3A] : memref<4096xf32, #tpu.memory_space<vmem>> -> memref<2048xf32, #tpu.memory_space<vmem>>
      %dma_start3A_205 = tpu.memref_slice %arg3[%mul3A_204] : memref<8388608xf32, #tpu.memory_space<hbm>> -> memref<2048xf32, #tpu.memory_space<hbm>>
      %dma_start3A_206 = tpu.memref_slice %arg3[%mul3A_204] : memref<8388608xf32, #tpu.memory_space<hbm>> -> memref<2048xf32, #tpu.memory_space<hbm>>
      %dma_start3A_207 = tpu.memref_slice %arg17[%multiple_of3A] : memref<4096xf32, #tpu.memory_space<vmem>> -> memref<2048xf32, #tpu.memory_space<vmem>>
      tpu.enqueue_dma source(%dma_start3A_207 : memref<2048xf32, #tpu.memory_space<vmem>>) target(%dma_start3A_206 : memref<2048xf32, #tpu.memory_space<hbm>>) target_semaphore(%arg21 : memref<!tpu.dma_semaphore, #tpu.memory_space<semaphore_mem>>)
    }
    %scan3A_167 = arith.constant 8 : i32
    %scan3A_168 = arith.constant 0 : i32
    %scan3A_169 = arith.constant 8 : i32
    %scan3A_170 = arith.addi %scan3A_168, %scan3A_169 : i32
    %scan3A_171 = arith.constant 1 : i32
    scf.for %scan3A_188 = %scan3A_168 to %scan3A_170 step %scan3A_171  : i32 {
      %add3A_189 = arith.constant 2 : i32
      %add3A_190 = arith.addi %sub3A_21, %add3A_189 : i32
      %mul3A_191 = arith.constant 16 : i32
      %mul3A_192 = arith.muli %scan3A_188, %mul3A_191 : i32
      %add3A_193 = arith.addi %add3A_190, %mul3A_192 : i32
      %sub3A_194 = arith.constant 2047 : i32
      %sub3A_195 = arith.subi %sub3A_194, %add3A_193 : i32
      %sub3A_196 = arith.constant 13 : i32
      %sub3A_197 = arith.subi %sub3A_195, %sub3A_196 : i32
      %multiple_of3A = tpu.assume_multiple %sub3A_197, 16 : i32
      %add3A_198 = arith.constant 2 : i32
      %add3A_199 = arith.addi %mul3A_2, %add3A_198 : i32
      %mul3A_200 = arith.constant 16 : i32
      %mul3A_201 = arith.muli %scan3A_188, %mul3A_200 : i32
      %add3A_202 = arith.addi %add3A_199, %mul3A_201 : i32
      %mul3A_203 = arith.constant 2048 : i32
      %mul3A_204 = arith.muli %add3A_202, %mul3A_203 : i32
      %dma_start3A = tpu.memref_slice %arg18[%multiple_of3A] : memref<4096xf32, #tpu.memory_space<vmem>> -> memref<2048xf32, #tpu.memory_space<vmem>>
      %dma_start3A_205 = tpu.memref_slice %arg3[%mul3A_204] : memref<8388608xf32, #tpu.memory_space<hbm>> -> memref<2048xf32, #tpu.memory_space<hbm>>
      %dma_start3A_206 = tpu.memref_slice %arg3[%mul3A_204] : memref<8388608xf32, #tpu.memory_space<hbm>> -> memref<2048xf32, #tpu.memory_space<hbm>>
      %dma_start3A_207 = tpu.memref_slice %arg18[%multiple_of3A] : memref<4096xf32, #tpu.memory_space<vmem>> -> memref<2048xf32, #tpu.memory_space<vmem>>
      tpu.enqueue_dma source(%dma_start3A_207 : memref<2048xf32, #tpu.memory_space<vmem>>) target(%dma_start3A_206 : memref<2048xf32, #tpu.memory_space<hbm>>) target_semaphore(%arg21 : memref<!tpu.dma_semaphore, #tpu.memory_space<semaphore_mem>>)
    }
    %scan3A_172 = arith.constant 8 : i32
    %scan3A_173 = arith.constant 0 : i32
    %scan3A_174 = arith.constant 8 : i32
    %scan3A_175 = arith.addi %scan3A_173, %scan3A_174 : i32
    %scan3A_176 = arith.constant 1 : i32
    scf.for %scan3A_188 = %scan3A_173 to %scan3A_175 step %scan3A_176  : i32 {
      %add3A_189 = arith.constant 1 : i32
      %add3A_190 = arith.addi %sub3A_21, %add3A_189 : i32
      %mul3A_191 = arith.constant 16 : i32
      %mul3A_192 = arith.muli %scan3A_188, %mul3A_191 : i32
      %add3A_193 = arith.addi %add3A_190, %mul3A_192 : i32
      %sub3A_194 = arith.constant 2047 : i32
      %sub3A_195 = arith.subi %sub3A_194, %add3A_193 : i32
      %sub3A_196 = arith.constant 14 : i32
      %sub3A_197 = arith.subi %sub3A_195, %sub3A_196 : i32
      %multiple_of3A = tpu.assume_multiple %sub3A_197, 16 : i32
      %add3A_198 = arith.constant 1 : i32
      %add3A_199 = arith.addi %mul3A_2, %add3A_198 : i32
      %mul3A_200 = arith.constant 16 : i32
      %mul3A_201 = arith.muli %scan3A_188, %mul3A_200 : i32
      %add3A_202 = arith.addi %add3A_199, %mul3A_201 : i32
      %mul3A_203 = arith.constant 2048 : i32
      %mul3A_204 = arith.muli %add3A_202, %mul3A_203 : i32
      %dma_start3A = tpu.memref_slice %arg19[%multiple_of3A] : memref<4096xf32, #tpu.memory_space<vmem>> -> memref<2048xf32, #tpu.memory_space<vmem>>
      %dma_start3A_205 = tpu.memref_slice %arg3[%mul3A_204] : memref<8388608xf32, #tpu.memory_space<hbm>> -> memref<2048xf32, #tpu.memory_space<hbm>>
      %dma_start3A_206 = tpu.memref_slice %arg3[%mul3A_204] : memref<8388608xf32, #tpu.memory_space<hbm>> -> memref<2048xf32, #tpu.memory_space<hbm>>
      %dma_start3A_207 = tpu.memref_slice %arg19[%multiple_of3A] : memref<4096xf32, #tpu.memory_space<vmem>> -> memref<2048xf32, #tpu.memory_space<vmem>>
      tpu.enqueue_dma source(%dma_start3A_207 : memref<2048xf32, #tpu.memory_space<vmem>>) target(%dma_start3A_206 : memref<2048xf32, #tpu.memory_space<hbm>>) target_semaphore(%arg21 : memref<!tpu.dma_semaphore, #tpu.memory_space<semaphore_mem>>)
    }
    %scan3A_177 = arith.constant 8 : i32
    %scan3A_178 = arith.constant 0 : i32
    %scan3A_179 = arith.constant 8 : i32
    %scan3A_180 = arith.addi %scan3A_178, %scan3A_179 : i32
    %scan3A_181 = arith.constant 1 : i32
    scf.for %scan3A_188 = %scan3A_178 to %scan3A_180 step %scan3A_181  : i32 {
      %add3A_189 = arith.constant 0 : i32
      %add3A_190 = arith.addi %sub3A_21, %add3A_189 : i32
      %mul3A_191 = arith.constant 16 : i32
      %mul3A_192 = arith.muli %scan3A_188, %mul3A_191 : i32
      %add3A_193 = arith.addi %add3A_190, %mul3A_192 : i32
      %sub3A_194 = arith.constant 2047 : i32
      %sub3A_195 = arith.subi %sub3A_194, %add3A_193 : i32
      %sub3A_196 = arith.constant 15 : i32
      %sub3A_197 = arith.subi %sub3A_195, %sub3A_196 : i32
      %multiple_of3A = tpu.assume_multiple %sub3A_197, 16 : i32
      %add3A_198 = arith.constant 0 : i32
      %add3A_199 = arith.addi %mul3A_2, %add3A_198 : i32
      %mul3A_200 = arith.constant 16 : i32
      %mul3A_201 = arith.muli %scan3A_188, %mul3A_200 : i32
      %add3A_202 = arith.addi %add3A_199, %mul3A_201 : i32
      %mul3A_203 = arith.constant 2048 : i32
      %mul3A_204 = arith.muli %add3A_202, %mul3A_203 : i32
      %dma_start3A = tpu.memref_slice %arg20[%multiple_of3A] : memref<4096xf32, #tpu.memory_space<vmem>> -> memref<2048xf32, #tpu.memory_space<vmem>>
      %dma_start3A_205 = tpu.memref_slice %arg3[%mul3A_204] : memref<8388608xf32, #tpu.memory_space<hbm>> -> memref<2048xf32, #tpu.memory_space<hbm>>
      %dma_start3A_206 = tpu.memref_slice %arg3[%mul3A_204] : memref<8388608xf32, #tpu.memory_space<hbm>> -> memref<2048xf32, #tpu.memory_space<hbm>>
      %dma_start3A_207 = tpu.memref_slice %arg20[%multiple_of3A] : memref<4096xf32, #tpu.memory_space<vmem>> -> memref<2048xf32, #tpu.memory_space<vmem>>
      tpu.enqueue_dma source(%dma_start3A_207 : memref<2048xf32, #tpu.memory_space<vmem>>) target(%dma_start3A_206 : memref<2048xf32, #tpu.memory_space<hbm>>) target_semaphore(%arg21 : memref<!tpu.dma_semaphore, #tpu.memory_space<semaphore_mem>>)
    }
    %scan3A_182 = arith.constant 8 : i32
    %scan3A_183 = arith.constant 0 : i32
    %scan3A_184 = arith.constant 128 : i32
    %scan3A_185 = arith.addi %scan3A_183, %scan3A_184 : i32
    %scan3A_186 = arith.constant 1 : i32
    scf.for %scan3A_188 = %scan3A_183 to %scan3A_185 step %scan3A_186  : i32 {
      %mul3A_189 = arith.constant 2048 : i32
      %mul3A_190 = arith.muli %mul3A_2, %mul3A_189 : i32
      %dma_wait3A = arith.constant 0 : i32
      %dma_wait3A_191 = tpu.memref_slice %arg5[%dma_wait3A] : memref<4096xf32, #tpu.memory_space<vmem>> -> memref<2048xf32, #tpu.memory_space<vmem>>
      %dma_wait3A_192 = tpu.memref_slice %arg3[%mul3A_190] : memref<8388608xf32, #tpu.memory_space<hbm>> -> memref<2048xf32, #tpu.memory_space<hbm>>
      %dma_wait3A_193 = tpu.memref_slice %arg3[%mul3A_190] : memref<8388608xf32, #tpu.memory_space<hbm>> -> memref<2048xf32, #tpu.memory_space<hbm>>
      %dma_wait3A_194 = arith.constant 0 : i32
      %dma_wait3A_195 = tpu.memref_slice %arg5[%dma_wait3A_194] : memref<4096xf32, #tpu.memory_space<vmem>> -> memref<2048xf32, #tpu.memory_space<vmem>>
      tpu.wait_dma2 semaphore(%arg21 : memref<!tpu.dma_semaphore, #tpu.memory_space<semaphore_mem>>) src(%dma_wait3A_195 : memref<2048xf32, #tpu.memory_space<vmem>>) dst(%dma_wait3A_193 : memref<2048xf32, #tpu.memory_space<hbm>>)
    }
    %scan3A_187 = arith.constant 128 : i32
    return
  }
}

module attributes {stable_mosaic.version = 14 : i64} {
  func.func @body(%arg0: i32, %arg1: i32, %arg2: memref<1x1x4224xf32, #tpu.memory_space<vmem>>, %arg3: memref<1x1024x2048xf32, #tpu.memory_space<vmem>>, %arg4: memref<128x4096xf32, #tpu.memory_space<vmem>>) attributes {dimension_semantics = [#tpu.dimension_semantics<arbitrary>, #tpu.dimension_semantics<arbitrary>], iteration_bounds = array<i64: 14, 2>, scalar_prefetch = 0 : i64, scratch_operands = 1 : i64, tpu.core_type = #tpu.core_type<tc>, window_params = [{transform_indices = @transform_0, window_bounds = array<i64: 1, 1, 4224>}, {transform_indices = @transform_1, window_bounds = array<i64: 1, 1024, 2048>}]} {
    %eq3A = arith.constant 0 : i32
    %eq3A_0 = arith.cmpi eq, %arg1, %eq3A : i32
    %convert_element_type3A = arith.extui %eq3A_0 : i1 to i32
    %cond3A = arith.constant 0 : i32
    %cond3A_1 = arith.cmpi ne, %convert_element_type3A, %cond3A : i32
    scf.if %cond3A_1 {
      %get3A_1789 = arith.constant 0 : index
      %get3A_1790 = arith.constant 0 : index
      %get3A_1791 = arith.constant 7 : index
      %get3A_1792 = vector.load %arg2[%get3A_1789, %get3A_1790, %get3A_1791] : memref<1x1x4224xf32, #tpu.memory_space<vmem>>, vector<1x1x4096xf32>
      %get3A_1793 = vector.shape_cast %get3A_1792 : vector<1x1x4096xf32> to vector<4096xf32>
      %swap3A_1794 = arith.constant 0 : index
      %swap3A_1795 = arith.constant 0 : index
      %swap3A_1796 = vector.load %arg4[%swap3A_1794, %swap3A_1795] : memref<128x4096xf32, #tpu.memory_space<vmem>>, vector<1x4096xf32>
      %swap3A_1797 = vector.shape_cast %swap3A_1796 : vector<1x4096xf32> to vector<4096xf32>
      %swap3A_1798 = vector.shape_cast %get3A_1793 : vector<4096xf32> to vector<1x4096xf32>
      tpu.vector_store %arg4[%swap3A_1794, %swap3A_1795], %swap3A_1798 {strides = array<i32>} : memref<128x4096xf32, #tpu.memory_space<vmem>>, vector<1x4096xf32>,
      %get3A_1799 = arith.constant 0 : index
      %get3A_1800 = arith.constant 0 : index
      %get3A_1801 = arith.constant 6 : index
      %get3A_1802 = vector.load %arg2[%get3A_1799, %get3A_1800, %get3A_1801] : memref<1x1x4224xf32, #tpu.memory_space<vmem>>, vector<1x1x4096xf32>
      %get3A_1803 = vector.shape_cast %get3A_1802 : vector<1x1x4096xf32> to vector<4096xf32>
      %swap3A_1804 = arith.constant 1 : index
      %swap3A_1805 = arith.constant 0 : index
      %swap3A_1806 = vector.load %arg4[%swap3A_1804, %swap3A_1805] : memref<128x4096xf32, #tpu.memory_space<vmem>>, vector<1x4096xf32>
      %swap3A_1807 = vector.shape_cast %swap3A_1806 : vector<1x4096xf32> to vector<4096xf32>
      %swap3A_1808 = vector.shape_cast %get3A_1803 : vector<4096xf32> to vector<1x4096xf32>
      tpu.vector_store %arg4[%swap3A_1804, %swap3A_1805], %swap3A_1808 {strides = array<i32>} : memref<128x4096xf32, #tpu.memory_space<vmem>>, vector<1x4096xf32>,
      %get3A_1809 = arith.constant 0 : index
      %get3A_1810 = arith.constant 0 : index
      %get3A_1811 = arith.constant 5 : index
      %get3A_1812 = vector.load %arg2[%get3A_1809, %get3A_1810, %get3A_1811] : memref<1x1x4224xf32, #tpu.memory_space<vmem>>, vector<1x1x4096xf32>
      %get3A_1813 = vector.shape_cast %get3A_1812 : vector<1x1x4096xf32> to vector<4096xf32>
      %swap3A_1814 = arith.constant 2 : index
      %swap3A_1815 = arith.constant 0 : index
      %swap3A_1816 = vector.load %arg4[%swap3A_1814, %swap3A_1815] : memref<128x4096xf32, #tpu.memory_space<vmem>>, vector<1x4096xf32>
      %swap3A_1817 = vector.shape_cast %swap3A_1816 : vector<1x4096xf32> to vector<4096xf32>
      %swap3A_1818 = vector.shape_cast %get3A_1813 : vector<4096xf32> to vector<1x4096xf32>
      tpu.vector_store %arg4[%swap3A_1814, %swap3A_1815], %swap3A_1818 {strides = array<i32>} : memref<128x4096xf32, #tpu.memory_space<vmem>>, vector<1x4096xf32>,
      %get3A_1819 = arith.constant 0 : index
      %get3A_1820 = arith.constant 0 : index
      %get3A_1821 = arith.constant 4 : index
      %get3A_1822 = vector.load %arg2[%get3A_1819, %get3A_1820, %get3A_1821] : memref<1x1x4224xf32, #tpu.memory_space<vmem>>, vector<1x1x4096xf32>
      %get3A_1823 = vector.shape_cast %get3A_1822 : vector<1x1x4096xf32> to vector<4096xf32>
      %swap3A_1824 = arith.constant 3 : index
      %swap3A_1825 = arith.constant 0 : index
      %swap3A_1826 = vector.load %arg4[%swap3A_1824, %swap3A_1825] : memref<128x4096xf32, #tpu.memory_space<vmem>>, vector<1x4096xf32>
      %swap3A_1827 = vector.shape_cast %swap3A_1826 : vector<1x4096xf32> to vector<4096xf32>
      %swap3A_1828 = vector.shape_cast %get3A_1823 : vector<4096xf32> to vector<1x4096xf32>
      tpu.vector_store %arg4[%swap3A_1824, %swap3A_1825], %swap3A_1828 {strides = array<i32>} : memref<128x4096xf32, #tpu.memory_space<vmem>>, vector<1x4096xf32>,
      %get3A_1829 = arith.constant 0 : index
      %get3A_1830 = arith.constant 0 : index
      %get3A_1831 = arith.constant 3 : index
      %get3A_1832 = vector.load %arg2[%get3A_1829, %get3A_1830, %get3A_1831] : memref<1x1x4224xf32, #tpu.memory_space<vmem>>, vector<1x1x4096xf32>
      %get3A_1833 = vector.shape_cast %get3A_1832 : vector<1x1x4096xf32> to vector<4096xf32>
      %swap3A_1834 = arith.constant 4 : index
      %swap3A_1835 = arith.constant 0 : index
      %swap3A_1836 = vector.load %arg4[%swap3A_1834, %swap3A_1835] : memref<128x4096xf32, #tpu.memory_space<vmem>>, vector<1x4096xf32>
      %swap3A_1837 = vector.shape_cast %swap3A_1836 : vector<1x4096xf32> to vector<4096xf32>
      %swap3A_1838 = vector.shape_cast %get3A_1833 : vector<4096xf32> to vector<1x4096xf32>
      tpu.vector_store %arg4[%swap3A_1834, %swap3A_1835], %swap3A_1838 {strides = array<i32>} : memref<128x4096xf32, #tpu.memory_space<vmem>>, vector<1x4096xf32>,
      %get3A_1839 = arith.constant 0 : index
      %get3A_1840 = arith.constant 0 : index
      %get3A_1841 = arith.constant 2 : index
      %get3A_1842 = vector.load %arg2[%get3A_1839, %get3A_1840, %get3A_1841] : memref<1x1x4224xf32, #tpu.memory_space<vmem>>, vector<1x1x4096xf32>
      %get3A_1843 = vector.shape_cast %get3A_1842 : vector<1x1x4096xf32> to vector<4096xf32>
      %swap3A_1844 = arith.constant 5 : index
      %swap3A_1845 = arith.constant 0 : index
      %swap3A_1846 = vector.load %arg4[%swap3A_1844, %swap3A_1845] : memref<128x4096xf32, #tpu.memory_space<vmem>>, vector<1x4096xf32>
      %swap3A_1847 = vector.shape_cast %swap3A_1846 : vector<1x4096xf32> to vector<4096xf32>
      %swap3A_1848 = vector.shape_cast %get3A_1843 : vector<4096xf32> to vector<1x4096xf32>
      tpu.vector_store %arg4[%swap3A_1844, %swap3A_1845], %swap3A_1848 {strides = array<i32>} : memref<128x4096xf32, #tpu.memory_space<vmem>>, vector<1x4096xf32>,
      %get3A_1849 = arith.constant 0 : index
      %get3A_1850 = arith.constant 0 : index
      %get3A_1851 = arith.constant 1 : index
      %get3A_1852 = vector.load %arg2[%get3A_1849, %get3A_1850, %get3A_1851] : memref<1x1x4224xf32, #tpu.memory_space<vmem>>, vector<1x1x4096xf32>
      %get3A_1853 = vector.shape_cast %get3A_1852 : vector<1x1x4096xf32> to vector<4096xf32>
      %swap3A_1854 = arith.constant 6 : index
      %swap3A_1855 = arith.constant 0 : index
      %swap3A_1856 = vector.load %arg4[%swap3A_1854, %swap3A_1855] : memref<128x4096xf32, #tpu.memory_space<vmem>>, vector<1x4096xf32>
      %swap3A_1857 = vector.shape_cast %swap3A_1856 : vector<1x4096xf32> to vector<4096xf32>
      %swap3A_1858 = vector.shape_cast %get3A_1853 : vector<4096xf32> to vector<1x4096xf32>
      tpu.vector_store %arg4[%swap3A_1854, %swap3A_1855], %swap3A_1858 {strides = array<i32>} : memref<128x4096xf32, #tpu.memory_space<vmem>>, vector<1x4096xf32>,
      %get3A_1859 = arith.constant 0 : index
      %get3A_1860 = arith.constant 0 : index
      %get3A_1861 = arith.constant 0 : index
      %get3A_1862 = vector.load %arg2[%get3A_1859, %get3A_1860, %get3A_1861] : memref<1x1x4224xf32, #tpu.memory_space<vmem>>, vector<1x1x4096xf32>
      %get3A_1863 = vector.shape_cast %get3A_1862 : vector<1x1x4096xf32> to vector<4096xf32>
      %swap3A_1864 = arith.constant 7 : index
      %swap3A_1865 = arith.constant 0 : index
      %swap3A_1866 = vector.load %arg4[%swap3A_1864, %swap3A_1865] : memref<128x4096xf32, #tpu.memory_space<vmem>>, vector<1x4096xf32>
      %swap3A_1867 = vector.shape_cast %swap3A_1866 : vector<1x4096xf32> to vector<4096xf32>
      %swap3A_1868 = vector.shape_cast %get3A_1863 : vector<4096xf32> to vector<1x4096xf32>
      tpu.vector_store %arg4[%swap3A_1864, %swap3A_1865], %swap3A_1868 {strides = array<i32>} : memref<128x4096xf32, #tpu.memory_space<vmem>>, vector<1x4096xf32>,
      %get3A_1869 = arith.constant 0 : index
      %get3A_1870 = arith.constant 0 : index
      %get3A_1871 = arith.constant 15 : index
      %get3A_1872 = vector.load %arg2[%get3A_1869, %get3A_1870, %get3A_1871] : memref<1x1x4224xf32, #tpu.memory_space<vmem>>, vector<1x1x4096xf32>
      %get3A_1873 = vector.shape_cast %get3A_1872 : vector<1x1x4096xf32> to vector<4096xf32>
      %swap3A_1874 = arith.constant 8 : index
      %swap3A_1875 = arith.constant 0 : index
      %swap3A_1876 = vector.load %arg4[%swap3A_1874, %swap3A_1875] : memref<128x4096xf32, #tpu.memory_space<vmem>>, vector<1x4096xf32>
      %swap3A_1877 = vector.shape_cast %swap3A_1876 : vector<1x4096xf32> to vector<4096xf32>
      %swap3A_1878 = vector.shape_cast %get3A_1873 : vector<4096xf32> to vector<1x4096xf32>
      tpu.vector_store %arg4[%swap3A_1874, %swap3A_1875], %swap3A_1878 {strides = array<i32>} : memref<128x4096xf32, #tpu.memory_space<vmem>>, vector<1x4096xf32>,
      %get3A_1879 = arith.constant 0 : index
      %get3A_1880 = arith.constant 0 : index
      %get3A_1881 = arith.constant 14 : index
      %get3A_1882 = vector.load %arg2[%get3A_1879, %get3A_1880, %get3A_1881] : memref<1x1x4224xf32, #tpu.memory_space<vmem>>, vector<1x1x4096xf32>
      %get3A_1883 = vector.shape_cast %get3A_1882 : vector<1x1x4096xf32> to vector<4096xf32>
      %swap3A_1884 = arith.constant 9 : index
      %swap3A_1885 = arith.constant 0 : index
      %swap3A_1886 = vector.load %arg4[%swap3A_1884, %swap3A_1885] : memref<128x4096xf32, #tpu.memory_space<vmem>>, vector<1x4096xf32>
      %swap3A_1887 = vector.shape_cast %swap3A_1886 : vector<1x4096xf32> to vector<4096xf32>
      %swap3A_1888 = vector.shape_cast %get3A_1883 : vector<4096xf32> to vector<1x4096xf32>
      tpu.vector_store %arg4[%swap3A_1884, %swap3A_1885], %swap3A_1888 {strides = array<i32>} : memref<128x4096xf32, #tpu.memory_space<vmem>>, vector<1x4096xf32>,
      %get3A_1889 = arith.constant 0 : index
      %get3A_1890 = arith.constant 0 : index
      %get3A_1891 = arith.constant 13 : index
      %get3A_1892 = vector.load %arg2[%get3A_1889, %get3A_1890, %get3A_1891] : memref<1x1x4224xf32, #tpu.memory_space<vmem>>, vector<1x1x4096xf32>
      %get3A_1893 = vector.shape_cast %get3A_1892 : vector<1x1x4096xf32> to vector<4096xf32>
      %swap3A_1894 = arith.constant 10 : index
      %swap3A_1895 = arith.constant 0 : index
      %swap3A_1896 = vector.load %arg4[%swap3A_1894, %swap3A_1895] : memref<128x4096xf32, #tpu.memory_space<vmem>>, vector<1x4096xf32>
      %swap3A_1897 = vector.shape_cast %swap3A_1896 : vector<1x4096xf32> to vector<4096xf32>
      %swap3A_1898 = vector.shape_cast %get3A_1893 : vector<4096xf32> to vector<1x4096xf32>
      tpu.vector_store %arg4[%swap3A_1894, %swap3A_1895], %swap3A_1898 {strides = array<i32>} : memref<128x4096xf32, #tpu.memory_space<vmem>>, vector<1x4096xf32>,
      %get3A_1899 = arith.constant 0 : index
      %get3A_1900 = arith.constant 0 : index
      %get3A_1901 = arith.constant 12 : index
      %get3A_1902 = vector.load %arg2[%get3A_1899, %get3A_1900, %get3A_1901] : memref<1x1x4224xf32, #tpu.memory_space<vmem>>, vector<1x1x4096xf32>
      %get3A_1903 = vector.shape_cast %get3A_1902 : vector<1x1x4096xf32> to vector<4096xf32>
      %swap3A_1904 = arith.constant 11 : index
      %swap3A_1905 = arith.constant 0 : index
      %swap3A_1906 = vector.load %arg4[%swap3A_1904, %swap3A_1905] : memref<128x4096xf32, #tpu.memory_space<vmem>>, vector<1x4096xf32>
      %swap3A_1907 = vector.shape_cast %swap3A_1906 : vector<1x4096xf32> to vector<4096xf32>
      %swap3A_1908 = vector.shape_cast %get3A_1903 : vector<4096xf32> to vector<1x4096xf32>
      tpu.vector_store %arg4[%swap3A_1904, %swap3A_1905], %swap3A_1908 {strides = array<i32>} : memref<128x4096xf32, #tpu.memory_space<vmem>>, vector<1x4096xf32>,
      %get3A_1909 = arith.constant 0 : index
      %get3A_1910 = arith.constant 0 : index
      %get3A_1911 = arith.constant 11 : index
      %get3A_1912 = vector.load %arg2[%get3A_1909, %get3A_1910, %get3A_1911] : memref<1x1x4224xf32, #tpu.memory_space<vmem>>, vector<1x1x4096xf32>
      %get3A_1913 = vector.shape_cast %get3A_1912 : vector<1x1x4096xf32> to vector<4096xf32>
      %swap3A_1914 = arith.constant 12 : index
      %swap3A_1915 = arith.constant 0 : index
      %swap3A_1916 = vector.load %arg4[%swap3A_1914, %swap3A_1915] : memref<128x4096xf32, #tpu.memory_space<vmem>>, vector<1x4096xf32>
      %swap3A_1917 = vector.shape_cast %swap3A_1916 : vector<1x4096xf32> to vector<4096xf32>
      %swap3A_1918 = vector.shape_cast %get3A_1913 : vector<4096xf32> to vector<1x4096xf32>
      tpu.vector_store %arg4[%swap3A_1914, %swap3A_1915], %swap3A_1918 {strides = array<i32>} : memref<128x4096xf32, #tpu.memory_space<vmem>>, vector<1x4096xf32>,
      %get3A_1919 = arith.constant 0 : index
      %get3A_1920 = arith.constant 0 : index
      %get3A_1921 = arith.constant 10 : index
      %get3A_1922 = vector.load %arg2[%get3A_1919, %get3A_1920, %get3A_1921] : memref<1x1x4224xf32, #tpu.memory_space<vmem>>, vector<1x1x4096xf32>
      %get3A_1923 = vector.shape_cast %get3A_1922 : vector<1x1x4096xf32> to vector<4096xf32>
      %swap3A_1924 = arith.constant 13 : index
      %swap3A_1925 = arith.constant 0 : index
      %swap3A_1926 = vector.load %arg4[%swap3A_1924, %swap3A_1925] : memref<128x4096xf32, #tpu.memory_space<vmem>>, vector<1x4096xf32>
      %swap3A_1927 = vector.shape_cast %swap3A_1926 : vector<1x4096xf32> to vector<4096xf32>
      %swap3A_1928 = vector.shape_cast %get3A_1923 : vector<4096xf32> to vector<1x4096xf32>
      tpu.vector_store %arg4[%swap3A_1924, %swap3A_1925], %swap3A_1928 {strides = array<i32>} : memref<128x4096xf32, #tpu.memory_space<vmem>>, vector<1x4096xf32>,
      %get3A_1929 = arith.constant 0 : index
      %get3A_1930 = arith.constant 0 : index
      %get3A_1931 = arith.constant 9 : index
      %get3A_1932 = vector.load %arg2[%get3A_1929, %get3A_1930, %get3A_1931] : memref<1x1x4224xf32, #tpu.memory_space<vmem>>, vector<1x1x4096xf32>
      %get3A_1933 = vector.shape_cast %get3A_1932 : vector<1x1x4096xf32> to vector<4096xf32>
      %swap3A_1934 = arith.constant 14 : index
      %swap3A_1935 = arith.constant 0 : index
      %swap3A_1936 = vector.load %arg4[%swap3A_1934, %swap3A_1935] : memref<128x4096xf32, #tpu.memory_space<vmem>>, vector<1x4096xf32>
      %swap3A_1937 = vector.shape_cast %swap3A_1936 : vector<1x4096xf32> to vector<4096xf32>
      %swap3A_1938 = vector.shape_cast %get3A_1933 : vector<4096xf32> to vector<1x4096xf32>
      tpu.vector_store %arg4[%swap3A_1934, %swap3A_1935], %swap3A_1938 {strides = array<i32>} : memref<128x4096xf32, #tpu.memory_space<vmem>>, vector<1x4096xf32>,
      %get3A_1939 = arith.constant 0 : index
      %get3A_1940 = arith.constant 0 : index
      %get3A_1941 = arith.constant 8 : index
      %get3A_1942 = vector.load %arg2[%get3A_1939, %get3A_1940, %get3A_1941] : memref<1x1x4224xf32, #tpu.memory_space<vmem>>, vector<1x1x4096xf32>
      %get3A_1943 = vector.shape_cast %get3A_1942 : vector<1x1x4096xf32> to vector<4096xf32>
      %swap3A_1944 = arith.constant 15 : index
      %swap3A_1945 = arith.constant 0 : index
      %swap3A_1946 = vector.load %arg4[%swap3A_1944, %swap3A_1945] : memref<128x4096xf32, #tpu.memory_space<vmem>>, vector<1x4096xf32>
      %swap3A_1947 = vector.shape_cast %swap3A_1946 : vector<1x4096xf32> to vector<4096xf32>
      %swap3A_1948 = vector.shape_cast %get3A_1943 : vector<4096xf32> to vector<1x4096xf32>
      tpu.vector_store %arg4[%swap3A_1944, %swap3A_1945], %swap3A_1948 {strides = array<i32>} : memref<128x4096xf32, #tpu.memory_space<vmem>>, vector<1x4096xf32>,
      %get3A_1949 = arith.constant 0 : index
      %get3A_1950 = arith.constant 0 : index
      %get3A_1951 = arith.constant 23 : index
      %get3A_1952 = vector.load %arg2[%get3A_1949, %get3A_1950, %get3A_1951] : memref<1x1x4224xf32, #tpu.memory_space<vmem>>, vector<1x1x4096xf32>
      %get3A_1953 = vector.shape_cast %get3A_1952 : vector<1x1x4096xf32> to vector<4096xf32>
      %swap3A_1954 = arith.constant 16 : index
      %swap3A_1955 = arith.constant 0 : index
      %swap3A_1956 = vector.load %arg4[%swap3A_1954, %swap3A_1955] : memref<128x4096xf32, #tpu.memory_space<vmem>>, vector<1x4096xf32>
      %swap3A_1957 = vector.shape_cast %swap3A_1956 : vector<1x4096xf32> to vector<4096xf32>
      %swap3A_1958 = vector.shape_cast %get3A_1953 : vector<4096xf32> to vector<1x4096xf32>
      tpu.vector_store %arg4[%swap3A_1954, %swap3A_1955], %swap3A_1958 {strides = array<i32>} : memref<128x4096xf32, #tpu.memory_space<vmem>>, vector<1x4096xf32>,
      %get3A_1959 = arith.constant 0 : index
      %get3A_1960 = arith.constant 0 : index
      %get3A_1961 = arith.constant 22 : index
      %get3A_1962 = vector.load %arg2[%get3A_1959, %get3A_1960, %get3A_1961] : memref<1x1x4224xf32, #tpu.memory_space<vmem>>, vector<1x1x4096xf32>
      %get3A_1963 = vector.shape_cast %get3A_1962 : vector<1x1x4096xf32> to vector<4096xf32>
      %swap3A_1964 = arith.constant 17 : index
      %swap3A_1965 = arith.constant 0 : index
      %swap3A_1966 = vector.load %arg4[%swap3A_1964, %swap3A_1965] : memref<128x4096xf32, #tpu.memory_space<vmem>>, vector<1x4096xf32>
      %swap3A_1967 = vector.shape_cast %swap3A_1966 : vector<1x4096xf32> to vector<4096xf32>
      %swap3A_1968 = vector.shape_cast %get3A_1963 : vector<4096xf32> to vector<1x4096xf32>
      tpu.vector_store %arg4[%swap3A_1964, %swap3A_1965], %swap3A_1968 {strides = array<i32>} : memref<128x4096xf32, #tpu.memory_space<vmem>>, vector<1x4096xf32>,
      %get3A_1969 = arith.constant 0 : index
      %get3A_1970 = arith.constant 0 : index
      %get3A_1971 = arith.constant 21 : index
      %get3A_1972 = vector.load %arg2[%get3A_1969, %get3A_1970, %get3A_1971] : memref<1x1x4224xf32, #tpu.memory_space<vmem>>, vector<1x1x4096xf32>
      %get3A_1973 = vector.shape_cast %get3A_1972 : vector<1x1x4096xf32> to vector<4096xf32>
      %swap3A_1974 = arith.constant 18 : index
      %swap3A_1975 = arith.constant 0 : index
      %swap3A_1976 = vector.load %arg4[%swap3A_1974, %swap3A_1975] : memref<128x4096xf32, #tpu.memory_space<vmem>>, vector<1x4096xf32>
      %swap3A_1977 = vector.shape_cast %swap3A_1976 : vector<1x4096xf32> to vector<4096xf32>
      %swap3A_1978 = vector.shape_cast %get3A_1973 : vector<4096xf32> to vector<1x4096xf32>
      tpu.vector_store %arg4[%swap3A_1974, %swap3A_1975], %swap3A_1978 {strides = array<i32>} : memref<128x4096xf32, #tpu.memory_space<vmem>>, vector<1x4096xf32>,
      %get3A_1979 = arith.constant 0 : index
      %get3A_1980 = arith.constant 0 : index
      %get3A_1981 = arith.constant 20 : index
      %get3A_1982 = vector.load %arg2[%get3A_1979, %get3A_1980, %get3A_1981] : memref<1x1x4224xf32, #tpu.memory_space<vmem>>, vector<1x1x4096xf32>
      %get3A_1983 = vector.shape_cast %get3A_1982 : vector<1x1x4096xf32> to vector<4096xf32>
      %swap3A_1984 = arith.constant 19 : index
      %swap3A_1985 = arith.constant 0 : index
      %swap3A_1986 = vector.load %arg4[%swap3A_1984, %swap3A_1985] : memref<128x4096xf32, #tpu.memory_space<vmem>>, vector<1x4096xf32>
      %swap3A_1987 = vector.shape_cast %swap3A_1986 : vector<1x4096xf32> to vector<4096xf32>
      %swap3A_1988 = vector.shape_cast %get3A_1983 : vector<4096xf32> to vector<1x4096xf32>
      tpu.vector_store %arg4[%swap3A_1984, %swap3A_1985], %swap3A_1988 {strides = array<i32>} : memref<128x4096xf32, #tpu.memory_space<vmem>>, vector<1x4096xf32>,
      %get3A_1989 = arith.constant 0 : index
      %get3A_1990 = arith.constant 0 : index
      %get3A_1991 = arith.constant 19 : index
      %get3A_1992 = vector.load %arg2[%get3A_1989, %get3A_1990, %get3A_1991] : memref<1x1x4224xf32, #tpu.memory_space<vmem>>, vector<1x1x4096xf32>
      %get3A_1993 = vector.shape_cast %get3A_1992 : vector<1x1x4096xf32> to vector<4096xf32>
      %swap3A_1994 = arith.constant 20 : index
      %swap3A_1995 = arith.constant 0 : index
      %swap3A_1996 = vector.load %arg4[%swap3A_1994, %swap3A_1995] : memref<128x4096xf32, #tpu.memory_space<vmem>>, vector<1x4096xf32>
      %swap3A_1997 = vector.shape_cast %swap3A_1996 : vector<1x4096xf32> to vector<4096xf32>
      %swap3A_1998 = vector.shape_cast %get3A_1993 : vector<4096xf32> to vector<1x4096xf32>
      tpu.vector_store %arg4[%swap3A_1994, %swap3A_1995], %swap3A_1998 {strides = array<i32>} : memref<128x4096xf32, #tpu.memory_space<vmem>>, vector<1x4096xf32>,
      %get3A_1999 = arith.constant 0 : index
      %get3A_2000 = arith.constant 0 : index
      %get3A_2001 = arith.constant 18 : index
      %get3A_2002 = vector.load %arg2[%get3A_1999, %get3A_2000, %get3A_2001] : memref<1x1x4224xf32, #tpu.memory_space<vmem>>, vector<1x1x4096xf32>
      %get3A_2003 = vector.shape_cast %get3A_2002 : vector<1x1x4096xf32> to vector<4096xf32>
      %swap3A_2004 = arith.constant 21 : index
      %swap3A_2005 = arith.constant 0 : index
      %swap3A_2006 = vector.load %arg4[%swap3A_2004, %swap3A_2005] : memref<128x4096xf32, #tpu.memory_space<vmem>>, vector<1x4096xf32>
      %swap3A_2007 = vector.shape_cast %swap3A_2006 : vector<1x4096xf32> to vector<4096xf32>
      %swap3A_2008 = vector.shape_cast %get3A_2003 : vector<4096xf32> to vector<1x4096xf32>
      tpu.vector_store %arg4[%swap3A_2004, %swap3A_2005], %swap3A_2008 {strides = array<i32>} : memref<128x4096xf32, #tpu.memory_space<vmem>>, vector<1x4096xf32>,
      %get3A_2009 = arith.constant 0 : index
      %get3A_2010 = arith.constant 0 : index
      %get3A_2011 = arith.constant 17 : index
      %get3A_2012 = vector.load %arg2[%get3A_2009, %get3A_2010, %get3A_2011] : memref<1x1x4224xf32, #tpu.memory_space<vmem>>, vector<1x1x4096xf32>
      %get3A_2013 = vector.shape_cast %get3A_2012 : vector<1x1x4096xf32> to vector<4096xf32>
      %swap3A_2014 = arith.constant 22 : index
      %swap3A_2015 = arith.constant 0 : index
      %swap3A_2016 = vector.load %arg4[%swap3A_2014, %swap3A_2015] : memref<128x4096xf32, #tpu.memory_space<vmem>>, vector<1x4096xf32>
      %swap3A_2017 = vector.shape_cast %swap3A_2016 : vector<1x4096xf32> to vector<4096xf32>
      %swap3A_2018 = vector.shape_cast %get3A_2013 : vector<4096xf32> to vector<1x4096xf32>
      tpu.vector_store %arg4[%swap3A_2014, %swap3A_2015], %swap3A_2018 {strides = array<i32>} : memref<128x4096xf32, #tpu.memory_space<vmem>>, vector<1x4096xf32>,
      %get3A_2019 = arith.constant 0 : index
      %get3A_2020 = arith.constant 0 : index
      %get3A_2021 = arith.constant 16 : index
      %get3A_2022 = vector.load %arg2[%get3A_2019, %get3A_2020, %get3A_2021] : memref<1x1x4224xf32, #tpu.memory_space<vmem>>, vector<1x1x4096xf32>
      %get3A_2023 = vector.shape_cast %get3A_2022 : vector<1x1x4096xf32> to vector<4096xf32>
      %swap3A_2024 = arith.constant 23 : index
      %swap3A_2025 = arith.constant 0 : index
      %swap3A_2026 = vector.load %arg4[%swap3A_2024, %swap3A_2025] : memref<128x4096xf32, #tpu.memory_space<vmem>>, vector<1x4096xf32>
      %swap3A_2027 = vector.shape_cast %swap3A_2026 : vector<1x4096xf32> to vector<4096xf32>
      %swap3A_2028 = vector.shape_cast %get3A_2023 : vector<4096xf32> to vector<1x4096xf32>
      tpu.vector_store %arg4[%swap3A_2024, %swap3A_2025], %swap3A_2028 {strides = array<i32>} : memref<128x4096xf32, #tpu.memory_space<vmem>>, vector<1x4096xf32>,
      %get3A_2029 = arith.constant 0 : index
      %get3A_2030 = arith.constant 0 : index
      %get3A_2031 = arith.constant 31 : index
      %get3A_2032 = vector.load %arg2[%get3A_2029, %get3A_2030, %get3A_2031] : memref<1x1x4224xf32, #tpu.memory_space<vmem>>, vector<1x1x4096xf32>
      %get3A_2033 = vector.shape_cast %get3A_2032 : vector<1x1x4096xf32> to vector<4096xf32>
      %swap3A_2034 = arith.constant 24 : index
      %swap3A_2035 = arith.constant 0 : index
      %swap3A_2036 = vector.load %arg4[%swap3A_2034, %swap3A_2035] : memref<128x4096xf32, #tpu.memory_space<vmem>>, vector<1x4096xf32>
      %swap3A_2037 = vector.shape_cast %swap3A_2036 : vector<1x4096xf32> to vector<4096xf32>
      %swap3A_2038 = vector.shape_cast %get3A_2033 : vector<4096xf32> to vector<1x4096xf32>
      tpu.vector_store %arg4[%swap3A_2034, %swap3A_2035], %swap3A_2038 {strides = array<i32>} : memref<128x4096xf32, #tpu.memory_space<vmem>>, vector<1x4096xf32>,
      %get3A_2039 = arith.constant 0 : index
      %get3A_2040 = arith.constant 0 : index
      %get3A_2041 = arith.constant 30 : index
      %get3A_2042 = vector.load %arg2[%get3A_2039, %get3A_2040, %get3A_2041] : memref<1x1x4224xf32, #tpu.memory_space<vmem>>, vector<1x1x4096xf32>
      %get3A_2043 = vector.shape_cast %get3A_2042 : vector<1x1x4096xf32> to vector<4096xf32>
      %swap3A_2044 = arith.constant 25 : index
      %swap3A_2045 = arith.constant 0 : index
      %swap3A_2046 = vector.load %arg4[%swap3A_2044, %swap3A_2045] : memref<128x4096xf32, #tpu.memory_space<vmem>>, vector<1x4096xf32>
      %swap3A_2047 = vector.shape_cast %swap3A_2046 : vector<1x4096xf32> to vector<4096xf32>
      %swap3A_2048 = vector.shape_cast %get3A_2043 : vector<4096xf32> to vector<1x4096xf32>
      tpu.vector_store %arg4[%swap3A_2044, %swap3A_2045], %swap3A_2048 {strides = array<i32>} : memref<128x4096xf32, #tpu.memory_space<vmem>>, vector<1x4096xf32>,
      %get3A_2049 = arith.constant 0 : index
      %get3A_2050 = arith.constant 0 : index
      %get3A_2051 = arith.constant 29 : index
      %get3A_2052 = vector.load %arg2[%get3A_2049, %get3A_2050, %get3A_2051] : memref<1x1x4224xf32, #tpu.memory_space<vmem>>, vector<1x1x4096xf32>
      %get3A_2053 = vector.shape_cast %get3A_2052 : vector<1x1x4096xf32> to vector<4096xf32>
      %swap3A_2054 = arith.constant 26 : index
      %swap3A_2055 = arith.constant 0 : index
      %swap3A_2056 = vector.load %arg4[%swap3A_2054, %swap3A_2055] : memref<128x4096xf32, #tpu.memory_space<vmem>>, vector<1x4096xf32>
      %swap3A_2057 = vector.shape_cast %swap3A_2056 : vector<1x4096xf32> to vector<4096xf32>
      %swap3A_2058 = vector.shape_cast %get3A_2053 : vector<4096xf32> to vector<1x4096xf32>
      tpu.vector_store %arg4[%swap3A_2054, %swap3A_2055], %swap3A_2058 {strides = array<i32>} : memref<128x4096xf32, #tpu.memory_space<vmem>>, vector<1x4096xf32>,
      %get3A_2059 = arith.constant 0 : index
      %get3A_2060 = arith.constant 0 : index
      %get3A_2061 = arith.constant 28 : index
      %get3A_2062 = vector.load %arg2[%get3A_2059, %get3A_2060, %get3A_2061] : memref<1x1x4224xf32, #tpu.memory_space<vmem>>, vector<1x1x4096xf32>
      %get3A_2063 = vector.shape_cast %get3A_2062 : vector<1x1x4096xf32> to vector<4096xf32>
      %swap3A_2064 = arith.constant 27 : index
      %swap3A_2065 = arith.constant 0 : index
      %swap3A_2066 = vector.load %arg4[%swap3A_2064, %swap3A_2065] : memref<128x4096xf32, #tpu.memory_space<vmem>>, vector<1x4096xf32>
      %swap3A_2067 = vector.shape_cast %swap3A_2066 : vector<1x4096xf32> to vector<4096xf32>
      %swap3A_2068 = vector.shape_cast %get3A_2063 : vector<4096xf32> to vector<1x4096xf32>
      tpu.vector_store %arg4[%swap3A_2064, %swap3A_2065], %swap3A_2068 {strides = array<i32>} : memref<128x4096xf32, #tpu.memory_space<vmem>>, vector<1x4096xf32>,
      %get3A_2069 = arith.constant 0 : index
      %get3A_2070 = arith.constant 0 : index
      %get3A_2071 = arith.constant 27 : index
      %get3A_2072 = vector.load %arg2[%get3A_2069, %get3A_2070, %get3A_2071] : memref<1x1x4224xf32, #tpu.memory_space<vmem>>, vector<1x1x4096xf32>
      %get3A_2073 = vector.shape_cast %get3A_2072 : vector<1x1x4096xf32> to vector<4096xf32>
      %swap3A_2074 = arith.constant 28 : index
      %swap3A_2075 = arith.constant 0 : index
      %swap3A_2076 = vector.load %arg4[%swap3A_2074, %swap3A_2075] : memref<128x4096xf32, #tpu.memory_space<vmem>>, vector<1x4096xf32>
      %swap3A_2077 = vector.shape_cast %swap3A_2076 : vector<1x4096xf32> to vector<4096xf32>
      %swap3A_2078 = vector.shape_cast %get3A_2073 : vector<4096xf32> to vector<1x4096xf32>
      tpu.vector_store %arg4[%swap3A_2074, %swap3A_2075], %swap3A_2078 {strides = array<i32>} : memref<128x4096xf32, #tpu.memory_space<vmem>>, vector<1x4096xf32>,
      %get3A_2079 = arith.constant 0 : index
      %get3A_2080 = arith.constant 0 : index
      %get3A_2081 = arith.constant 26 : index
      %get3A_2082 = vector.load %arg2[%get3A_2079, %get3A_2080, %get3A_2081] : memref<1x1x4224xf32, #tpu.memory_space<vmem>>, vector<1x1x4096xf32>
      %get3A_2083 = vector.shape_cast %get3A_2082 : vector<1x1x4096xf32> to vector<4096xf32>
      %swap3A_2084 = arith.constant 29 : index
      %swap3A_2085 = arith.constant 0 : index
      %swap3A_2086 = vector.load %arg4[%swap3A_2084, %swap3A_2085] : memref<128x4096xf32, #tpu.memory_space<vmem>>, vector<1x4096xf32>
      %swap3A_2087 = vector.shape_cast %swap3A_2086 : vector<1x4096xf32> to vector<4096xf32>
      %swap3A_2088 = vector.shape_cast %get3A_2083 : vector<4096xf32> to vector<1x4096xf32>
      tpu.vector_store %arg4[%swap3A_2084, %swap3A_2085], %swap3A_2088 {strides = array<i32>} : memref<128x4096xf32, #tpu.memory_space<vmem>>, vector<1x4096xf32>,
      %get3A_2089 = arith.constant 0 : index
      %get3A_2090 = arith.constant 0 : index
      %get3A_2091 = arith.constant 25 : index
      %get3A_2092 = vector.load %arg2[%get3A_2089, %get3A_2090, %get3A_2091] : memref<1x1x4224xf32, #tpu.memory_space<vmem>>, vector<1x1x4096xf32>
      %get3A_2093 = vector.shape_cast %get3A_2092 : vector<1x1x4096xf32> to vector<4096xf32>
      %swap3A_2094 = arith.constant 30 : index
      %swap3A_2095 = arith.constant 0 : index
      %swap3A_2096 = vector.load %arg4[%swap3A_2094, %swap3A_2095] : memref<128x4096xf32, #tpu.memory_space<vmem>>, vector<1x4096xf32>
      %swap3A_2097 = vector.shape_cast %swap3A_2096 : vector<1x4096xf32> to vector<4096xf32>
      %swap3A_2098 = vector.shape_cast %get3A_2093 : vector<4096xf32> to vector<1x4096xf32>
      tpu.vector_store %arg4[%swap3A_2094, %swap3A_2095], %swap3A_2098 {strides = array<i32>} : memref<128x4096xf32, #tpu.memory_space<vmem>>, vector<1x4096xf32>,
      %get3A_2099 = arith.constant 0 : index
      %get3A_2100 = arith.constant 0 : index
      %get3A_2101 = arith.constant 24 : index
      %get3A_2102 = vector.load %arg2[%get3A_2099, %get3A_2100, %get3A_2101] : memref<1x1x4224xf32, #tpu.memory_space<vmem>>, vector<1x1x4096xf32>
      %get3A_2103 = vector.shape_cast %get3A_2102 : vector<1x1x4096xf32> to vector<4096xf32>
      %swap3A_2104 = arith.constant 31 : index
      %swap3A_2105 = arith.constant 0 : index
      %swap3A_2106 = vector.load %arg4[%swap3A_2104, %swap3A_2105] : memref<128x4096xf32, #tpu.memory_space<vmem>>, vector<1x4096xf32>
      %swap3A_2107 = vector.shape_cast %swap3A_2106 : vector<1x4096xf32> to vector<4096xf32>
      %swap3A_2108 = vector.shape_cast %get3A_2103 : vector<4096xf32> to vector<1x4096xf32>
      tpu.vector_store %arg4[%swap3A_2104, %swap3A_2105], %swap3A_2108 {strides = array<i32>} : memref<128x4096xf32, #tpu.memory_space<vmem>>, vector<1x4096xf32>,
      %get3A_2109 = arith.constant 0 : index
      %get3A_2110 = arith.constant 0 : index
      %get3A_2111 = arith.constant 39 : index
      %get3A_2112 = vector.load %arg2[%get3A_2109, %get3A_2110, %get3A_2111] : memref<1x1x4224xf32, #tpu.memory_space<vmem>>, vector<1x1x4096xf32>
      %get3A_2113 = vector.shape_cast %get3A_2112 : vector<1x1x4096xf32> to vector<4096xf32>
      %swap3A_2114 = arith.constant 32 : index
      %swap3A_2115 = arith.constant 0 : index
      %swap3A_2116 = vector.load %arg4[%swap3A_2114, %swap3A_2115] : memref<128x4096xf32, #tpu.memory_space<vmem>>, vector<1x4096xf32>
      %swap3A_2117 = vector.shape_cast %swap3A_2116 : vector<1x4096xf32> to vector<4096xf32>
      %swap3A_2118 = vector.shape_cast %get3A_2113 : vector<4096xf32> to vector<1x4096xf32>
      tpu.vector_store %arg4[%swap3A_2114, %swap3A_2115], %swap3A_2118 {strides = array<i32>} : memref<128x4096xf32, #tpu.memory_space<vmem>>, vector<1x4096xf32>,
      %get3A_2119 = arith.constant 0 : index
      %get3A_2120 = arith.constant 0 : index
      %get3A_2121 = arith.constant 38 : index
      %get3A_2122 = vector.load %arg2[%get3A_2119, %get3A_2120, %get3A_2121] : memref<1x1x4224xf32, #tpu.memory_space<vmem>>, vector<1x1x4096xf32>
      %get3A_2123 = vector.shape_cast %get3A_2122 : vector<1x1x4096xf32> to vector<4096xf32>
      %swap3A_2124 = arith.constant 33 : index
      %swap3A_2125 = arith.constant 0 : index
      %swap3A_2126 = vector.load %arg4[%swap3A_2124, %swap3A_2125] : memref<128x4096xf32, #tpu.memory_space<vmem>>, vector<1x4096xf32>
      %swap3A_2127 = vector.shape_cast %swap3A_2126 : vector<1x4096xf32> to vector<4096xf32>
      %swap3A_2128 = vector.shape_cast %get3A_2123 : vector<4096xf32> to vector<1x4096xf32>
      tpu.vector_store %arg4[%swap3A_2124, %swap3A_2125], %swap3A_2128 {strides = array<i32>} : memref<128x4096xf32, #tpu.memory_space<vmem>>, vector<1x4096xf32>,
      %get3A_2129 = arith.constant 0 : index
      %get3A_2130 = arith.constant 0 : index
      %get3A_2131 = arith.constant 37 : index
      %get3A_2132 = vector.load %arg2[%get3A_2129, %get3A_2130, %get3A_2131] : memref<1x1x4224xf32, #tpu.memory_space<vmem>>, vector<1x1x4096xf32>
      %get3A_2133 = vector.shape_cast %get3A_2132 : vector<1x1x4096xf32> to vector<4096xf32>
      %swap3A_2134 = arith.constant 34 : index
      %swap3A_2135 = arith.constant 0 : index
      %swap3A_2136 = vector.load %arg4[%swap3A_2134, %swap3A_2135] : memref<128x4096xf32, #tpu.memory_space<vmem>>, vector<1x4096xf32>
      %swap3A_2137 = vector.shape_cast %swap3A_2136 : vector<1x4096xf32> to vector<4096xf32>
      %swap3A_2138 = vector.shape_cast %get3A_2133 : vector<4096xf32> to vector<1x4096xf32>
      tpu.vector_store %arg4[%swap3A_2134, %swap3A_2135], %swap3A_2138 {strides = array<i32>} : memref<128x4096xf32, #tpu.memory_space<vmem>>, vector<1x4096xf32>,
      %get3A_2139 = arith.constant 0 : index
      %get3A_2140 = arith.constant 0 : index
      %get3A_2141 = arith.constant 36 : index
      %get3A_2142 = vector.load %arg2[%get3A_2139, %get3A_2140, %get3A_2141] : memref<1x1x4224xf32, #tpu.memory_space<vmem>>, vector<1x1x4096xf32>
      %get3A_2143 = vector.shape_cast %get3A_2142 : vector<1x1x4096xf32> to vector<4096xf32>
      %swap3A_2144 = arith.constant 35 : index
      %swap3A_2145 = arith.constant 0 : index
      %swap3A_2146 = vector.load %arg4[%swap3A_2144, %swap3A_2145] : memref<128x4096xf32, #tpu.memory_space<vmem>>, vector<1x4096xf32>
      %swap3A_2147 = vector.shape_cast %swap3A_2146 : vector<1x4096xf32> to vector<4096xf32>
      %swap3A_2148 = vector.shape_cast %get3A_2143 : vector<4096xf32> to vector<1x4096xf32>
      tpu.vector_store %arg4[%swap3A_2144, %swap3A_2145], %swap3A_2148 {strides = array<i32>} : memref<128x4096xf32, #tpu.memory_space<vmem>>, vector<1x4096xf32>,
      %get3A_2149 = arith.constant 0 : index
      %get3A_2150 = arith.constant 0 : index
      %get3A_2151 = arith.constant 35 : index
      %get3A_2152 = vector.load %arg2[%get3A_2149, %get3A_2150, %get3A_2151] : memref<1x1x4224xf32, #tpu.memory_space<vmem>>, vector<1x1x4096xf32>
      %get3A_2153 = vector.shape_cast %get3A_2152 : vector<1x1x4096xf32> to vector<4096xf32>
      %swap3A_2154 = arith.constant 36 : index
      %swap3A_2155 = arith.constant 0 : index
      %swap3A_2156 = vector.load %arg4[%swap3A_2154, %swap3A_2155] : memref<128x4096xf32, #tpu.memory_space<vmem>>, vector<1x4096xf32>
      %swap3A_2157 = vector.shape_cast %swap3A_2156 : vector<1x4096xf32> to vector<4096xf32>
      %swap3A_2158 = vector.shape_cast %get3A_2153 : vector<4096xf32> to vector<1x4096xf32>
      tpu.vector_store %arg4[%swap3A_2154, %swap3A_2155], %swap3A_2158 {strides = array<i32>} : memref<128x4096xf32, #tpu.memory_space<vmem>>, vector<1x4096xf32>,
      %get3A_2159 = arith.constant 0 : index
      %get3A_2160 = arith.constant 0 : index
      %get3A_2161 = arith.constant 34 : index
      %get3A_2162 = vector.load %arg2[%get3A_2159, %get3A_2160, %get3A_2161] : memref<1x1x4224xf32, #tpu.memory_space<vmem>>, vector<1x1x4096xf32>
      %get3A_2163 = vector.shape_cast %get3A_2162 : vector<1x1x4096xf32> to vector<4096xf32>
      %swap3A_2164 = arith.constant 37 : index
      %swap3A_2165 = arith.constant 0 : index
      %swap3A_2166 = vector.load %arg4[%swap3A_2164, %swap3A_2165] : memref<128x4096xf32, #tpu.memory_space<vmem>>, vector<1x4096xf32>
      %swap3A_2167 = vector.shape_cast %swap3A_2166 : vector<1x4096xf32> to vector<4096xf32>
      %swap3A_2168 = vector.shape_cast %get3A_2163 : vector<4096xf32> to vector<1x4096xf32>
      tpu.vector_store %arg4[%swap3A_2164, %swap3A_2165], %swap3A_2168 {strides = array<i32>} : memref<128x4096xf32, #tpu.memory_space<vmem>>, vector<1x4096xf32>,
      %get3A_2169 = arith.constant 0 : index
      %get3A_2170 = arith.constant 0 : index
      %get3A_2171 = arith.constant 33 : index
      %get3A_2172 = vector.load %arg2[%get3A_2169, %get3A_2170, %get3A_2171] : memref<1x1x4224xf32, #tpu.memory_space<vmem>>, vector<1x1x4096xf32>
      %get3A_2173 = vector.shape_cast %get3A_2172 : vector<1x1x4096xf32> to vector<4096xf32>
      %swap3A_2174 = arith.constant 38 : index
      %swap3A_2175 = arith.constant 0 : index
      %swap3A_2176 = vector.load %arg4[%swap3A_2174, %swap3A_2175] : memref<128x4096xf32, #tpu.memory_space<vmem>>, vector<1x4096xf32>
      %swap3A_2177 = vector.shape_cast %swap3A_2176 : vector<1x4096xf32> to vector<4096xf32>
      %swap3A_2178 = vector.shape_cast %get3A_2173 : vector<4096xf32> to vector<1x4096xf32>
      tpu.vector_store %arg4[%swap3A_2174, %swap3A_2175], %swap3A_2178 {strides = array<i32>} : memref<128x4096xf32, #tpu.memory_space<vmem>>, vector<1x4096xf32>,
      %get3A_2179 = arith.constant 0 : index
      %get3A_2180 = arith.constant 0 : index
      %get3A_2181 = arith.constant 32 : index
      %get3A_2182 = vector.load %arg2[%get3A_2179, %get3A_2180, %get3A_2181] : memref<1x1x4224xf32, #tpu.memory_space<vmem>>, vector<1x1x4096xf32>
      %get3A_2183 = vector.shape_cast %get3A_2182 : vector<1x1x4096xf32> to vector<4096xf32>
      %swap3A_2184 = arith.constant 39 : index
      %swap3A_2185 = arith.constant 0 : index
      %swap3A_2186 = vector.load %arg4[%swap3A_2184, %swap3A_2185] : memref<128x4096xf32, #tpu.memory_space<vmem>>, vector<1x4096xf32>
      %swap3A_2187 = vector.shape_cast %swap3A_2186 : vector<1x4096xf32> to vector<4096xf32>
      %swap3A_2188 = vector.shape_cast %get3A_2183 : vector<4096xf32> to vector<1x4096xf32>
      tpu.vector_store %arg4[%swap3A_2184, %swap3A_2185], %swap3A_2188 {strides = array<i32>} : memref<128x4096xf32, #tpu.memory_space<vmem>>, vector<1x4096xf32>,
      %get3A_2189 = arith.constant 0 : index
      %get3A_2190 = arith.constant 0 : index
      %get3A_2191 = arith.constant 47 : index
      %get3A_2192 = vector.load %arg2[%get3A_2189, %get3A_2190, %get3A_2191] : memref<1x1x4224xf32, #tpu.memory_space<vmem>>, vector<1x1x4096xf32>
      %get3A_2193 = vector.shape_cast %get3A_2192 : vector<1x1x4096xf32> to vector<4096xf32>
      %swap3A_2194 = arith.constant 40 : index
      %swap3A_2195 = arith.constant 0 : index
      %swap3A_2196 = vector.load %arg4[%swap3A_2194, %swap3A_2195] : memref<128x4096xf32, #tpu.memory_space<vmem>>, vector<1x4096xf32>
      %swap3A_2197 = vector.shape_cast %swap3A_2196 : vector<1x4096xf32> to vector<4096xf32>
      %swap3A_2198 = vector.shape_cast %get3A_2193 : vector<4096xf32> to vector<1x4096xf32>
      tpu.vector_store %arg4[%swap3A_2194, %swap3A_2195], %swap3A_2198 {strides = array<i32>} : memref<128x4096xf32, #tpu.memory_space<vmem>>, vector<1x4096xf32>,
      %get3A_2199 = arith.constant 0 : index
      %get3A_2200 = arith.constant 0 : index
      %get3A_2201 = arith.constant 46 : index
      %get3A_2202 = vector.load %arg2[%get3A_2199, %get3A_2200, %get3A_2201] : memref<1x1x4224xf32, #tpu.memory_space<vmem>>, vector<1x1x4096xf32>
      %get3A_2203 = vector.shape_cast %get3A_2202 : vector<1x1x4096xf32> to vector<4096xf32>
      %swap3A_2204 = arith.constant 41 : index
      %swap3A_2205 = arith.constant 0 : index
      %swap3A_2206 = vector.load %arg4[%swap3A_2204, %swap3A_2205] : memref<128x4096xf32, #tpu.memory_space<vmem>>, vector<1x4096xf32>
      %swap3A_2207 = vector.shape_cast %swap3A_2206 : vector<1x4096xf32> to vector<4096xf32>
      %swap3A_2208 = vector.shape_cast %get3A_2203 : vector<4096xf32> to vector<1x4096xf32>
      tpu.vector_store %arg4[%swap3A_2204, %swap3A_2205], %swap3A_2208 {strides = array<i32>} : memref<128x4096xf32, #tpu.memory_space<vmem>>, vector<1x4096xf32>,
      %get3A_2209 = arith.constant 0 : index
      %get3A_2210 = arith.constant 0 : index
      %get3A_2211 = arith.constant 45 : index
      %get3A_2212 = vector.load %arg2[%get3A_2209, %get3A_2210, %get3A_2211] : memref<1x1x4224xf32, #tpu.memory_space<vmem>>, vector<1x1x4096xf32>
      %get3A_2213 = vector.shape_cast %get3A_2212 : vector<1x1x4096xf32> to vector<4096xf32>
      %swap3A_2214 = arith.constant 42 : index
      %swap3A_2215 = arith.constant 0 : index
      %swap3A_2216 = vector.load %arg4[%swap3A_2214, %swap3A_2215] : memref<128x4096xf32, #tpu.memory_space<vmem>>, vector<1x4096xf32>
      %swap3A_2217 = vector.shape_cast %swap3A_2216 : vector<1x4096xf32> to vector<4096xf32>
      %swap3A_2218 = vector.shape_cast %get3A_2213 : vector<4096xf32> to vector<1x4096xf32>
      tpu.vector_store %arg4[%swap3A_2214, %swap3A_2215], %swap3A_2218 {strides = array<i32>} : memref<128x4096xf32, #tpu.memory_space<vmem>>, vector<1x4096xf32>,
      %get3A_2219 = arith.constant 0 : index
      %get3A_2220 = arith.constant 0 : index
      %get3A_2221 = arith.constant 44 : index
      %get3A_2222 = vector.load %arg2[%get3A_2219, %get3A_2220, %get3A_2221] : memref<1x1x4224xf32, #tpu.memory_space<vmem>>, vector<1x1x4096xf32>
      %get3A_2223 = vector.shape_cast %get3A_2222 : vector<1x1x4096xf32> to vector<4096xf32>
      %swap3A_2224 = arith.constant 43 : index
      %swap3A_2225 = arith.constant 0 : index
      %swap3A_2226 = vector.load %arg4[%swap3A_2224, %swap3A_2225] : memref<128x4096xf32, #tpu.memory_space<vmem>>, vector<1x4096xf32>
      %swap3A_2227 = vector.shape_cast %swap3A_2226 : vector<1x4096xf32> to vector<4096xf32>
      %swap3A_2228 = vector.shape_cast %get3A_2223 : vector<4096xf32> to vector<1x4096xf32>
      tpu.vector_store %arg4[%swap3A_2224, %swap3A_2225], %swap3A_2228 {strides = array<i32>} : memref<128x4096xf32, #tpu.memory_space<vmem>>, vector<1x4096xf32>,
      %get3A_2229 = arith.constant 0 : index
      %get3A_2230 = arith.constant 0 : index
      %get3A_2231 = arith.constant 43 : index
      %get3A_2232 = vector.load %arg2[%get3A_2229, %get3A_2230, %get3A_2231] : memref<1x1x4224xf32, #tpu.memory_space<vmem>>, vector<1x1x4096xf32>
      %get3A_2233 = vector.shape_cast %get3A_2232 : vector<1x1x4096xf32> to vector<4096xf32>
      %swap3A_2234 = arith.constant 44 : index
      %swap3A_2235 = arith.constant 0 : index
      %swap3A_2236 = vector.load %arg4[%swap3A_2234, %swap3A_2235] : memref<128x4096xf32, #tpu.memory_space<vmem>>, vector<1x4096xf32>
      %swap3A_2237 = vector.shape_cast %swap3A_2236 : vector<1x4096xf32> to vector<4096xf32>
      %swap3A_2238 = vector.shape_cast %get3A_2233 : vector<4096xf32> to vector<1x4096xf32>
      tpu.vector_store %arg4[%swap3A_2234, %swap3A_2235], %swap3A_2238 {strides = array<i32>} : memref<128x4096xf32, #tpu.memory_space<vmem>>, vector<1x4096xf32>,
      %get3A_2239 = arith.constant 0 : index
      %get3A_2240 = arith.constant 0 : index
      %get3A_2241 = arith.constant 42 : index
      %get3A_2242 = vector.load %arg2[%get3A_2239, %get3A_2240, %get3A_2241] : memref<1x1x4224xf32, #tpu.memory_space<vmem>>, vector<1x1x4096xf32>
      %get3A_2243 = vector.shape_cast %get3A_2242 : vector<1x1x4096xf32> to vector<4096xf32>
      %swap3A_2244 = arith.constant 45 : index
      %swap3A_2245 = arith.constant 0 : index
      %swap3A_2246 = vector.load %arg4[%swap3A_2244, %swap3A_2245] : memref<128x4096xf32, #tpu.memory_space<vmem>>, vector<1x4096xf32>
      %swap3A_2247 = vector.shape_cast %swap3A_2246 : vector<1x4096xf32> to vector<4096xf32>
      %swap3A_2248 = vector.shape_cast %get3A_2243 : vector<4096xf32> to vector<1x4096xf32>
      tpu.vector_store %arg4[%swap3A_2244, %swap3A_2245], %swap3A_2248 {strides = array<i32>} : memref<128x4096xf32, #tpu.memory_space<vmem>>, vector<1x4096xf32>,
      %get3A_2249 = arith.constant 0 : index
      %get3A_2250 = arith.constant 0 : index
      %get3A_2251 = arith.constant 41 : index
      %get3A_2252 = vector.load %arg2[%get3A_2249, %get3A_2250, %get3A_2251] : memref<1x1x4224xf32, #tpu.memory_space<vmem>>, vector<1x1x4096xf32>
      %get3A_2253 = vector.shape_cast %get3A_2252 : vector<1x1x4096xf32> to vector<4096xf32>
      %swap3A_2254 = arith.constant 46 : index
      %swap3A_2255 = arith.constant 0 : index
      %swap3A_2256 = vector.load %arg4[%swap3A_2254, %swap3A_2255] : memref<128x4096xf32, #tpu.memory_space<vmem>>, vector<1x4096xf32>
      %swap3A_2257 = vector.shape_cast %swap3A_2256 : vector<1x4096xf32> to vector<4096xf32>
      %swap3A_2258 = vector.shape_cast %get3A_2253 : vector<4096xf32> to vector<1x4096xf32>
      tpu.vector_store %arg4[%swap3A_2254, %swap3A_2255], %swap3A_2258 {strides = array<i32>} : memref<128x4096xf32, #tpu.memory_space<vmem>>, vector<1x4096xf32>,
      %get3A_2259 = arith.constant 0 : index
      %get3A_2260 = arith.constant 0 : index
      %get3A_2261 = arith.constant 40 : index
      %get3A_2262 = vector.load %arg2[%get3A_2259, %get3A_2260, %get3A_2261] : memref<1x1x4224xf32, #tpu.memory_space<vmem>>, vector<1x1x4096xf32>
      %get3A_2263 = vector.shape_cast %get3A_2262 : vector<1x1x4096xf32> to vector<4096xf32>
      %swap3A_2264 = arith.constant 47 : index
      %swap3A_2265 = arith.constant 0 : index
      %swap3A_2266 = vector.load %arg4[%swap3A_2264, %swap3A_2265] : memref<128x4096xf32, #tpu.memory_space<vmem>>, vector<1x4096xf32>
      %swap3A_2267 = vector.shape_cast %swap3A_2266 : vector<1x4096xf32> to vector<4096xf32>
      %swap3A_2268 = vector.shape_cast %get3A_2263 : vector<4096xf32> to vector<1x4096xf32>
      tpu.vector_store %arg4[%swap3A_2264, %swap3A_2265], %swap3A_2268 {strides = array<i32>} : memref<128x4096xf32, #tpu.memory_space<vmem>>, vector<1x4096xf32>,
      %get3A_2269 = arith.constant 0 : index
      %get3A_2270 = arith.constant 0 : index
      %get3A_2271 = arith.constant 55 : index
      %get3A_2272 = vector.load %arg2[%get3A_2269, %get3A_2270, %get3A_2271] : memref<1x1x4224xf32, #tpu.memory_space<vmem>>, vector<1x1x4096xf32>
      %get3A_2273 = vector.shape_cast %get3A_2272 : vector<1x1x4096xf32> to vector<4096xf32>
      %swap3A_2274 = arith.constant 48 : index
      %swap3A_2275 = arith.constant 0 : index
      %swap3A_2276 = vector.load %arg4[%swap3A_2274, %swap3A_2275] : memref<128x4096xf32, #tpu.memory_space<vmem>>, vector<1x4096xf32>
      %swap3A_2277 = vector.shape_cast %swap3A_2276 : vector<1x4096xf32> to vector<4096xf32>
      %swap3A_2278 = vector.shape_cast %get3A_2273 : vector<4096xf32> to vector<1x4096xf32>
      tpu.vector_store %arg4[%swap3A_2274, %swap3A_2275], %swap3A_2278 {strides = array<i32>} : memref<128x4096xf32, #tpu.memory_space<vmem>>, vector<1x4096xf32>,
      %get3A_2279 = arith.constant 0 : index
      %get3A_2280 = arith.constant 0 : index
      %get3A_2281 = arith.constant 54 : index
      %get3A_2282 = vector.load %arg2[%get3A_2279, %get3A_2280, %get3A_2281] : memref<1x1x4224xf32, #tpu.memory_space<vmem>>, vector<1x1x4096xf32>
      %get3A_2283 = vector.shape_cast %get3A_2282 : vector<1x1x4096xf32> to vector<4096xf32>
      %swap3A_2284 = arith.constant 49 : index
      %swap3A_2285 = arith.constant 0 : index
      %swap3A_2286 = vector.load %arg4[%swap3A_2284, %swap3A_2285] : memref<128x4096xf32, #tpu.memory_space<vmem>>, vector<1x4096xf32>
      %swap3A_2287 = vector.shape_cast %swap3A_2286 : vector<1x4096xf32> to vector<4096xf32>
      %swap3A_2288 = vector.shape_cast %get3A_2283 : vector<4096xf32> to vector<1x4096xf32>
      tpu.vector_store %arg4[%swap3A_2284, %swap3A_2285], %swap3A_2288 {strides = array<i32>} : memref<128x4096xf32, #tpu.memory_space<vmem>>, vector<1x4096xf32>,
      %get3A_2289 = arith.constant 0 : index
      %get3A_2290 = arith.constant 0 : index
      %get3A_2291 = arith.constant 53 : index
      %get3A_2292 = vector.load %arg2[%get3A_2289, %get3A_2290, %get3A_2291] : memref<1x1x4224xf32, #tpu.memory_space<vmem>>, vector<1x1x4096xf32>
      %get3A_2293 = vector.shape_cast %get3A_2292 : vector<1x1x4096xf32> to vector<4096xf32>
      %swap3A_2294 = arith.constant 50 : index
      %swap3A_2295 = arith.constant 0 : index
      %swap3A_2296 = vector.load %arg4[%swap3A_2294, %swap3A_2295] : memref<128x4096xf32, #tpu.memory_space<vmem>>, vector<1x4096xf32>
      %swap3A_2297 = vector.shape_cast %swap3A_2296 : vector<1x4096xf32> to vector<4096xf32>
      %swap3A_2298 = vector.shape_cast %get3A_2293 : vector<4096xf32> to vector<1x4096xf32>
      tpu.vector_store %arg4[%swap3A_2294, %swap3A_2295], %swap3A_2298 {strides = array<i32>} : memref<128x4096xf32, #tpu.memory_space<vmem>>, vector<1x4096xf32>,
      %get3A_2299 = arith.constant 0 : index
      %get3A_2300 = arith.constant 0 : index
      %get3A_2301 = arith.constant 52 : index
      %get3A_2302 = vector.load %arg2[%get3A_2299, %get3A_2300, %get3A_2301] : memref<1x1x4224xf32, #tpu.memory_space<vmem>>, vector<1x1x4096xf32>
      %get3A_2303 = vector.shape_cast %get3A_2302 : vector<1x1x4096xf32> to vector<4096xf32>
      %swap3A_2304 = arith.constant 51 : index
      %swap3A_2305 = arith.constant 0 : index
      %swap3A_2306 = vector.load %arg4[%swap3A_2304, %swap3A_2305] : memref<128x4096xf32, #tpu.memory_space<vmem>>, vector<1x4096xf32>
      %swap3A_2307 = vector.shape_cast %swap3A_2306 : vector<1x4096xf32> to vector<4096xf32>
      %swap3A_2308 = vector.shape_cast %get3A_2303 : vector<4096xf32> to vector<1x4096xf32>
      tpu.vector_store %arg4[%swap3A_2304, %swap3A_2305], %swap3A_2308 {strides = array<i32>} : memref<128x4096xf32, #tpu.memory_space<vmem>>, vector<1x4096xf32>,
      %get3A_2309 = arith.constant 0 : index
      %get3A_2310 = arith.constant 0 : index
      %get3A_2311 = arith.constant 51 : index
      %get3A_2312 = vector.load %arg2[%get3A_2309, %get3A_2310, %get3A_2311] : memref<1x1x4224xf32, #tpu.memory_space<vmem>>, vector<1x1x4096xf32>
      %get3A_2313 = vector.shape_cast %get3A_2312 : vector<1x1x4096xf32> to vector<4096xf32>
      %swap3A_2314 = arith.constant 52 : index
      %swap3A_2315 = arith.constant 0 : index
      %swap3A_2316 = vector.load %arg4[%swap3A_2314, %swap3A_2315] : memref<128x4096xf32, #tpu.memory_space<vmem>>, vector<1x4096xf32>
      %swap3A_2317 = vector.shape_cast %swap3A_2316 : vector<1x4096xf32> to vector<4096xf32>
      %swap3A_2318 = vector.shape_cast %get3A_2313 : vector<4096xf32> to vector<1x4096xf32>
      tpu.vector_store %arg4[%swap3A_2314, %swap3A_2315], %swap3A_2318 {strides = array<i32>} : memref<128x4096xf32, #tpu.memory_space<vmem>>, vector<1x4096xf32>,
      %get3A_2319 = arith.constant 0 : index
      %get3A_2320 = arith.constant 0 : index
      %get3A_2321 = arith.constant 50 : index
      %get3A_2322 = vector.load %arg2[%get3A_2319, %get3A_2320, %get3A_2321] : memref<1x1x4224xf32, #tpu.memory_space<vmem>>, vector<1x1x4096xf32>
      %get3A_2323 = vector.shape_cast %get3A_2322 : vector<1x1x4096xf32> to vector<4096xf32>
      %swap3A_2324 = arith.constant 53 : index
      %swap3A_2325 = arith.constant 0 : index
      %swap3A_2326 = vector.load %arg4[%swap3A_2324, %swap3A_2325] : memref<128x4096xf32, #tpu.memory_space<vmem>>, vector<1x4096xf32>
      %swap3A_2327 = vector.shape_cast %swap3A_2326 : vector<1x4096xf32> to vector<4096xf32>
      %swap3A_2328 = vector.shape_cast %get3A_2323 : vector<4096xf32> to vector<1x4096xf32>
      tpu.vector_store %arg4[%swap3A_2324, %swap3A_2325], %swap3A_2328 {strides = array<i32>} : memref<128x4096xf32, #tpu.memory_space<vmem>>, vector<1x4096xf32>,
      %get3A_2329 = arith.constant 0 : index
      %get3A_2330 = arith.constant 0 : index
      %get3A_2331 = arith.constant 49 : index
      %get3A_2332 = vector.load %arg2[%get3A_2329, %get3A_2330, %get3A_2331] : memref<1x1x4224xf32, #tpu.memory_space<vmem>>, vector<1x1x4096xf32>
      %get3A_2333 = vector.shape_cast %get3A_2332 : vector<1x1x4096xf32> to vector<4096xf32>
      %swap3A_2334 = arith.constant 54 : index
      %swap3A_2335 = arith.constant 0 : index
      %swap3A_2336 = vector.load %arg4[%swap3A_2334, %swap3A_2335] : memref<128x4096xf32, #tpu.memory_space<vmem>>, vector<1x4096xf32>
      %swap3A_2337 = vector.shape_cast %swap3A_2336 : vector<1x4096xf32> to vector<4096xf32>
      %swap3A_2338 = vector.shape_cast %get3A_2333 : vector<4096xf32> to vector<1x4096xf32>
      tpu.vector_store %arg4[%swap3A_2334, %swap3A_2335], %swap3A_2338 {strides = array<i32>} : memref<128x4096xf32, #tpu.memory_space<vmem>>, vector<1x4096xf32>,
      %get3A_2339 = arith.constant 0 : index
      %get3A_2340 = arith.constant 0 : index
      %get3A_2341 = arith.constant 48 : index
      %get3A_2342 = vector.load %arg2[%get3A_2339, %get3A_2340, %get3A_2341] : memref<1x1x4224xf32, #tpu.memory_space<vmem>>, vector<1x1x4096xf32>
      %get3A_2343 = vector.shape_cast %get3A_2342 : vector<1x1x4096xf32> to vector<4096xf32>
      %swap3A_2344 = arith.constant 55 : index
      %swap3A_2345 = arith.constant 0 : index
      %swap3A_2346 = vector.load %arg4[%swap3A_2344, %swap3A_2345] : memref<128x4096xf32, #tpu.memory_space<vmem>>, vector<1x4096xf32>
      %swap3A_2347 = vector.shape_cast %swap3A_2346 : vector<1x4096xf32> to vector<4096xf32>
      %swap3A_2348 = vector.shape_cast %get3A_2343 : vector<4096xf32> to vector<1x4096xf32>
      tpu.vector_store %arg4[%swap3A_2344, %swap3A_2345], %swap3A_2348 {strides = array<i32>} : memref<128x4096xf32, #tpu.memory_space<vmem>>, vector<1x4096xf32>,
      %get3A_2349 = arith.constant 0 : index
      %get3A_2350 = arith.constant 0 : index
      %get3A_2351 = arith.constant 63 : index
      %get3A_2352 = vector.load %arg2[%get3A_2349, %get3A_2350, %get3A_2351] : memref<1x1x4224xf32, #tpu.memory_space<vmem>>, vector<1x1x4096xf32>
      %get3A_2353 = vector.shape_cast %get3A_2352 : vector<1x1x4096xf32> to vector<4096xf32>
      %swap3A_2354 = arith.constant 56 : index
      %swap3A_2355 = arith.constant 0 : index
      %swap3A_2356 = vector.load %arg4[%swap3A_2354, %swap3A_2355] : memref<128x4096xf32, #tpu.memory_space<vmem>>, vector<1x4096xf32>
      %swap3A_2357 = vector.shape_cast %swap3A_2356 : vector<1x4096xf32> to vector<4096xf32>
      %swap3A_2358 = vector.shape_cast %get3A_2353 : vector<4096xf32> to vector<1x4096xf32>
      tpu.vector_store %arg4[%swap3A_2354, %swap3A_2355], %swap3A_2358 {strides = array<i32>} : memref<128x4096xf32, #tpu.memory_space<vmem>>, vector<1x4096xf32>,
      %get3A_2359 = arith.constant 0 : index
      %get3A_2360 = arith.constant 0 : index
      %get3A_2361 = arith.constant 62 : index
      %get3A_2362 = vector.load %arg2[%get3A_2359, %get3A_2360, %get3A_2361] : memref<1x1x4224xf32, #tpu.memory_space<vmem>>, vector<1x1x4096xf32>
      %get3A_2363 = vector.shape_cast %get3A_2362 : vector<1x1x4096xf32> to vector<4096xf32>
      %swap3A_2364 = arith.constant 57 : index
      %swap3A_2365 = arith.constant 0 : index
      %swap3A_2366 = vector.load %arg4[%swap3A_2364, %swap3A_2365] : memref<128x4096xf32, #tpu.memory_space<vmem>>, vector<1x4096xf32>
      %swap3A_2367 = vector.shape_cast %swap3A_2366 : vector<1x4096xf32> to vector<4096xf32>
      %swap3A_2368 = vector.shape_cast %get3A_2363 : vector<4096xf32> to vector<1x4096xf32>
      tpu.vector_store %arg4[%swap3A_2364, %swap3A_2365], %swap3A_2368 {strides = array<i32>} : memref<128x4096xf32, #tpu.memory_space<vmem>>, vector<1x4096xf32>,
      %get3A_2369 = arith.constant 0 : index
      %get3A_2370 = arith.constant 0 : index
      %get3A_2371 = arith.constant 61 : index
      %get3A_2372 = vector.load %arg2[%get3A_2369, %get3A_2370, %get3A_2371] : memref<1x1x4224xf32, #tpu.memory_space<vmem>>, vector<1x1x4096xf32>
      %get3A_2373 = vector.shape_cast %get3A_2372 : vector<1x1x4096xf32> to vector<4096xf32>
      %swap3A_2374 = arith.constant 58 : index
      %swap3A_2375 = arith.constant 0 : index
      %swap3A_2376 = vector.load %arg4[%swap3A_2374, %swap3A_2375] : memref<128x4096xf32, #tpu.memory_space<vmem>>, vector<1x4096xf32>
      %swap3A_2377 = vector.shape_cast %swap3A_2376 : vector<1x4096xf32> to vector<4096xf32>
      %swap3A_2378 = vector.shape_cast %get3A_2373 : vector<4096xf32> to vector<1x4096xf32>
      tpu.vector_store %arg4[%swap3A_2374, %swap3A_2375], %swap3A_2378 {strides = array<i32>} : memref<128x4096xf32, #tpu.memory_space<vmem>>, vector<1x4096xf32>,
      %get3A_2379 = arith.constant 0 : index
      %get3A_2380 = arith.constant 0 : index
      %get3A_2381 = arith.constant 60 : index
      %get3A_2382 = vector.load %arg2[%get3A_2379, %get3A_2380, %get3A_2381] : memref<1x1x4224xf32, #tpu.memory_space<vmem>>, vector<1x1x4096xf32>
      %get3A_2383 = vector.shape_cast %get3A_2382 : vector<1x1x4096xf32> to vector<4096xf32>
      %swap3A_2384 = arith.constant 59 : index
      %swap3A_2385 = arith.constant 0 : index
      %swap3A_2386 = vector.load %arg4[%swap3A_2384, %swap3A_2385] : memref<128x4096xf32, #tpu.memory_space<vmem>>, vector<1x4096xf32>
      %swap3A_2387 = vector.shape_cast %swap3A_2386 : vector<1x4096xf32> to vector<4096xf32>
      %swap3A_2388 = vector.shape_cast %get3A_2383 : vector<4096xf32> to vector<1x4096xf32>
      tpu.vector_store %arg4[%swap3A_2384, %swap3A_2385], %swap3A_2388 {strides = array<i32>} : memref<128x4096xf32, #tpu.memory_space<vmem>>, vector<1x4096xf32>,
      %get3A_2389 = arith.constant 0 : index
      %get3A_2390 = arith.constant 0 : index
      %get3A_2391 = arith.constant 59 : index
      %get3A_2392 = vector.load %arg2[%get3A_2389, %get3A_2390, %get3A_2391] : memref<1x1x4224xf32, #tpu.memory_space<vmem>>, vector<1x1x4096xf32>
      %get3A_2393 = vector.shape_cast %get3A_2392 : vector<1x1x4096xf32> to vector<4096xf32>
      %swap3A_2394 = arith.constant 60 : index
      %swap3A_2395 = arith.constant 0 : index
      %swap3A_2396 = vector.load %arg4[%swap3A_2394, %swap3A_2395] : memref<128x4096xf32, #tpu.memory_space<vmem>>, vector<1x4096xf32>
      %swap3A_2397 = vector.shape_cast %swap3A_2396 : vector<1x4096xf32> to vector<4096xf32>
      %swap3A_2398 = vector.shape_cast %get3A_2393 : vector<4096xf32> to vector<1x4096xf32>
      tpu.vector_store %arg4[%swap3A_2394, %swap3A_2395], %swap3A_2398 {strides = array<i32>} : memref<128x4096xf32, #tpu.memory_space<vmem>>, vector<1x4096xf32>,
      %get3A_2399 = arith.constant 0 : index
      %get3A_2400 = arith.constant 0 : index
      %get3A_2401 = arith.constant 58 : index
      %get3A_2402 = vector.load %arg2[%get3A_2399, %get3A_2400, %get3A_2401] : memref<1x1x4224xf32, #tpu.memory_space<vmem>>, vector<1x1x4096xf32>
      %get3A_2403 = vector.shape_cast %get3A_2402 : vector<1x1x4096xf32> to vector<4096xf32>
      %swap3A_2404 = arith.constant 61 : index
      %swap3A_2405 = arith.constant 0 : index
      %swap3A_2406 = vector.load %arg4[%swap3A_2404, %swap3A_2405] : memref<128x4096xf32, #tpu.memory_space<vmem>>, vector<1x4096xf32>
      %swap3A_2407 = vector.shape_cast %swap3A_2406 : vector<1x4096xf32> to vector<4096xf32>
      %swap3A_2408 = vector.shape_cast %get3A_2403 : vector<4096xf32> to vector<1x4096xf32>
      tpu.vector_store %arg4[%swap3A_2404, %swap3A_2405], %swap3A_2408 {strides = array<i32>} : memref<128x4096xf32, #tpu.memory_space<vmem>>, vector<1x4096xf32>,
      %get3A_2409 = arith.constant 0 : index
      %get3A_2410 = arith.constant 0 : index
      %get3A_2411 = arith.constant 57 : index
      %get3A_2412 = vector.load %arg2[%get3A_2409, %get3A_2410, %get3A_2411] : memref<1x1x4224xf32, #tpu.memory_space<vmem>>, vector<1x1x4096xf32>
      %get3A_2413 = vector.shape_cast %get3A_2412 : vector<1x1x4096xf32> to vector<4096xf32>
      %swap3A_2414 = arith.constant 62 : index
      %swap3A_2415 = arith.constant 0 : index
      %swap3A_2416 = vector.load %arg4[%swap3A_2414, %swap3A_2415] : memref<128x4096xf32, #tpu.memory_space<vmem>>, vector<1x4096xf32>
      %swap3A_2417 = vector.shape_cast %swap3A_2416 : vector<1x4096xf32> to vector<4096xf32>
      %swap3A_2418 = vector.shape_cast %get3A_2413 : vector<4096xf32> to vector<1x4096xf32>
      tpu.vector_store %arg4[%swap3A_2414, %swap3A_2415], %swap3A_2418 {strides = array<i32>} : memref<128x4096xf32, #tpu.memory_space<vmem>>, vector<1x4096xf32>,
      %get3A_2419 = arith.constant 0 : index
      %get3A_2420 = arith.constant 0 : index
      %get3A_2421 = arith.constant 56 : index
      %get3A_2422 = vector.load %arg2[%get3A_2419, %get3A_2420, %get3A_2421] : memref<1x1x4224xf32, #tpu.memory_space<vmem>>, vector<1x1x4096xf32>
      %get3A_2423 = vector.shape_cast %get3A_2422 : vector<1x1x4096xf32> to vector<4096xf32>
      %swap3A_2424 = arith.constant 63 : index
      %swap3A_2425 = arith.constant 0 : index
      %swap3A_2426 = vector.load %arg4[%swap3A_2424, %swap3A_2425] : memref<128x4096xf32, #tpu.memory_space<vmem>>, vector<1x4096xf32>
      %swap3A_2427 = vector.shape_cast %swap3A_2426 : vector<1x4096xf32> to vector<4096xf32>
      %swap3A_2428 = vector.shape_cast %get3A_2423 : vector<4096xf32> to vector<1x4096xf32>
      tpu.vector_store %arg4[%swap3A_2424, %swap3A_2425], %swap3A_2428 {strides = array<i32>} : memref<128x4096xf32, #tpu.memory_space<vmem>>, vector<1x4096xf32>,
      %get3A_2429 = arith.constant 0 : index
      %get3A_2430 = arith.constant 0 : index
      %get3A_2431 = arith.constant 71 : index
      %get3A_2432 = vector.load %arg2[%get3A_2429, %get3A_2430, %get3A_2431] : memref<1x1x4224xf32, #tpu.memory_space<vmem>>, vector<1x1x4096xf32>
      %get3A_2433 = vector.shape_cast %get3A_2432 : vector<1x1x4096xf32> to vector<4096xf32>
      %swap3A_2434 = arith.constant 64 : index
      %swap3A_2435 = arith.constant 0 : index
      %swap3A_2436 = vector.load %arg4[%swap3A_2434, %swap3A_2435] : memref<128x4096xf32, #tpu.memory_space<vmem>>, vector<1x4096xf32>
      %swap3A_2437 = vector.shape_cast %swap3A_2436 : vector<1x4096xf32> to vector<4096xf32>
      %swap3A_2438 = vector.shape_cast %get3A_2433 : vector<4096xf32> to vector<1x4096xf32>
      tpu.vector_store %arg4[%swap3A_2434, %swap3A_2435], %swap3A_2438 {strides = array<i32>} : memref<128x4096xf32, #tpu.memory_space<vmem>>, vector<1x4096xf32>,
      %get3A_2439 = arith.constant 0 : index
      %get3A_2440 = arith.constant 0 : index
      %get3A_2441 = arith.constant 70 : index
      %get3A_2442 = vector.load %arg2[%get3A_2439, %get3A_2440, %get3A_2441] : memref<1x1x4224xf32, #tpu.memory_space<vmem>>, vector<1x1x4096xf32>
      %get3A_2443 = vector.shape_cast %get3A_2442 : vector<1x1x4096xf32> to vector<4096xf32>
      %swap3A_2444 = arith.constant 65 : index
      %swap3A_2445 = arith.constant 0 : index
      %swap3A_2446 = vector.load %arg4[%swap3A_2444, %swap3A_2445] : memref<128x4096xf32, #tpu.memory_space<vmem>>, vector<1x4096xf32>
      %swap3A_2447 = vector.shape_cast %swap3A_2446 : vector<1x4096xf32> to vector<4096xf32>
      %swap3A_2448 = vector.shape_cast %get3A_2443 : vector<4096xf32> to vector<1x4096xf32>
      tpu.vector_store %arg4[%swap3A_2444, %swap3A_2445], %swap3A_2448 {strides = array<i32>} : memref<128x4096xf32, #tpu.memory_space<vmem>>, vector<1x4096xf32>,
      %get3A_2449 = arith.constant 0 : index
      %get3A_2450 = arith.constant 0 : index
      %get3A_2451 = arith.constant 69 : index
      %get3A_2452 = vector.load %arg2[%get3A_2449, %get3A_2450, %get3A_2451] : memref<1x1x4224xf32, #tpu.memory_space<vmem>>, vector<1x1x4096xf32>
      %get3A_2453 = vector.shape_cast %get3A_2452 : vector<1x1x4096xf32> to vector<4096xf32>
      %swap3A_2454 = arith.constant 66 : index
      %swap3A_2455 = arith.constant 0 : index
      %swap3A_2456 = vector.load %arg4[%swap3A_2454, %swap3A_2455] : memref<128x4096xf32, #tpu.memory_space<vmem>>, vector<1x4096xf32>
      %swap3A_2457 = vector.shape_cast %swap3A_2456 : vector<1x4096xf32> to vector<4096xf32>
      %swap3A_2458 = vector.shape_cast %get3A_2453 : vector<4096xf32> to vector<1x4096xf32>
      tpu.vector_store %arg4[%swap3A_2454, %swap3A_2455], %swap3A_2458 {strides = array<i32>} : memref<128x4096xf32, #tpu.memory_space<vmem>>, vector<1x4096xf32>,
      %get3A_2459 = arith.constant 0 : index
      %get3A_2460 = arith.constant 0 : index
      %get3A_2461 = arith.constant 68 : index
      %get3A_2462 = vector.load %arg2[%get3A_2459, %get3A_2460, %get3A_2461] : memref<1x1x4224xf32, #tpu.memory_space<vmem>>, vector<1x1x4096xf32>
      %get3A_2463 = vector.shape_cast %get3A_2462 : vector<1x1x4096xf32> to vector<4096xf32>
      %swap3A_2464 = arith.constant 67 : index
      %swap3A_2465 = arith.constant 0 : index
      %swap3A_2466 = vector.load %arg4[%swap3A_2464, %swap3A_2465] : memref<128x4096xf32, #tpu.memory_space<vmem>>, vector<1x4096xf32>
      %swap3A_2467 = vector.shape_cast %swap3A_2466 : vector<1x4096xf32> to vector<4096xf32>
      %swap3A_2468 = vector.shape_cast %get3A_2463 : vector<4096xf32> to vector<1x4096xf32>
      tpu.vector_store %arg4[%swap3A_2464, %swap3A_2465], %swap3A_2468 {strides = array<i32>} : memref<128x4096xf32, #tpu.memory_space<vmem>>, vector<1x4096xf32>,
      %get3A_2469 = arith.constant 0 : index
      %get3A_2470 = arith.constant 0 : index
      %get3A_2471 = arith.constant 67 : index
      %get3A_2472 = vector.load %arg2[%get3A_2469, %get3A_2470, %get3A_2471] : memref<1x1x4224xf32, #tpu.memory_space<vmem>>, vector<1x1x4096xf32>
      %get3A_2473 = vector.shape_cast %get3A_2472 : vector<1x1x4096xf32> to vector<4096xf32>
      %swap3A_2474 = arith.constant 68 : index
      %swap3A_2475 = arith.constant 0 : index
      %swap3A_2476 = vector.load %arg4[%swap3A_2474, %swap3A_2475] : memref<128x4096xf32, #tpu.memory_space<vmem>>, vector<1x4096xf32>
      %swap3A_2477 = vector.shape_cast %swap3A_2476 : vector<1x4096xf32> to vector<4096xf32>
      %swap3A_2478 = vector.shape_cast %get3A_2473 : vector<4096xf32> to vector<1x4096xf32>
      tpu.vector_store %arg4[%swap3A_2474, %swap3A_2475], %swap3A_2478 {strides = array<i32>} : memref<128x4096xf32, #tpu.memory_space<vmem>>, vector<1x4096xf32>,
      %get3A_2479 = arith.constant 0 : index
      %get3A_2480 = arith.constant 0 : index
      %get3A_2481 = arith.constant 66 : index
      %get3A_2482 = vector.load %arg2[%get3A_2479, %get3A_2480, %get3A_2481] : memref<1x1x4224xf32, #tpu.memory_space<vmem>>, vector<1x1x4096xf32>
      %get3A_2483 = vector.shape_cast %get3A_2482 : vector<1x1x4096xf32> to vector<4096xf32>
      %swap3A_2484 = arith.constant 69 : index
      %swap3A_2485 = arith.constant 0 : index
      %swap3A_2486 = vector.load %arg4[%swap3A_2484, %swap3A_2485] : memref<128x4096xf32, #tpu.memory_space<vmem>>, vector<1x4096xf32>
      %swap3A_2487 = vector.shape_cast %swap3A_2486 : vector<1x4096xf32> to vector<4096xf32>
      %swap3A_2488 = vector.shape_cast %get3A_2483 : vector<4096xf32> to vector<1x4096xf32>
      tpu.vector_store %arg4[%swap3A_2484, %swap3A_2485], %swap3A_2488 {strides = array<i32>} : memref<128x4096xf32, #tpu.memory_space<vmem>>, vector<1x4096xf32>,
      %get3A_2489 = arith.constant 0 : index
      %get3A_2490 = arith.constant 0 : index
      %get3A_2491 = arith.constant 65 : index
      %get3A_2492 = vector.load %arg2[%get3A_2489, %get3A_2490, %get3A_2491] : memref<1x1x4224xf32, #tpu.memory_space<vmem>>, vector<1x1x4096xf32>
      %get3A_2493 = vector.shape_cast %get3A_2492 : vector<1x1x4096xf32> to vector<4096xf32>
      %swap3A_2494 = arith.constant 70 : index
      %swap3A_2495 = arith.constant 0 : index
      %swap3A_2496 = vector.load %arg4[%swap3A_2494, %swap3A_2495] : memref<128x4096xf32, #tpu.memory_space<vmem>>, vector<1x4096xf32>
      %swap3A_2497 = vector.shape_cast %swap3A_2496 : vector<1x4096xf32> to vector<4096xf32>
      %swap3A_2498 = vector.shape_cast %get3A_2493 : vector<4096xf32> to vector<1x4096xf32>
      tpu.vector_store %arg4[%swap3A_2494, %swap3A_2495], %swap3A_2498 {strides = array<i32>} : memref<128x4096xf32, #tpu.memory_space<vmem>>, vector<1x4096xf32>,
      %get3A_2499 = arith.constant 0 : index
      %get3A_2500 = arith.constant 0 : index
      %get3A_2501 = arith.constant 64 : index
      %get3A_2502 = vector.load %arg2[%get3A_2499, %get3A_2500, %get3A_2501] : memref<1x1x4224xf32, #tpu.memory_space<vmem>>, vector<1x1x4096xf32>
      %get3A_2503 = vector.shape_cast %get3A_2502 : vector<1x1x4096xf32> to vector<4096xf32>
      %swap3A_2504 = arith.constant 71 : index
      %swap3A_2505 = arith.constant 0 : index
      %swap3A_2506 = vector.load %arg4[%swap3A_2504, %swap3A_2505] : memref<128x4096xf32, #tpu.memory_space<vmem>>, vector<1x4096xf32>
      %swap3A_2507 = vector.shape_cast %swap3A_2506 : vector<1x4096xf32> to vector<4096xf32>
      %swap3A_2508 = vector.shape_cast %get3A_2503 : vector<4096xf32> to vector<1x4096xf32>
      tpu.vector_store %arg4[%swap3A_2504, %swap3A_2505], %swap3A_2508 {strides = array<i32>} : memref<128x4096xf32, #tpu.memory_space<vmem>>, vector<1x4096xf32>,
      %get3A_2509 = arith.constant 0 : index
      %get3A_2510 = arith.constant 0 : index
      %get3A_2511 = arith.constant 79 : index
      %get3A_2512 = vector.load %arg2[%get3A_2509, %get3A_2510, %get3A_2511] : memref<1x1x4224xf32, #tpu.memory_space<vmem>>, vector<1x1x4096xf32>
      %get3A_2513 = vector.shape_cast %get3A_2512 : vector<1x1x4096xf32> to vector<4096xf32>
      %swap3A_2514 = arith.constant 72 : index
      %swap3A_2515 = arith.constant 0 : index
      %swap3A_2516 = vector.load %arg4[%swap3A_2514, %swap3A_2515] : memref<128x4096xf32, #tpu.memory_space<vmem>>, vector<1x4096xf32>
      %swap3A_2517 = vector.shape_cast %swap3A_2516 : vector<1x4096xf32> to vector<4096xf32>
      %swap3A_2518 = vector.shape_cast %get3A_2513 : vector<4096xf32> to vector<1x4096xf32>
      tpu.vector_store %arg4[%swap3A_2514, %swap3A_2515], %swap3A_2518 {strides = array<i32>} : memref<128x4096xf32, #tpu.memory_space<vmem>>, vector<1x4096xf32>,
      %get3A_2519 = arith.constant 0 : index
      %get3A_2520 = arith.constant 0 : index
      %get3A_2521 = arith.constant 78 : index
      %get3A_2522 = vector.load %arg2[%get3A_2519, %get3A_2520, %get3A_2521] : memref<1x1x4224xf32, #tpu.memory_space<vmem>>, vector<1x1x4096xf32>
      %get3A_2523 = vector.shape_cast %get3A_2522 : vector<1x1x4096xf32> to vector<4096xf32>
      %swap3A_2524 = arith.constant 73 : index
      %swap3A_2525 = arith.constant 0 : index
      %swap3A_2526 = vector.load %arg4[%swap3A_2524, %swap3A_2525] : memref<128x4096xf32, #tpu.memory_space<vmem>>, vector<1x4096xf32>
      %swap3A_2527 = vector.shape_cast %swap3A_2526 : vector<1x4096xf32> to vector<4096xf32>
      %swap3A_2528 = vector.shape_cast %get3A_2523 : vector<4096xf32> to vector<1x4096xf32>
      tpu.vector_store %arg4[%swap3A_2524, %swap3A_2525], %swap3A_2528 {strides = array<i32>} : memref<128x4096xf32, #tpu.memory_space<vmem>>, vector<1x4096xf32>,
      %get3A_2529 = arith.constant 0 : index
      %get3A_2530 = arith.constant 0 : index
      %get3A_2531 = arith.constant 77 : index
      %get3A_2532 = vector.load %arg2[%get3A_2529, %get3A_2530, %get3A_2531] : memref<1x1x4224xf32, #tpu.memory_space<vmem>>, vector<1x1x4096xf32>
      %get3A_2533 = vector.shape_cast %get3A_2532 : vector<1x1x4096xf32> to vector<4096xf32>
      %swap3A_2534 = arith.constant 74 : index
      %swap3A_2535 = arith.constant 0 : index
      %swap3A_2536 = vector.load %arg4[%swap3A_2534, %swap3A_2535] : memref<128x4096xf32, #tpu.memory_space<vmem>>, vector<1x4096xf32>
      %swap3A_2537 = vector.shape_cast %swap3A_2536 : vector<1x4096xf32> to vector<4096xf32>
      %swap3A_2538 = vector.shape_cast %get3A_2533 : vector<4096xf32> to vector<1x4096xf32>
      tpu.vector_store %arg4[%swap3A_2534, %swap3A_2535], %swap3A_2538 {strides = array<i32>} : memref<128x4096xf32, #tpu.memory_space<vmem>>, vector<1x4096xf32>,
      %get3A_2539 = arith.constant 0 : index
      %get3A_2540 = arith.constant 0 : index
      %get3A_2541 = arith.constant 76 : index
      %get3A_2542 = vector.load %arg2[%get3A_2539, %get3A_2540, %get3A_2541] : memref<1x1x4224xf32, #tpu.memory_space<vmem>>, vector<1x1x4096xf32>
      %get3A_2543 = vector.shape_cast %get3A_2542 : vector<1x1x4096xf32> to vector<4096xf32>
      %swap3A_2544 = arith.constant 75 : index
      %swap3A_2545 = arith.constant 0 : index
      %swap3A_2546 = vector.load %arg4[%swap3A_2544, %swap3A_2545] : memref<128x4096xf32, #tpu.memory_space<vmem>>, vector<1x4096xf32>
      %swap3A_2547 = vector.shape_cast %swap3A_2546 : vector<1x4096xf32> to vector<4096xf32>
      %swap3A_2548 = vector.shape_cast %get3A_2543 : vector<4096xf32> to vector<1x4096xf32>
      tpu.vector_store %arg4[%swap3A_2544, %swap3A_2545], %swap3A_2548 {strides = array<i32>} : memref<128x4096xf32, #tpu.memory_space<vmem>>, vector<1x4096xf32>,
      %get3A_2549 = arith.constant 0 : index
      %get3A_2550 = arith.constant 0 : index
      %get3A_2551 = arith.constant 75 : index
      %get3A_2552 = vector.load %arg2[%get3A_2549, %get3A_2550, %get3A_2551] : memref<1x1x4224xf32, #tpu.memory_space<vmem>>, vector<1x1x4096xf32>
      %get3A_2553 = vector.shape_cast %get3A_2552 : vector<1x1x4096xf32> to vector<4096xf32>
      %swap3A_2554 = arith.constant 76 : index
      %swap3A_2555 = arith.constant 0 : index
      %swap3A_2556 = vector.load %arg4[%swap3A_2554, %swap3A_2555] : memref<128x4096xf32, #tpu.memory_space<vmem>>, vector<1x4096xf32>
      %swap3A_2557 = vector.shape_cast %swap3A_2556 : vector<1x4096xf32> to vector<4096xf32>
      %swap3A_2558 = vector.shape_cast %get3A_2553 : vector<4096xf32> to vector<1x4096xf32>
      tpu.vector_store %arg4[%swap3A_2554, %swap3A_2555], %swap3A_2558 {strides = array<i32>} : memref<128x4096xf32, #tpu.memory_space<vmem>>, vector<1x4096xf32>,
      %get3A_2559 = arith.constant 0 : index
      %get3A_2560 = arith.constant 0 : index
      %get3A_2561 = arith.constant 74 : index
      %get3A_2562 = vector.load %arg2[%get3A_2559, %get3A_2560, %get3A_2561] : memref<1x1x4224xf32, #tpu.memory_space<vmem>>, vector<1x1x4096xf32>
      %get3A_2563 = vector.shape_cast %get3A_2562 : vector<1x1x4096xf32> to vector<4096xf32>
      %swap3A_2564 = arith.constant 77 : index
      %swap3A_2565 = arith.constant 0 : index
      %swap3A_2566 = vector.load %arg4[%swap3A_2564, %swap3A_2565] : memref<128x4096xf32, #tpu.memory_space<vmem>>, vector<1x4096xf32>
      %swap3A_2567 = vector.shape_cast %swap3A_2566 : vector<1x4096xf32> to vector<4096xf32>
      %swap3A_2568 = vector.shape_cast %get3A_2563 : vector<4096xf32> to vector<1x4096xf32>
      tpu.vector_store %arg4[%swap3A_2564, %swap3A_2565], %swap3A_2568 {strides = array<i32>} : memref<128x4096xf32, #tpu.memory_space<vmem>>, vector<1x4096xf32>,
      %get3A_2569 = arith.constant 0 : index
      %get3A_2570 = arith.constant 0 : index
      %get3A_2571 = arith.constant 73 : index
      %get3A_2572 = vector.load %arg2[%get3A_2569, %get3A_2570, %get3A_2571] : memref<1x1x4224xf32, #tpu.memory_space<vmem>>, vector<1x1x4096xf32>
      %get3A_2573 = vector.shape_cast %get3A_2572 : vector<1x1x4096xf32> to vector<4096xf32>
      %swap3A_2574 = arith.constant 78 : index
      %swap3A_2575 = arith.constant 0 : index
      %swap3A_2576 = vector.load %arg4[%swap3A_2574, %swap3A_2575] : memref<128x4096xf32, #tpu.memory_space<vmem>>, vector<1x4096xf32>
      %swap3A_2577 = vector.shape_cast %swap3A_2576 : vector<1x4096xf32> to vector<4096xf32>
      %swap3A_2578 = vector.shape_cast %get3A_2573 : vector<4096xf32> to vector<1x4096xf32>
      tpu.vector_store %arg4[%swap3A_2574, %swap3A_2575], %swap3A_2578 {strides = array<i32>} : memref<128x4096xf32, #tpu.memory_space<vmem>>, vector<1x4096xf32>,
      %get3A_2579 = arith.constant 0 : index
      %get3A_2580 = arith.constant 0 : index
      %get3A_2581 = arith.constant 72 : index
      %get3A_2582 = vector.load %arg2[%get3A_2579, %get3A_2580, %get3A_2581] : memref<1x1x4224xf32, #tpu.memory_space<vmem>>, vector<1x1x4096xf32>
      %get3A_2583 = vector.shape_cast %get3A_2582 : vector<1x1x4096xf32> to vector<4096xf32>
      %swap3A_2584 = arith.constant 79 : index
      %swap3A_2585 = arith.constant 0 : index
      %swap3A_2586 = vector.load %arg4[%swap3A_2584, %swap3A_2585] : memref<128x4096xf32, #tpu.memory_space<vmem>>, vector<1x4096xf32>
      %swap3A_2587 = vector.shape_cast %swap3A_2586 : vector<1x4096xf32> to vector<4096xf32>
      %swap3A_2588 = vector.shape_cast %get3A_2583 : vector<4096xf32> to vector<1x4096xf32>
      tpu.vector_store %arg4[%swap3A_2584, %swap3A_2585], %swap3A_2588 {strides = array<i32>} : memref<128x4096xf32, #tpu.memory_space<vmem>>, vector<1x4096xf32>,
      %get3A_2589 = arith.constant 0 : index
      %get3A_2590 = arith.constant 0 : index
      %get3A_2591 = arith.constant 87 : index
      %get3A_2592 = vector.load %arg2[%get3A_2589, %get3A_2590, %get3A_2591] : memref<1x1x4224xf32, #tpu.memory_space<vmem>>, vector<1x1x4096xf32>
      %get3A_2593 = vector.shape_cast %get3A_2592 : vector<1x1x4096xf32> to vector<4096xf32>
      %swap3A_2594 = arith.constant 80 : index
      %swap3A_2595 = arith.constant 0 : index
      %swap3A_2596 = vector.load %arg4[%swap3A_2594, %swap3A_2595] : memref<128x4096xf32, #tpu.memory_space<vmem>>, vector<1x4096xf32>
      %swap3A_2597 = vector.shape_cast %swap3A_2596 : vector<1x4096xf32> to vector<4096xf32>
      %swap3A_2598 = vector.shape_cast %get3A_2593 : vector<4096xf32> to vector<1x4096xf32>
      tpu.vector_store %arg4[%swap3A_2594, %swap3A_2595], %swap3A_2598 {strides = array<i32>} : memref<128x4096xf32, #tpu.memory_space<vmem>>, vector<1x4096xf32>,
      %get3A_2599 = arith.constant 0 : index
      %get3A_2600 = arith.constant 0 : index
      %get3A_2601 = arith.constant 86 : index
      %get3A_2602 = vector.load %arg2[%get3A_2599, %get3A_2600, %get3A_2601] : memref<1x1x4224xf32, #tpu.memory_space<vmem>>, vector<1x1x4096xf32>
      %get3A_2603 = vector.shape_cast %get3A_2602 : vector<1x1x4096xf32> to vector<4096xf32>
      %swap3A_2604 = arith.constant 81 : index
      %swap3A_2605 = arith.constant 0 : index
      %swap3A_2606 = vector.load %arg4[%swap3A_2604, %swap3A_2605] : memref<128x4096xf32, #tpu.memory_space<vmem>>, vector<1x4096xf32>
      %swap3A_2607 = vector.shape_cast %swap3A_2606 : vector<1x4096xf32> to vector<4096xf32>
      %swap3A_2608 = vector.shape_cast %get3A_2603 : vector<4096xf32> to vector<1x4096xf32>
      tpu.vector_store %arg4[%swap3A_2604, %swap3A_2605], %swap3A_2608 {strides = array<i32>} : memref<128x4096xf32, #tpu.memory_space<vmem>>, vector<1x4096xf32>,
      %get3A_2609 = arith.constant 0 : index
      %get3A_2610 = arith.constant 0 : index
      %get3A_2611 = arith.constant 85 : index
      %get3A_2612 = vector.load %arg2[%get3A_2609, %get3A_2610, %get3A_2611] : memref<1x1x4224xf32, #tpu.memory_space<vmem>>, vector<1x1x4096xf32>
      %get3A_2613 = vector.shape_cast %get3A_2612 : vector<1x1x4096xf32> to vector<4096xf32>
      %swap3A_2614 = arith.constant 82 : index
      %swap3A_2615 = arith.constant 0 : index
      %swap3A_2616 = vector.load %arg4[%swap3A_2614, %swap3A_2615] : memref<128x4096xf32, #tpu.memory_space<vmem>>, vector<1x4096xf32>
      %swap3A_2617 = vector.shape_cast %swap3A_2616 : vector<1x4096xf32> to vector<4096xf32>
      %swap3A_2618 = vector.shape_cast %get3A_2613 : vector<4096xf32> to vector<1x4096xf32>
      tpu.vector_store %arg4[%swap3A_2614, %swap3A_2615], %swap3A_2618 {strides = array<i32>} : memref<128x4096xf32, #tpu.memory_space<vmem>>, vector<1x4096xf32>,
      %get3A_2619 = arith.constant 0 : index
      %get3A_2620 = arith.constant 0 : index
      %get3A_2621 = arith.constant 84 : index
      %get3A_2622 = vector.load %arg2[%get3A_2619, %get3A_2620, %get3A_2621] : memref<1x1x4224xf32, #tpu.memory_space<vmem>>, vector<1x1x4096xf32>
      %get3A_2623 = vector.shape_cast %get3A_2622 : vector<1x1x4096xf32> to vector<4096xf32>
      %swap3A_2624 = arith.constant 83 : index
      %swap3A_2625 = arith.constant 0 : index
      %swap3A_2626 = vector.load %arg4[%swap3A_2624, %swap3A_2625] : memref<128x4096xf32, #tpu.memory_space<vmem>>, vector<1x4096xf32>
      %swap3A_2627 = vector.shape_cast %swap3A_2626 : vector<1x4096xf32> to vector<4096xf32>
      %swap3A_2628 = vector.shape_cast %get3A_2623 : vector<4096xf32> to vector<1x4096xf32>
      tpu.vector_store %arg4[%swap3A_2624, %swap3A_2625], %swap3A_2628 {strides = array<i32>} : memref<128x4096xf32, #tpu.memory_space<vmem>>, vector<1x4096xf32>,
      %get3A_2629 = arith.constant 0 : index
      %get3A_2630 = arith.constant 0 : index
      %get3A_2631 = arith.constant 83 : index
      %get3A_2632 = vector.load %arg2[%get3A_2629, %get3A_2630, %get3A_2631] : memref<1x1x4224xf32, #tpu.memory_space<vmem>>, vector<1x1x4096xf32>
      %get3A_2633 = vector.shape_cast %get3A_2632 : vector<1x1x4096xf32> to vector<4096xf32>
      %swap3A_2634 = arith.constant 84 : index
      %swap3A_2635 = arith.constant 0 : index
      %swap3A_2636 = vector.load %arg4[%swap3A_2634, %swap3A_2635] : memref<128x4096xf32, #tpu.memory_space<vmem>>, vector<1x4096xf32>
      %swap3A_2637 = vector.shape_cast %swap3A_2636 : vector<1x4096xf32> to vector<4096xf32>
      %swap3A_2638 = vector.shape_cast %get3A_2633 : vector<4096xf32> to vector<1x4096xf32>
      tpu.vector_store %arg4[%swap3A_2634, %swap3A_2635], %swap3A_2638 {strides = array<i32>} : memref<128x4096xf32, #tpu.memory_space<vmem>>, vector<1x4096xf32>,
      %get3A_2639 = arith.constant 0 : index
      %get3A_2640 = arith.constant 0 : index
      %get3A_2641 = arith.constant 82 : index
      %get3A_2642 = vector.load %arg2[%get3A_2639, %get3A_2640, %get3A_2641] : memref<1x1x4224xf32, #tpu.memory_space<vmem>>, vector<1x1x4096xf32>
      %get3A_2643 = vector.shape_cast %get3A_2642 : vector<1x1x4096xf32> to vector<4096xf32>
      %swap3A_2644 = arith.constant 85 : index
      %swap3A_2645 = arith.constant 0 : index
      %swap3A_2646 = vector.load %arg4[%swap3A_2644, %swap3A_2645] : memref<128x4096xf32, #tpu.memory_space<vmem>>, vector<1x4096xf32>
      %swap3A_2647 = vector.shape_cast %swap3A_2646 : vector<1x4096xf32> to vector<4096xf32>
      %swap3A_2648 = vector.shape_cast %get3A_2643 : vector<4096xf32> to vector<1x4096xf32>
      tpu.vector_store %arg4[%swap3A_2644, %swap3A_2645], %swap3A_2648 {strides = array<i32>} : memref<128x4096xf32, #tpu.memory_space<vmem>>, vector<1x4096xf32>,
      %get3A_2649 = arith.constant 0 : index
      %get3A_2650 = arith.constant 0 : index
      %get3A_2651 = arith.constant 81 : index
      %get3A_2652 = vector.load %arg2[%get3A_2649, %get3A_2650, %get3A_2651] : memref<1x1x4224xf32, #tpu.memory_space<vmem>>, vector<1x1x4096xf32>
      %get3A_2653 = vector.shape_cast %get3A_2652 : vector<1x1x4096xf32> to vector<4096xf32>
      %swap3A_2654 = arith.constant 86 : index
      %swap3A_2655 = arith.constant 0 : index
      %swap3A_2656 = vector.load %arg4[%swap3A_2654, %swap3A_2655] : memref<128x4096xf32, #tpu.memory_space<vmem>>, vector<1x4096xf32>
      %swap3A_2657 = vector.shape_cast %swap3A_2656 : vector<1x4096xf32> to vector<4096xf32>
      %swap3A_2658 = vector.shape_cast %get3A_2653 : vector<4096xf32> to vector<1x4096xf32>
      tpu.vector_store %arg4[%swap3A_2654, %swap3A_2655], %swap3A_2658 {strides = array<i32>} : memref<128x4096xf32, #tpu.memory_space<vmem>>, vector<1x4096xf32>,
      %get3A_2659 = arith.constant 0 : index
      %get3A_2660 = arith.constant 0 : index
      %get3A_2661 = arith.constant 80 : index
      %get3A_2662 = vector.load %arg2[%get3A_2659, %get3A_2660, %get3A_2661] : memref<1x1x4224xf32, #tpu.memory_space<vmem>>, vector<1x1x4096xf32>
      %get3A_2663 = vector.shape_cast %get3A_2662 : vector<1x1x4096xf32> to vector<4096xf32>
      %swap3A_2664 = arith.constant 87 : index
      %swap3A_2665 = arith.constant 0 : index
      %swap3A_2666 = vector.load %arg4[%swap3A_2664, %swap3A_2665] : memref<128x4096xf32, #tpu.memory_space<vmem>>, vector<1x4096xf32>
      %swap3A_2667 = vector.shape_cast %swap3A_2666 : vector<1x4096xf32> to vector<4096xf32>
      %swap3A_2668 = vector.shape_cast %get3A_2663 : vector<4096xf32> to vector<1x4096xf32>
      tpu.vector_store %arg4[%swap3A_2664, %swap3A_2665], %swap3A_2668 {strides = array<i32>} : memref<128x4096xf32, #tpu.memory_space<vmem>>, vector<1x4096xf32>,
      %get3A_2669 = arith.constant 0 : index
      %get3A_2670 = arith.constant 0 : index
      %get3A_2671 = arith.constant 95 : index
      %get3A_2672 = vector.load %arg2[%get3A_2669, %get3A_2670, %get3A_2671] : memref<1x1x4224xf32, #tpu.memory_space<vmem>>, vector<1x1x4096xf32>
      %get3A_2673 = vector.shape_cast %get3A_2672 : vector<1x1x4096xf32> to vector<4096xf32>
      %swap3A_2674 = arith.constant 88 : index
      %swap3A_2675 = arith.constant 0 : index
      %swap3A_2676 = vector.load %arg4[%swap3A_2674, %swap3A_2675] : memref<128x4096xf32, #tpu.memory_space<vmem>>, vector<1x4096xf32>
      %swap3A_2677 = vector.shape_cast %swap3A_2676 : vector<1x4096xf32> to vector<4096xf32>
      %swap3A_2678 = vector.shape_cast %get3A_2673 : vector<4096xf32> to vector<1x4096xf32>
      tpu.vector_store %arg4[%swap3A_2674, %swap3A_2675], %swap3A_2678 {strides = array<i32>} : memref<128x4096xf32, #tpu.memory_space<vmem>>, vector<1x4096xf32>,
      %get3A_2679 = arith.constant 0 : index
      %get3A_2680 = arith.constant 0 : index
      %get3A_2681 = arith.constant 94 : index
      %get3A_2682 = vector.load %arg2[%get3A_2679, %get3A_2680, %get3A_2681] : memref<1x1x4224xf32, #tpu.memory_space<vmem>>, vector<1x1x4096xf32>
      %get3A_2683 = vector.shape_cast %get3A_2682 : vector<1x1x4096xf32> to vector<4096xf32>
      %swap3A_2684 = arith.constant 89 : index
      %swap3A_2685 = arith.constant 0 : index
      %swap3A_2686 = vector.load %arg4[%swap3A_2684, %swap3A_2685] : memref<128x4096xf32, #tpu.memory_space<vmem>>, vector<1x4096xf32>
      %swap3A_2687 = vector.shape_cast %swap3A_2686 : vector<1x4096xf32> to vector<4096xf32>
      %swap3A_2688 = vector.shape_cast %get3A_2683 : vector<4096xf32> to vector<1x4096xf32>
      tpu.vector_store %arg4[%swap3A_2684, %swap3A_2685], %swap3A_2688 {strides = array<i32>} : memref<128x4096xf32, #tpu.memory_space<vmem>>, vector<1x4096xf32>,
      %get3A_2689 = arith.constant 0 : index
      %get3A_2690 = arith.constant 0 : index
      %get3A_2691 = arith.constant 93 : index
      %get3A_2692 = vector.load %arg2[%get3A_2689, %get3A_2690, %get3A_2691] : memref<1x1x4224xf32, #tpu.memory_space<vmem>>, vector<1x1x4096xf32>
      %get3A_2693 = vector.shape_cast %get3A_2692 : vector<1x1x4096xf32> to vector<4096xf32>
      %swap3A_2694 = arith.constant 90 : index
      %swap3A_2695 = arith.constant 0 : index
      %swap3A_2696 = vector.load %arg4[%swap3A_2694, %swap3A_2695] : memref<128x4096xf32, #tpu.memory_space<vmem>>, vector<1x4096xf32>
      %swap3A_2697 = vector.shape_cast %swap3A_2696 : vector<1x4096xf32> to vector<4096xf32>
      %swap3A_2698 = vector.shape_cast %get3A_2693 : vector<4096xf32> to vector<1x4096xf32>
      tpu.vector_store %arg4[%swap3A_2694, %swap3A_2695], %swap3A_2698 {strides = array<i32>} : memref<128x4096xf32, #tpu.memory_space<vmem>>, vector<1x4096xf32>,
      %get3A_2699 = arith.constant 0 : index
      %get3A_2700 = arith.constant 0 : index
      %get3A_2701 = arith.constant 92 : index
      %get3A_2702 = vector.load %arg2[%get3A_2699, %get3A_2700, %get3A_2701] : memref<1x1x4224xf32, #tpu.memory_space<vmem>>, vector<1x1x4096xf32>
      %get3A_2703 = vector.shape_cast %get3A_2702 : vector<1x1x4096xf32> to vector<4096xf32>
      %swap3A_2704 = arith.constant 91 : index
      %swap3A_2705 = arith.constant 0 : index
      %swap3A_2706 = vector.load %arg4[%swap3A_2704, %swap3A_2705] : memref<128x4096xf32, #tpu.memory_space<vmem>>, vector<1x4096xf32>
      %swap3A_2707 = vector.shape_cast %swap3A_2706 : vector<1x4096xf32> to vector<4096xf32>
      %swap3A_2708 = vector.shape_cast %get3A_2703 : vector<4096xf32> to vector<1x4096xf32>
      tpu.vector_store %arg4[%swap3A_2704, %swap3A_2705], %swap3A_2708 {strides = array<i32>} : memref<128x4096xf32, #tpu.memory_space<vmem>>, vector<1x4096xf32>,
      %get3A_2709 = arith.constant 0 : index
      %get3A_2710 = arith.constant 0 : index
      %get3A_2711 = arith.constant 91 : index
      %get3A_2712 = vector.load %arg2[%get3A_2709, %get3A_2710, %get3A_2711] : memref<1x1x4224xf32, #tpu.memory_space<vmem>>, vector<1x1x4096xf32>
      %get3A_2713 = vector.shape_cast %get3A_2712 : vector<1x1x4096xf32> to vector<4096xf32>
      %swap3A_2714 = arith.constant 92 : index
      %swap3A_2715 = arith.constant 0 : index
      %swap3A_2716 = vector.load %arg4[%swap3A_2714, %swap3A_2715] : memref<128x4096xf32, #tpu.memory_space<vmem>>, vector<1x4096xf32>
      %swap3A_2717 = vector.shape_cast %swap3A_2716 : vector<1x4096xf32> to vector<4096xf32>
      %swap3A_2718 = vector.shape_cast %get3A_2713 : vector<4096xf32> to vector<1x4096xf32>
      tpu.vector_store %arg4[%swap3A_2714, %swap3A_2715], %swap3A_2718 {strides = array<i32>} : memref<128x4096xf32, #tpu.memory_space<vmem>>, vector<1x4096xf32>,
      %get3A_2719 = arith.constant 0 : index
      %get3A_2720 = arith.constant 0 : index
      %get3A_2721 = arith.constant 90 : index
      %get3A_2722 = vector.load %arg2[%get3A_2719, %get3A_2720, %get3A_2721] : memref<1x1x4224xf32, #tpu.memory_space<vmem>>, vector<1x1x4096xf32>
      %get3A_2723 = vector.shape_cast %get3A_2722 : vector<1x1x4096xf32> to vector<4096xf32>
      %swap3A_2724 = arith.constant 93 : index
      %swap3A_2725 = arith.constant 0 : index
      %swap3A_2726 = vector.load %arg4[%swap3A_2724, %swap3A_2725] : memref<128x4096xf32, #tpu.memory_space<vmem>>, vector<1x4096xf32>
      %swap3A_2727 = vector.shape_cast %swap3A_2726 : vector<1x4096xf32> to vector<4096xf32>
      %swap3A_2728 = vector.shape_cast %get3A_2723 : vector<4096xf32> to vector<1x4096xf32>
      tpu.vector_store %arg4[%swap3A_2724, %swap3A_2725], %swap3A_2728 {strides = array<i32>} : memref<128x4096xf32, #tpu.memory_space<vmem>>, vector<1x4096xf32>,
      %get3A_2729 = arith.constant 0 : index
      %get3A_2730 = arith.constant 0 : index
      %get3A_2731 = arith.constant 89 : index
      %get3A_2732 = vector.load %arg2[%get3A_2729, %get3A_2730, %get3A_2731] : memref<1x1x4224xf32, #tpu.memory_space<vmem>>, vector<1x1x4096xf32>
      %get3A_2733 = vector.shape_cast %get3A_2732 : vector<1x1x4096xf32> to vector<4096xf32>
      %swap3A_2734 = arith.constant 94 : index
      %swap3A_2735 = arith.constant 0 : index
      %swap3A_2736 = vector.load %arg4[%swap3A_2734, %swap3A_2735] : memref<128x4096xf32, #tpu.memory_space<vmem>>, vector<1x4096xf32>
      %swap3A_2737 = vector.shape_cast %swap3A_2736 : vector<1x4096xf32> to vector<4096xf32>
      %swap3A_2738 = vector.shape_cast %get3A_2733 : vector<4096xf32> to vector<1x4096xf32>
      tpu.vector_store %arg4[%swap3A_2734, %swap3A_2735], %swap3A_2738 {strides = array<i32>} : memref<128x4096xf32, #tpu.memory_space<vmem>>, vector<1x4096xf32>,
      %get3A_2739 = arith.constant 0 : index
      %get3A_2740 = arith.constant 0 : index
      %get3A_2741 = arith.constant 88 : index
      %get3A_2742 = vector.load %arg2[%get3A_2739, %get3A_2740, %get3A_2741] : memref<1x1x4224xf32, #tpu.memory_space<vmem>>, vector<1x1x4096xf32>
      %get3A_2743 = vector.shape_cast %get3A_2742 : vector<1x1x4096xf32> to vector<4096xf32>
      %swap3A_2744 = arith.constant 95 : index
      %swap3A_2745 = arith.constant 0 : index
      %swap3A_2746 = vector.load %arg4[%swap3A_2744, %swap3A_2745] : memref<128x4096xf32, #tpu.memory_space<vmem>>, vector<1x4096xf32>
      %swap3A_2747 = vector.shape_cast %swap3A_2746 : vector<1x4096xf32> to vector<4096xf32>
      %swap3A_2748 = vector.shape_cast %get3A_2743 : vector<4096xf32> to vector<1x4096xf32>
      tpu.vector_store %arg4[%swap3A_2744, %swap3A_2745], %swap3A_2748 {strides = array<i32>} : memref<128x4096xf32, #tpu.memory_space<vmem>>, vector<1x4096xf32>,
      %get3A_2749 = arith.constant 0 : index
      %get3A_2750 = arith.constant 0 : index
      %get3A_2751 = arith.constant 103 : index
      %get3A_2752 = vector.load %arg2[%get3A_2749, %get3A_2750, %get3A_2751] : memref<1x1x4224xf32, #tpu.memory_space<vmem>>, vector<1x1x4096xf32>
      %get3A_2753 = vector.shape_cast %get3A_2752 : vector<1x1x4096xf32> to vector<4096xf32>
      %swap3A_2754 = arith.constant 96 : index
      %swap3A_2755 = arith.constant 0 : index
      %swap3A_2756 = vector.load %arg4[%swap3A_2754, %swap3A_2755] : memref<128x4096xf32, #tpu.memory_space<vmem>>, vector<1x4096xf32>
      %swap3A_2757 = vector.shape_cast %swap3A_2756 : vector<1x4096xf32> to vector<4096xf32>
      %swap3A_2758 = vector.shape_cast %get3A_2753 : vector<4096xf32> to vector<1x4096xf32>
      tpu.vector_store %arg4[%swap3A_2754, %swap3A_2755], %swap3A_2758 {strides = array<i32>} : memref<128x4096xf32, #tpu.memory_space<vmem>>, vector<1x4096xf32>,
      %get3A_2759 = arith.constant 0 : index
      %get3A_2760 = arith.constant 0 : index
      %get3A_2761 = arith.constant 102 : index
      %get3A_2762 = vector.load %arg2[%get3A_2759, %get3A_2760, %get3A_2761] : memref<1x1x4224xf32, #tpu.memory_space<vmem>>, vector<1x1x4096xf32>
      %get3A_2763 = vector.shape_cast %get3A_2762 : vector<1x1x4096xf32> to vector<4096xf32>
      %swap3A_2764 = arith.constant 97 : index
      %swap3A_2765 = arith.constant 0 : index
      %swap3A_2766 = vector.load %arg4[%swap3A_2764, %swap3A_2765] : memref<128x4096xf32, #tpu.memory_space<vmem>>, vector<1x4096xf32>
      %swap3A_2767 = vector.shape_cast %swap3A_2766 : vector<1x4096xf32> to vector<4096xf32>
      %swap3A_2768 = vector.shape_cast %get3A_2763 : vector<4096xf32> to vector<1x4096xf32>
      tpu.vector_store %arg4[%swap3A_2764, %swap3A_2765], %swap3A_2768 {strides = array<i32>} : memref<128x4096xf32, #tpu.memory_space<vmem>>, vector<1x4096xf32>,
      %get3A_2769 = arith.constant 0 : index
      %get3A_2770 = arith.constant 0 : index
      %get3A_2771 = arith.constant 101 : index
      %get3A_2772 = vector.load %arg2[%get3A_2769, %get3A_2770, %get3A_2771] : memref<1x1x4224xf32, #tpu.memory_space<vmem>>, vector<1x1x4096xf32>
      %get3A_2773 = vector.shape_cast %get3A_2772 : vector<1x1x4096xf32> to vector<4096xf32>
      %swap3A_2774 = arith.constant 98 : index
      %swap3A_2775 = arith.constant 0 : index
      %swap3A_2776 = vector.load %arg4[%swap3A_2774, %swap3A_2775] : memref<128x4096xf32, #tpu.memory_space<vmem>>, vector<1x4096xf32>
      %swap3A_2777 = vector.shape_cast %swap3A_2776 : vector<1x4096xf32> to vector<4096xf32>
      %swap3A_2778 = vector.shape_cast %get3A_2773 : vector<4096xf32> to vector<1x4096xf32>
      tpu.vector_store %arg4[%swap3A_2774, %swap3A_2775], %swap3A_2778 {strides = array<i32>} : memref<128x4096xf32, #tpu.memory_space<vmem>>, vector<1x4096xf32>,
      %get3A_2779 = arith.constant 0 : index
      %get3A_2780 = arith.constant 0 : index
      %get3A_2781 = arith.constant 100 : index
      %get3A_2782 = vector.load %arg2[%get3A_2779, %get3A_2780, %get3A_2781] : memref<1x1x4224xf32, #tpu.memory_space<vmem>>, vector<1x1x4096xf32>
      %get3A_2783 = vector.shape_cast %get3A_2782 : vector<1x1x4096xf32> to vector<4096xf32>
      %swap3A_2784 = arith.constant 99 : index
      %swap3A_2785 = arith.constant 0 : index
      %swap3A_2786 = vector.load %arg4[%swap3A_2784, %swap3A_2785] : memref<128x4096xf32, #tpu.memory_space<vmem>>, vector<1x4096xf32>
      %swap3A_2787 = vector.shape_cast %swap3A_2786 : vector<1x4096xf32> to vector<4096xf32>
      %swap3A_2788 = vector.shape_cast %get3A_2783 : vector<4096xf32> to vector<1x4096xf32>
      tpu.vector_store %arg4[%swap3A_2784, %swap3A_2785], %swap3A_2788 {strides = array<i32>} : memref<128x4096xf32, #tpu.memory_space<vmem>>, vector<1x4096xf32>,
      %get3A_2789 = arith.constant 0 : index
      %get3A_2790 = arith.constant 0 : index
      %get3A_2791 = arith.constant 99 : index
      %get3A_2792 = vector.load %arg2[%get3A_2789, %get3A_2790, %get3A_2791] : memref<1x1x4224xf32, #tpu.memory_space<vmem>>, vector<1x1x4096xf32>
      %get3A_2793 = vector.shape_cast %get3A_2792 : vector<1x1x4096xf32> to vector<4096xf32>
      %swap3A_2794 = arith.constant 100 : index
      %swap3A_2795 = arith.constant 0 : index
      %swap3A_2796 = vector.load %arg4[%swap3A_2794, %swap3A_2795] : memref<128x4096xf32, #tpu.memory_space<vmem>>, vector<1x4096xf32>
      %swap3A_2797 = vector.shape_cast %swap3A_2796 : vector<1x4096xf32> to vector<4096xf32>
      %swap3A_2798 = vector.shape_cast %get3A_2793 : vector<4096xf32> to vector<1x4096xf32>
      tpu.vector_store %arg4[%swap3A_2794, %swap3A_2795], %swap3A_2798 {strides = array<i32>} : memref<128x4096xf32, #tpu.memory_space<vmem>>, vector<1x4096xf32>,
      %get3A_2799 = arith.constant 0 : index
      %get3A_2800 = arith.constant 0 : index
      %get3A_2801 = arith.constant 98 : index
      %get3A_2802 = vector.load %arg2[%get3A_2799, %get3A_2800, %get3A_2801] : memref<1x1x4224xf32, #tpu.memory_space<vmem>>, vector<1x1x4096xf32>
      %get3A_2803 = vector.shape_cast %get3A_2802 : vector<1x1x4096xf32> to vector<4096xf32>
      %swap3A_2804 = arith.constant 101 : index
      %swap3A_2805 = arith.constant 0 : index
      %swap3A_2806 = vector.load %arg4[%swap3A_2804, %swap3A_2805] : memref<128x4096xf32, #tpu.memory_space<vmem>>, vector<1x4096xf32>
      %swap3A_2807 = vector.shape_cast %swap3A_2806 : vector<1x4096xf32> to vector<4096xf32>
      %swap3A_2808 = vector.shape_cast %get3A_2803 : vector<4096xf32> to vector<1x4096xf32>
      tpu.vector_store %arg4[%swap3A_2804, %swap3A_2805], %swap3A_2808 {strides = array<i32>} : memref<128x4096xf32, #tpu.memory_space<vmem>>, vector<1x4096xf32>,
      %get3A_2809 = arith.constant 0 : index
      %get3A_2810 = arith.constant 0 : index
      %get3A_2811 = arith.constant 97 : index
      %get3A_2812 = vector.load %arg2[%get3A_2809, %get3A_2810, %get3A_2811] : memref<1x1x4224xf32, #tpu.memory_space<vmem>>, vector<1x1x4096xf32>
      %get3A_2813 = vector.shape_cast %get3A_2812 : vector<1x1x4096xf32> to vector<4096xf32>
      %swap3A_2814 = arith.constant 102 : index
      %swap3A_2815 = arith.constant 0 : index
      %swap3A_2816 = vector.load %arg4[%swap3A_2814, %swap3A_2815] : memref<128x4096xf32, #tpu.memory_space<vmem>>, vector<1x4096xf32>
      %swap3A_2817 = vector.shape_cast %swap3A_2816 : vector<1x4096xf32> to vector<4096xf32>
      %swap3A_2818 = vector.shape_cast %get3A_2813 : vector<4096xf32> to vector<1x4096xf32>
      tpu.vector_store %arg4[%swap3A_2814, %swap3A_2815], %swap3A_2818 {strides = array<i32>} : memref<128x4096xf32, #tpu.memory_space<vmem>>, vector<1x4096xf32>,
      %get3A_2819 = arith.constant 0 : index
      %get3A_2820 = arith.constant 0 : index
      %get3A_2821 = arith.constant 96 : index
      %get3A_2822 = vector.load %arg2[%get3A_2819, %get3A_2820, %get3A_2821] : memref<1x1x4224xf32, #tpu.memory_space<vmem>>, vector<1x1x4096xf32>
      %get3A_2823 = vector.shape_cast %get3A_2822 : vector<1x1x4096xf32> to vector<4096xf32>
      %swap3A_2824 = arith.constant 103 : index
      %swap3A_2825 = arith.constant 0 : index
      %swap3A_2826 = vector.load %arg4[%swap3A_2824, %swap3A_2825] : memref<128x4096xf32, #tpu.memory_space<vmem>>, vector<1x4096xf32>
      %swap3A_2827 = vector.shape_cast %swap3A_2826 : vector<1x4096xf32> to vector<4096xf32>
      %swap3A_2828 = vector.shape_cast %get3A_2823 : vector<4096xf32> to vector<1x4096xf32>
      tpu.vector_store %arg4[%swap3A_2824, %swap3A_2825], %swap3A_2828 {strides = array<i32>} : memref<128x4096xf32, #tpu.memory_space<vmem>>, vector<1x4096xf32>,
      %get3A_2829 = arith.constant 0 : index
      %get3A_2830 = arith.constant 0 : index
      %get3A_2831 = arith.constant 111 : index
      %get3A_2832 = vector.load %arg2[%get3A_2829, %get3A_2830, %get3A_2831] : memref<1x1x4224xf32, #tpu.memory_space<vmem>>, vector<1x1x4096xf32>
      %get3A_2833 = vector.shape_cast %get3A_2832 : vector<1x1x4096xf32> to vector<4096xf32>
      %swap3A_2834 = arith.constant 104 : index
      %swap3A_2835 = arith.constant 0 : index
      %swap3A_2836 = vector.load %arg4[%swap3A_2834, %swap3A_2835] : memref<128x4096xf32, #tpu.memory_space<vmem>>, vector<1x4096xf32>
      %swap3A_2837 = vector.shape_cast %swap3A_2836 : vector<1x4096xf32> to vector<4096xf32>
      %swap3A_2838 = vector.shape_cast %get3A_2833 : vector<4096xf32> to vector<1x4096xf32>
      tpu.vector_store %arg4[%swap3A_2834, %swap3A_2835], %swap3A_2838 {strides = array<i32>} : memref<128x4096xf32, #tpu.memory_space<vmem>>, vector<1x4096xf32>,
      %get3A_2839 = arith.constant 0 : index
      %get3A_2840 = arith.constant 0 : index
      %get3A_2841 = arith.constant 110 : index
      %get3A_2842 = vector.load %arg2[%get3A_2839, %get3A_2840, %get3A_2841] : memref<1x1x4224xf32, #tpu.memory_space<vmem>>, vector<1x1x4096xf32>
      %get3A_2843 = vector.shape_cast %get3A_2842 : vector<1x1x4096xf32> to vector<4096xf32>
      %swap3A_2844 = arith.constant 105 : index
      %swap3A_2845 = arith.constant 0 : index
      %swap3A_2846 = vector.load %arg4[%swap3A_2844, %swap3A_2845] : memref<128x4096xf32, #tpu.memory_space<vmem>>, vector<1x4096xf32>
      %swap3A_2847 = vector.shape_cast %swap3A_2846 : vector<1x4096xf32> to vector<4096xf32>
      %swap3A_2848 = vector.shape_cast %get3A_2843 : vector<4096xf32> to vector<1x4096xf32>
      tpu.vector_store %arg4[%swap3A_2844, %swap3A_2845], %swap3A_2848 {strides = array<i32>} : memref<128x4096xf32, #tpu.memory_space<vmem>>, vector<1x4096xf32>,
      %get3A_2849 = arith.constant 0 : index
      %get3A_2850 = arith.constant 0 : index
      %get3A_2851 = arith.constant 109 : index
      %get3A_2852 = vector.load %arg2[%get3A_2849, %get3A_2850, %get3A_2851] : memref<1x1x4224xf32, #tpu.memory_space<vmem>>, vector<1x1x4096xf32>
      %get3A_2853 = vector.shape_cast %get3A_2852 : vector<1x1x4096xf32> to vector<4096xf32>
      %swap3A_2854 = arith.constant 106 : index
      %swap3A_2855 = arith.constant 0 : index
      %swap3A_2856 = vector.load %arg4[%swap3A_2854, %swap3A_2855] : memref<128x4096xf32, #tpu.memory_space<vmem>>, vector<1x4096xf32>
      %swap3A_2857 = vector.shape_cast %swap3A_2856 : vector<1x4096xf32> to vector<4096xf32>
      %swap3A_2858 = vector.shape_cast %get3A_2853 : vector<4096xf32> to vector<1x4096xf32>
      tpu.vector_store %arg4[%swap3A_2854, %swap3A_2855], %swap3A_2858 {strides = array<i32>} : memref<128x4096xf32, #tpu.memory_space<vmem>>, vector<1x4096xf32>,
      %get3A_2859 = arith.constant 0 : index
      %get3A_2860 = arith.constant 0 : index
      %get3A_2861 = arith.constant 108 : index
      %get3A_2862 = vector.load %arg2[%get3A_2859, %get3A_2860, %get3A_2861] : memref<1x1x4224xf32, #tpu.memory_space<vmem>>, vector<1x1x4096xf32>
      %get3A_2863 = vector.shape_cast %get3A_2862 : vector<1x1x4096xf32> to vector<4096xf32>
      %swap3A_2864 = arith.constant 107 : index
      %swap3A_2865 = arith.constant 0 : index
      %swap3A_2866 = vector.load %arg4[%swap3A_2864, %swap3A_2865] : memref<128x4096xf32, #tpu.memory_space<vmem>>, vector<1x4096xf32>
      %swap3A_2867 = vector.shape_cast %swap3A_2866 : vector<1x4096xf32> to vector<4096xf32>
      %swap3A_2868 = vector.shape_cast %get3A_2863 : vector<4096xf32> to vector<1x4096xf32>
      tpu.vector_store %arg4[%swap3A_2864, %swap3A_2865], %swap3A_2868 {strides = array<i32>} : memref<128x4096xf32, #tpu.memory_space<vmem>>, vector<1x4096xf32>,
      %get3A_2869 = arith.constant 0 : index
      %get3A_2870 = arith.constant 0 : index
      %get3A_2871 = arith.constant 107 : index
      %get3A_2872 = vector.load %arg2[%get3A_2869, %get3A_2870, %get3A_2871] : memref<1x1x4224xf32, #tpu.memory_space<vmem>>, vector<1x1x4096xf32>
      %get3A_2873 = vector.shape_cast %get3A_2872 : vector<1x1x4096xf32> to vector<4096xf32>
      %swap3A_2874 = arith.constant 108 : index
      %swap3A_2875 = arith.constant 0 : index
      %swap3A_2876 = vector.load %arg4[%swap3A_2874, %swap3A_2875] : memref<128x4096xf32, #tpu.memory_space<vmem>>, vector<1x4096xf32>
      %swap3A_2877 = vector.shape_cast %swap3A_2876 : vector<1x4096xf32> to vector<4096xf32>
      %swap3A_2878 = vector.shape_cast %get3A_2873 : vector<4096xf32> to vector<1x4096xf32>
      tpu.vector_store %arg4[%swap3A_2874, %swap3A_2875], %swap3A_2878 {strides = array<i32>} : memref<128x4096xf32, #tpu.memory_space<vmem>>, vector<1x4096xf32>,
      %get3A_2879 = arith.constant 0 : index
      %get3A_2880 = arith.constant 0 : index
      %get3A_2881 = arith.constant 106 : index
      %get3A_2882 = vector.load %arg2[%get3A_2879, %get3A_2880, %get3A_2881] : memref<1x1x4224xf32, #tpu.memory_space<vmem>>, vector<1x1x4096xf32>
      %get3A_2883 = vector.shape_cast %get3A_2882 : vector<1x1x4096xf32> to vector<4096xf32>
      %swap3A_2884 = arith.constant 109 : index
      %swap3A_2885 = arith.constant 0 : index
      %swap3A_2886 = vector.load %arg4[%swap3A_2884, %swap3A_2885] : memref<128x4096xf32, #tpu.memory_space<vmem>>, vector<1x4096xf32>
      %swap3A_2887 = vector.shape_cast %swap3A_2886 : vector<1x4096xf32> to vector<4096xf32>
      %swap3A_2888 = vector.shape_cast %get3A_2883 : vector<4096xf32> to vector<1x4096xf32>
      tpu.vector_store %arg4[%swap3A_2884, %swap3A_2885], %swap3A_2888 {strides = array<i32>} : memref<128x4096xf32, #tpu.memory_space<vmem>>, vector<1x4096xf32>,
      %get3A_2889 = arith.constant 0 : index
      %get3A_2890 = arith.constant 0 : index
      %get3A_2891 = arith.constant 105 : index
      %get3A_2892 = vector.load %arg2[%get3A_2889, %get3A_2890, %get3A_2891] : memref<1x1x4224xf32, #tpu.memory_space<vmem>>, vector<1x1x4096xf32>
      %get3A_2893 = vector.shape_cast %get3A_2892 : vector<1x1x4096xf32> to vector<4096xf32>
      %swap3A_2894 = arith.constant 110 : index
      %swap3A_2895 = arith.constant 0 : index
      %swap3A_2896 = vector.load %arg4[%swap3A_2894, %swap3A_2895] : memref<128x4096xf32, #tpu.memory_space<vmem>>, vector<1x4096xf32>
      %swap3A_2897 = vector.shape_cast %swap3A_2896 : vector<1x4096xf32> to vector<4096xf32>
      %swap3A_2898 = vector.shape_cast %get3A_2893 : vector<4096xf32> to vector<1x4096xf32>
      tpu.vector_store %arg4[%swap3A_2894, %swap3A_2895], %swap3A_2898 {strides = array<i32>} : memref<128x4096xf32, #tpu.memory_space<vmem>>, vector<1x4096xf32>,
      %get3A_2899 = arith.constant 0 : index
      %get3A_2900 = arith.constant 0 : index
      %get3A_2901 = arith.constant 104 : index
      %get3A_2902 = vector.load %arg2[%get3A_2899, %get3A_2900, %get3A_2901] : memref<1x1x4224xf32, #tpu.memory_space<vmem>>, vector<1x1x4096xf32>
      %get3A_2903 = vector.shape_cast %get3A_2902 : vector<1x1x4096xf32> to vector<4096xf32>
      %swap3A_2904 = arith.constant 111 : index
      %swap3A_2905 = arith.constant 0 : index
      %swap3A_2906 = vector.load %arg4[%swap3A_2904, %swap3A_2905] : memref<128x4096xf32, #tpu.memory_space<vmem>>, vector<1x4096xf32>
      %swap3A_2907 = vector.shape_cast %swap3A_2906 : vector<1x4096xf32> to vector<4096xf32>
      %swap3A_2908 = vector.shape_cast %get3A_2903 : vector<4096xf32> to vector<1x4096xf32>
      tpu.vector_store %arg4[%swap3A_2904, %swap3A_2905], %swap3A_2908 {strides = array<i32>} : memref<128x4096xf32, #tpu.memory_space<vmem>>, vector<1x4096xf32>,
      %get3A_2909 = arith.constant 0 : index
      %get3A_2910 = arith.constant 0 : index
      %get3A_2911 = arith.constant 119 : index
      %get3A_2912 = vector.load %arg2[%get3A_2909, %get3A_2910, %get3A_2911] : memref<1x1x4224xf32, #tpu.memory_space<vmem>>, vector<1x1x4096xf32>
      %get3A_2913 = vector.shape_cast %get3A_2912 : vector<1x1x4096xf32> to vector<4096xf32>
      %swap3A_2914 = arith.constant 112 : index
      %swap3A_2915 = arith.constant 0 : index
      %swap3A_2916 = vector.load %arg4[%swap3A_2914, %swap3A_2915] : memref<128x4096xf32, #tpu.memory_space<vmem>>, vector<1x4096xf32>
      %swap3A_2917 = vector.shape_cast %swap3A_2916 : vector<1x4096xf32> to vector<4096xf32>
      %swap3A_2918 = vector.shape_cast %get3A_2913 : vector<4096xf32> to vector<1x4096xf32>
      tpu.vector_store %arg4[%swap3A_2914, %swap3A_2915], %swap3A_2918 {strides = array<i32>} : memref<128x4096xf32, #tpu.memory_space<vmem>>, vector<1x4096xf32>,
      %get3A_2919 = arith.constant 0 : index
      %get3A_2920 = arith.constant 0 : index
      %get3A_2921 = arith.constant 118 : index
      %get3A_2922 = vector.load %arg2[%get3A_2919, %get3A_2920, %get3A_2921] : memref<1x1x4224xf32, #tpu.memory_space<vmem>>, vector<1x1x4096xf32>
      %get3A_2923 = vector.shape_cast %get3A_2922 : vector<1x1x4096xf32> to vector<4096xf32>
      %swap3A_2924 = arith.constant 113 : index
      %swap3A_2925 = arith.constant 0 : index
      %swap3A_2926 = vector.load %arg4[%swap3A_2924, %swap3A_2925] : memref<128x4096xf32, #tpu.memory_space<vmem>>, vector<1x4096xf32>
      %swap3A_2927 = vector.shape_cast %swap3A_2926 : vector<1x4096xf32> to vector<4096xf32>
      %swap3A_2928 = vector.shape_cast %get3A_2923 : vector<4096xf32> to vector<1x4096xf32>
      tpu.vector_store %arg4[%swap3A_2924, %swap3A_2925], %swap3A_2928 {strides = array<i32>} : memref<128x4096xf32, #tpu.memory_space<vmem>>, vector<1x4096xf32>,
      %get3A_2929 = arith.constant 0 : index
      %get3A_2930 = arith.constant 0 : index
      %get3A_2931 = arith.constant 117 : index
      %get3A_2932 = vector.load %arg2[%get3A_2929, %get3A_2930, %get3A_2931] : memref<1x1x4224xf32, #tpu.memory_space<vmem>>, vector<1x1x4096xf32>
      %get3A_2933 = vector.shape_cast %get3A_2932 : vector<1x1x4096xf32> to vector<4096xf32>
      %swap3A_2934 = arith.constant 114 : index
      %swap3A_2935 = arith.constant 0 : index
      %swap3A_2936 = vector.load %arg4[%swap3A_2934, %swap3A_2935] : memref<128x4096xf32, #tpu.memory_space<vmem>>, vector<1x4096xf32>
      %swap3A_2937 = vector.shape_cast %swap3A_2936 : vector<1x4096xf32> to vector<4096xf32>
      %swap3A_2938 = vector.shape_cast %get3A_2933 : vector<4096xf32> to vector<1x4096xf32>
      tpu.vector_store %arg4[%swap3A_2934, %swap3A_2935], %swap3A_2938 {strides = array<i32>} : memref<128x4096xf32, #tpu.memory_space<vmem>>, vector<1x4096xf32>,
      %get3A_2939 = arith.constant 0 : index
      %get3A_2940 = arith.constant 0 : index
      %get3A_2941 = arith.constant 116 : index
      %get3A_2942 = vector.load %arg2[%get3A_2939, %get3A_2940, %get3A_2941] : memref<1x1x4224xf32, #tpu.memory_space<vmem>>, vector<1x1x4096xf32>
      %get3A_2943 = vector.shape_cast %get3A_2942 : vector<1x1x4096xf32> to vector<4096xf32>
      %swap3A_2944 = arith.constant 115 : index
      %swap3A_2945 = arith.constant 0 : index
      %swap3A_2946 = vector.load %arg4[%swap3A_2944, %swap3A_2945] : memref<128x4096xf32, #tpu.memory_space<vmem>>, vector<1x4096xf32>
      %swap3A_2947 = vector.shape_cast %swap3A_2946 : vector<1x4096xf32> to vector<4096xf32>
      %swap3A_2948 = vector.shape_cast %get3A_2943 : vector<4096xf32> to vector<1x4096xf32>
      tpu.vector_store %arg4[%swap3A_2944, %swap3A_2945], %swap3A_2948 {strides = array<i32>} : memref<128x4096xf32, #tpu.memory_space<vmem>>, vector<1x4096xf32>,
      %get3A_2949 = arith.constant 0 : index
      %get3A_2950 = arith.constant 0 : index
      %get3A_2951 = arith.constant 115 : index
      %get3A_2952 = vector.load %arg2[%get3A_2949, %get3A_2950, %get3A_2951] : memref<1x1x4224xf32, #tpu.memory_space<vmem>>, vector<1x1x4096xf32>
      %get3A_2953 = vector.shape_cast %get3A_2952 : vector<1x1x4096xf32> to vector<4096xf32>
      %swap3A_2954 = arith.constant 116 : index
      %swap3A_2955 = arith.constant 0 : index
      %swap3A_2956 = vector.load %arg4[%swap3A_2954, %swap3A_2955] : memref<128x4096xf32, #tpu.memory_space<vmem>>, vector<1x4096xf32>
      %swap3A_2957 = vector.shape_cast %swap3A_2956 : vector<1x4096xf32> to vector<4096xf32>
      %swap3A_2958 = vector.shape_cast %get3A_2953 : vector<4096xf32> to vector<1x4096xf32>
      tpu.vector_store %arg4[%swap3A_2954, %swap3A_2955], %swap3A_2958 {strides = array<i32>} : memref<128x4096xf32, #tpu.memory_space<vmem>>, vector<1x4096xf32>,
      %get3A_2959 = arith.constant 0 : index
      %get3A_2960 = arith.constant 0 : index
      %get3A_2961 = arith.constant 114 : index
      %get3A_2962 = vector.load %arg2[%get3A_2959, %get3A_2960, %get3A_2961] : memref<1x1x4224xf32, #tpu.memory_space<vmem>>, vector<1x1x4096xf32>
      %get3A_2963 = vector.shape_cast %get3A_2962 : vector<1x1x4096xf32> to vector<4096xf32>
      %swap3A_2964 = arith.constant 117 : index
      %swap3A_2965 = arith.constant 0 : index
      %swap3A_2966 = vector.load %arg4[%swap3A_2964, %swap3A_2965] : memref<128x4096xf32, #tpu.memory_space<vmem>>, vector<1x4096xf32>
      %swap3A_2967 = vector.shape_cast %swap3A_2966 : vector<1x4096xf32> to vector<4096xf32>
      %swap3A_2968 = vector.shape_cast %get3A_2963 : vector<4096xf32> to vector<1x4096xf32>
      tpu.vector_store %arg4[%swap3A_2964, %swap3A_2965], %swap3A_2968 {strides = array<i32>} : memref<128x4096xf32, #tpu.memory_space<vmem>>, vector<1x4096xf32>,
      %get3A_2969 = arith.constant 0 : index
      %get3A_2970 = arith.constant 0 : index
      %get3A_2971 = arith.constant 113 : index
      %get3A_2972 = vector.load %arg2[%get3A_2969, %get3A_2970, %get3A_2971] : memref<1x1x4224xf32, #tpu.memory_space<vmem>>, vector<1x1x4096xf32>
      %get3A_2973 = vector.shape_cast %get3A_2972 : vector<1x1x4096xf32> to vector<4096xf32>
      %swap3A_2974 = arith.constant 118 : index
      %swap3A_2975 = arith.constant 0 : index
      %swap3A_2976 = vector.load %arg4[%swap3A_2974, %swap3A_2975] : memref<128x4096xf32, #tpu.memory_space<vmem>>, vector<1x4096xf32>
      %swap3A_2977 = vector.shape_cast %swap3A_2976 : vector<1x4096xf32> to vector<4096xf32>
      %swap3A_2978 = vector.shape_cast %get3A_2973 : vector<4096xf32> to vector<1x4096xf32>
      tpu.vector_store %arg4[%swap3A_2974, %swap3A_2975], %swap3A_2978 {strides = array<i32>} : memref<128x4096xf32, #tpu.memory_space<vmem>>, vector<1x4096xf32>,
      %get3A_2979 = arith.constant 0 : index
      %get3A_2980 = arith.constant 0 : index
      %get3A_2981 = arith.constant 112 : index
      %get3A_2982 = vector.load %arg2[%get3A_2979, %get3A_2980, %get3A_2981] : memref<1x1x4224xf32, #tpu.memory_space<vmem>>, vector<1x1x4096xf32>
      %get3A_2983 = vector.shape_cast %get3A_2982 : vector<1x1x4096xf32> to vector<4096xf32>
      %swap3A_2984 = arith.constant 119 : index
      %swap3A_2985 = arith.constant 0 : index
      %swap3A_2986 = vector.load %arg4[%swap3A_2984, %swap3A_2985] : memref<128x4096xf32, #tpu.memory_space<vmem>>, vector<1x4096xf32>
      %swap3A_2987 = vector.shape_cast %swap3A_2986 : vector<1x4096xf32> to vector<4096xf32>
      %swap3A_2988 = vector.shape_cast %get3A_2983 : vector<4096xf32> to vector<1x4096xf32>
      tpu.vector_store %arg4[%swap3A_2984, %swap3A_2985], %swap3A_2988 {strides = array<i32>} : memref<128x4096xf32, #tpu.memory_space<vmem>>, vector<1x4096xf32>,
      %get3A_2989 = arith.constant 0 : index
      %get3A_2990 = arith.constant 0 : index
      %get3A_2991 = arith.constant 127 : index
      %get3A_2992 = vector.load %arg2[%get3A_2989, %get3A_2990, %get3A_2991] : memref<1x1x4224xf32, #tpu.memory_space<vmem>>, vector<1x1x4096xf32>
      %get3A_2993 = vector.shape_cast %get3A_2992 : vector<1x1x4096xf32> to vector<4096xf32>
      %swap3A_2994 = arith.constant 120 : index
      %swap3A_2995 = arith.constant 0 : index
      %swap3A_2996 = vector.load %arg4[%swap3A_2994, %swap3A_2995] : memref<128x4096xf32, #tpu.memory_space<vmem>>, vector<1x4096xf32>
      %swap3A_2997 = vector.shape_cast %swap3A_2996 : vector<1x4096xf32> to vector<4096xf32>
      %swap3A_2998 = vector.shape_cast %get3A_2993 : vector<4096xf32> to vector<1x4096xf32>
      tpu.vector_store %arg4[%swap3A_2994, %swap3A_2995], %swap3A_2998 {strides = array<i32>} : memref<128x4096xf32, #tpu.memory_space<vmem>>, vector<1x4096xf32>,
      %get3A_2999 = arith.constant 0 : index
      %get3A_3000 = arith.constant 0 : index
      %get3A_3001 = arith.constant 126 : index
      %get3A_3002 = vector.load %arg2[%get3A_2999, %get3A_3000, %get3A_3001] : memref<1x1x4224xf32, #tpu.memory_space<vmem>>, vector<1x1x4096xf32>
      %get3A_3003 = vector.shape_cast %get3A_3002 : vector<1x1x4096xf32> to vector<4096xf32>
      %swap3A_3004 = arith.constant 121 : index
      %swap3A_3005 = arith.constant 0 : index
      %swap3A_3006 = vector.load %arg4[%swap3A_3004, %swap3A_3005] : memref<128x4096xf32, #tpu.memory_space<vmem>>, vector<1x4096xf32>
      %swap3A_3007 = vector.shape_cast %swap3A_3006 : vector<1x4096xf32> to vector<4096xf32>
      %swap3A_3008 = vector.shape_cast %get3A_3003 : vector<4096xf32> to vector<1x4096xf32>
      tpu.vector_store %arg4[%swap3A_3004, %swap3A_3005], %swap3A_3008 {strides = array<i32>} : memref<128x4096xf32, #tpu.memory_space<vmem>>, vector<1x4096xf32>,
      %get3A_3009 = arith.constant 0 : index
      %get3A_3010 = arith.constant 0 : index
      %get3A_3011 = arith.constant 125 : index
      %get3A_3012 = vector.load %arg2[%get3A_3009, %get3A_3010, %get3A_3011] : memref<1x1x4224xf32, #tpu.memory_space<vmem>>, vector<1x1x4096xf32>
      %get3A_3013 = vector.shape_cast %get3A_3012 : vector<1x1x4096xf32> to vector<4096xf32>
      %swap3A_3014 = arith.constant 122 : index
      %swap3A_3015 = arith.constant 0 : index
      %swap3A_3016 = vector.load %arg4[%swap3A_3014, %swap3A_3015] : memref<128x4096xf32, #tpu.memory_space<vmem>>, vector<1x4096xf32>
      %swap3A_3017 = vector.shape_cast %swap3A_3016 : vector<1x4096xf32> to vector<4096xf32>
      %swap3A_3018 = vector.shape_cast %get3A_3013 : vector<4096xf32> to vector<1x4096xf32>
      tpu.vector_store %arg4[%swap3A_3014, %swap3A_3015], %swap3A_3018 {strides = array<i32>} : memref<128x4096xf32, #tpu.memory_space<vmem>>, vector<1x4096xf32>,
      %get3A_3019 = arith.constant 0 : index
      %get3A_3020 = arith.constant 0 : index
      %get3A_3021 = arith.constant 124 : index
      %get3A_3022 = vector.load %arg2[%get3A_3019, %get3A_3020, %get3A_3021] : memref<1x1x4224xf32, #tpu.memory_space<vmem>>, vector<1x1x4096xf32>
      %get3A_3023 = vector.shape_cast %get3A_3022 : vector<1x1x4096xf32> to vector<4096xf32>
      %swap3A_3024 = arith.constant 123 : index
      %swap3A_3025 = arith.constant 0 : index
      %swap3A_3026 = vector.load %arg4[%swap3A_3024, %swap3A_3025] : memref<128x4096xf32, #tpu.memory_space<vmem>>, vector<1x4096xf32>
      %swap3A_3027 = vector.shape_cast %swap3A_3026 : vector<1x4096xf32> to vector<4096xf32>
      %swap3A_3028 = vector.shape_cast %get3A_3023 : vector<4096xf32> to vector<1x4096xf32>
      tpu.vector_store %arg4[%swap3A_3024, %swap3A_3025], %swap3A_3028 {strides = array<i32>} : memref<128x4096xf32, #tpu.memory_space<vmem>>, vector<1x4096xf32>,
      %get3A_3029 = arith.constant 0 : index
      %get3A_3030 = arith.constant 0 : index
      %get3A_3031 = arith.constant 123 : index
      %get3A_3032 = vector.load %arg2[%get3A_3029, %get3A_3030, %get3A_3031] : memref<1x1x4224xf32, #tpu.memory_space<vmem>>, vector<1x1x4096xf32>
      %get3A_3033 = vector.shape_cast %get3A_3032 : vector<1x1x4096xf32> to vector<4096xf32>
      %swap3A_3034 = arith.constant 124 : index
      %swap3A_3035 = arith.constant 0 : index
      %swap3A_3036 = vector.load %arg4[%swap3A_3034, %swap3A_3035] : memref<128x4096xf32, #tpu.memory_space<vmem>>, vector<1x4096xf32>
      %swap3A_3037 = vector.shape_cast %swap3A_3036 : vector<1x4096xf32> to vector<4096xf32>
      %swap3A_3038 = vector.shape_cast %get3A_3033 : vector<4096xf32> to vector<1x4096xf32>
      tpu.vector_store %arg4[%swap3A_3034, %swap3A_3035], %swap3A_3038 {strides = array<i32>} : memref<128x4096xf32, #tpu.memory_space<vmem>>, vector<1x4096xf32>,
      %get3A_3039 = arith.constant 0 : index
      %get3A_3040 = arith.constant 0 : index
      %get3A_3041 = arith.constant 122 : index
      %get3A_3042 = vector.load %arg2[%get3A_3039, %get3A_3040, %get3A_3041] : memref<1x1x4224xf32, #tpu.memory_space<vmem>>, vector<1x1x4096xf32>
      %get3A_3043 = vector.shape_cast %get3A_3042 : vector<1x1x4096xf32> to vector<4096xf32>
      %swap3A_3044 = arith.constant 125 : index
      %swap3A_3045 = arith.constant 0 : index
      %swap3A_3046 = vector.load %arg4[%swap3A_3044, %swap3A_3045] : memref<128x4096xf32, #tpu.memory_space<vmem>>, vector<1x4096xf32>
      %swap3A_3047 = vector.shape_cast %swap3A_3046 : vector<1x4096xf32> to vector<4096xf32>
      %swap3A_3048 = vector.shape_cast %get3A_3043 : vector<4096xf32> to vector<1x4096xf32>
      tpu.vector_store %arg4[%swap3A_3044, %swap3A_3045], %swap3A_3048 {strides = array<i32>} : memref<128x4096xf32, #tpu.memory_space<vmem>>, vector<1x4096xf32>,
      %get3A_3049 = arith.constant 0 : index
      %get3A_3050 = arith.constant 0 : index
      %get3A_3051 = arith.constant 121 : index
      %get3A_3052 = vector.load %arg2[%get3A_3049, %get3A_3050, %get3A_3051] : memref<1x1x4224xf32, #tpu.memory_space<vmem>>, vector<1x1x4096xf32>
      %get3A_3053 = vector.shape_cast %get3A_3052 : vector<1x1x4096xf32> to vector<4096xf32>
      %swap3A_3054 = arith.constant 126 : index
      %swap3A_3055 = arith.constant 0 : index
      %swap3A_3056 = vector.load %arg4[%swap3A_3054, %swap3A_3055] : memref<128x4096xf32, #tpu.memory_space<vmem>>, vector<1x4096xf32>
      %swap3A_3057 = vector.shape_cast %swap3A_3056 : vector<1x4096xf32> to vector<4096xf32>
      %swap3A_3058 = vector.shape_cast %get3A_3053 : vector<4096xf32> to vector<1x4096xf32>
      tpu.vector_store %arg4[%swap3A_3054, %swap3A_3055], %swap3A_3058 {strides = array<i32>} : memref<128x4096xf32, #tpu.memory_space<vmem>>, vector<1x4096xf32>,
      %get3A_3059 = arith.constant 0 : index
      %get3A_3060 = arith.constant 0 : index
      %get3A_3061 = arith.constant 120 : index
      %get3A_3062 = vector.load %arg2[%get3A_3059, %get3A_3060, %get3A_3061] : memref<1x1x4224xf32, #tpu.memory_space<vmem>>, vector<1x1x4096xf32>
      %get3A_3063 = vector.shape_cast %get3A_3062 : vector<1x1x4096xf32> to vector<4096xf32>
      %swap3A_3064 = arith.constant 127 : index
      %swap3A_3065 = arith.constant 0 : index
      %swap3A_3066 = vector.load %arg4[%swap3A_3064, %swap3A_3065] : memref<128x4096xf32, #tpu.memory_space<vmem>>, vector<1x4096xf32>
      %swap3A_3067 = vector.shape_cast %swap3A_3066 : vector<1x4096xf32> to vector<4096xf32>
      %swap3A_3068 = vector.shape_cast %get3A_3063 : vector<4096xf32> to vector<1x4096xf32>
      tpu.vector_store %arg4[%swap3A_3064, %swap3A_3065], %swap3A_3068 {strides = array<i32>} : memref<128x4096xf32, #tpu.memory_space<vmem>>, vector<1x4096xf32>,
    } else {
    }
    %mul3A = arith.constant 1024 : i32
    %mul3A_2 = arith.muli %arg1, %mul3A : i32
    %sub3A = arith.constant 1920 : i32
    %sub3A_3 = arith.subi %sub3A, %mul3A_2 : i32
    %multiple_of3A = tpu.assume_multiple %sub3A_3, 128 : i32
    %get3A = arith.constant 120 : index
    %get3A_4 = arith.index_cast %multiple_of3A : i32 to index
    %get3A_5 = vector.load %arg4[%get3A, %get3A_4] : memref<128x4096xf32, #tpu.memory_space<vmem>>, vector<8x2048xf32>
    %swap3A = arith.constant 0 : index
    %swap3A_6 = arith.constant 0 : index
    %swap3A_7 = arith.constant 0 : index
    %swap3A_8 = vector.load %arg3[%swap3A, %swap3A_6, %swap3A_7] : memref<1x1024x2048xf32, #tpu.memory_space<vmem>>, vector<1x8x2048xf32>
    %swap3A_9 = vector.shape_cast %swap3A_8 : vector<1x8x2048xf32> to vector<8x2048xf32>
    %swap3A_10 = vector.shape_cast %get3A_5 : vector<8x2048xf32> to vector<1x8x2048xf32>
    tpu.vector_store %arg3[%swap3A, %swap3A_6, %swap3A_7], %swap3A_10 {strides = array<i32>} : memref<1x1024x2048xf32, #tpu.memory_space<vmem>>, vector<1x8x2048xf32>,
    %mul3A_11 = arith.constant 1024 : i32
    %mul3A_12 = arith.muli %arg1, %mul3A_11 : i32
    %sub3A_13 = arith.constant 1920 : i32
    %sub3A_14 = arith.subi %sub3A_13, %mul3A_12 : i32
    %multiple_of3A_15 = tpu.assume_multiple %sub3A_14, 128 : i32
    %get3A_16 = arith.constant 112 : index
    %get3A_17 = arith.index_cast %multiple_of3A_15 : i32 to index
    %get3A_18 = vector.load %arg4[%get3A_16, %get3A_17] : memref<128x4096xf32, #tpu.memory_space<vmem>>, vector<8x2048xf32>
    %swap3A_19 = arith.constant 0 : index
    %swap3A_20 = arith.constant 8 : index
    %swap3A_21 = arith.constant 0 : index
    %swap3A_22 = vector.load %arg3[%swap3A_19, %swap3A_20, %swap3A_21] : memref<1x1024x2048xf32, #tpu.memory_space<vmem>>, vector<1x8x2048xf32>
    %swap3A_23 = vector.shape_cast %swap3A_22 : vector<1x8x2048xf32> to vector<8x2048xf32>
    %swap3A_24 = vector.shape_cast %get3A_18 : vector<8x2048xf32> to vector<1x8x2048xf32>
    tpu.vector_store %arg3[%swap3A_19, %swap3A_20, %swap3A_21], %swap3A_24 {strides = array<i32>} : memref<1x1024x2048xf32, #tpu.memory_space<vmem>>, vector<1x8x2048xf32>,
    %mul3A_25 = arith.constant 1024 : i32
    %mul3A_26 = arith.muli %arg1, %mul3A_25 : i32
    %sub3A_27 = arith.constant 1920 : i32
    %sub3A_28 = arith.subi %sub3A_27, %mul3A_26 : i32
    %multiple_of3A_29 = tpu.assume_multiple %sub3A_28, 128 : i32
    %get3A_30 = arith.constant 104 : index
    %get3A_31 = arith.index_cast %multiple_of3A_29 : i32 to index
    %get3A_32 = vector.load %arg4[%get3A_30, %get3A_31] : memref<128x4096xf32, #tpu.memory_space<vmem>>, vector<8x2048xf32>
    %swap3A_33 = arith.constant 0 : index
    %swap3A_34 = arith.constant 16 : index
    %swap3A_35 = arith.constant 0 : index
    %swap3A_36 = vector.load %arg3[%swap3A_33, %swap3A_34, %swap3A_35] : memref<1x1024x2048xf32, #tpu.memory_space<vmem>>, vector<1x8x2048xf32>
    %swap3A_37 = vector.shape_cast %swap3A_36 : vector<1x8x2048xf32> to vector<8x2048xf32>
    %swap3A_38 = vector.shape_cast %get3A_32 : vector<8x2048xf32> to vector<1x8x2048xf32>
    tpu.vector_store %arg3[%swap3A_33, %swap3A_34, %swap3A_35], %swap3A_38 {strides = array<i32>} : memref<1x1024x2048xf32, #tpu.memory_space<vmem>>, vector<1x8x2048xf32>,
    %mul3A_39 = arith.constant 1024 : i32
    %mul3A_40 = arith.muli %arg1, %mul3A_39 : i32
    %sub3A_41 = arith.constant 1920 : i32
    %sub3A_42 = arith.subi %sub3A_41, %mul3A_40 : i32
    %multiple_of3A_43 = tpu.assume_multiple %sub3A_42, 128 : i32
    %get3A_44 = arith.constant 96 : index
    %get3A_45 = arith.index_cast %multiple_of3A_43 : i32 to index
    %get3A_46 = vector.load %arg4[%get3A_44, %get3A_45] : memref<128x4096xf32, #tpu.memory_space<vmem>>, vector<8x2048xf32>
    %swap3A_47 = arith.constant 0 : index
    %swap3A_48 = arith.constant 24 : index
    %swap3A_49 = arith.constant 0 : index
    %swap3A_50 = vector.load %arg3[%swap3A_47, %swap3A_48, %swap3A_49] : memref<1x1024x2048xf32, #tpu.memory_space<vmem>>, vector<1x8x2048xf32>
    %swap3A_51 = vector.shape_cast %swap3A_50 : vector<1x8x2048xf32> to vector<8x2048xf32>
    %swap3A_52 = vector.shape_cast %get3A_46 : vector<8x2048xf32> to vector<1x8x2048xf32>
    tpu.vector_store %arg3[%swap3A_47, %swap3A_48, %swap3A_49], %swap3A_52 {strides = array<i32>} : memref<1x1024x2048xf32, #tpu.memory_space<vmem>>, vector<1x8x2048xf32>,
    %mul3A_53 = arith.constant 1024 : i32
    %mul3A_54 = arith.muli %arg1, %mul3A_53 : i32
    %sub3A_55 = arith.constant 1920 : i32
    %sub3A_56 = arith.subi %sub3A_55, %mul3A_54 : i32
    %multiple_of3A_57 = tpu.assume_multiple %sub3A_56, 128 : i32
    %get3A_58 = arith.constant 88 : index
    %get3A_59 = arith.index_cast %multiple_of3A_57 : i32 to index
    %get3A_60 = vector.load %arg4[%get3A_58, %get3A_59] : memref<128x4096xf32, #tpu.memory_space<vmem>>, vector<8x2048xf32>
    %swap3A_61 = arith.constant 0 : index
    %swap3A_62 = arith.constant 32 : index
    %swap3A_63 = arith.constant 0 : index
    %swap3A_64 = vector.load %arg3[%swap3A_61, %swap3A_62, %swap3A_63] : memref<1x1024x2048xf32, #tpu.memory_space<vmem>>, vector<1x8x2048xf32>
    %swap3A_65 = vector.shape_cast %swap3A_64 : vector<1x8x2048xf32> to vector<8x2048xf32>
    %swap3A_66 = vector.shape_cast %get3A_60 : vector<8x2048xf32> to vector<1x8x2048xf32>
    tpu.vector_store %arg3[%swap3A_61, %swap3A_62, %swap3A_63], %swap3A_66 {strides = array<i32>} : memref<1x1024x2048xf32, #tpu.memory_space<vmem>>, vector<1x8x2048xf32>,
    %mul3A_67 = arith.constant 1024 : i32
    %mul3A_68 = arith.muli %arg1, %mul3A_67 : i32
    %sub3A_69 = arith.constant 1920 : i32
    %sub3A_70 = arith.subi %sub3A_69, %mul3A_68 : i32
    %multiple_of3A_71 = tpu.assume_multiple %sub3A_70, 128 : i32
    %get3A_72 = arith.constant 80 : index
    %get3A_73 = arith.index_cast %multiple_of3A_71 : i32 to index
    %get3A_74 = vector.load %arg4[%get3A_72, %get3A_73] : memref<128x4096xf32, #tpu.memory_space<vmem>>, vector<8x2048xf32>
    %swap3A_75 = arith.constant 0 : index
    %swap3A_76 = arith.constant 40 : index
    %swap3A_77 = arith.constant 0 : index
    %swap3A_78 = vector.load %arg3[%swap3A_75, %swap3A_76, %swap3A_77] : memref<1x1024x2048xf32, #tpu.memory_space<vmem>>, vector<1x8x2048xf32>
    %swap3A_79 = vector.shape_cast %swap3A_78 : vector<1x8x2048xf32> to vector<8x2048xf32>
    %swap3A_80 = vector.shape_cast %get3A_74 : vector<8x2048xf32> to vector<1x8x2048xf32>
    tpu.vector_store %arg3[%swap3A_75, %swap3A_76, %swap3A_77], %swap3A_80 {strides = array<i32>} : memref<1x1024x2048xf32, #tpu.memory_space<vmem>>, vector<1x8x2048xf32>,
    %mul3A_81 = arith.constant 1024 : i32
    %mul3A_82 = arith.muli %arg1, %mul3A_81 : i32
    %sub3A_83 = arith.constant 1920 : i32
    %sub3A_84 = arith.subi %sub3A_83, %mul3A_82 : i32
    %multiple_of3A_85 = tpu.assume_multiple %sub3A_84, 128 : i32
    %get3A_86 = arith.constant 72 : index
    %get3A_87 = arith.index_cast %multiple_of3A_85 : i32 to index
    %get3A_88 = vector.load %arg4[%get3A_86, %get3A_87] : memref<128x4096xf32, #tpu.memory_space<vmem>>, vector<8x2048xf32>
    %swap3A_89 = arith.constant 0 : index
    %swap3A_90 = arith.constant 48 : index
    %swap3A_91 = arith.constant 0 : index
    %swap3A_92 = vector.load %arg3[%swap3A_89, %swap3A_90, %swap3A_91] : memref<1x1024x2048xf32, #tpu.memory_space<vmem>>, vector<1x8x2048xf32>
    %swap3A_93 = vector.shape_cast %swap3A_92 : vector<1x8x2048xf32> to vector<8x2048xf32>
    %swap3A_94 = vector.shape_cast %get3A_88 : vector<8x2048xf32> to vector<1x8x2048xf32>
    tpu.vector_store %arg3[%swap3A_89, %swap3A_90, %swap3A_91], %swap3A_94 {strides = array<i32>} : memref<1x1024x2048xf32, #tpu.memory_space<vmem>>, vector<1x8x2048xf32>,
    %mul3A_95 = arith.constant 1024 : i32
    %mul3A_96 = arith.muli %arg1, %mul3A_95 : i32
    %sub3A_97 = arith.constant 1920 : i32
    %sub3A_98 = arith.subi %sub3A_97, %mul3A_96 : i32
    %multiple_of3A_99 = tpu.assume_multiple %sub3A_98, 128 : i32
    %get3A_100 = arith.constant 64 : index
    %get3A_101 = arith.index_cast %multiple_of3A_99 : i32 to index
    %get3A_102 = vector.load %arg4[%get3A_100, %get3A_101] : memref<128x4096xf32, #tpu.memory_space<vmem>>, vector<8x2048xf32>
    %swap3A_103 = arith.constant 0 : index
    %swap3A_104 = arith.constant 56 : index
    %swap3A_105 = arith.constant 0 : index
    %swap3A_106 = vector.load %arg3[%swap3A_103, %swap3A_104, %swap3A_105] : memref<1x1024x2048xf32, #tpu.memory_space<vmem>>, vector<1x8x2048xf32>
    %swap3A_107 = vector.shape_cast %swap3A_106 : vector<1x8x2048xf32> to vector<8x2048xf32>
    %swap3A_108 = vector.shape_cast %get3A_102 : vector<8x2048xf32> to vector<1x8x2048xf32>
    tpu.vector_store %arg3[%swap3A_103, %swap3A_104, %swap3A_105], %swap3A_108 {strides = array<i32>} : memref<1x1024x2048xf32, #tpu.memory_space<vmem>>, vector<1x8x2048xf32>,
    %mul3A_109 = arith.constant 1024 : i32
    %mul3A_110 = arith.muli %arg1, %mul3A_109 : i32
    %sub3A_111 = arith.constant 1920 : i32
    %sub3A_112 = arith.subi %sub3A_111, %mul3A_110 : i32
    %multiple_of3A_113 = tpu.assume_multiple %sub3A_112, 128 : i32
    %get3A_114 = arith.constant 56 : index
    %get3A_115 = arith.index_cast %multiple_of3A_113 : i32 to index
    %get3A_116 = vector.load %arg4[%get3A_114, %get3A_115] : memref<128x4096xf32, #tpu.memory_space<vmem>>, vector<8x2048xf32>
    %swap3A_117 = arith.constant 0 : index
    %swap3A_118 = arith.constant 64 : index
    %swap3A_119 = arith.constant 0 : index
    %swap3A_120 = vector.load %arg3[%swap3A_117, %swap3A_118, %swap3A_119] : memref<1x1024x2048xf32, #tpu.memory_space<vmem>>, vector<1x8x2048xf32>
    %swap3A_121 = vector.shape_cast %swap3A_120 : vector<1x8x2048xf32> to vector<8x2048xf32>
    %swap3A_122 = vector.shape_cast %get3A_116 : vector<8x2048xf32> to vector<1x8x2048xf32>
    tpu.vector_store %arg3[%swap3A_117, %swap3A_118, %swap3A_119], %swap3A_122 {strides = array<i32>} : memref<1x1024x2048xf32, #tpu.memory_space<vmem>>, vector<1x8x2048xf32>,
    %mul3A_123 = arith.constant 1024 : i32
    %mul3A_124 = arith.muli %arg1, %mul3A_123 : i32
    %sub3A_125 = arith.constant 1920 : i32
    %sub3A_126 = arith.subi %sub3A_125, %mul3A_124 : i32
    %multiple_of3A_127 = tpu.assume_multiple %sub3A_126, 128 : i32
    %get3A_128 = arith.constant 48 : index
    %get3A_129 = arith.index_cast %multiple_of3A_127 : i32 to index
    %get3A_130 = vector.load %arg4[%get3A_128, %get3A_129] : memref<128x4096xf32, #tpu.memory_space<vmem>>, vector<8x2048xf32>
    %swap3A_131 = arith.constant 0 : index
    %swap3A_132 = arith.constant 72 : index
    %swap3A_133 = arith.constant 0 : index
    %swap3A_134 = vector.load %arg3[%swap3A_131, %swap3A_132, %swap3A_133] : memref<1x1024x2048xf32, #tpu.memory_space<vmem>>, vector<1x8x2048xf32>
    %swap3A_135 = vector.shape_cast %swap3A_134 : vector<1x8x2048xf32> to vector<8x2048xf32>
    %swap3A_136 = vector.shape_cast %get3A_130 : vector<8x2048xf32> to vector<1x8x2048xf32>
    tpu.vector_store %arg3[%swap3A_131, %swap3A_132, %swap3A_133], %swap3A_136 {strides = array<i32>} : memref<1x1024x2048xf32, #tpu.memory_space<vmem>>, vector<1x8x2048xf32>,
    %mul3A_137 = arith.constant 1024 : i32
    %mul3A_138 = arith.muli %arg1, %mul3A_137 : i32
    %sub3A_139 = arith.constant 1920 : i32
    %sub3A_140 = arith.subi %sub3A_139, %mul3A_138 : i32
    %multiple_of3A_141 = tpu.assume_multiple %sub3A_140, 128 : i32
    %get3A_142 = arith.constant 40 : index
    %get3A_143 = arith.index_cast %multiple_of3A_141 : i32 to index
    %get3A_144 = vector.load %arg4[%get3A_142, %get3A_143] : memref<128x4096xf32, #tpu.memory_space<vmem>>, vector<8x2048xf32>
    %swap3A_145 = arith.constant 0 : index
    %swap3A_146 = arith.constant 80 : index
    %swap3A_147 = arith.constant 0 : index
    %swap3A_148 = vector.load %arg3[%swap3A_145, %swap3A_146, %swap3A_147] : memref<1x1024x2048xf32, #tpu.memory_space<vmem>>, vector<1x8x2048xf32>
    %swap3A_149 = vector.shape_cast %swap3A_148 : vector<1x8x2048xf32> to vector<8x2048xf32>
    %swap3A_150 = vector.shape_cast %get3A_144 : vector<8x2048xf32> to vector<1x8x2048xf32>
    tpu.vector_store %arg3[%swap3A_145, %swap3A_146, %swap3A_147], %swap3A_150 {strides = array<i32>} : memref<1x1024x2048xf32, #tpu.memory_space<vmem>>, vector<1x8x2048xf32>,
    %mul3A_151 = arith.constant 1024 : i32
    %mul3A_152 = arith.muli %arg1, %mul3A_151 : i32
    %sub3A_153 = arith.constant 1920 : i32
    %sub3A_154 = arith.subi %sub3A_153, %mul3A_152 : i32
    %multiple_of3A_155 = tpu.assume_multiple %sub3A_154, 128 : i32
    %get3A_156 = arith.constant 32 : index
    %get3A_157 = arith.index_cast %multiple_of3A_155 : i32 to index
    %get3A_158 = vector.load %arg4[%get3A_156, %get3A_157] : memref<128x4096xf32, #tpu.memory_space<vmem>>, vector<8x2048xf32>
    %swap3A_159 = arith.constant 0 : index
    %swap3A_160 = arith.constant 88 : index
    %swap3A_161 = arith.constant 0 : index
    %swap3A_162 = vector.load %arg3[%swap3A_159, %swap3A_160, %swap3A_161] : memref<1x1024x2048xf32, #tpu.memory_space<vmem>>, vector<1x8x2048xf32>
    %swap3A_163 = vector.shape_cast %swap3A_162 : vector<1x8x2048xf32> to vector<8x2048xf32>
    %swap3A_164 = vector.shape_cast %get3A_158 : vector<8x2048xf32> to vector<1x8x2048xf32>
    tpu.vector_store %arg3[%swap3A_159, %swap3A_160, %swap3A_161], %swap3A_164 {strides = array<i32>} : memref<1x1024x2048xf32, #tpu.memory_space<vmem>>, vector<1x8x2048xf32>,
    %mul3A_165 = arith.constant 1024 : i32
    %mul3A_166 = arith.muli %arg1, %mul3A_165 : i32
    %sub3A_167 = arith.constant 1920 : i32
    %sub3A_168 = arith.subi %sub3A_167, %mul3A_166 : i32
    %multiple_of3A_169 = tpu.assume_multiple %sub3A_168, 128 : i32
    %get3A_170 = arith.constant 24 : index
    %get3A_171 = arith.index_cast %multiple_of3A_169 : i32 to index
    %get3A_172 = vector.load %arg4[%get3A_170, %get3A_171] : memref<128x4096xf32, #tpu.memory_space<vmem>>, vector<8x2048xf32>
    %swap3A_173 = arith.constant 0 : index
    %swap3A_174 = arith.constant 96 : index
    %swap3A_175 = arith.constant 0 : index
    %swap3A_176 = vector.load %arg3[%swap3A_173, %swap3A_174, %swap3A_175] : memref<1x1024x2048xf32, #tpu.memory_space<vmem>>, vector<1x8x2048xf32>
    %swap3A_177 = vector.shape_cast %swap3A_176 : vector<1x8x2048xf32> to vector<8x2048xf32>
    %swap3A_178 = vector.shape_cast %get3A_172 : vector<8x2048xf32> to vector<1x8x2048xf32>
    tpu.vector_store %arg3[%swap3A_173, %swap3A_174, %swap3A_175], %swap3A_178 {strides = array<i32>} : memref<1x1024x2048xf32, #tpu.memory_space<vmem>>, vector<1x8x2048xf32>,
    %mul3A_179 = arith.constant 1024 : i32
    %mul3A_180 = arith.muli %arg1, %mul3A_179 : i32
    %sub3A_181 = arith.constant 1920 : i32
    %sub3A_182 = arith.subi %sub3A_181, %mul3A_180 : i32
    %multiple_of3A_183 = tpu.assume_multiple %sub3A_182, 128 : i32
    %get3A_184 = arith.constant 16 : index
    %get3A_185 = arith.index_cast %multiple_of3A_183 : i32 to index
    %get3A_186 = vector.load %arg4[%get3A_184, %get3A_185] : memref<128x4096xf32, #tpu.memory_space<vmem>>, vector<8x2048xf32>
    %swap3A_187 = arith.constant 0 : index
    %swap3A_188 = arith.constant 104 : index
    %swap3A_189 = arith.constant 0 : index
    %swap3A_190 = vector.load %arg3[%swap3A_187, %swap3A_188, %swap3A_189] : memref<1x1024x2048xf32, #tpu.memory_space<vmem>>, vector<1x8x2048xf32>
    %swap3A_191 = vector.shape_cast %swap3A_190 : vector<1x8x2048xf32> to vector<8x2048xf32>
    %swap3A_192 = vector.shape_cast %get3A_186 : vector<8x2048xf32> to vector<1x8x2048xf32>
    tpu.vector_store %arg3[%swap3A_187, %swap3A_188, %swap3A_189], %swap3A_192 {strides = array<i32>} : memref<1x1024x2048xf32, #tpu.memory_space<vmem>>, vector<1x8x2048xf32>,
    %mul3A_193 = arith.constant 1024 : i32
    %mul3A_194 = arith.muli %arg1, %mul3A_193 : i32
    %sub3A_195 = arith.constant 1920 : i32
    %sub3A_196 = arith.subi %sub3A_195, %mul3A_194 : i32
    %multiple_of3A_197 = tpu.assume_multiple %sub3A_196, 128 : i32
    %get3A_198 = arith.constant 8 : index
    %get3A_199 = arith.index_cast %multiple_of3A_197 : i32 to index
    %get3A_200 = vector.load %arg4[%get3A_198, %get3A_199] : memref<128x4096xf32, #tpu.memory_space<vmem>>, vector<8x2048xf32>
    %swap3A_201 = arith.constant 0 : index
    %swap3A_202 = arith.constant 112 : index
    %swap3A_203 = arith.constant 0 : index
    %swap3A_204 = vector.load %arg3[%swap3A_201, %swap3A_202, %swap3A_203] : memref<1x1024x2048xf32, #tpu.memory_space<vmem>>, vector<1x8x2048xf32>
    %swap3A_205 = vector.shape_cast %swap3A_204 : vector<1x8x2048xf32> to vector<8x2048xf32>
    %swap3A_206 = vector.shape_cast %get3A_200 : vector<8x2048xf32> to vector<1x8x2048xf32>
    tpu.vector_store %arg3[%swap3A_201, %swap3A_202, %swap3A_203], %swap3A_206 {strides = array<i32>} : memref<1x1024x2048xf32, #tpu.memory_space<vmem>>, vector<1x8x2048xf32>,
    %mul3A_207 = arith.constant 1024 : i32
    %mul3A_208 = arith.muli %arg1, %mul3A_207 : i32
    %sub3A_209 = arith.constant 1920 : i32
    %sub3A_210 = arith.subi %sub3A_209, %mul3A_208 : i32
    %multiple_of3A_211 = tpu.assume_multiple %sub3A_210, 128 : i32
    %get3A_212 = arith.constant 0 : index
    %get3A_213 = arith.index_cast %multiple_of3A_211 : i32 to index
    %get3A_214 = vector.load %arg4[%get3A_212, %get3A_213] : memref<128x4096xf32, #tpu.memory_space<vmem>>, vector<8x2048xf32>
    %swap3A_215 = arith.constant 0 : index
    %swap3A_216 = arith.constant 120 : index
    %swap3A_217 = arith.constant 0 : index
    %swap3A_218 = vector.load %arg3[%swap3A_215, %swap3A_216, %swap3A_217] : memref<1x1024x2048xf32, #tpu.memory_space<vmem>>, vector<1x8x2048xf32>
    %swap3A_219 = vector.shape_cast %swap3A_218 : vector<1x8x2048xf32> to vector<8x2048xf32>
    %swap3A_220 = vector.shape_cast %get3A_214 : vector<8x2048xf32> to vector<1x8x2048xf32>
    tpu.vector_store %arg3[%swap3A_215, %swap3A_216, %swap3A_217], %swap3A_220 {strides = array<i32>} : memref<1x1024x2048xf32, #tpu.memory_space<vmem>>, vector<1x8x2048xf32>,
    %mul3A_221 = arith.constant 1024 : i32
    %mul3A_222 = arith.muli %arg1, %mul3A_221 : i32
    %sub3A_223 = arith.constant 1792 : i32
    %sub3A_224 = arith.subi %sub3A_223, %mul3A_222 : i32
    %multiple_of3A_225 = tpu.assume_multiple %sub3A_224, 128 : i32
    %get3A_226 = arith.constant 120 : index
    %get3A_227 = arith.index_cast %multiple_of3A_225 : i32 to index
    %get3A_228 = vector.load %arg4[%get3A_226, %get3A_227] : memref<128x4096xf32, #tpu.memory_space<vmem>>, vector<8x2048xf32>
    %swap3A_229 = arith.constant 0 : index
    %swap3A_230 = arith.constant 128 : index
    %swap3A_231 = arith.constant 0 : index
    %swap3A_232 = vector.load %arg3[%swap3A_229, %swap3A_230, %swap3A_231] : memref<1x1024x2048xf32, #tpu.memory_space<vmem>>, vector<1x8x2048xf32>
    %swap3A_233 = vector.shape_cast %swap3A_232 : vector<1x8x2048xf32> to vector<8x2048xf32>
    %swap3A_234 = vector.shape_cast %get3A_228 : vector<8x2048xf32> to vector<1x8x2048xf32>
    tpu.vector_store %arg3[%swap3A_229, %swap3A_230, %swap3A_231], %swap3A_234 {strides = array<i32>} : memref<1x1024x2048xf32, #tpu.memory_space<vmem>>, vector<1x8x2048xf32>,
    %mul3A_235 = arith.constant 1024 : i32
    %mul3A_236 = arith.muli %arg1, %mul3A_235 : i32
    %sub3A_237 = arith.constant 1792 : i32
    %sub3A_238 = arith.subi %sub3A_237, %mul3A_236 : i32
    %multiple_of3A_239 = tpu.assume_multiple %sub3A_238, 128 : i32
    %get3A_240 = arith.constant 112 : index
    %get3A_241 = arith.index_cast %multiple_of3A_239 : i32 to index
    %get3A_242 = vector.load %arg4[%get3A_240, %get3A_241] : memref<128x4096xf32, #tpu.memory_space<vmem>>, vector<8x2048xf32>
    %swap3A_243 = arith.constant 0 : index
    %swap3A_244 = arith.constant 136 : index
    %swap3A_245 = arith.constant 0 : index
    %swap3A_246 = vector.load %arg3[%swap3A_243, %swap3A_244, %swap3A_245] : memref<1x1024x2048xf32, #tpu.memory_space<vmem>>, vector<1x8x2048xf32>
    %swap3A_247 = vector.shape_cast %swap3A_246 : vector<1x8x2048xf32> to vector<8x2048xf32>
    %swap3A_248 = vector.shape_cast %get3A_242 : vector<8x2048xf32> to vector<1x8x2048xf32>
    tpu.vector_store %arg3[%swap3A_243, %swap3A_244, %swap3A_245], %swap3A_248 {strides = array<i32>} : memref<1x1024x2048xf32, #tpu.memory_space<vmem>>, vector<1x8x2048xf32>,
    %mul3A_249 = arith.constant 1024 : i32
    %mul3A_250 = arith.muli %arg1, %mul3A_249 : i32
    %sub3A_251 = arith.constant 1792 : i32
    %sub3A_252 = arith.subi %sub3A_251, %mul3A_250 : i32
    %multiple_of3A_253 = tpu.assume_multiple %sub3A_252, 128 : i32
    %get3A_254 = arith.constant 104 : index
    %get3A_255 = arith.index_cast %multiple_of3A_253 : i32 to index
    %get3A_256 = vector.load %arg4[%get3A_254, %get3A_255] : memref<128x4096xf32, #tpu.memory_space<vmem>>, vector<8x2048xf32>
    %swap3A_257 = arith.constant 0 : index
    %swap3A_258 = arith.constant 144 : index
    %swap3A_259 = arith.constant 0 : index
    %swap3A_260 = vector.load %arg3[%swap3A_257, %swap3A_258, %swap3A_259] : memref<1x1024x2048xf32, #tpu.memory_space<vmem>>, vector<1x8x2048xf32>
    %swap3A_261 = vector.shape_cast %swap3A_260 : vector<1x8x2048xf32> to vector<8x2048xf32>
    %swap3A_262 = vector.shape_cast %get3A_256 : vector<8x2048xf32> to vector<1x8x2048xf32>
    tpu.vector_store %arg3[%swap3A_257, %swap3A_258, %swap3A_259], %swap3A_262 {strides = array<i32>} : memref<1x1024x2048xf32, #tpu.memory_space<vmem>>, vector<1x8x2048xf32>,
    %mul3A_263 = arith.constant 1024 : i32
    %mul3A_264 = arith.muli %arg1, %mul3A_263 : i32
    %sub3A_265 = arith.constant 1792 : i32
    %sub3A_266 = arith.subi %sub3A_265, %mul3A_264 : i32
    %multiple_of3A_267 = tpu.assume_multiple %sub3A_266, 128 : i32
    %get3A_268 = arith.constant 96 : index
    %get3A_269 = arith.index_cast %multiple_of3A_267 : i32 to index
    %get3A_270 = vector.load %arg4[%get3A_268, %get3A_269] : memref<128x4096xf32, #tpu.memory_space<vmem>>, vector<8x2048xf32>
    %swap3A_271 = arith.constant 0 : index
    %swap3A_272 = arith.constant 152 : index
    %swap3A_273 = arith.constant 0 : index
    %swap3A_274 = vector.load %arg3[%swap3A_271, %swap3A_272, %swap3A_273] : memref<1x1024x2048xf32, #tpu.memory_space<vmem>>, vector<1x8x2048xf32>
    %swap3A_275 = vector.shape_cast %swap3A_274 : vector<1x8x2048xf32> to vector<8x2048xf32>
    %swap3A_276 = vector.shape_cast %get3A_270 : vector<8x2048xf32> to vector<1x8x2048xf32>
    tpu.vector_store %arg3[%swap3A_271, %swap3A_272, %swap3A_273], %swap3A_276 {strides = array<i32>} : memref<1x1024x2048xf32, #tpu.memory_space<vmem>>, vector<1x8x2048xf32>,
    %mul3A_277 = arith.constant 1024 : i32
    %mul3A_278 = arith.muli %arg1, %mul3A_277 : i32
    %sub3A_279 = arith.constant 1792 : i32
    %sub3A_280 = arith.subi %sub3A_279, %mul3A_278 : i32
    %multiple_of3A_281 = tpu.assume_multiple %sub3A_280, 128 : i32
    %get3A_282 = arith.constant 88 : index
    %get3A_283 = arith.index_cast %multiple_of3A_281 : i32 to index
    %get3A_284 = vector.load %arg4[%get3A_282, %get3A_283] : memref<128x4096xf32, #tpu.memory_space<vmem>>, vector<8x2048xf32>
    %swap3A_285 = arith.constant 0 : index
    %swap3A_286 = arith.constant 160 : index
    %swap3A_287 = arith.constant 0 : index
    %swap3A_288 = vector.load %arg3[%swap3A_285, %swap3A_286, %swap3A_287] : memref<1x1024x2048xf32, #tpu.memory_space<vmem>>, vector<1x8x2048xf32>
    %swap3A_289 = vector.shape_cast %swap3A_288 : vector<1x8x2048xf32> to vector<8x2048xf32>
    %swap3A_290 = vector.shape_cast %get3A_284 : vector<8x2048xf32> to vector<1x8x2048xf32>
    tpu.vector_store %arg3[%swap3A_285, %swap3A_286, %swap3A_287], %swap3A_290 {strides = array<i32>} : memref<1x1024x2048xf32, #tpu.memory_space<vmem>>, vector<1x8x2048xf32>,
    %mul3A_291 = arith.constant 1024 : i32
    %mul3A_292 = arith.muli %arg1, %mul3A_291 : i32
    %sub3A_293 = arith.constant 1792 : i32
    %sub3A_294 = arith.subi %sub3A_293, %mul3A_292 : i32
    %multiple_of3A_295 = tpu.assume_multiple %sub3A_294, 128 : i32
    %get3A_296 = arith.constant 80 : index
    %get3A_297 = arith.index_cast %multiple_of3A_295 : i32 to index
    %get3A_298 = vector.load %arg4[%get3A_296, %get3A_297] : memref<128x4096xf32, #tpu.memory_space<vmem>>, vector<8x2048xf32>
    %swap3A_299 = arith.constant 0 : index
    %swap3A_300 = arith.constant 168 : index
    %swap3A_301 = arith.constant 0 : index
    %swap3A_302 = vector.load %arg3[%swap3A_299, %swap3A_300, %swap3A_301] : memref<1x1024x2048xf32, #tpu.memory_space<vmem>>, vector<1x8x2048xf32>
    %swap3A_303 = vector.shape_cast %swap3A_302 : vector<1x8x2048xf32> to vector<8x2048xf32>
    %swap3A_304 = vector.shape_cast %get3A_298 : vector<8x2048xf32> to vector<1x8x2048xf32>
    tpu.vector_store %arg3[%swap3A_299, %swap3A_300, %swap3A_301], %swap3A_304 {strides = array<i32>} : memref<1x1024x2048xf32, #tpu.memory_space<vmem>>, vector<1x8x2048xf32>,
    %mul3A_305 = arith.constant 1024 : i32
    %mul3A_306 = arith.muli %arg1, %mul3A_305 : i32
    %sub3A_307 = arith.constant 1792 : i32
    %sub3A_308 = arith.subi %sub3A_307, %mul3A_306 : i32
    %multiple_of3A_309 = tpu.assume_multiple %sub3A_308, 128 : i32
    %get3A_310 = arith.constant 72 : index
    %get3A_311 = arith.index_cast %multiple_of3A_309 : i32 to index
    %get3A_312 = vector.load %arg4[%get3A_310, %get3A_311] : memref<128x4096xf32, #tpu.memory_space<vmem>>, vector<8x2048xf32>
    %swap3A_313 = arith.constant 0 : index
    %swap3A_314 = arith.constant 176 : index
    %swap3A_315 = arith.constant 0 : index
    %swap3A_316 = vector.load %arg3[%swap3A_313, %swap3A_314, %swap3A_315] : memref<1x1024x2048xf32, #tpu.memory_space<vmem>>, vector<1x8x2048xf32>
    %swap3A_317 = vector.shape_cast %swap3A_316 : vector<1x8x2048xf32> to vector<8x2048xf32>
    %swap3A_318 = vector.shape_cast %get3A_312 : vector<8x2048xf32> to vector<1x8x2048xf32>
    tpu.vector_store %arg3[%swap3A_313, %swap3A_314, %swap3A_315], %swap3A_318 {strides = array<i32>} : memref<1x1024x2048xf32, #tpu.memory_space<vmem>>, vector<1x8x2048xf32>,
    %mul3A_319 = arith.constant 1024 : i32
    %mul3A_320 = arith.muli %arg1, %mul3A_319 : i32
    %sub3A_321 = arith.constant 1792 : i32
    %sub3A_322 = arith.subi %sub3A_321, %mul3A_320 : i32
    %multiple_of3A_323 = tpu.assume_multiple %sub3A_322, 128 : i32
    %get3A_324 = arith.constant 64 : index
    %get3A_325 = arith.index_cast %multiple_of3A_323 : i32 to index
    %get3A_326 = vector.load %arg4[%get3A_324, %get3A_325] : memref<128x4096xf32, #tpu.memory_space<vmem>>, vector<8x2048xf32>
    %swap3A_327 = arith.constant 0 : index
    %swap3A_328 = arith.constant 184 : index
    %swap3A_329 = arith.constant 0 : index
    %swap3A_330 = vector.load %arg3[%swap3A_327, %swap3A_328, %swap3A_329] : memref<1x1024x2048xf32, #tpu.memory_space<vmem>>, vector<1x8x2048xf32>
    %swap3A_331 = vector.shape_cast %swap3A_330 : vector<1x8x2048xf32> to vector<8x2048xf32>
    %swap3A_332 = vector.shape_cast %get3A_326 : vector<8x2048xf32> to vector<1x8x2048xf32>
    tpu.vector_store %arg3[%swap3A_327, %swap3A_328, %swap3A_329], %swap3A_332 {strides = array<i32>} : memref<1x1024x2048xf32, #tpu.memory_space<vmem>>, vector<1x8x2048xf32>,
    %mul3A_333 = arith.constant 1024 : i32
    %mul3A_334 = arith.muli %arg1, %mul3A_333 : i32
    %sub3A_335 = arith.constant 1792 : i32
    %sub3A_336 = arith.subi %sub3A_335, %mul3A_334 : i32
    %multiple_of3A_337 = tpu.assume_multiple %sub3A_336, 128 : i32
    %get3A_338 = arith.constant 56 : index
    %get3A_339 = arith.index_cast %multiple_of3A_337 : i32 to index
    %get3A_340 = vector.load %arg4[%get3A_338, %get3A_339] : memref<128x4096xf32, #tpu.memory_space<vmem>>, vector<8x2048xf32>
    %swap3A_341 = arith.constant 0 : index
    %swap3A_342 = arith.constant 192 : index
    %swap3A_343 = arith.constant 0 : index
    %swap3A_344 = vector.load %arg3[%swap3A_341, %swap3A_342, %swap3A_343] : memref<1x1024x2048xf32, #tpu.memory_space<vmem>>, vector<1x8x2048xf32>
    %swap3A_345 = vector.shape_cast %swap3A_344 : vector<1x8x2048xf32> to vector<8x2048xf32>
    %swap3A_346 = vector.shape_cast %get3A_340 : vector<8x2048xf32> to vector<1x8x2048xf32>
    tpu.vector_store %arg3[%swap3A_341, %swap3A_342, %swap3A_343], %swap3A_346 {strides = array<i32>} : memref<1x1024x2048xf32, #tpu.memory_space<vmem>>, vector<1x8x2048xf32>,
    %mul3A_347 = arith.constant 1024 : i32
    %mul3A_348 = arith.muli %arg1, %mul3A_347 : i32
    %sub3A_349 = arith.constant 1792 : i32
    %sub3A_350 = arith.subi %sub3A_349, %mul3A_348 : i32
    %multiple_of3A_351 = tpu.assume_multiple %sub3A_350, 128 : i32
    %get3A_352 = arith.constant 48 : index
    %get3A_353 = arith.index_cast %multiple_of3A_351 : i32 to index
    %get3A_354 = vector.load %arg4[%get3A_352, %get3A_353] : memref<128x4096xf32, #tpu.memory_space<vmem>>, vector<8x2048xf32>
    %swap3A_355 = arith.constant 0 : index
    %swap3A_356 = arith.constant 200 : index
    %swap3A_357 = arith.constant 0 : index
    %swap3A_358 = vector.load %arg3[%swap3A_355, %swap3A_356, %swap3A_357] : memref<1x1024x2048xf32, #tpu.memory_space<vmem>>, vector<1x8x2048xf32>
    %swap3A_359 = vector.shape_cast %swap3A_358 : vector<1x8x2048xf32> to vector<8x2048xf32>
    %swap3A_360 = vector.shape_cast %get3A_354 : vector<8x2048xf32> to vector<1x8x2048xf32>
    tpu.vector_store %arg3[%swap3A_355, %swap3A_356, %swap3A_357], %swap3A_360 {strides = array<i32>} : memref<1x1024x2048xf32, #tpu.memory_space<vmem>>, vector<1x8x2048xf32>,
    %mul3A_361 = arith.constant 1024 : i32
    %mul3A_362 = arith.muli %arg1, %mul3A_361 : i32
    %sub3A_363 = arith.constant 1792 : i32
    %sub3A_364 = arith.subi %sub3A_363, %mul3A_362 : i32
    %multiple_of3A_365 = tpu.assume_multiple %sub3A_364, 128 : i32
    %get3A_366 = arith.constant 40 : index
    %get3A_367 = arith.index_cast %multiple_of3A_365 : i32 to index
    %get3A_368 = vector.load %arg4[%get3A_366, %get3A_367] : memref<128x4096xf32, #tpu.memory_space<vmem>>, vector<8x2048xf32>
    %swap3A_369 = arith.constant 0 : index
    %swap3A_370 = arith.constant 208 : index
    %swap3A_371 = arith.constant 0 : index
    %swap3A_372 = vector.load %arg3[%swap3A_369, %swap3A_370, %swap3A_371] : memref<1x1024x2048xf32, #tpu.memory_space<vmem>>, vector<1x8x2048xf32>
    %swap3A_373 = vector.shape_cast %swap3A_372 : vector<1x8x2048xf32> to vector<8x2048xf32>
    %swap3A_374 = vector.shape_cast %get3A_368 : vector<8x2048xf32> to vector<1x8x2048xf32>
    tpu.vector_store %arg3[%swap3A_369, %swap3A_370, %swap3A_371], %swap3A_374 {strides = array<i32>} : memref<1x1024x2048xf32, #tpu.memory_space<vmem>>, vector<1x8x2048xf32>,
    %mul3A_375 = arith.constant 1024 : i32
    %mul3A_376 = arith.muli %arg1, %mul3A_375 : i32
    %sub3A_377 = arith.constant 1792 : i32
    %sub3A_378 = arith.subi %sub3A_377, %mul3A_376 : i32
    %multiple_of3A_379 = tpu.assume_multiple %sub3A_378, 128 : i32
    %get3A_380 = arith.constant 32 : index
    %get3A_381 = arith.index_cast %multiple_of3A_379 : i32 to index
    %get3A_382 = vector.load %arg4[%get3A_380, %get3A_381] : memref<128x4096xf32, #tpu.memory_space<vmem>>, vector<8x2048xf32>
    %swap3A_383 = arith.constant 0 : index
    %swap3A_384 = arith.constant 216 : index
    %swap3A_385 = arith.constant 0 : index
    %swap3A_386 = vector.load %arg3[%swap3A_383, %swap3A_384, %swap3A_385] : memref<1x1024x2048xf32, #tpu.memory_space<vmem>>, vector<1x8x2048xf32>
    %swap3A_387 = vector.shape_cast %swap3A_386 : vector<1x8x2048xf32> to vector<8x2048xf32>
    %swap3A_388 = vector.shape_cast %get3A_382 : vector<8x2048xf32> to vector<1x8x2048xf32>
    tpu.vector_store %arg3[%swap3A_383, %swap3A_384, %swap3A_385], %swap3A_388 {strides = array<i32>} : memref<1x1024x2048xf32, #tpu.memory_space<vmem>>, vector<1x8x2048xf32>,
    %mul3A_389 = arith.constant 1024 : i32
    %mul3A_390 = arith.muli %arg1, %mul3A_389 : i32
    %sub3A_391 = arith.constant 1792 : i32
    %sub3A_392 = arith.subi %sub3A_391, %mul3A_390 : i32
    %multiple_of3A_393 = tpu.assume_multiple %sub3A_392, 128 : i32
    %get3A_394 = arith.constant 24 : index
    %get3A_395 = arith.index_cast %multiple_of3A_393 : i32 to index
    %get3A_396 = vector.load %arg4[%get3A_394, %get3A_395] : memref<128x4096xf32, #tpu.memory_space<vmem>>, vector<8x2048xf32>
    %swap3A_397 = arith.constant 0 : index
    %swap3A_398 = arith.constant 224 : index
    %swap3A_399 = arith.constant 0 : index
    %swap3A_400 = vector.load %arg3[%swap3A_397, %swap3A_398, %swap3A_399] : memref<1x1024x2048xf32, #tpu.memory_space<vmem>>, vector<1x8x2048xf32>
    %swap3A_401 = vector.shape_cast %swap3A_400 : vector<1x8x2048xf32> to vector<8x2048xf32>
    %swap3A_402 = vector.shape_cast %get3A_396 : vector<8x2048xf32> to vector<1x8x2048xf32>
    tpu.vector_store %arg3[%swap3A_397, %swap3A_398, %swap3A_399], %swap3A_402 {strides = array<i32>} : memref<1x1024x2048xf32, #tpu.memory_space<vmem>>, vector<1x8x2048xf32>,
    %mul3A_403 = arith.constant 1024 : i32
    %mul3A_404 = arith.muli %arg1, %mul3A_403 : i32
    %sub3A_405 = arith.constant 1792 : i32
    %sub3A_406 = arith.subi %sub3A_405, %mul3A_404 : i32
    %multiple_of3A_407 = tpu.assume_multiple %sub3A_406, 128 : i32
    %get3A_408 = arith.constant 16 : index
    %get3A_409 = arith.index_cast %multiple_of3A_407 : i32 to index
    %get3A_410 = vector.load %arg4[%get3A_408, %get3A_409] : memref<128x4096xf32, #tpu.memory_space<vmem>>, vector<8x2048xf32>
    %swap3A_411 = arith.constant 0 : index
    %swap3A_412 = arith.constant 232 : index
    %swap3A_413 = arith.constant 0 : index
    %swap3A_414 = vector.load %arg3[%swap3A_411, %swap3A_412, %swap3A_413] : memref<1x1024x2048xf32, #tpu.memory_space<vmem>>, vector<1x8x2048xf32>
    %swap3A_415 = vector.shape_cast %swap3A_414 : vector<1x8x2048xf32> to vector<8x2048xf32>
    %swap3A_416 = vector.shape_cast %get3A_410 : vector<8x2048xf32> to vector<1x8x2048xf32>
    tpu.vector_store %arg3[%swap3A_411, %swap3A_412, %swap3A_413], %swap3A_416 {strides = array<i32>} : memref<1x1024x2048xf32, #tpu.memory_space<vmem>>, vector<1x8x2048xf32>,
    %mul3A_417 = arith.constant 1024 : i32
    %mul3A_418 = arith.muli %arg1, %mul3A_417 : i32
    %sub3A_419 = arith.constant 1792 : i32
    %sub3A_420 = arith.subi %sub3A_419, %mul3A_418 : i32
    %multiple_of3A_421 = tpu.assume_multiple %sub3A_420, 128 : i32
    %get3A_422 = arith.constant 8 : index
    %get3A_423 = arith.index_cast %multiple_of3A_421 : i32 to index
    %get3A_424 = vector.load %arg4[%get3A_422, %get3A_423] : memref<128x4096xf32, #tpu.memory_space<vmem>>, vector<8x2048xf32>
    %swap3A_425 = arith.constant 0 : index
    %swap3A_426 = arith.constant 240 : index
    %swap3A_427 = arith.constant 0 : index
    %swap3A_428 = vector.load %arg3[%swap3A_425, %swap3A_426, %swap3A_427] : memref<1x1024x2048xf32, #tpu.memory_space<vmem>>, vector<1x8x2048xf32>
    %swap3A_429 = vector.shape_cast %swap3A_428 : vector<1x8x2048xf32> to vector<8x2048xf32>
    %swap3A_430 = vector.shape_cast %get3A_424 : vector<8x2048xf32> to vector<1x8x2048xf32>
    tpu.vector_store %arg3[%swap3A_425, %swap3A_426, %swap3A_427], %swap3A_430 {strides = array<i32>} : memref<1x1024x2048xf32, #tpu.memory_space<vmem>>, vector<1x8x2048xf32>,
    %mul3A_431 = arith.constant 1024 : i32
    %mul3A_432 = arith.muli %arg1, %mul3A_431 : i32
    %sub3A_433 = arith.constant 1792 : i32
    %sub3A_434 = arith.subi %sub3A_433, %mul3A_432 : i32
    %multiple_of3A_435 = tpu.assume_multiple %sub3A_434, 128 : i32
    %get3A_436 = arith.constant 0 : index
    %get3A_437 = arith.index_cast %multiple_of3A_435 : i32 to index
    %get3A_438 = vector.load %arg4[%get3A_436, %get3A_437] : memref<128x4096xf32, #tpu.memory_space<vmem>>, vector<8x2048xf32>
    %swap3A_439 = arith.constant 0 : index
    %swap3A_440 = arith.constant 248 : index
    %swap3A_441 = arith.constant 0 : index
    %swap3A_442 = vector.load %arg3[%swap3A_439, %swap3A_440, %swap3A_441] : memref<1x1024x2048xf32, #tpu.memory_space<vmem>>, vector<1x8x2048xf32>
    %swap3A_443 = vector.shape_cast %swap3A_442 : vector<1x8x2048xf32> to vector<8x2048xf32>
    %swap3A_444 = vector.shape_cast %get3A_438 : vector<8x2048xf32> to vector<1x8x2048xf32>
    tpu.vector_store %arg3[%swap3A_439, %swap3A_440, %swap3A_441], %swap3A_444 {strides = array<i32>} : memref<1x1024x2048xf32, #tpu.memory_space<vmem>>, vector<1x8x2048xf32>,
    %mul3A_445 = arith.constant 1024 : i32
    %mul3A_446 = arith.muli %arg1, %mul3A_445 : i32
    %sub3A_447 = arith.constant 1664 : i32
    %sub3A_448 = arith.subi %sub3A_447, %mul3A_446 : i32
    %multiple_of3A_449 = tpu.assume_multiple %sub3A_448, 128 : i32
    %get3A_450 = arith.constant 120 : index
    %get3A_451 = arith.index_cast %multiple_of3A_449 : i32 to index
    %get3A_452 = vector.load %arg4[%get3A_450, %get3A_451] : memref<128x4096xf32, #tpu.memory_space<vmem>>, vector<8x2048xf32>
    %swap3A_453 = arith.constant 0 : index
    %swap3A_454 = arith.constant 256 : index
    %swap3A_455 = arith.constant 0 : index
    %swap3A_456 = vector.load %arg3[%swap3A_453, %swap3A_454, %swap3A_455] : memref<1x1024x2048xf32, #tpu.memory_space<vmem>>, vector<1x8x2048xf32>
    %swap3A_457 = vector.shape_cast %swap3A_456 : vector<1x8x2048xf32> to vector<8x2048xf32>
    %swap3A_458 = vector.shape_cast %get3A_452 : vector<8x2048xf32> to vector<1x8x2048xf32>
    tpu.vector_store %arg3[%swap3A_453, %swap3A_454, %swap3A_455], %swap3A_458 {strides = array<i32>} : memref<1x1024x2048xf32, #tpu.memory_space<vmem>>, vector<1x8x2048xf32>,
    %mul3A_459 = arith.constant 1024 : i32
    %mul3A_460 = arith.muli %arg1, %mul3A_459 : i32
    %sub3A_461 = arith.constant 1664 : i32
    %sub3A_462 = arith.subi %sub3A_461, %mul3A_460 : i32
    %multiple_of3A_463 = tpu.assume_multiple %sub3A_462, 128 : i32
    %get3A_464 = arith.constant 112 : index
    %get3A_465 = arith.index_cast %multiple_of3A_463 : i32 to index
    %get3A_466 = vector.load %arg4[%get3A_464, %get3A_465] : memref<128x4096xf32, #tpu.memory_space<vmem>>, vector<8x2048xf32>
    %swap3A_467 = arith.constant 0 : index
    %swap3A_468 = arith.constant 264 : index
    %swap3A_469 = arith.constant 0 : index
    %swap3A_470 = vector.load %arg3[%swap3A_467, %swap3A_468, %swap3A_469] : memref<1x1024x2048xf32, #tpu.memory_space<vmem>>, vector<1x8x2048xf32>
    %swap3A_471 = vector.shape_cast %swap3A_470 : vector<1x8x2048xf32> to vector<8x2048xf32>
    %swap3A_472 = vector.shape_cast %get3A_466 : vector<8x2048xf32> to vector<1x8x2048xf32>
    tpu.vector_store %arg3[%swap3A_467, %swap3A_468, %swap3A_469], %swap3A_472 {strides = array<i32>} : memref<1x1024x2048xf32, #tpu.memory_space<vmem>>, vector<1x8x2048xf32>,
    %mul3A_473 = arith.constant 1024 : i32
    %mul3A_474 = arith.muli %arg1, %mul3A_473 : i32
    %sub3A_475 = arith.constant 1664 : i32
    %sub3A_476 = arith.subi %sub3A_475, %mul3A_474 : i32
    %multiple_of3A_477 = tpu.assume_multiple %sub3A_476, 128 : i32
    %get3A_478 = arith.constant 104 : index
    %get3A_479 = arith.index_cast %multiple_of3A_477 : i32 to index
    %get3A_480 = vector.load %arg4[%get3A_478, %get3A_479] : memref<128x4096xf32, #tpu.memory_space<vmem>>, vector<8x2048xf32>
    %swap3A_481 = arith.constant 0 : index
    %swap3A_482 = arith.constant 272 : index
    %swap3A_483 = arith.constant 0 : index
    %swap3A_484 = vector.load %arg3[%swap3A_481, %swap3A_482, %swap3A_483] : memref<1x1024x2048xf32, #tpu.memory_space<vmem>>, vector<1x8x2048xf32>
    %swap3A_485 = vector.shape_cast %swap3A_484 : vector<1x8x2048xf32> to vector<8x2048xf32>
    %swap3A_486 = vector.shape_cast %get3A_480 : vector<8x2048xf32> to vector<1x8x2048xf32>
    tpu.vector_store %arg3[%swap3A_481, %swap3A_482, %swap3A_483], %swap3A_486 {strides = array<i32>} : memref<1x1024x2048xf32, #tpu.memory_space<vmem>>, vector<1x8x2048xf32>,
    %mul3A_487 = arith.constant 1024 : i32
    %mul3A_488 = arith.muli %arg1, %mul3A_487 : i32
    %sub3A_489 = arith.constant 1664 : i32
    %sub3A_490 = arith.subi %sub3A_489, %mul3A_488 : i32
    %multiple_of3A_491 = tpu.assume_multiple %sub3A_490, 128 : i32
    %get3A_492 = arith.constant 96 : index
    %get3A_493 = arith.index_cast %multiple_of3A_491 : i32 to index
    %get3A_494 = vector.load %arg4[%get3A_492, %get3A_493] : memref<128x4096xf32, #tpu.memory_space<vmem>>, vector<8x2048xf32>
    %swap3A_495 = arith.constant 0 : index
    %swap3A_496 = arith.constant 280 : index
    %swap3A_497 = arith.constant 0 : index
    %swap3A_498 = vector.load %arg3[%swap3A_495, %swap3A_496, %swap3A_497] : memref<1x1024x2048xf32, #tpu.memory_space<vmem>>, vector<1x8x2048xf32>
    %swap3A_499 = vector.shape_cast %swap3A_498 : vector<1x8x2048xf32> to vector<8x2048xf32>
    %swap3A_500 = vector.shape_cast %get3A_494 : vector<8x2048xf32> to vector<1x8x2048xf32>
    tpu.vector_store %arg3[%swap3A_495, %swap3A_496, %swap3A_497], %swap3A_500 {strides = array<i32>} : memref<1x1024x2048xf32, #tpu.memory_space<vmem>>, vector<1x8x2048xf32>,
    %mul3A_501 = arith.constant 1024 : i32
    %mul3A_502 = arith.muli %arg1, %mul3A_501 : i32
    %sub3A_503 = arith.constant 1664 : i32
    %sub3A_504 = arith.subi %sub3A_503, %mul3A_502 : i32
    %multiple_of3A_505 = tpu.assume_multiple %sub3A_504, 128 : i32
    %get3A_506 = arith.constant 88 : index
    %get3A_507 = arith.index_cast %multiple_of3A_505 : i32 to index
    %get3A_508 = vector.load %arg4[%get3A_506, %get3A_507] : memref<128x4096xf32, #tpu.memory_space<vmem>>, vector<8x2048xf32>
    %swap3A_509 = arith.constant 0 : index
    %swap3A_510 = arith.constant 288 : index
    %swap3A_511 = arith.constant 0 : index
    %swap3A_512 = vector.load %arg3[%swap3A_509, %swap3A_510, %swap3A_511] : memref<1x1024x2048xf32, #tpu.memory_space<vmem>>, vector<1x8x2048xf32>
    %swap3A_513 = vector.shape_cast %swap3A_512 : vector<1x8x2048xf32> to vector<8x2048xf32>
    %swap3A_514 = vector.shape_cast %get3A_508 : vector<8x2048xf32> to vector<1x8x2048xf32>
    tpu.vector_store %arg3[%swap3A_509, %swap3A_510, %swap3A_511], %swap3A_514 {strides = array<i32>} : memref<1x1024x2048xf32, #tpu.memory_space<vmem>>, vector<1x8x2048xf32>,
    %mul3A_515 = arith.constant 1024 : i32
    %mul3A_516 = arith.muli %arg1, %mul3A_515 : i32
    %sub3A_517 = arith.constant 1664 : i32
    %sub3A_518 = arith.subi %sub3A_517, %mul3A_516 : i32
    %multiple_of3A_519 = tpu.assume_multiple %sub3A_518, 128 : i32
    %get3A_520 = arith.constant 80 : index
    %get3A_521 = arith.index_cast %multiple_of3A_519 : i32 to index
    %get3A_522 = vector.load %arg4[%get3A_520, %get3A_521] : memref<128x4096xf32, #tpu.memory_space<vmem>>, vector<8x2048xf32>
    %swap3A_523 = arith.constant 0 : index
    %swap3A_524 = arith.constant 296 : index
    %swap3A_525 = arith.constant 0 : index
    %swap3A_526 = vector.load %arg3[%swap3A_523, %swap3A_524, %swap3A_525] : memref<1x1024x2048xf32, #tpu.memory_space<vmem>>, vector<1x8x2048xf32>
    %swap3A_527 = vector.shape_cast %swap3A_526 : vector<1x8x2048xf32> to vector<8x2048xf32>
    %swap3A_528 = vector.shape_cast %get3A_522 : vector<8x2048xf32> to vector<1x8x2048xf32>
    tpu.vector_store %arg3[%swap3A_523, %swap3A_524, %swap3A_525], %swap3A_528 {strides = array<i32>} : memref<1x1024x2048xf32, #tpu.memory_space<vmem>>, vector<1x8x2048xf32>,
    %mul3A_529 = arith.constant 1024 : i32
    %mul3A_530 = arith.muli %arg1, %mul3A_529 : i32
    %sub3A_531 = arith.constant 1664 : i32
    %sub3A_532 = arith.subi %sub3A_531, %mul3A_530 : i32
    %multiple_of3A_533 = tpu.assume_multiple %sub3A_532, 128 : i32
    %get3A_534 = arith.constant 72 : index
    %get3A_535 = arith.index_cast %multiple_of3A_533 : i32 to index
    %get3A_536 = vector.load %arg4[%get3A_534, %get3A_535] : memref<128x4096xf32, #tpu.memory_space<vmem>>, vector<8x2048xf32>
    %swap3A_537 = arith.constant 0 : index
    %swap3A_538 = arith.constant 304 : index
    %swap3A_539 = arith.constant 0 : index
    %swap3A_540 = vector.load %arg3[%swap3A_537, %swap3A_538, %swap3A_539] : memref<1x1024x2048xf32, #tpu.memory_space<vmem>>, vector<1x8x2048xf32>
    %swap3A_541 = vector.shape_cast %swap3A_540 : vector<1x8x2048xf32> to vector<8x2048xf32>
    %swap3A_542 = vector.shape_cast %get3A_536 : vector<8x2048xf32> to vector<1x8x2048xf32>
    tpu.vector_store %arg3[%swap3A_537, %swap3A_538, %swap3A_539], %swap3A_542 {strides = array<i32>} : memref<1x1024x2048xf32, #tpu.memory_space<vmem>>, vector<1x8x2048xf32>,
    %mul3A_543 = arith.constant 1024 : i32
    %mul3A_544 = arith.muli %arg1, %mul3A_543 : i32
    %sub3A_545 = arith.constant 1664 : i32
    %sub3A_546 = arith.subi %sub3A_545, %mul3A_544 : i32
    %multiple_of3A_547 = tpu.assume_multiple %sub3A_546, 128 : i32
    %get3A_548 = arith.constant 64 : index
    %get3A_549 = arith.index_cast %multiple_of3A_547 : i32 to index
    %get3A_550 = vector.load %arg4[%get3A_548, %get3A_549] : memref<128x4096xf32, #tpu.memory_space<vmem>>, vector<8x2048xf32>
    %swap3A_551 = arith.constant 0 : index
    %swap3A_552 = arith.constant 312 : index
    %swap3A_553 = arith.constant 0 : index
    %swap3A_554 = vector.load %arg3[%swap3A_551, %swap3A_552, %swap3A_553] : memref<1x1024x2048xf32, #tpu.memory_space<vmem>>, vector<1x8x2048xf32>
    %swap3A_555 = vector.shape_cast %swap3A_554 : vector<1x8x2048xf32> to vector<8x2048xf32>
    %swap3A_556 = vector.shape_cast %get3A_550 : vector<8x2048xf32> to vector<1x8x2048xf32>
    tpu.vector_store %arg3[%swap3A_551, %swap3A_552, %swap3A_553], %swap3A_556 {strides = array<i32>} : memref<1x1024x2048xf32, #tpu.memory_space<vmem>>, vector<1x8x2048xf32>,
    %mul3A_557 = arith.constant 1024 : i32
    %mul3A_558 = arith.muli %arg1, %mul3A_557 : i32
    %sub3A_559 = arith.constant 1664 : i32
    %sub3A_560 = arith.subi %sub3A_559, %mul3A_558 : i32
    %multiple_of3A_561 = tpu.assume_multiple %sub3A_560, 128 : i32
    %get3A_562 = arith.constant 56 : index
    %get3A_563 = arith.index_cast %multiple_of3A_561 : i32 to index
    %get3A_564 = vector.load %arg4[%get3A_562, %get3A_563] : memref<128x4096xf32, #tpu.memory_space<vmem>>, vector<8x2048xf32>
    %swap3A_565 = arith.constant 0 : index
    %swap3A_566 = arith.constant 320 : index
    %swap3A_567 = arith.constant 0 : index
    %swap3A_568 = vector.load %arg3[%swap3A_565, %swap3A_566, %swap3A_567] : memref<1x1024x2048xf32, #tpu.memory_space<vmem>>, vector<1x8x2048xf32>
    %swap3A_569 = vector.shape_cast %swap3A_568 : vector<1x8x2048xf32> to vector<8x2048xf32>
    %swap3A_570 = vector.shape_cast %get3A_564 : vector<8x2048xf32> to vector<1x8x2048xf32>
    tpu.vector_store %arg3[%swap3A_565, %swap3A_566, %swap3A_567], %swap3A_570 {strides = array<i32>} : memref<1x1024x2048xf32, #tpu.memory_space<vmem>>, vector<1x8x2048xf32>,
    %mul3A_571 = arith.constant 1024 : i32
    %mul3A_572 = arith.muli %arg1, %mul3A_571 : i32
    %sub3A_573 = arith.constant 1664 : i32
    %sub3A_574 = arith.subi %sub3A_573, %mul3A_572 : i32
    %multiple_of3A_575 = tpu.assume_multiple %sub3A_574, 128 : i32
    %get3A_576 = arith.constant 48 : index
    %get3A_577 = arith.index_cast %multiple_of3A_575 : i32 to index
    %get3A_578 = vector.load %arg4[%get3A_576, %get3A_577] : memref<128x4096xf32, #tpu.memory_space<vmem>>, vector<8x2048xf32>
    %swap3A_579 = arith.constant 0 : index
    %swap3A_580 = arith.constant 328 : index
    %swap3A_581 = arith.constant 0 : index
    %swap3A_582 = vector.load %arg3[%swap3A_579, %swap3A_580, %swap3A_581] : memref<1x1024x2048xf32, #tpu.memory_space<vmem>>, vector<1x8x2048xf32>
    %swap3A_583 = vector.shape_cast %swap3A_582 : vector<1x8x2048xf32> to vector<8x2048xf32>
    %swap3A_584 = vector.shape_cast %get3A_578 : vector<8x2048xf32> to vector<1x8x2048xf32>
    tpu.vector_store %arg3[%swap3A_579, %swap3A_580, %swap3A_581], %swap3A_584 {strides = array<i32>} : memref<1x1024x2048xf32, #tpu.memory_space<vmem>>, vector<1x8x2048xf32>,
    %mul3A_585 = arith.constant 1024 : i32
    %mul3A_586 = arith.muli %arg1, %mul3A_585 : i32
    %sub3A_587 = arith.constant 1664 : i32
    %sub3A_588 = arith.subi %sub3A_587, %mul3A_586 : i32
    %multiple_of3A_589 = tpu.assume_multiple %sub3A_588, 128 : i32
    %get3A_590 = arith.constant 40 : index
    %get3A_591 = arith.index_cast %multiple_of3A_589 : i32 to index
    %get3A_592 = vector.load %arg4[%get3A_590, %get3A_591] : memref<128x4096xf32, #tpu.memory_space<vmem>>, vector<8x2048xf32>
    %swap3A_593 = arith.constant 0 : index
    %swap3A_594 = arith.constant 336 : index
    %swap3A_595 = arith.constant 0 : index
    %swap3A_596 = vector.load %arg3[%swap3A_593, %swap3A_594, %swap3A_595] : memref<1x1024x2048xf32, #tpu.memory_space<vmem>>, vector<1x8x2048xf32>
    %swap3A_597 = vector.shape_cast %swap3A_596 : vector<1x8x2048xf32> to vector<8x2048xf32>
    %swap3A_598 = vector.shape_cast %get3A_592 : vector<8x2048xf32> to vector<1x8x2048xf32>
    tpu.vector_store %arg3[%swap3A_593, %swap3A_594, %swap3A_595], %swap3A_598 {strides = array<i32>} : memref<1x1024x2048xf32, #tpu.memory_space<vmem>>, vector<1x8x2048xf32>,
    %mul3A_599 = arith.constant 1024 : i32
    %mul3A_600 = arith.muli %arg1, %mul3A_599 : i32
    %sub3A_601 = arith.constant 1664 : i32
    %sub3A_602 = arith.subi %sub3A_601, %mul3A_600 : i32
    %multiple_of3A_603 = tpu.assume_multiple %sub3A_602, 128 : i32
    %get3A_604 = arith.constant 32 : index
    %get3A_605 = arith.index_cast %multiple_of3A_603 : i32 to index
    %get3A_606 = vector.load %arg4[%get3A_604, %get3A_605] : memref<128x4096xf32, #tpu.memory_space<vmem>>, vector<8x2048xf32>
    %swap3A_607 = arith.constant 0 : index
    %swap3A_608 = arith.constant 344 : index
    %swap3A_609 = arith.constant 0 : index
    %swap3A_610 = vector.load %arg3[%swap3A_607, %swap3A_608, %swap3A_609] : memref<1x1024x2048xf32, #tpu.memory_space<vmem>>, vector<1x8x2048xf32>
    %swap3A_611 = vector.shape_cast %swap3A_610 : vector<1x8x2048xf32> to vector<8x2048xf32>
    %swap3A_612 = vector.shape_cast %get3A_606 : vector<8x2048xf32> to vector<1x8x2048xf32>
    tpu.vector_store %arg3[%swap3A_607, %swap3A_608, %swap3A_609], %swap3A_612 {strides = array<i32>} : memref<1x1024x2048xf32, #tpu.memory_space<vmem>>, vector<1x8x2048xf32>,
    %mul3A_613 = arith.constant 1024 : i32
    %mul3A_614 = arith.muli %arg1, %mul3A_613 : i32
    %sub3A_615 = arith.constant 1664 : i32
    %sub3A_616 = arith.subi %sub3A_615, %mul3A_614 : i32
    %multiple_of3A_617 = tpu.assume_multiple %sub3A_616, 128 : i32
    %get3A_618 = arith.constant 24 : index
    %get3A_619 = arith.index_cast %multiple_of3A_617 : i32 to index
    %get3A_620 = vector.load %arg4[%get3A_618, %get3A_619] : memref<128x4096xf32, #tpu.memory_space<vmem>>, vector<8x2048xf32>
    %swap3A_621 = arith.constant 0 : index
    %swap3A_622 = arith.constant 352 : index
    %swap3A_623 = arith.constant 0 : index
    %swap3A_624 = vector.load %arg3[%swap3A_621, %swap3A_622, %swap3A_623] : memref<1x1024x2048xf32, #tpu.memory_space<vmem>>, vector<1x8x2048xf32>
    %swap3A_625 = vector.shape_cast %swap3A_624 : vector<1x8x2048xf32> to vector<8x2048xf32>
    %swap3A_626 = vector.shape_cast %get3A_620 : vector<8x2048xf32> to vector<1x8x2048xf32>
    tpu.vector_store %arg3[%swap3A_621, %swap3A_622, %swap3A_623], %swap3A_626 {strides = array<i32>} : memref<1x1024x2048xf32, #tpu.memory_space<vmem>>, vector<1x8x2048xf32>,
    %mul3A_627 = arith.constant 1024 : i32
    %mul3A_628 = arith.muli %arg1, %mul3A_627 : i32
    %sub3A_629 = arith.constant 1664 : i32
    %sub3A_630 = arith.subi %sub3A_629, %mul3A_628 : i32
    %multiple_of3A_631 = tpu.assume_multiple %sub3A_630, 128 : i32
    %get3A_632 = arith.constant 16 : index
    %get3A_633 = arith.index_cast %multiple_of3A_631 : i32 to index
    %get3A_634 = vector.load %arg4[%get3A_632, %get3A_633] : memref<128x4096xf32, #tpu.memory_space<vmem>>, vector<8x2048xf32>
    %swap3A_635 = arith.constant 0 : index
    %swap3A_636 = arith.constant 360 : index
    %swap3A_637 = arith.constant 0 : index
    %swap3A_638 = vector.load %arg3[%swap3A_635, %swap3A_636, %swap3A_637] : memref<1x1024x2048xf32, #tpu.memory_space<vmem>>, vector<1x8x2048xf32>
    %swap3A_639 = vector.shape_cast %swap3A_638 : vector<1x8x2048xf32> to vector<8x2048xf32>
    %swap3A_640 = vector.shape_cast %get3A_634 : vector<8x2048xf32> to vector<1x8x2048xf32>
    tpu.vector_store %arg3[%swap3A_635, %swap3A_636, %swap3A_637], %swap3A_640 {strides = array<i32>} : memref<1x1024x2048xf32, #tpu.memory_space<vmem>>, vector<1x8x2048xf32>,
    %mul3A_641 = arith.constant 1024 : i32
    %mul3A_642 = arith.muli %arg1, %mul3A_641 : i32
    %sub3A_643 = arith.constant 1664 : i32
    %sub3A_644 = arith.subi %sub3A_643, %mul3A_642 : i32
    %multiple_of3A_645 = tpu.assume_multiple %sub3A_644, 128 : i32
    %get3A_646 = arith.constant 8 : index
    %get3A_647 = arith.index_cast %multiple_of3A_645 : i32 to index
    %get3A_648 = vector.load %arg4[%get3A_646, %get3A_647] : memref<128x4096xf32, #tpu.memory_space<vmem>>, vector<8x2048xf32>
    %swap3A_649 = arith.constant 0 : index
    %swap3A_650 = arith.constant 368 : index
    %swap3A_651 = arith.constant 0 : index
    %swap3A_652 = vector.load %arg3[%swap3A_649, %swap3A_650, %swap3A_651] : memref<1x1024x2048xf32, #tpu.memory_space<vmem>>, vector<1x8x2048xf32>
    %swap3A_653 = vector.shape_cast %swap3A_652 : vector<1x8x2048xf32> to vector<8x2048xf32>
    %swap3A_654 = vector.shape_cast %get3A_648 : vector<8x2048xf32> to vector<1x8x2048xf32>
    tpu.vector_store %arg3[%swap3A_649, %swap3A_650, %swap3A_651], %swap3A_654 {strides = array<i32>} : memref<1x1024x2048xf32, #tpu.memory_space<vmem>>, vector<1x8x2048xf32>,
    %mul3A_655 = arith.constant 1024 : i32
    %mul3A_656 = arith.muli %arg1, %mul3A_655 : i32
    %sub3A_657 = arith.constant 1664 : i32
    %sub3A_658 = arith.subi %sub3A_657, %mul3A_656 : i32
    %multiple_of3A_659 = tpu.assume_multiple %sub3A_658, 128 : i32
    %get3A_660 = arith.constant 0 : index
    %get3A_661 = arith.index_cast %multiple_of3A_659 : i32 to index
    %get3A_662 = vector.load %arg4[%get3A_660, %get3A_661] : memref<128x4096xf32, #tpu.memory_space<vmem>>, vector<8x2048xf32>
    %swap3A_663 = arith.constant 0 : index
    %swap3A_664 = arith.constant 376 : index
    %swap3A_665 = arith.constant 0 : index
    %swap3A_666 = vector.load %arg3[%swap3A_663, %swap3A_664, %swap3A_665] : memref<1x1024x2048xf32, #tpu.memory_space<vmem>>, vector<1x8x2048xf32>
    %swap3A_667 = vector.shape_cast %swap3A_666 : vector<1x8x2048xf32> to vector<8x2048xf32>
    %swap3A_668 = vector.shape_cast %get3A_662 : vector<8x2048xf32> to vector<1x8x2048xf32>
    tpu.vector_store %arg3[%swap3A_663, %swap3A_664, %swap3A_665], %swap3A_668 {strides = array<i32>} : memref<1x1024x2048xf32, #tpu.memory_space<vmem>>, vector<1x8x2048xf32>,
    %mul3A_669 = arith.constant 1024 : i32
    %mul3A_670 = arith.muli %arg1, %mul3A_669 : i32
    %sub3A_671 = arith.constant 1536 : i32
    %sub3A_672 = arith.subi %sub3A_671, %mul3A_670 : i32
    %multiple_of3A_673 = tpu.assume_multiple %sub3A_672, 128 : i32
    %get3A_674 = arith.constant 120 : index
    %get3A_675 = arith.index_cast %multiple_of3A_673 : i32 to index
    %get3A_676 = vector.load %arg4[%get3A_674, %get3A_675] : memref<128x4096xf32, #tpu.memory_space<vmem>>, vector<8x2048xf32>
    %swap3A_677 = arith.constant 0 : index
    %swap3A_678 = arith.constant 384 : index
    %swap3A_679 = arith.constant 0 : index
    %swap3A_680 = vector.load %arg3[%swap3A_677, %swap3A_678, %swap3A_679] : memref<1x1024x2048xf32, #tpu.memory_space<vmem>>, vector<1x8x2048xf32>
    %swap3A_681 = vector.shape_cast %swap3A_680 : vector<1x8x2048xf32> to vector<8x2048xf32>
    %swap3A_682 = vector.shape_cast %get3A_676 : vector<8x2048xf32> to vector<1x8x2048xf32>
    tpu.vector_store %arg3[%swap3A_677, %swap3A_678, %swap3A_679], %swap3A_682 {strides = array<i32>} : memref<1x1024x2048xf32, #tpu.memory_space<vmem>>, vector<1x8x2048xf32>,
    %mul3A_683 = arith.constant 1024 : i32
    %mul3A_684 = arith.muli %arg1, %mul3A_683 : i32
    %sub3A_685 = arith.constant 1536 : i32
    %sub3A_686 = arith.subi %sub3A_685, %mul3A_684 : i32
    %multiple_of3A_687 = tpu.assume_multiple %sub3A_686, 128 : i32
    %get3A_688 = arith.constant 112 : index
    %get3A_689 = arith.index_cast %multiple_of3A_687 : i32 to index
    %get3A_690 = vector.load %arg4[%get3A_688, %get3A_689] : memref<128x4096xf32, #tpu.memory_space<vmem>>, vector<8x2048xf32>
    %swap3A_691 = arith.constant 0 : index
    %swap3A_692 = arith.constant 392 : index
    %swap3A_693 = arith.constant 0 : index
    %swap3A_694 = vector.load %arg3[%swap3A_691, %swap3A_692, %swap3A_693] : memref<1x1024x2048xf32, #tpu.memory_space<vmem>>, vector<1x8x2048xf32>
    %swap3A_695 = vector.shape_cast %swap3A_694 : vector<1x8x2048xf32> to vector<8x2048xf32>
    %swap3A_696 = vector.shape_cast %get3A_690 : vector<8x2048xf32> to vector<1x8x2048xf32>
    tpu.vector_store %arg3[%swap3A_691, %swap3A_692, %swap3A_693], %swap3A_696 {strides = array<i32>} : memref<1x1024x2048xf32, #tpu.memory_space<vmem>>, vector<1x8x2048xf32>,
    %mul3A_697 = arith.constant 1024 : i32
    %mul3A_698 = arith.muli %arg1, %mul3A_697 : i32
    %sub3A_699 = arith.constant 1536 : i32
    %sub3A_700 = arith.subi %sub3A_699, %mul3A_698 : i32
    %multiple_of3A_701 = tpu.assume_multiple %sub3A_700, 128 : i32
    %get3A_702 = arith.constant 104 : index
    %get3A_703 = arith.index_cast %multiple_of3A_701 : i32 to index
    %get3A_704 = vector.load %arg4[%get3A_702, %get3A_703] : memref<128x4096xf32, #tpu.memory_space<vmem>>, vector<8x2048xf32>
    %swap3A_705 = arith.constant 0 : index
    %swap3A_706 = arith.constant 400 : index
    %swap3A_707 = arith.constant 0 : index
    %swap3A_708 = vector.load %arg3[%swap3A_705, %swap3A_706, %swap3A_707] : memref<1x1024x2048xf32, #tpu.memory_space<vmem>>, vector<1x8x2048xf32>
    %swap3A_709 = vector.shape_cast %swap3A_708 : vector<1x8x2048xf32> to vector<8x2048xf32>
    %swap3A_710 = vector.shape_cast %get3A_704 : vector<8x2048xf32> to vector<1x8x2048xf32>
    tpu.vector_store %arg3[%swap3A_705, %swap3A_706, %swap3A_707], %swap3A_710 {strides = array<i32>} : memref<1x1024x2048xf32, #tpu.memory_space<vmem>>, vector<1x8x2048xf32>,
    %mul3A_711 = arith.constant 1024 : i32
    %mul3A_712 = arith.muli %arg1, %mul3A_711 : i32
    %sub3A_713 = arith.constant 1536 : i32
    %sub3A_714 = arith.subi %sub3A_713, %mul3A_712 : i32
    %multiple_of3A_715 = tpu.assume_multiple %sub3A_714, 128 : i32
    %get3A_716 = arith.constant 96 : index
    %get3A_717 = arith.index_cast %multiple_of3A_715 : i32 to index
    %get3A_718 = vector.load %arg4[%get3A_716, %get3A_717] : memref<128x4096xf32, #tpu.memory_space<vmem>>, vector<8x2048xf32>
    %swap3A_719 = arith.constant 0 : index
    %swap3A_720 = arith.constant 408 : index
    %swap3A_721 = arith.constant 0 : index
    %swap3A_722 = vector.load %arg3[%swap3A_719, %swap3A_720, %swap3A_721] : memref<1x1024x2048xf32, #tpu.memory_space<vmem>>, vector<1x8x2048xf32>
    %swap3A_723 = vector.shape_cast %swap3A_722 : vector<1x8x2048xf32> to vector<8x2048xf32>
    %swap3A_724 = vector.shape_cast %get3A_718 : vector<8x2048xf32> to vector<1x8x2048xf32>
    tpu.vector_store %arg3[%swap3A_719, %swap3A_720, %swap3A_721], %swap3A_724 {strides = array<i32>} : memref<1x1024x2048xf32, #tpu.memory_space<vmem>>, vector<1x8x2048xf32>,
    %mul3A_725 = arith.constant 1024 : i32
    %mul3A_726 = arith.muli %arg1, %mul3A_725 : i32
    %sub3A_727 = arith.constant 1536 : i32
    %sub3A_728 = arith.subi %sub3A_727, %mul3A_726 : i32
    %multiple_of3A_729 = tpu.assume_multiple %sub3A_728, 128 : i32
    %get3A_730 = arith.constant 88 : index
    %get3A_731 = arith.index_cast %multiple_of3A_729 : i32 to index
    %get3A_732 = vector.load %arg4[%get3A_730, %get3A_731] : memref<128x4096xf32, #tpu.memory_space<vmem>>, vector<8x2048xf32>
    %swap3A_733 = arith.constant 0 : index
    %swap3A_734 = arith.constant 416 : index
    %swap3A_735 = arith.constant 0 : index
    %swap3A_736 = vector.load %arg3[%swap3A_733, %swap3A_734, %swap3A_735] : memref<1x1024x2048xf32, #tpu.memory_space<vmem>>, vector<1x8x2048xf32>
    %swap3A_737 = vector.shape_cast %swap3A_736 : vector<1x8x2048xf32> to vector<8x2048xf32>
    %swap3A_738 = vector.shape_cast %get3A_732 : vector<8x2048xf32> to vector<1x8x2048xf32>
    tpu.vector_store %arg3[%swap3A_733, %swap3A_734, %swap3A_735], %swap3A_738 {strides = array<i32>} : memref<1x1024x2048xf32, #tpu.memory_space<vmem>>, vector<1x8x2048xf32>,
    %mul3A_739 = arith.constant 1024 : i32
    %mul3A_740 = arith.muli %arg1, %mul3A_739 : i32
    %sub3A_741 = arith.constant 1536 : i32
    %sub3A_742 = arith.subi %sub3A_741, %mul3A_740 : i32
    %multiple_of3A_743 = tpu.assume_multiple %sub3A_742, 128 : i32
    %get3A_744 = arith.constant 80 : index
    %get3A_745 = arith.index_cast %multiple_of3A_743 : i32 to index
    %get3A_746 = vector.load %arg4[%get3A_744, %get3A_745] : memref<128x4096xf32, #tpu.memory_space<vmem>>, vector<8x2048xf32>
    %swap3A_747 = arith.constant 0 : index
    %swap3A_748 = arith.constant 424 : index
    %swap3A_749 = arith.constant 0 : index
    %swap3A_750 = vector.load %arg3[%swap3A_747, %swap3A_748, %swap3A_749] : memref<1x1024x2048xf32, #tpu.memory_space<vmem>>, vector<1x8x2048xf32>
    %swap3A_751 = vector.shape_cast %swap3A_750 : vector<1x8x2048xf32> to vector<8x2048xf32>
    %swap3A_752 = vector.shape_cast %get3A_746 : vector<8x2048xf32> to vector<1x8x2048xf32>
    tpu.vector_store %arg3[%swap3A_747, %swap3A_748, %swap3A_749], %swap3A_752 {strides = array<i32>} : memref<1x1024x2048xf32, #tpu.memory_space<vmem>>, vector<1x8x2048xf32>,
    %mul3A_753 = arith.constant 1024 : i32
    %mul3A_754 = arith.muli %arg1, %mul3A_753 : i32
    %sub3A_755 = arith.constant 1536 : i32
    %sub3A_756 = arith.subi %sub3A_755, %mul3A_754 : i32
    %multiple_of3A_757 = tpu.assume_multiple %sub3A_756, 128 : i32
    %get3A_758 = arith.constant 72 : index
    %get3A_759 = arith.index_cast %multiple_of3A_757 : i32 to index
    %get3A_760 = vector.load %arg4[%get3A_758, %get3A_759] : memref<128x4096xf32, #tpu.memory_space<vmem>>, vector<8x2048xf32>
    %swap3A_761 = arith.constant 0 : index
    %swap3A_762 = arith.constant 432 : index
    %swap3A_763 = arith.constant 0 : index
    %swap3A_764 = vector.load %arg3[%swap3A_761, %swap3A_762, %swap3A_763] : memref<1x1024x2048xf32, #tpu.memory_space<vmem>>, vector<1x8x2048xf32>
    %swap3A_765 = vector.shape_cast %swap3A_764 : vector<1x8x2048xf32> to vector<8x2048xf32>
    %swap3A_766 = vector.shape_cast %get3A_760 : vector<8x2048xf32> to vector<1x8x2048xf32>
    tpu.vector_store %arg3[%swap3A_761, %swap3A_762, %swap3A_763], %swap3A_766 {strides = array<i32>} : memref<1x1024x2048xf32, #tpu.memory_space<vmem>>, vector<1x8x2048xf32>,
    %mul3A_767 = arith.constant 1024 : i32
    %mul3A_768 = arith.muli %arg1, %mul3A_767 : i32
    %sub3A_769 = arith.constant 1536 : i32
    %sub3A_770 = arith.subi %sub3A_769, %mul3A_768 : i32
    %multiple_of3A_771 = tpu.assume_multiple %sub3A_770, 128 : i32
    %get3A_772 = arith.constant 64 : index
    %get3A_773 = arith.index_cast %multiple_of3A_771 : i32 to index
    %get3A_774 = vector.load %arg4[%get3A_772, %get3A_773] : memref<128x4096xf32, #tpu.memory_space<vmem>>, vector<8x2048xf32>
    %swap3A_775 = arith.constant 0 : index
    %swap3A_776 = arith.constant 440 : index
    %swap3A_777 = arith.constant 0 : index
    %swap3A_778 = vector.load %arg3[%swap3A_775, %swap3A_776, %swap3A_777] : memref<1x1024x2048xf32, #tpu.memory_space<vmem>>, vector<1x8x2048xf32>
    %swap3A_779 = vector.shape_cast %swap3A_778 : vector<1x8x2048xf32> to vector<8x2048xf32>
    %swap3A_780 = vector.shape_cast %get3A_774 : vector<8x2048xf32> to vector<1x8x2048xf32>
    tpu.vector_store %arg3[%swap3A_775, %swap3A_776, %swap3A_777], %swap3A_780 {strides = array<i32>} : memref<1x1024x2048xf32, #tpu.memory_space<vmem>>, vector<1x8x2048xf32>,
    %mul3A_781 = arith.constant 1024 : i32
    %mul3A_782 = arith.muli %arg1, %mul3A_781 : i32
    %sub3A_783 = arith.constant 1536 : i32
    %sub3A_784 = arith.subi %sub3A_783, %mul3A_782 : i32
    %multiple_of3A_785 = tpu.assume_multiple %sub3A_784, 128 : i32
    %get3A_786 = arith.constant 56 : index
    %get3A_787 = arith.index_cast %multiple_of3A_785 : i32 to index
    %get3A_788 = vector.load %arg4[%get3A_786, %get3A_787] : memref<128x4096xf32, #tpu.memory_space<vmem>>, vector<8x2048xf32>
    %swap3A_789 = arith.constant 0 : index
    %swap3A_790 = arith.constant 448 : index
    %swap3A_791 = arith.constant 0 : index
    %swap3A_792 = vector.load %arg3[%swap3A_789, %swap3A_790, %swap3A_791] : memref<1x1024x2048xf32, #tpu.memory_space<vmem>>, vector<1x8x2048xf32>
    %swap3A_793 = vector.shape_cast %swap3A_792 : vector<1x8x2048xf32> to vector<8x2048xf32>
    %swap3A_794 = vector.shape_cast %get3A_788 : vector<8x2048xf32> to vector<1x8x2048xf32>
    tpu.vector_store %arg3[%swap3A_789, %swap3A_790, %swap3A_791], %swap3A_794 {strides = array<i32>} : memref<1x1024x2048xf32, #tpu.memory_space<vmem>>, vector<1x8x2048xf32>,
    %mul3A_795 = arith.constant 1024 : i32
    %mul3A_796 = arith.muli %arg1, %mul3A_795 : i32
    %sub3A_797 = arith.constant 1536 : i32
    %sub3A_798 = arith.subi %sub3A_797, %mul3A_796 : i32
    %multiple_of3A_799 = tpu.assume_multiple %sub3A_798, 128 : i32
    %get3A_800 = arith.constant 48 : index
    %get3A_801 = arith.index_cast %multiple_of3A_799 : i32 to index
    %get3A_802 = vector.load %arg4[%get3A_800, %get3A_801] : memref<128x4096xf32, #tpu.memory_space<vmem>>, vector<8x2048xf32>
    %swap3A_803 = arith.constant 0 : index
    %swap3A_804 = arith.constant 456 : index
    %swap3A_805 = arith.constant 0 : index
    %swap3A_806 = vector.load %arg3[%swap3A_803, %swap3A_804, %swap3A_805] : memref<1x1024x2048xf32, #tpu.memory_space<vmem>>, vector<1x8x2048xf32>
    %swap3A_807 = vector.shape_cast %swap3A_806 : vector<1x8x2048xf32> to vector<8x2048xf32>
    %swap3A_808 = vector.shape_cast %get3A_802 : vector<8x2048xf32> to vector<1x8x2048xf32>
    tpu.vector_store %arg3[%swap3A_803, %swap3A_804, %swap3A_805], %swap3A_808 {strides = array<i32>} : memref<1x1024x2048xf32, #tpu.memory_space<vmem>>, vector<1x8x2048xf32>,
    %mul3A_809 = arith.constant 1024 : i32
    %mul3A_810 = arith.muli %arg1, %mul3A_809 : i32
    %sub3A_811 = arith.constant 1536 : i32
    %sub3A_812 = arith.subi %sub3A_811, %mul3A_810 : i32
    %multiple_of3A_813 = tpu.assume_multiple %sub3A_812, 128 : i32
    %get3A_814 = arith.constant 40 : index
    %get3A_815 = arith.index_cast %multiple_of3A_813 : i32 to index
    %get3A_816 = vector.load %arg4[%get3A_814, %get3A_815] : memref<128x4096xf32, #tpu.memory_space<vmem>>, vector<8x2048xf32>
    %swap3A_817 = arith.constant 0 : index
    %swap3A_818 = arith.constant 464 : index
    %swap3A_819 = arith.constant 0 : index
    %swap3A_820 = vector.load %arg3[%swap3A_817, %swap3A_818, %swap3A_819] : memref<1x1024x2048xf32, #tpu.memory_space<vmem>>, vector<1x8x2048xf32>
    %swap3A_821 = vector.shape_cast %swap3A_820 : vector<1x8x2048xf32> to vector<8x2048xf32>
    %swap3A_822 = vector.shape_cast %get3A_816 : vector<8x2048xf32> to vector<1x8x2048xf32>
    tpu.vector_store %arg3[%swap3A_817, %swap3A_818, %swap3A_819], %swap3A_822 {strides = array<i32>} : memref<1x1024x2048xf32, #tpu.memory_space<vmem>>, vector<1x8x2048xf32>,
    %mul3A_823 = arith.constant 1024 : i32
    %mul3A_824 = arith.muli %arg1, %mul3A_823 : i32
    %sub3A_825 = arith.constant 1536 : i32
    %sub3A_826 = arith.subi %sub3A_825, %mul3A_824 : i32
    %multiple_of3A_827 = tpu.assume_multiple %sub3A_826, 128 : i32
    %get3A_828 = arith.constant 32 : index
    %get3A_829 = arith.index_cast %multiple_of3A_827 : i32 to index
    %get3A_830 = vector.load %arg4[%get3A_828, %get3A_829] : memref<128x4096xf32, #tpu.memory_space<vmem>>, vector<8x2048xf32>
    %swap3A_831 = arith.constant 0 : index
    %swap3A_832 = arith.constant 472 : index
    %swap3A_833 = arith.constant 0 : index
    %swap3A_834 = vector.load %arg3[%swap3A_831, %swap3A_832, %swap3A_833] : memref<1x1024x2048xf32, #tpu.memory_space<vmem>>, vector<1x8x2048xf32>
    %swap3A_835 = vector.shape_cast %swap3A_834 : vector<1x8x2048xf32> to vector<8x2048xf32>
    %swap3A_836 = vector.shape_cast %get3A_830 : vector<8x2048xf32> to vector<1x8x2048xf32>
    tpu.vector_store %arg3[%swap3A_831, %swap3A_832, %swap3A_833], %swap3A_836 {strides = array<i32>} : memref<1x1024x2048xf32, #tpu.memory_space<vmem>>, vector<1x8x2048xf32>,
    %mul3A_837 = arith.constant 1024 : i32
    %mul3A_838 = arith.muli %arg1, %mul3A_837 : i32
    %sub3A_839 = arith.constant 1536 : i32
    %sub3A_840 = arith.subi %sub3A_839, %mul3A_838 : i32
    %multiple_of3A_841 = tpu.assume_multiple %sub3A_840, 128 : i32
    %get3A_842 = arith.constant 24 : index
    %get3A_843 = arith.index_cast %multiple_of3A_841 : i32 to index
    %get3A_844 = vector.load %arg4[%get3A_842, %get3A_843] : memref<128x4096xf32, #tpu.memory_space<vmem>>, vector<8x2048xf32>
    %swap3A_845 = arith.constant 0 : index
    %swap3A_846 = arith.constant 480 : index
    %swap3A_847 = arith.constant 0 : index
    %swap3A_848 = vector.load %arg3[%swap3A_845, %swap3A_846, %swap3A_847] : memref<1x1024x2048xf32, #tpu.memory_space<vmem>>, vector<1x8x2048xf32>
    %swap3A_849 = vector.shape_cast %swap3A_848 : vector<1x8x2048xf32> to vector<8x2048xf32>
    %swap3A_850 = vector.shape_cast %get3A_844 : vector<8x2048xf32> to vector<1x8x2048xf32>
    tpu.vector_store %arg3[%swap3A_845, %swap3A_846, %swap3A_847], %swap3A_850 {strides = array<i32>} : memref<1x1024x2048xf32, #tpu.memory_space<vmem>>, vector<1x8x2048xf32>,
    %mul3A_851 = arith.constant 1024 : i32
    %mul3A_852 = arith.muli %arg1, %mul3A_851 : i32
    %sub3A_853 = arith.constant 1536 : i32
    %sub3A_854 = arith.subi %sub3A_853, %mul3A_852 : i32
    %multiple_of3A_855 = tpu.assume_multiple %sub3A_854, 128 : i32
    %get3A_856 = arith.constant 16 : index
    %get3A_857 = arith.index_cast %multiple_of3A_855 : i32 to index
    %get3A_858 = vector.load %arg4[%get3A_856, %get3A_857] : memref<128x4096xf32, #tpu.memory_space<vmem>>, vector<8x2048xf32>
    %swap3A_859 = arith.constant 0 : index
    %swap3A_860 = arith.constant 488 : index
    %swap3A_861 = arith.constant 0 : index
    %swap3A_862 = vector.load %arg3[%swap3A_859, %swap3A_860, %swap3A_861] : memref<1x1024x2048xf32, #tpu.memory_space<vmem>>, vector<1x8x2048xf32>
    %swap3A_863 = vector.shape_cast %swap3A_862 : vector<1x8x2048xf32> to vector<8x2048xf32>
    %swap3A_864 = vector.shape_cast %get3A_858 : vector<8x2048xf32> to vector<1x8x2048xf32>
    tpu.vector_store %arg3[%swap3A_859, %swap3A_860, %swap3A_861], %swap3A_864 {strides = array<i32>} : memref<1x1024x2048xf32, #tpu.memory_space<vmem>>, vector<1x8x2048xf32>,
    %mul3A_865 = arith.constant 1024 : i32
    %mul3A_866 = arith.muli %arg1, %mul3A_865 : i32
    %sub3A_867 = arith.constant 1536 : i32
    %sub3A_868 = arith.subi %sub3A_867, %mul3A_866 : i32
    %multiple_of3A_869 = tpu.assume_multiple %sub3A_868, 128 : i32
    %get3A_870 = arith.constant 8 : index
    %get3A_871 = arith.index_cast %multiple_of3A_869 : i32 to index
    %get3A_872 = vector.load %arg4[%get3A_870, %get3A_871] : memref<128x4096xf32, #tpu.memory_space<vmem>>, vector<8x2048xf32>
    %swap3A_873 = arith.constant 0 : index
    %swap3A_874 = arith.constant 496 : index
    %swap3A_875 = arith.constant 0 : index
    %swap3A_876 = vector.load %arg3[%swap3A_873, %swap3A_874, %swap3A_875] : memref<1x1024x2048xf32, #tpu.memory_space<vmem>>, vector<1x8x2048xf32>
    %swap3A_877 = vector.shape_cast %swap3A_876 : vector<1x8x2048xf32> to vector<8x2048xf32>
    %swap3A_878 = vector.shape_cast %get3A_872 : vector<8x2048xf32> to vector<1x8x2048xf32>
    tpu.vector_store %arg3[%swap3A_873, %swap3A_874, %swap3A_875], %swap3A_878 {strides = array<i32>} : memref<1x1024x2048xf32, #tpu.memory_space<vmem>>, vector<1x8x2048xf32>,
    %mul3A_879 = arith.constant 1024 : i32
    %mul3A_880 = arith.muli %arg1, %mul3A_879 : i32
    %sub3A_881 = arith.constant 1536 : i32
    %sub3A_882 = arith.subi %sub3A_881, %mul3A_880 : i32
    %multiple_of3A_883 = tpu.assume_multiple %sub3A_882, 128 : i32
    %get3A_884 = arith.constant 0 : index
    %get3A_885 = arith.index_cast %multiple_of3A_883 : i32 to index
    %get3A_886 = vector.load %arg4[%get3A_884, %get3A_885] : memref<128x4096xf32, #tpu.memory_space<vmem>>, vector<8x2048xf32>
    %swap3A_887 = arith.constant 0 : index
    %swap3A_888 = arith.constant 504 : index
    %swap3A_889 = arith.constant 0 : index
    %swap3A_890 = vector.load %arg3[%swap3A_887, %swap3A_888, %swap3A_889] : memref<1x1024x2048xf32, #tpu.memory_space<vmem>>, vector<1x8x2048xf32>
    %swap3A_891 = vector.shape_cast %swap3A_890 : vector<1x8x2048xf32> to vector<8x2048xf32>
    %swap3A_892 = vector.shape_cast %get3A_886 : vector<8x2048xf32> to vector<1x8x2048xf32>
    tpu.vector_store %arg3[%swap3A_887, %swap3A_888, %swap3A_889], %swap3A_892 {strides = array<i32>} : memref<1x1024x2048xf32, #tpu.memory_space<vmem>>, vector<1x8x2048xf32>,
    %mul3A_893 = arith.constant 1024 : i32
    %mul3A_894 = arith.muli %arg1, %mul3A_893 : i32
    %sub3A_895 = arith.constant 1408 : i32
    %sub3A_896 = arith.subi %sub3A_895, %mul3A_894 : i32
    %multiple_of3A_897 = tpu.assume_multiple %sub3A_896, 128 : i32
    %get3A_898 = arith.constant 120 : index
    %get3A_899 = arith.index_cast %multiple_of3A_897 : i32 to index
    %get3A_900 = vector.load %arg4[%get3A_898, %get3A_899] : memref<128x4096xf32, #tpu.memory_space<vmem>>, vector<8x2048xf32>
    %swap3A_901 = arith.constant 0 : index
    %swap3A_902 = arith.constant 512 : index
    %swap3A_903 = arith.constant 0 : index
    %swap3A_904 = vector.load %arg3[%swap3A_901, %swap3A_902, %swap3A_903] : memref<1x1024x2048xf32, #tpu.memory_space<vmem>>, vector<1x8x2048xf32>
    %swap3A_905 = vector.shape_cast %swap3A_904 : vector<1x8x2048xf32> to vector<8x2048xf32>
    %swap3A_906 = vector.shape_cast %get3A_900 : vector<8x2048xf32> to vector<1x8x2048xf32>
    tpu.vector_store %arg3[%swap3A_901, %swap3A_902, %swap3A_903], %swap3A_906 {strides = array<i32>} : memref<1x1024x2048xf32, #tpu.memory_space<vmem>>, vector<1x8x2048xf32>,
    %mul3A_907 = arith.constant 1024 : i32
    %mul3A_908 = arith.muli %arg1, %mul3A_907 : i32
    %sub3A_909 = arith.constant 1408 : i32
    %sub3A_910 = arith.subi %sub3A_909, %mul3A_908 : i32
    %multiple_of3A_911 = tpu.assume_multiple %sub3A_910, 128 : i32
    %get3A_912 = arith.constant 112 : index
    %get3A_913 = arith.index_cast %multiple_of3A_911 : i32 to index
    %get3A_914 = vector.load %arg4[%get3A_912, %get3A_913] : memref<128x4096xf32, #tpu.memory_space<vmem>>, vector<8x2048xf32>
    %swap3A_915 = arith.constant 0 : index
    %swap3A_916 = arith.constant 520 : index
    %swap3A_917 = arith.constant 0 : index
    %swap3A_918 = vector.load %arg3[%swap3A_915, %swap3A_916, %swap3A_917] : memref<1x1024x2048xf32, #tpu.memory_space<vmem>>, vector<1x8x2048xf32>
    %swap3A_919 = vector.shape_cast %swap3A_918 : vector<1x8x2048xf32> to vector<8x2048xf32>
    %swap3A_920 = vector.shape_cast %get3A_914 : vector<8x2048xf32> to vector<1x8x2048xf32>
    tpu.vector_store %arg3[%swap3A_915, %swap3A_916, %swap3A_917], %swap3A_920 {strides = array<i32>} : memref<1x1024x2048xf32, #tpu.memory_space<vmem>>, vector<1x8x2048xf32>,
    %mul3A_921 = arith.constant 1024 : i32
    %mul3A_922 = arith.muli %arg1, %mul3A_921 : i32
    %sub3A_923 = arith.constant 1408 : i32
    %sub3A_924 = arith.subi %sub3A_923, %mul3A_922 : i32
    %multiple_of3A_925 = tpu.assume_multiple %sub3A_924, 128 : i32
    %get3A_926 = arith.constant 104 : index
    %get3A_927 = arith.index_cast %multiple_of3A_925 : i32 to index
    %get3A_928 = vector.load %arg4[%get3A_926, %get3A_927] : memref<128x4096xf32, #tpu.memory_space<vmem>>, vector<8x2048xf32>
    %swap3A_929 = arith.constant 0 : index
    %swap3A_930 = arith.constant 528 : index
    %swap3A_931 = arith.constant 0 : index
    %swap3A_932 = vector.load %arg3[%swap3A_929, %swap3A_930, %swap3A_931] : memref<1x1024x2048xf32, #tpu.memory_space<vmem>>, vector<1x8x2048xf32>
    %swap3A_933 = vector.shape_cast %swap3A_932 : vector<1x8x2048xf32> to vector<8x2048xf32>
    %swap3A_934 = vector.shape_cast %get3A_928 : vector<8x2048xf32> to vector<1x8x2048xf32>
    tpu.vector_store %arg3[%swap3A_929, %swap3A_930, %swap3A_931], %swap3A_934 {strides = array<i32>} : memref<1x1024x2048xf32, #tpu.memory_space<vmem>>, vector<1x8x2048xf32>,
    %mul3A_935 = arith.constant 1024 : i32
    %mul3A_936 = arith.muli %arg1, %mul3A_935 : i32
    %sub3A_937 = arith.constant 1408 : i32
    %sub3A_938 = arith.subi %sub3A_937, %mul3A_936 : i32
    %multiple_of3A_939 = tpu.assume_multiple %sub3A_938, 128 : i32
    %get3A_940 = arith.constant 96 : index
    %get3A_941 = arith.index_cast %multiple_of3A_939 : i32 to index
    %get3A_942 = vector.load %arg4[%get3A_940, %get3A_941] : memref<128x4096xf32, #tpu.memory_space<vmem>>, vector<8x2048xf32>
    %swap3A_943 = arith.constant 0 : index
    %swap3A_944 = arith.constant 536 : index
    %swap3A_945 = arith.constant 0 : index
    %swap3A_946 = vector.load %arg3[%swap3A_943, %swap3A_944, %swap3A_945] : memref<1x1024x2048xf32, #tpu.memory_space<vmem>>, vector<1x8x2048xf32>
    %swap3A_947 = vector.shape_cast %swap3A_946 : vector<1x8x2048xf32> to vector<8x2048xf32>
    %swap3A_948 = vector.shape_cast %get3A_942 : vector<8x2048xf32> to vector<1x8x2048xf32>
    tpu.vector_store %arg3[%swap3A_943, %swap3A_944, %swap3A_945], %swap3A_948 {strides = array<i32>} : memref<1x1024x2048xf32, #tpu.memory_space<vmem>>, vector<1x8x2048xf32>,
    %mul3A_949 = arith.constant 1024 : i32
    %mul3A_950 = arith.muli %arg1, %mul3A_949 : i32
    %sub3A_951 = arith.constant 1408 : i32
    %sub3A_952 = arith.subi %sub3A_951, %mul3A_950 : i32
    %multiple_of3A_953 = tpu.assume_multiple %sub3A_952, 128 : i32
    %get3A_954 = arith.constant 88 : index
    %get3A_955 = arith.index_cast %multiple_of3A_953 : i32 to index
    %get3A_956 = vector.load %arg4[%get3A_954, %get3A_955] : memref<128x4096xf32, #tpu.memory_space<vmem>>, vector<8x2048xf32>
    %swap3A_957 = arith.constant 0 : index
    %swap3A_958 = arith.constant 544 : index
    %swap3A_959 = arith.constant 0 : index
    %swap3A_960 = vector.load %arg3[%swap3A_957, %swap3A_958, %swap3A_959] : memref<1x1024x2048xf32, #tpu.memory_space<vmem>>, vector<1x8x2048xf32>
    %swap3A_961 = vector.shape_cast %swap3A_960 : vector<1x8x2048xf32> to vector<8x2048xf32>
    %swap3A_962 = vector.shape_cast %get3A_956 : vector<8x2048xf32> to vector<1x8x2048xf32>
    tpu.vector_store %arg3[%swap3A_957, %swap3A_958, %swap3A_959], %swap3A_962 {strides = array<i32>} : memref<1x1024x2048xf32, #tpu.memory_space<vmem>>, vector<1x8x2048xf32>,
    %mul3A_963 = arith.constant 1024 : i32
    %mul3A_964 = arith.muli %arg1, %mul3A_963 : i32
    %sub3A_965 = arith.constant 1408 : i32
    %sub3A_966 = arith.subi %sub3A_965, %mul3A_964 : i32
    %multiple_of3A_967 = tpu.assume_multiple %sub3A_966, 128 : i32
    %get3A_968 = arith.constant 80 : index
    %get3A_969 = arith.index_cast %multiple_of3A_967 : i32 to index
    %get3A_970 = vector.load %arg4[%get3A_968, %get3A_969] : memref<128x4096xf32, #tpu.memory_space<vmem>>, vector<8x2048xf32>
    %swap3A_971 = arith.constant 0 : index
    %swap3A_972 = arith.constant 552 : index
    %swap3A_973 = arith.constant 0 : index
    %swap3A_974 = vector.load %arg3[%swap3A_971, %swap3A_972, %swap3A_973] : memref<1x1024x2048xf32, #tpu.memory_space<vmem>>, vector<1x8x2048xf32>
    %swap3A_975 = vector.shape_cast %swap3A_974 : vector<1x8x2048xf32> to vector<8x2048xf32>
    %swap3A_976 = vector.shape_cast %get3A_970 : vector<8x2048xf32> to vector<1x8x2048xf32>
    tpu.vector_store %arg3[%swap3A_971, %swap3A_972, %swap3A_973], %swap3A_976 {strides = array<i32>} : memref<1x1024x2048xf32, #tpu.memory_space<vmem>>, vector<1x8x2048xf32>,
    %mul3A_977 = arith.constant 1024 : i32
    %mul3A_978 = arith.muli %arg1, %mul3A_977 : i32
    %sub3A_979 = arith.constant 1408 : i32
    %sub3A_980 = arith.subi %sub3A_979, %mul3A_978 : i32
    %multiple_of3A_981 = tpu.assume_multiple %sub3A_980, 128 : i32
    %get3A_982 = arith.constant 72 : index
    %get3A_983 = arith.index_cast %multiple_of3A_981 : i32 to index
    %get3A_984 = vector.load %arg4[%get3A_982, %get3A_983] : memref<128x4096xf32, #tpu.memory_space<vmem>>, vector<8x2048xf32>
    %swap3A_985 = arith.constant 0 : index
    %swap3A_986 = arith.constant 560 : index
    %swap3A_987 = arith.constant 0 : index
    %swap3A_988 = vector.load %arg3[%swap3A_985, %swap3A_986, %swap3A_987] : memref<1x1024x2048xf32, #tpu.memory_space<vmem>>, vector<1x8x2048xf32>
    %swap3A_989 = vector.shape_cast %swap3A_988 : vector<1x8x2048xf32> to vector<8x2048xf32>
    %swap3A_990 = vector.shape_cast %get3A_984 : vector<8x2048xf32> to vector<1x8x2048xf32>
    tpu.vector_store %arg3[%swap3A_985, %swap3A_986, %swap3A_987], %swap3A_990 {strides = array<i32>} : memref<1x1024x2048xf32, #tpu.memory_space<vmem>>, vector<1x8x2048xf32>,
    %mul3A_991 = arith.constant 1024 : i32
    %mul3A_992 = arith.muli %arg1, %mul3A_991 : i32
    %sub3A_993 = arith.constant 1408 : i32
    %sub3A_994 = arith.subi %sub3A_993, %mul3A_992 : i32
    %multiple_of3A_995 = tpu.assume_multiple %sub3A_994, 128 : i32
    %get3A_996 = arith.constant 64 : index
    %get3A_997 = arith.index_cast %multiple_of3A_995 : i32 to index
    %get3A_998 = vector.load %arg4[%get3A_996, %get3A_997] : memref<128x4096xf32, #tpu.memory_space<vmem>>, vector<8x2048xf32>
    %swap3A_999 = arith.constant 0 : index
    %swap3A_1000 = arith.constant 568 : index
    %swap3A_1001 = arith.constant 0 : index
    %swap3A_1002 = vector.load %arg3[%swap3A_999, %swap3A_1000, %swap3A_1001] : memref<1x1024x2048xf32, #tpu.memory_space<vmem>>, vector<1x8x2048xf32>
    %swap3A_1003 = vector.shape_cast %swap3A_1002 : vector<1x8x2048xf32> to vector<8x2048xf32>
    %swap3A_1004 = vector.shape_cast %get3A_998 : vector<8x2048xf32> to vector<1x8x2048xf32>
    tpu.vector_store %arg3[%swap3A_999, %swap3A_1000, %swap3A_1001], %swap3A_1004 {strides = array<i32>} : memref<1x1024x2048xf32, #tpu.memory_space<vmem>>, vector<1x8x2048xf32>,
    %mul3A_1005 = arith.constant 1024 : i32
    %mul3A_1006 = arith.muli %arg1, %mul3A_1005 : i32
    %sub3A_1007 = arith.constant 1408 : i32
    %sub3A_1008 = arith.subi %sub3A_1007, %mul3A_1006 : i32
    %multiple_of3A_1009 = tpu.assume_multiple %sub3A_1008, 128 : i32
    %get3A_1010 = arith.constant 56 : index
    %get3A_1011 = arith.index_cast %multiple_of3A_1009 : i32 to index
    %get3A_1012 = vector.load %arg4[%get3A_1010, %get3A_1011] : memref<128x4096xf32, #tpu.memory_space<vmem>>, vector<8x2048xf32>
    %swap3A_1013 = arith.constant 0 : index
    %swap3A_1014 = arith.constant 576 : index
    %swap3A_1015 = arith.constant 0 : index
    %swap3A_1016 = vector.load %arg3[%swap3A_1013, %swap3A_1014, %swap3A_1015] : memref<1x1024x2048xf32, #tpu.memory_space<vmem>>, vector<1x8x2048xf32>
    %swap3A_1017 = vector.shape_cast %swap3A_1016 : vector<1x8x2048xf32> to vector<8x2048xf32>
    %swap3A_1018 = vector.shape_cast %get3A_1012 : vector<8x2048xf32> to vector<1x8x2048xf32>
    tpu.vector_store %arg3[%swap3A_1013, %swap3A_1014, %swap3A_1015], %swap3A_1018 {strides = array<i32>} : memref<1x1024x2048xf32, #tpu.memory_space<vmem>>, vector<1x8x2048xf32>,
    %mul3A_1019 = arith.constant 1024 : i32
    %mul3A_1020 = arith.muli %arg1, %mul3A_1019 : i32
    %sub3A_1021 = arith.constant 1408 : i32
    %sub3A_1022 = arith.subi %sub3A_1021, %mul3A_1020 : i32
    %multiple_of3A_1023 = tpu.assume_multiple %sub3A_1022, 128 : i32
    %get3A_1024 = arith.constant 48 : index
    %get3A_1025 = arith.index_cast %multiple_of3A_1023 : i32 to index
    %get3A_1026 = vector.load %arg4[%get3A_1024, %get3A_1025] : memref<128x4096xf32, #tpu.memory_space<vmem>>, vector<8x2048xf32>
    %swap3A_1027 = arith.constant 0 : index
    %swap3A_1028 = arith.constant 584 : index
    %swap3A_1029 = arith.constant 0 : index
    %swap3A_1030 = vector.load %arg3[%swap3A_1027, %swap3A_1028, %swap3A_1029] : memref<1x1024x2048xf32, #tpu.memory_space<vmem>>, vector<1x8x2048xf32>
    %swap3A_1031 = vector.shape_cast %swap3A_1030 : vector<1x8x2048xf32> to vector<8x2048xf32>
    %swap3A_1032 = vector.shape_cast %get3A_1026 : vector<8x2048xf32> to vector<1x8x2048xf32>
    tpu.vector_store %arg3[%swap3A_1027, %swap3A_1028, %swap3A_1029], %swap3A_1032 {strides = array<i32>} : memref<1x1024x2048xf32, #tpu.memory_space<vmem>>, vector<1x8x2048xf32>,
    %mul3A_1033 = arith.constant 1024 : i32
    %mul3A_1034 = arith.muli %arg1, %mul3A_1033 : i32
    %sub3A_1035 = arith.constant 1408 : i32
    %sub3A_1036 = arith.subi %sub3A_1035, %mul3A_1034 : i32
    %multiple_of3A_1037 = tpu.assume_multiple %sub3A_1036, 128 : i32
    %get3A_1038 = arith.constant 40 : index
    %get3A_1039 = arith.index_cast %multiple_of3A_1037 : i32 to index
    %get3A_1040 = vector.load %arg4[%get3A_1038, %get3A_1039] : memref<128x4096xf32, #tpu.memory_space<vmem>>, vector<8x2048xf32>
    %swap3A_1041 = arith.constant 0 : index
    %swap3A_1042 = arith.constant 592 : index
    %swap3A_1043 = arith.constant 0 : index
    %swap3A_1044 = vector.load %arg3[%swap3A_1041, %swap3A_1042, %swap3A_1043] : memref<1x1024x2048xf32, #tpu.memory_space<vmem>>, vector<1x8x2048xf32>
    %swap3A_1045 = vector.shape_cast %swap3A_1044 : vector<1x8x2048xf32> to vector<8x2048xf32>
    %swap3A_1046 = vector.shape_cast %get3A_1040 : vector<8x2048xf32> to vector<1x8x2048xf32>
    tpu.vector_store %arg3[%swap3A_1041, %swap3A_1042, %swap3A_1043], %swap3A_1046 {strides = array<i32>} : memref<1x1024x2048xf32, #tpu.memory_space<vmem>>, vector<1x8x2048xf32>,
    %mul3A_1047 = arith.constant 1024 : i32
    %mul3A_1048 = arith.muli %arg1, %mul3A_1047 : i32
    %sub3A_1049 = arith.constant 1408 : i32
    %sub3A_1050 = arith.subi %sub3A_1049, %mul3A_1048 : i32
    %multiple_of3A_1051 = tpu.assume_multiple %sub3A_1050, 128 : i32
    %get3A_1052 = arith.constant 32 : index
    %get3A_1053 = arith.index_cast %multiple_of3A_1051 : i32 to index
    %get3A_1054 = vector.load %arg4[%get3A_1052, %get3A_1053] : memref<128x4096xf32, #tpu.memory_space<vmem>>, vector<8x2048xf32>
    %swap3A_1055 = arith.constant 0 : index
    %swap3A_1056 = arith.constant 600 : index
    %swap3A_1057 = arith.constant 0 : index
    %swap3A_1058 = vector.load %arg3[%swap3A_1055, %swap3A_1056, %swap3A_1057] : memref<1x1024x2048xf32, #tpu.memory_space<vmem>>, vector<1x8x2048xf32>
    %swap3A_1059 = vector.shape_cast %swap3A_1058 : vector<1x8x2048xf32> to vector<8x2048xf32>
    %swap3A_1060 = vector.shape_cast %get3A_1054 : vector<8x2048xf32> to vector<1x8x2048xf32>
    tpu.vector_store %arg3[%swap3A_1055, %swap3A_1056, %swap3A_1057], %swap3A_1060 {strides = array<i32>} : memref<1x1024x2048xf32, #tpu.memory_space<vmem>>, vector<1x8x2048xf32>,
    %mul3A_1061 = arith.constant 1024 : i32
    %mul3A_1062 = arith.muli %arg1, %mul3A_1061 : i32
    %sub3A_1063 = arith.constant 1408 : i32
    %sub3A_1064 = arith.subi %sub3A_1063, %mul3A_1062 : i32
    %multiple_of3A_1065 = tpu.assume_multiple %sub3A_1064, 128 : i32
    %get3A_1066 = arith.constant 24 : index
    %get3A_1067 = arith.index_cast %multiple_of3A_1065 : i32 to index
    %get3A_1068 = vector.load %arg4[%get3A_1066, %get3A_1067] : memref<128x4096xf32, #tpu.memory_space<vmem>>, vector<8x2048xf32>
    %swap3A_1069 = arith.constant 0 : index
    %swap3A_1070 = arith.constant 608 : index
    %swap3A_1071 = arith.constant 0 : index
    %swap3A_1072 = vector.load %arg3[%swap3A_1069, %swap3A_1070, %swap3A_1071] : memref<1x1024x2048xf32, #tpu.memory_space<vmem>>, vector<1x8x2048xf32>
    %swap3A_1073 = vector.shape_cast %swap3A_1072 : vector<1x8x2048xf32> to vector<8x2048xf32>
    %swap3A_1074 = vector.shape_cast %get3A_1068 : vector<8x2048xf32> to vector<1x8x2048xf32>
    tpu.vector_store %arg3[%swap3A_1069, %swap3A_1070, %swap3A_1071], %swap3A_1074 {strides = array<i32>} : memref<1x1024x2048xf32, #tpu.memory_space<vmem>>, vector<1x8x2048xf32>,
    %mul3A_1075 = arith.constant 1024 : i32
    %mul3A_1076 = arith.muli %arg1, %mul3A_1075 : i32
    %sub3A_1077 = arith.constant 1408 : i32
    %sub3A_1078 = arith.subi %sub3A_1077, %mul3A_1076 : i32
    %multiple_of3A_1079 = tpu.assume_multiple %sub3A_1078, 128 : i32
    %get3A_1080 = arith.constant 16 : index
    %get3A_1081 = arith.index_cast %multiple_of3A_1079 : i32 to index
    %get3A_1082 = vector.load %arg4[%get3A_1080, %get3A_1081] : memref<128x4096xf32, #tpu.memory_space<vmem>>, vector<8x2048xf32>
    %swap3A_1083 = arith.constant 0 : index
    %swap3A_1084 = arith.constant 616 : index
    %swap3A_1085 = arith.constant 0 : index
    %swap3A_1086 = vector.load %arg3[%swap3A_1083, %swap3A_1084, %swap3A_1085] : memref<1x1024x2048xf32, #tpu.memory_space<vmem>>, vector<1x8x2048xf32>
    %swap3A_1087 = vector.shape_cast %swap3A_1086 : vector<1x8x2048xf32> to vector<8x2048xf32>
    %swap3A_1088 = vector.shape_cast %get3A_1082 : vector<8x2048xf32> to vector<1x8x2048xf32>
    tpu.vector_store %arg3[%swap3A_1083, %swap3A_1084, %swap3A_1085], %swap3A_1088 {strides = array<i32>} : memref<1x1024x2048xf32, #tpu.memory_space<vmem>>, vector<1x8x2048xf32>,
    %mul3A_1089 = arith.constant 1024 : i32
    %mul3A_1090 = arith.muli %arg1, %mul3A_1089 : i32
    %sub3A_1091 = arith.constant 1408 : i32
    %sub3A_1092 = arith.subi %sub3A_1091, %mul3A_1090 : i32
    %multiple_of3A_1093 = tpu.assume_multiple %sub3A_1092, 128 : i32
    %get3A_1094 = arith.constant 8 : index
    %get3A_1095 = arith.index_cast %multiple_of3A_1093 : i32 to index
    %get3A_1096 = vector.load %arg4[%get3A_1094, %get3A_1095] : memref<128x4096xf32, #tpu.memory_space<vmem>>, vector<8x2048xf32>
    %swap3A_1097 = arith.constant 0 : index
    %swap3A_1098 = arith.constant 624 : index
    %swap3A_1099 = arith.constant 0 : index
    %swap3A_1100 = vector.load %arg3[%swap3A_1097, %swap3A_1098, %swap3A_1099] : memref<1x1024x2048xf32, #tpu.memory_space<vmem>>, vector<1x8x2048xf32>
    %swap3A_1101 = vector.shape_cast %swap3A_1100 : vector<1x8x2048xf32> to vector<8x2048xf32>
    %swap3A_1102 = vector.shape_cast %get3A_1096 : vector<8x2048xf32> to vector<1x8x2048xf32>
    tpu.vector_store %arg3[%swap3A_1097, %swap3A_1098, %swap3A_1099], %swap3A_1102 {strides = array<i32>} : memref<1x1024x2048xf32, #tpu.memory_space<vmem>>, vector<1x8x2048xf32>,
    %mul3A_1103 = arith.constant 1024 : i32
    %mul3A_1104 = arith.muli %arg1, %mul3A_1103 : i32
    %sub3A_1105 = arith.constant 1408 : i32
    %sub3A_1106 = arith.subi %sub3A_1105, %mul3A_1104 : i32
    %multiple_of3A_1107 = tpu.assume_multiple %sub3A_1106, 128 : i32
    %get3A_1108 = arith.constant 0 : index
    %get3A_1109 = arith.index_cast %multiple_of3A_1107 : i32 to index
    %get3A_1110 = vector.load %arg4[%get3A_1108, %get3A_1109] : memref<128x4096xf32, #tpu.memory_space<vmem>>, vector<8x2048xf32>
    %swap3A_1111 = arith.constant 0 : index
    %swap3A_1112 = arith.constant 632 : index
    %swap3A_1113 = arith.constant 0 : index
    %swap3A_1114 = vector.load %arg3[%swap3A_1111, %swap3A_1112, %swap3A_1113] : memref<1x1024x2048xf32, #tpu.memory_space<vmem>>, vector<1x8x2048xf32>
    %swap3A_1115 = vector.shape_cast %swap3A_1114 : vector<1x8x2048xf32> to vector<8x2048xf32>
    %swap3A_1116 = vector.shape_cast %get3A_1110 : vector<8x2048xf32> to vector<1x8x2048xf32>
    tpu.vector_store %arg3[%swap3A_1111, %swap3A_1112, %swap3A_1113], %swap3A_1116 {strides = array<i32>} : memref<1x1024x2048xf32, #tpu.memory_space<vmem>>, vector<1x8x2048xf32>,
    %mul3A_1117 = arith.constant 1024 : i32
    %mul3A_1118 = arith.muli %arg1, %mul3A_1117 : i32
    %sub3A_1119 = arith.constant 1280 : i32
    %sub3A_1120 = arith.subi %sub3A_1119, %mul3A_1118 : i32
    %multiple_of3A_1121 = tpu.assume_multiple %sub3A_1120, 128 : i32
    %get3A_1122 = arith.constant 120 : index
    %get3A_1123 = arith.index_cast %multiple_of3A_1121 : i32 to index
    %get3A_1124 = vector.load %arg4[%get3A_1122, %get3A_1123] : memref<128x4096xf32, #tpu.memory_space<vmem>>, vector<8x2048xf32>
    %swap3A_1125 = arith.constant 0 : index
    %swap3A_1126 = arith.constant 640 : index
    %swap3A_1127 = arith.constant 0 : index
    %swap3A_1128 = vector.load %arg3[%swap3A_1125, %swap3A_1126, %swap3A_1127] : memref<1x1024x2048xf32, #tpu.memory_space<vmem>>, vector<1x8x2048xf32>
    %swap3A_1129 = vector.shape_cast %swap3A_1128 : vector<1x8x2048xf32> to vector<8x2048xf32>
    %swap3A_1130 = vector.shape_cast %get3A_1124 : vector<8x2048xf32> to vector<1x8x2048xf32>
    tpu.vector_store %arg3[%swap3A_1125, %swap3A_1126, %swap3A_1127], %swap3A_1130 {strides = array<i32>} : memref<1x1024x2048xf32, #tpu.memory_space<vmem>>, vector<1x8x2048xf32>,
    %mul3A_1131 = arith.constant 1024 : i32
    %mul3A_1132 = arith.muli %arg1, %mul3A_1131 : i32
    %sub3A_1133 = arith.constant 1280 : i32
    %sub3A_1134 = arith.subi %sub3A_1133, %mul3A_1132 : i32
    %multiple_of3A_1135 = tpu.assume_multiple %sub3A_1134, 128 : i32
    %get3A_1136 = arith.constant 112 : index
    %get3A_1137 = arith.index_cast %multiple_of3A_1135 : i32 to index
    %get3A_1138 = vector.load %arg4[%get3A_1136, %get3A_1137] : memref<128x4096xf32, #tpu.memory_space<vmem>>, vector<8x2048xf32>
    %swap3A_1139 = arith.constant 0 : index
    %swap3A_1140 = arith.constant 648 : index
    %swap3A_1141 = arith.constant 0 : index
    %swap3A_1142 = vector.load %arg3[%swap3A_1139, %swap3A_1140, %swap3A_1141] : memref<1x1024x2048xf32, #tpu.memory_space<vmem>>, vector<1x8x2048xf32>
    %swap3A_1143 = vector.shape_cast %swap3A_1142 : vector<1x8x2048xf32> to vector<8x2048xf32>
    %swap3A_1144 = vector.shape_cast %get3A_1138 : vector<8x2048xf32> to vector<1x8x2048xf32>
    tpu.vector_store %arg3[%swap3A_1139, %swap3A_1140, %swap3A_1141], %swap3A_1144 {strides = array<i32>} : memref<1x1024x2048xf32, #tpu.memory_space<vmem>>, vector<1x8x2048xf32>,
    %mul3A_1145 = arith.constant 1024 : i32
    %mul3A_1146 = arith.muli %arg1, %mul3A_1145 : i32
    %sub3A_1147 = arith.constant 1280 : i32
    %sub3A_1148 = arith.subi %sub3A_1147, %mul3A_1146 : i32
    %multiple_of3A_1149 = tpu.assume_multiple %sub3A_1148, 128 : i32
    %get3A_1150 = arith.constant 104 : index
    %get3A_1151 = arith.index_cast %multiple_of3A_1149 : i32 to index
    %get3A_1152 = vector.load %arg4[%get3A_1150, %get3A_1151] : memref<128x4096xf32, #tpu.memory_space<vmem>>, vector<8x2048xf32>
    %swap3A_1153 = arith.constant 0 : index
    %swap3A_1154 = arith.constant 656 : index
    %swap3A_1155 = arith.constant 0 : index
    %swap3A_1156 = vector.load %arg3[%swap3A_1153, %swap3A_1154, %swap3A_1155] : memref<1x1024x2048xf32, #tpu.memory_space<vmem>>, vector<1x8x2048xf32>
    %swap3A_1157 = vector.shape_cast %swap3A_1156 : vector<1x8x2048xf32> to vector<8x2048xf32>
    %swap3A_1158 = vector.shape_cast %get3A_1152 : vector<8x2048xf32> to vector<1x8x2048xf32>
    tpu.vector_store %arg3[%swap3A_1153, %swap3A_1154, %swap3A_1155], %swap3A_1158 {strides = array<i32>} : memref<1x1024x2048xf32, #tpu.memory_space<vmem>>, vector<1x8x2048xf32>,
    %mul3A_1159 = arith.constant 1024 : i32
    %mul3A_1160 = arith.muli %arg1, %mul3A_1159 : i32
    %sub3A_1161 = arith.constant 1280 : i32
    %sub3A_1162 = arith.subi %sub3A_1161, %mul3A_1160 : i32
    %multiple_of3A_1163 = tpu.assume_multiple %sub3A_1162, 128 : i32
    %get3A_1164 = arith.constant 96 : index
    %get3A_1165 = arith.index_cast %multiple_of3A_1163 : i32 to index
    %get3A_1166 = vector.load %arg4[%get3A_1164, %get3A_1165] : memref<128x4096xf32, #tpu.memory_space<vmem>>, vector<8x2048xf32>
    %swap3A_1167 = arith.constant 0 : index
    %swap3A_1168 = arith.constant 664 : index
    %swap3A_1169 = arith.constant 0 : index
    %swap3A_1170 = vector.load %arg3[%swap3A_1167, %swap3A_1168, %swap3A_1169] : memref<1x1024x2048xf32, #tpu.memory_space<vmem>>, vector<1x8x2048xf32>
    %swap3A_1171 = vector.shape_cast %swap3A_1170 : vector<1x8x2048xf32> to vector<8x2048xf32>
    %swap3A_1172 = vector.shape_cast %get3A_1166 : vector<8x2048xf32> to vector<1x8x2048xf32>
    tpu.vector_store %arg3[%swap3A_1167, %swap3A_1168, %swap3A_1169], %swap3A_1172 {strides = array<i32>} : memref<1x1024x2048xf32, #tpu.memory_space<vmem>>, vector<1x8x2048xf32>,
    %mul3A_1173 = arith.constant 1024 : i32
    %mul3A_1174 = arith.muli %arg1, %mul3A_1173 : i32
    %sub3A_1175 = arith.constant 1280 : i32
    %sub3A_1176 = arith.subi %sub3A_1175, %mul3A_1174 : i32
    %multiple_of3A_1177 = tpu.assume_multiple %sub3A_1176, 128 : i32
    %get3A_1178 = arith.constant 88 : index
    %get3A_1179 = arith.index_cast %multiple_of3A_1177 : i32 to index
    %get3A_1180 = vector.load %arg4[%get3A_1178, %get3A_1179] : memref<128x4096xf32, #tpu.memory_space<vmem>>, vector<8x2048xf32>
    %swap3A_1181 = arith.constant 0 : index
    %swap3A_1182 = arith.constant 672 : index
    %swap3A_1183 = arith.constant 0 : index
    %swap3A_1184 = vector.load %arg3[%swap3A_1181, %swap3A_1182, %swap3A_1183] : memref<1x1024x2048xf32, #tpu.memory_space<vmem>>, vector<1x8x2048xf32>
    %swap3A_1185 = vector.shape_cast %swap3A_1184 : vector<1x8x2048xf32> to vector<8x2048xf32>
    %swap3A_1186 = vector.shape_cast %get3A_1180 : vector<8x2048xf32> to vector<1x8x2048xf32>
    tpu.vector_store %arg3[%swap3A_1181, %swap3A_1182, %swap3A_1183], %swap3A_1186 {strides = array<i32>} : memref<1x1024x2048xf32, #tpu.memory_space<vmem>>, vector<1x8x2048xf32>,
    %mul3A_1187 = arith.constant 1024 : i32
    %mul3A_1188 = arith.muli %arg1, %mul3A_1187 : i32
    %sub3A_1189 = arith.constant 1280 : i32
    %sub3A_1190 = arith.subi %sub3A_1189, %mul3A_1188 : i32
    %multiple_of3A_1191 = tpu.assume_multiple %sub3A_1190, 128 : i32
    %get3A_1192 = arith.constant 80 : index
    %get3A_1193 = arith.index_cast %multiple_of3A_1191 : i32 to index
    %get3A_1194 = vector.load %arg4[%get3A_1192, %get3A_1193] : memref<128x4096xf32, #tpu.memory_space<vmem>>, vector<8x2048xf32>
    %swap3A_1195 = arith.constant 0 : index
    %swap3A_1196 = arith.constant 680 : index
    %swap3A_1197 = arith.constant 0 : index
    %swap3A_1198 = vector.load %arg3[%swap3A_1195, %swap3A_1196, %swap3A_1197] : memref<1x1024x2048xf32, #tpu.memory_space<vmem>>, vector<1x8x2048xf32>
    %swap3A_1199 = vector.shape_cast %swap3A_1198 : vector<1x8x2048xf32> to vector<8x2048xf32>
    %swap3A_1200 = vector.shape_cast %get3A_1194 : vector<8x2048xf32> to vector<1x8x2048xf32>
    tpu.vector_store %arg3[%swap3A_1195, %swap3A_1196, %swap3A_1197], %swap3A_1200 {strides = array<i32>} : memref<1x1024x2048xf32, #tpu.memory_space<vmem>>, vector<1x8x2048xf32>,
    %mul3A_1201 = arith.constant 1024 : i32
    %mul3A_1202 = arith.muli %arg1, %mul3A_1201 : i32
    %sub3A_1203 = arith.constant 1280 : i32
    %sub3A_1204 = arith.subi %sub3A_1203, %mul3A_1202 : i32
    %multiple_of3A_1205 = tpu.assume_multiple %sub3A_1204, 128 : i32
    %get3A_1206 = arith.constant 72 : index
    %get3A_1207 = arith.index_cast %multiple_of3A_1205 : i32 to index
    %get3A_1208 = vector.load %arg4[%get3A_1206, %get3A_1207] : memref<128x4096xf32, #tpu.memory_space<vmem>>, vector<8x2048xf32>
    %swap3A_1209 = arith.constant 0 : index
    %swap3A_1210 = arith.constant 688 : index
    %swap3A_1211 = arith.constant 0 : index
    %swap3A_1212 = vector.load %arg3[%swap3A_1209, %swap3A_1210, %swap3A_1211] : memref<1x1024x2048xf32, #tpu.memory_space<vmem>>, vector<1x8x2048xf32>
    %swap3A_1213 = vector.shape_cast %swap3A_1212 : vector<1x8x2048xf32> to vector<8x2048xf32>
    %swap3A_1214 = vector.shape_cast %get3A_1208 : vector<8x2048xf32> to vector<1x8x2048xf32>
    tpu.vector_store %arg3[%swap3A_1209, %swap3A_1210, %swap3A_1211], %swap3A_1214 {strides = array<i32>} : memref<1x1024x2048xf32, #tpu.memory_space<vmem>>, vector<1x8x2048xf32>,
    %mul3A_1215 = arith.constant 1024 : i32
    %mul3A_1216 = arith.muli %arg1, %mul3A_1215 : i32
    %sub3A_1217 = arith.constant 1280 : i32
    %sub3A_1218 = arith.subi %sub3A_1217, %mul3A_1216 : i32
    %multiple_of3A_1219 = tpu.assume_multiple %sub3A_1218, 128 : i32
    %get3A_1220 = arith.constant 64 : index
    %get3A_1221 = arith.index_cast %multiple_of3A_1219 : i32 to index
    %get3A_1222 = vector.load %arg4[%get3A_1220, %get3A_1221] : memref<128x4096xf32, #tpu.memory_space<vmem>>, vector<8x2048xf32>
    %swap3A_1223 = arith.constant 0 : index
    %swap3A_1224 = arith.constant 696 : index
    %swap3A_1225 = arith.constant 0 : index
    %swap3A_1226 = vector.load %arg3[%swap3A_1223, %swap3A_1224, %swap3A_1225] : memref<1x1024x2048xf32, #tpu.memory_space<vmem>>, vector<1x8x2048xf32>
    %swap3A_1227 = vector.shape_cast %swap3A_1226 : vector<1x8x2048xf32> to vector<8x2048xf32>
    %swap3A_1228 = vector.shape_cast %get3A_1222 : vector<8x2048xf32> to vector<1x8x2048xf32>
    tpu.vector_store %arg3[%swap3A_1223, %swap3A_1224, %swap3A_1225], %swap3A_1228 {strides = array<i32>} : memref<1x1024x2048xf32, #tpu.memory_space<vmem>>, vector<1x8x2048xf32>,
    %mul3A_1229 = arith.constant 1024 : i32
    %mul3A_1230 = arith.muli %arg1, %mul3A_1229 : i32
    %sub3A_1231 = arith.constant 1280 : i32
    %sub3A_1232 = arith.subi %sub3A_1231, %mul3A_1230 : i32
    %multiple_of3A_1233 = tpu.assume_multiple %sub3A_1232, 128 : i32
    %get3A_1234 = arith.constant 56 : index
    %get3A_1235 = arith.index_cast %multiple_of3A_1233 : i32 to index
    %get3A_1236 = vector.load %arg4[%get3A_1234, %get3A_1235] : memref<128x4096xf32, #tpu.memory_space<vmem>>, vector<8x2048xf32>
    %swap3A_1237 = arith.constant 0 : index
    %swap3A_1238 = arith.constant 704 : index
    %swap3A_1239 = arith.constant 0 : index
    %swap3A_1240 = vector.load %arg3[%swap3A_1237, %swap3A_1238, %swap3A_1239] : memref<1x1024x2048xf32, #tpu.memory_space<vmem>>, vector<1x8x2048xf32>
    %swap3A_1241 = vector.shape_cast %swap3A_1240 : vector<1x8x2048xf32> to vector<8x2048xf32>
    %swap3A_1242 = vector.shape_cast %get3A_1236 : vector<8x2048xf32> to vector<1x8x2048xf32>
    tpu.vector_store %arg3[%swap3A_1237, %swap3A_1238, %swap3A_1239], %swap3A_1242 {strides = array<i32>} : memref<1x1024x2048xf32, #tpu.memory_space<vmem>>, vector<1x8x2048xf32>,
    %mul3A_1243 = arith.constant 1024 : i32
    %mul3A_1244 = arith.muli %arg1, %mul3A_1243 : i32
    %sub3A_1245 = arith.constant 1280 : i32
    %sub3A_1246 = arith.subi %sub3A_1245, %mul3A_1244 : i32
    %multiple_of3A_1247 = tpu.assume_multiple %sub3A_1246, 128 : i32
    %get3A_1248 = arith.constant 48 : index
    %get3A_1249 = arith.index_cast %multiple_of3A_1247 : i32 to index
    %get3A_1250 = vector.load %arg4[%get3A_1248, %get3A_1249] : memref<128x4096xf32, #tpu.memory_space<vmem>>, vector<8x2048xf32>
    %swap3A_1251 = arith.constant 0 : index
    %swap3A_1252 = arith.constant 712 : index
    %swap3A_1253 = arith.constant 0 : index
    %swap3A_1254 = vector.load %arg3[%swap3A_1251, %swap3A_1252, %swap3A_1253] : memref<1x1024x2048xf32, #tpu.memory_space<vmem>>, vector<1x8x2048xf32>
    %swap3A_1255 = vector.shape_cast %swap3A_1254 : vector<1x8x2048xf32> to vector<8x2048xf32>
    %swap3A_1256 = vector.shape_cast %get3A_1250 : vector<8x2048xf32> to vector<1x8x2048xf32>
    tpu.vector_store %arg3[%swap3A_1251, %swap3A_1252, %swap3A_1253], %swap3A_1256 {strides = array<i32>} : memref<1x1024x2048xf32, #tpu.memory_space<vmem>>, vector<1x8x2048xf32>,
    %mul3A_1257 = arith.constant 1024 : i32
    %mul3A_1258 = arith.muli %arg1, %mul3A_1257 : i32
    %sub3A_1259 = arith.constant 1280 : i32
    %sub3A_1260 = arith.subi %sub3A_1259, %mul3A_1258 : i32
    %multiple_of3A_1261 = tpu.assume_multiple %sub3A_1260, 128 : i32
    %get3A_1262 = arith.constant 40 : index
    %get3A_1263 = arith.index_cast %multiple_of3A_1261 : i32 to index
    %get3A_1264 = vector.load %arg4[%get3A_1262, %get3A_1263] : memref<128x4096xf32, #tpu.memory_space<vmem>>, vector<8x2048xf32>
    %swap3A_1265 = arith.constant 0 : index
    %swap3A_1266 = arith.constant 720 : index
    %swap3A_1267 = arith.constant 0 : index
    %swap3A_1268 = vector.load %arg3[%swap3A_1265, %swap3A_1266, %swap3A_1267] : memref<1x1024x2048xf32, #tpu.memory_space<vmem>>, vector<1x8x2048xf32>
    %swap3A_1269 = vector.shape_cast %swap3A_1268 : vector<1x8x2048xf32> to vector<8x2048xf32>
    %swap3A_1270 = vector.shape_cast %get3A_1264 : vector<8x2048xf32> to vector<1x8x2048xf32>
    tpu.vector_store %arg3[%swap3A_1265, %swap3A_1266, %swap3A_1267], %swap3A_1270 {strides = array<i32>} : memref<1x1024x2048xf32, #tpu.memory_space<vmem>>, vector<1x8x2048xf32>,
    %mul3A_1271 = arith.constant 1024 : i32
    %mul3A_1272 = arith.muli %arg1, %mul3A_1271 : i32
    %sub3A_1273 = arith.constant 1280 : i32
    %sub3A_1274 = arith.subi %sub3A_1273, %mul3A_1272 : i32
    %multiple_of3A_1275 = tpu.assume_multiple %sub3A_1274, 128 : i32
    %get3A_1276 = arith.constant 32 : index
    %get3A_1277 = arith.index_cast %multiple_of3A_1275 : i32 to index
    %get3A_1278 = vector.load %arg4[%get3A_1276, %get3A_1277] : memref<128x4096xf32, #tpu.memory_space<vmem>>, vector<8x2048xf32>
    %swap3A_1279 = arith.constant 0 : index
    %swap3A_1280 = arith.constant 728 : index
    %swap3A_1281 = arith.constant 0 : index
    %swap3A_1282 = vector.load %arg3[%swap3A_1279, %swap3A_1280, %swap3A_1281] : memref<1x1024x2048xf32, #tpu.memory_space<vmem>>, vector<1x8x2048xf32>
    %swap3A_1283 = vector.shape_cast %swap3A_1282 : vector<1x8x2048xf32> to vector<8x2048xf32>
    %swap3A_1284 = vector.shape_cast %get3A_1278 : vector<8x2048xf32> to vector<1x8x2048xf32>
    tpu.vector_store %arg3[%swap3A_1279, %swap3A_1280, %swap3A_1281], %swap3A_1284 {strides = array<i32>} : memref<1x1024x2048xf32, #tpu.memory_space<vmem>>, vector<1x8x2048xf32>,
    %mul3A_1285 = arith.constant 1024 : i32
    %mul3A_1286 = arith.muli %arg1, %mul3A_1285 : i32
    %sub3A_1287 = arith.constant 1280 : i32
    %sub3A_1288 = arith.subi %sub3A_1287, %mul3A_1286 : i32
    %multiple_of3A_1289 = tpu.assume_multiple %sub3A_1288, 128 : i32
    %get3A_1290 = arith.constant 24 : index
    %get3A_1291 = arith.index_cast %multiple_of3A_1289 : i32 to index
    %get3A_1292 = vector.load %arg4[%get3A_1290, %get3A_1291] : memref<128x4096xf32, #tpu.memory_space<vmem>>, vector<8x2048xf32>
    %swap3A_1293 = arith.constant 0 : index
    %swap3A_1294 = arith.constant 736 : index
    %swap3A_1295 = arith.constant 0 : index
    %swap3A_1296 = vector.load %arg3[%swap3A_1293, %swap3A_1294, %swap3A_1295] : memref<1x1024x2048xf32, #tpu.memory_space<vmem>>, vector<1x8x2048xf32>
    %swap3A_1297 = vector.shape_cast %swap3A_1296 : vector<1x8x2048xf32> to vector<8x2048xf32>
    %swap3A_1298 = vector.shape_cast %get3A_1292 : vector<8x2048xf32> to vector<1x8x2048xf32>
    tpu.vector_store %arg3[%swap3A_1293, %swap3A_1294, %swap3A_1295], %swap3A_1298 {strides = array<i32>} : memref<1x1024x2048xf32, #tpu.memory_space<vmem>>, vector<1x8x2048xf32>,
    %mul3A_1299 = arith.constant 1024 : i32
    %mul3A_1300 = arith.muli %arg1, %mul3A_1299 : i32
    %sub3A_1301 = arith.constant 1280 : i32
    %sub3A_1302 = arith.subi %sub3A_1301, %mul3A_1300 : i32
    %multiple_of3A_1303 = tpu.assume_multiple %sub3A_1302, 128 : i32
    %get3A_1304 = arith.constant 16 : index
    %get3A_1305 = arith.index_cast %multiple_of3A_1303 : i32 to index
    %get3A_1306 = vector.load %arg4[%get3A_1304, %get3A_1305] : memref<128x4096xf32, #tpu.memory_space<vmem>>, vector<8x2048xf32>
    %swap3A_1307 = arith.constant 0 : index
    %swap3A_1308 = arith.constant 744 : index
    %swap3A_1309 = arith.constant 0 : index
    %swap3A_1310 = vector.load %arg3[%swap3A_1307, %swap3A_1308, %swap3A_1309] : memref<1x1024x2048xf32, #tpu.memory_space<vmem>>, vector<1x8x2048xf32>
    %swap3A_1311 = vector.shape_cast %swap3A_1310 : vector<1x8x2048xf32> to vector<8x2048xf32>
    %swap3A_1312 = vector.shape_cast %get3A_1306 : vector<8x2048xf32> to vector<1x8x2048xf32>
    tpu.vector_store %arg3[%swap3A_1307, %swap3A_1308, %swap3A_1309], %swap3A_1312 {strides = array<i32>} : memref<1x1024x2048xf32, #tpu.memory_space<vmem>>, vector<1x8x2048xf32>,
    %mul3A_1313 = arith.constant 1024 : i32
    %mul3A_1314 = arith.muli %arg1, %mul3A_1313 : i32
    %sub3A_1315 = arith.constant 1280 : i32
    %sub3A_1316 = arith.subi %sub3A_1315, %mul3A_1314 : i32
    %multiple_of3A_1317 = tpu.assume_multiple %sub3A_1316, 128 : i32
    %get3A_1318 = arith.constant 8 : index
    %get3A_1319 = arith.index_cast %multiple_of3A_1317 : i32 to index
    %get3A_1320 = vector.load %arg4[%get3A_1318, %get3A_1319] : memref<128x4096xf32, #tpu.memory_space<vmem>>, vector<8x2048xf32>
    %swap3A_1321 = arith.constant 0 : index
    %swap3A_1322 = arith.constant 752 : index
    %swap3A_1323 = arith.constant 0 : index
    %swap3A_1324 = vector.load %arg3[%swap3A_1321, %swap3A_1322, %swap3A_1323] : memref<1x1024x2048xf32, #tpu.memory_space<vmem>>, vector<1x8x2048xf32>
    %swap3A_1325 = vector.shape_cast %swap3A_1324 : vector<1x8x2048xf32> to vector<8x2048xf32>
    %swap3A_1326 = vector.shape_cast %get3A_1320 : vector<8x2048xf32> to vector<1x8x2048xf32>
    tpu.vector_store %arg3[%swap3A_1321, %swap3A_1322, %swap3A_1323], %swap3A_1326 {strides = array<i32>} : memref<1x1024x2048xf32, #tpu.memory_space<vmem>>, vector<1x8x2048xf32>,
    %mul3A_1327 = arith.constant 1024 : i32
    %mul3A_1328 = arith.muli %arg1, %mul3A_1327 : i32
    %sub3A_1329 = arith.constant 1280 : i32
    %sub3A_1330 = arith.subi %sub3A_1329, %mul3A_1328 : i32
    %multiple_of3A_1331 = tpu.assume_multiple %sub3A_1330, 128 : i32
    %get3A_1332 = arith.constant 0 : index
    %get3A_1333 = arith.index_cast %multiple_of3A_1331 : i32 to index
    %get3A_1334 = vector.load %arg4[%get3A_1332, %get3A_1333] : memref<128x4096xf32, #tpu.memory_space<vmem>>, vector<8x2048xf32>
    %swap3A_1335 = arith.constant 0 : index
    %swap3A_1336 = arith.constant 760 : index
    %swap3A_1337 = arith.constant 0 : index
    %swap3A_1338 = vector.load %arg3[%swap3A_1335, %swap3A_1336, %swap3A_1337] : memref<1x1024x2048xf32, #tpu.memory_space<vmem>>, vector<1x8x2048xf32>
    %swap3A_1339 = vector.shape_cast %swap3A_1338 : vector<1x8x2048xf32> to vector<8x2048xf32>
    %swap3A_1340 = vector.shape_cast %get3A_1334 : vector<8x2048xf32> to vector<1x8x2048xf32>
    tpu.vector_store %arg3[%swap3A_1335, %swap3A_1336, %swap3A_1337], %swap3A_1340 {strides = array<i32>} : memref<1x1024x2048xf32, #tpu.memory_space<vmem>>, vector<1x8x2048xf32>,
    %mul3A_1341 = arith.constant 1024 : i32
    %mul3A_1342 = arith.muli %arg1, %mul3A_1341 : i32
    %sub3A_1343 = arith.constant 1152 : i32
    %sub3A_1344 = arith.subi %sub3A_1343, %mul3A_1342 : i32
    %multiple_of3A_1345 = tpu.assume_multiple %sub3A_1344, 128 : i32
    %get3A_1346 = arith.constant 120 : index
    %get3A_1347 = arith.index_cast %multiple_of3A_1345 : i32 to index
    %get3A_1348 = vector.load %arg4[%get3A_1346, %get3A_1347] : memref<128x4096xf32, #tpu.memory_space<vmem>>, vector<8x2048xf32>
    %swap3A_1349 = arith.constant 0 : index
    %swap3A_1350 = arith.constant 768 : index
    %swap3A_1351 = arith.constant 0 : index
    %swap3A_1352 = vector.load %arg3[%swap3A_1349, %swap3A_1350, %swap3A_1351] : memref<1x1024x2048xf32, #tpu.memory_space<vmem>>, vector<1x8x2048xf32>
    %swap3A_1353 = vector.shape_cast %swap3A_1352 : vector<1x8x2048xf32> to vector<8x2048xf32>
    %swap3A_1354 = vector.shape_cast %get3A_1348 : vector<8x2048xf32> to vector<1x8x2048xf32>
    tpu.vector_store %arg3[%swap3A_1349, %swap3A_1350, %swap3A_1351], %swap3A_1354 {strides = array<i32>} : memref<1x1024x2048xf32, #tpu.memory_space<vmem>>, vector<1x8x2048xf32>,
    %mul3A_1355 = arith.constant 1024 : i32
    %mul3A_1356 = arith.muli %arg1, %mul3A_1355 : i32
    %sub3A_1357 = arith.constant 1152 : i32
    %sub3A_1358 = arith.subi %sub3A_1357, %mul3A_1356 : i32
    %multiple_of3A_1359 = tpu.assume_multiple %sub3A_1358, 128 : i32
    %get3A_1360 = arith.constant 112 : index
    %get3A_1361 = arith.index_cast %multiple_of3A_1359 : i32 to index
    %get3A_1362 = vector.load %arg4[%get3A_1360, %get3A_1361] : memref<128x4096xf32, #tpu.memory_space<vmem>>, vector<8x2048xf32>
    %swap3A_1363 = arith.constant 0 : index
    %swap3A_1364 = arith.constant 776 : index
    %swap3A_1365 = arith.constant 0 : index
    %swap3A_1366 = vector.load %arg3[%swap3A_1363, %swap3A_1364, %swap3A_1365] : memref<1x1024x2048xf32, #tpu.memory_space<vmem>>, vector<1x8x2048xf32>
    %swap3A_1367 = vector.shape_cast %swap3A_1366 : vector<1x8x2048xf32> to vector<8x2048xf32>
    %swap3A_1368 = vector.shape_cast %get3A_1362 : vector<8x2048xf32> to vector<1x8x2048xf32>
    tpu.vector_store %arg3[%swap3A_1363, %swap3A_1364, %swap3A_1365], %swap3A_1368 {strides = array<i32>} : memref<1x1024x2048xf32, #tpu.memory_space<vmem>>, vector<1x8x2048xf32>,
    %mul3A_1369 = arith.constant 1024 : i32
    %mul3A_1370 = arith.muli %arg1, %mul3A_1369 : i32
    %sub3A_1371 = arith.constant 1152 : i32
    %sub3A_1372 = arith.subi %sub3A_1371, %mul3A_1370 : i32
    %multiple_of3A_1373 = tpu.assume_multiple %sub3A_1372, 128 : i32
    %get3A_1374 = arith.constant 104 : index
    %get3A_1375 = arith.index_cast %multiple_of3A_1373 : i32 to index
    %get3A_1376 = vector.load %arg4[%get3A_1374, %get3A_1375] : memref<128x4096xf32, #tpu.memory_space<vmem>>, vector<8x2048xf32>
    %swap3A_1377 = arith.constant 0 : index
    %swap3A_1378 = arith.constant 784 : index
    %swap3A_1379 = arith.constant 0 : index
    %swap3A_1380 = vector.load %arg3[%swap3A_1377, %swap3A_1378, %swap3A_1379] : memref<1x1024x2048xf32, #tpu.memory_space<vmem>>, vector<1x8x2048xf32>
    %swap3A_1381 = vector.shape_cast %swap3A_1380 : vector<1x8x2048xf32> to vector<8x2048xf32>
    %swap3A_1382 = vector.shape_cast %get3A_1376 : vector<8x2048xf32> to vector<1x8x2048xf32>
    tpu.vector_store %arg3[%swap3A_1377, %swap3A_1378, %swap3A_1379], %swap3A_1382 {strides = array<i32>} : memref<1x1024x2048xf32, #tpu.memory_space<vmem>>, vector<1x8x2048xf32>,
    %mul3A_1383 = arith.constant 1024 : i32
    %mul3A_1384 = arith.muli %arg1, %mul3A_1383 : i32
    %sub3A_1385 = arith.constant 1152 : i32
    %sub3A_1386 = arith.subi %sub3A_1385, %mul3A_1384 : i32
    %multiple_of3A_1387 = tpu.assume_multiple %sub3A_1386, 128 : i32
    %get3A_1388 = arith.constant 96 : index
    %get3A_1389 = arith.index_cast %multiple_of3A_1387 : i32 to index
    %get3A_1390 = vector.load %arg4[%get3A_1388, %get3A_1389] : memref<128x4096xf32, #tpu.memory_space<vmem>>, vector<8x2048xf32>
    %swap3A_1391 = arith.constant 0 : index
    %swap3A_1392 = arith.constant 792 : index
    %swap3A_1393 = arith.constant 0 : index
    %swap3A_1394 = vector.load %arg3[%swap3A_1391, %swap3A_1392, %swap3A_1393] : memref<1x1024x2048xf32, #tpu.memory_space<vmem>>, vector<1x8x2048xf32>
    %swap3A_1395 = vector.shape_cast %swap3A_1394 : vector<1x8x2048xf32> to vector<8x2048xf32>
    %swap3A_1396 = vector.shape_cast %get3A_1390 : vector<8x2048xf32> to vector<1x8x2048xf32>
    tpu.vector_store %arg3[%swap3A_1391, %swap3A_1392, %swap3A_1393], %swap3A_1396 {strides = array<i32>} : memref<1x1024x2048xf32, #tpu.memory_space<vmem>>, vector<1x8x2048xf32>,
    %mul3A_1397 = arith.constant 1024 : i32
    %mul3A_1398 = arith.muli %arg1, %mul3A_1397 : i32
    %sub3A_1399 = arith.constant 1152 : i32
    %sub3A_1400 = arith.subi %sub3A_1399, %mul3A_1398 : i32
    %multiple_of3A_1401 = tpu.assume_multiple %sub3A_1400, 128 : i32
    %get3A_1402 = arith.constant 88 : index
    %get3A_1403 = arith.index_cast %multiple_of3A_1401 : i32 to index
    %get3A_1404 = vector.load %arg4[%get3A_1402, %get3A_1403] : memref<128x4096xf32, #tpu.memory_space<vmem>>, vector<8x2048xf32>
    %swap3A_1405 = arith.constant 0 : index
    %swap3A_1406 = arith.constant 800 : index
    %swap3A_1407 = arith.constant 0 : index
    %swap3A_1408 = vector.load %arg3[%swap3A_1405, %swap3A_1406, %swap3A_1407] : memref<1x1024x2048xf32, #tpu.memory_space<vmem>>, vector<1x8x2048xf32>
    %swap3A_1409 = vector.shape_cast %swap3A_1408 : vector<1x8x2048xf32> to vector<8x2048xf32>
    %swap3A_1410 = vector.shape_cast %get3A_1404 : vector<8x2048xf32> to vector<1x8x2048xf32>
    tpu.vector_store %arg3[%swap3A_1405, %swap3A_1406, %swap3A_1407], %swap3A_1410 {strides = array<i32>} : memref<1x1024x2048xf32, #tpu.memory_space<vmem>>, vector<1x8x2048xf32>,
    %mul3A_1411 = arith.constant 1024 : i32
    %mul3A_1412 = arith.muli %arg1, %mul3A_1411 : i32
    %sub3A_1413 = arith.constant 1152 : i32
    %sub3A_1414 = arith.subi %sub3A_1413, %mul3A_1412 : i32
    %multiple_of3A_1415 = tpu.assume_multiple %sub3A_1414, 128 : i32
    %get3A_1416 = arith.constant 80 : index
    %get3A_1417 = arith.index_cast %multiple_of3A_1415 : i32 to index
    %get3A_1418 = vector.load %arg4[%get3A_1416, %get3A_1417] : memref<128x4096xf32, #tpu.memory_space<vmem>>, vector<8x2048xf32>
    %swap3A_1419 = arith.constant 0 : index
    %swap3A_1420 = arith.constant 808 : index
    %swap3A_1421 = arith.constant 0 : index
    %swap3A_1422 = vector.load %arg3[%swap3A_1419, %swap3A_1420, %swap3A_1421] : memref<1x1024x2048xf32, #tpu.memory_space<vmem>>, vector<1x8x2048xf32>
    %swap3A_1423 = vector.shape_cast %swap3A_1422 : vector<1x8x2048xf32> to vector<8x2048xf32>
    %swap3A_1424 = vector.shape_cast %get3A_1418 : vector<8x2048xf32> to vector<1x8x2048xf32>
    tpu.vector_store %arg3[%swap3A_1419, %swap3A_1420, %swap3A_1421], %swap3A_1424 {strides = array<i32>} : memref<1x1024x2048xf32, #tpu.memory_space<vmem>>, vector<1x8x2048xf32>,
    %mul3A_1425 = arith.constant 1024 : i32
    %mul3A_1426 = arith.muli %arg1, %mul3A_1425 : i32
    %sub3A_1427 = arith.constant 1152 : i32
    %sub3A_1428 = arith.subi %sub3A_1427, %mul3A_1426 : i32
    %multiple_of3A_1429 = tpu.assume_multiple %sub3A_1428, 128 : i32
    %get3A_1430 = arith.constant 72 : index
    %get3A_1431 = arith.index_cast %multiple_of3A_1429 : i32 to index
    %get3A_1432 = vector.load %arg4[%get3A_1430, %get3A_1431] : memref<128x4096xf32, #tpu.memory_space<vmem>>, vector<8x2048xf32>
    %swap3A_1433 = arith.constant 0 : index
    %swap3A_1434 = arith.constant 816 : index
    %swap3A_1435 = arith.constant 0 : index
    %swap3A_1436 = vector.load %arg3[%swap3A_1433, %swap3A_1434, %swap3A_1435] : memref<1x1024x2048xf32, #tpu.memory_space<vmem>>, vector<1x8x2048xf32>
    %swap3A_1437 = vector.shape_cast %swap3A_1436 : vector<1x8x2048xf32> to vector<8x2048xf32>
    %swap3A_1438 = vector.shape_cast %get3A_1432 : vector<8x2048xf32> to vector<1x8x2048xf32>
    tpu.vector_store %arg3[%swap3A_1433, %swap3A_1434, %swap3A_1435], %swap3A_1438 {strides = array<i32>} : memref<1x1024x2048xf32, #tpu.memory_space<vmem>>, vector<1x8x2048xf32>,
    %mul3A_1439 = arith.constant 1024 : i32
    %mul3A_1440 = arith.muli %arg1, %mul3A_1439 : i32
    %sub3A_1441 = arith.constant 1152 : i32
    %sub3A_1442 = arith.subi %sub3A_1441, %mul3A_1440 : i32
    %multiple_of3A_1443 = tpu.assume_multiple %sub3A_1442, 128 : i32
    %get3A_1444 = arith.constant 64 : index
    %get3A_1445 = arith.index_cast %multiple_of3A_1443 : i32 to index
    %get3A_1446 = vector.load %arg4[%get3A_1444, %get3A_1445] : memref<128x4096xf32, #tpu.memory_space<vmem>>, vector<8x2048xf32>
    %swap3A_1447 = arith.constant 0 : index
    %swap3A_1448 = arith.constant 824 : index
    %swap3A_1449 = arith.constant 0 : index
    %swap3A_1450 = vector.load %arg3[%swap3A_1447, %swap3A_1448, %swap3A_1449] : memref<1x1024x2048xf32, #tpu.memory_space<vmem>>, vector<1x8x2048xf32>
    %swap3A_1451 = vector.shape_cast %swap3A_1450 : vector<1x8x2048xf32> to vector<8x2048xf32>
    %swap3A_1452 = vector.shape_cast %get3A_1446 : vector<8x2048xf32> to vector<1x8x2048xf32>
    tpu.vector_store %arg3[%swap3A_1447, %swap3A_1448, %swap3A_1449], %swap3A_1452 {strides = array<i32>} : memref<1x1024x2048xf32, #tpu.memory_space<vmem>>, vector<1x8x2048xf32>,
    %mul3A_1453 = arith.constant 1024 : i32
    %mul3A_1454 = arith.muli %arg1, %mul3A_1453 : i32
    %sub3A_1455 = arith.constant 1152 : i32
    %sub3A_1456 = arith.subi %sub3A_1455, %mul3A_1454 : i32
    %multiple_of3A_1457 = tpu.assume_multiple %sub3A_1456, 128 : i32
    %get3A_1458 = arith.constant 56 : index
    %get3A_1459 = arith.index_cast %multiple_of3A_1457 : i32 to index
    %get3A_1460 = vector.load %arg4[%get3A_1458, %get3A_1459] : memref<128x4096xf32, #tpu.memory_space<vmem>>, vector<8x2048xf32>
    %swap3A_1461 = arith.constant 0 : index
    %swap3A_1462 = arith.constant 832 : index
    %swap3A_1463 = arith.constant 0 : index
    %swap3A_1464 = vector.load %arg3[%swap3A_1461, %swap3A_1462, %swap3A_1463] : memref<1x1024x2048xf32, #tpu.memory_space<vmem>>, vector<1x8x2048xf32>
    %swap3A_1465 = vector.shape_cast %swap3A_1464 : vector<1x8x2048xf32> to vector<8x2048xf32>
    %swap3A_1466 = vector.shape_cast %get3A_1460 : vector<8x2048xf32> to vector<1x8x2048xf32>
    tpu.vector_store %arg3[%swap3A_1461, %swap3A_1462, %swap3A_1463], %swap3A_1466 {strides = array<i32>} : memref<1x1024x2048xf32, #tpu.memory_space<vmem>>, vector<1x8x2048xf32>,
    %mul3A_1467 = arith.constant 1024 : i32
    %mul3A_1468 = arith.muli %arg1, %mul3A_1467 : i32
    %sub3A_1469 = arith.constant 1152 : i32
    %sub3A_1470 = arith.subi %sub3A_1469, %mul3A_1468 : i32
    %multiple_of3A_1471 = tpu.assume_multiple %sub3A_1470, 128 : i32
    %get3A_1472 = arith.constant 48 : index
    %get3A_1473 = arith.index_cast %multiple_of3A_1471 : i32 to index
    %get3A_1474 = vector.load %arg4[%get3A_1472, %get3A_1473] : memref<128x4096xf32, #tpu.memory_space<vmem>>, vector<8x2048xf32>
    %swap3A_1475 = arith.constant 0 : index
    %swap3A_1476 = arith.constant 840 : index
    %swap3A_1477 = arith.constant 0 : index
    %swap3A_1478 = vector.load %arg3[%swap3A_1475, %swap3A_1476, %swap3A_1477] : memref<1x1024x2048xf32, #tpu.memory_space<vmem>>, vector<1x8x2048xf32>
    %swap3A_1479 = vector.shape_cast %swap3A_1478 : vector<1x8x2048xf32> to vector<8x2048xf32>
    %swap3A_1480 = vector.shape_cast %get3A_1474 : vector<8x2048xf32> to vector<1x8x2048xf32>
    tpu.vector_store %arg3[%swap3A_1475, %swap3A_1476, %swap3A_1477], %swap3A_1480 {strides = array<i32>} : memref<1x1024x2048xf32, #tpu.memory_space<vmem>>, vector<1x8x2048xf32>,
    %mul3A_1481 = arith.constant 1024 : i32
    %mul3A_1482 = arith.muli %arg1, %mul3A_1481 : i32
    %sub3A_1483 = arith.constant 1152 : i32
    %sub3A_1484 = arith.subi %sub3A_1483, %mul3A_1482 : i32
    %multiple_of3A_1485 = tpu.assume_multiple %sub3A_1484, 128 : i32
    %get3A_1486 = arith.constant 40 : index
    %get3A_1487 = arith.index_cast %multiple_of3A_1485 : i32 to index
    %get3A_1488 = vector.load %arg4[%get3A_1486, %get3A_1487] : memref<128x4096xf32, #tpu.memory_space<vmem>>, vector<8x2048xf32>
    %swap3A_1489 = arith.constant 0 : index
    %swap3A_1490 = arith.constant 848 : index
    %swap3A_1491 = arith.constant 0 : index
    %swap3A_1492 = vector.load %arg3[%swap3A_1489, %swap3A_1490, %swap3A_1491] : memref<1x1024x2048xf32, #tpu.memory_space<vmem>>, vector<1x8x2048xf32>
    %swap3A_1493 = vector.shape_cast %swap3A_1492 : vector<1x8x2048xf32> to vector<8x2048xf32>
    %swap3A_1494 = vector.shape_cast %get3A_1488 : vector<8x2048xf32> to vector<1x8x2048xf32>
    tpu.vector_store %arg3[%swap3A_1489, %swap3A_1490, %swap3A_1491], %swap3A_1494 {strides = array<i32>} : memref<1x1024x2048xf32, #tpu.memory_space<vmem>>, vector<1x8x2048xf32>,
    %mul3A_1495 = arith.constant 1024 : i32
    %mul3A_1496 = arith.muli %arg1, %mul3A_1495 : i32
    %sub3A_1497 = arith.constant 1152 : i32
    %sub3A_1498 = arith.subi %sub3A_1497, %mul3A_1496 : i32
    %multiple_of3A_1499 = tpu.assume_multiple %sub3A_1498, 128 : i32
    %get3A_1500 = arith.constant 32 : index
    %get3A_1501 = arith.index_cast %multiple_of3A_1499 : i32 to index
    %get3A_1502 = vector.load %arg4[%get3A_1500, %get3A_1501] : memref<128x4096xf32, #tpu.memory_space<vmem>>, vector<8x2048xf32>
    %swap3A_1503 = arith.constant 0 : index
    %swap3A_1504 = arith.constant 856 : index
    %swap3A_1505 = arith.constant 0 : index
    %swap3A_1506 = vector.load %arg3[%swap3A_1503, %swap3A_1504, %swap3A_1505] : memref<1x1024x2048xf32, #tpu.memory_space<vmem>>, vector<1x8x2048xf32>
    %swap3A_1507 = vector.shape_cast %swap3A_1506 : vector<1x8x2048xf32> to vector<8x2048xf32>
    %swap3A_1508 = vector.shape_cast %get3A_1502 : vector<8x2048xf32> to vector<1x8x2048xf32>
    tpu.vector_store %arg3[%swap3A_1503, %swap3A_1504, %swap3A_1505], %swap3A_1508 {strides = array<i32>} : memref<1x1024x2048xf32, #tpu.memory_space<vmem>>, vector<1x8x2048xf32>,
    %mul3A_1509 = arith.constant 1024 : i32
    %mul3A_1510 = arith.muli %arg1, %mul3A_1509 : i32
    %sub3A_1511 = arith.constant 1152 : i32
    %sub3A_1512 = arith.subi %sub3A_1511, %mul3A_1510 : i32
    %multiple_of3A_1513 = tpu.assume_multiple %sub3A_1512, 128 : i32
    %get3A_1514 = arith.constant 24 : index
    %get3A_1515 = arith.index_cast %multiple_of3A_1513 : i32 to index
    %get3A_1516 = vector.load %arg4[%get3A_1514, %get3A_1515] : memref<128x4096xf32, #tpu.memory_space<vmem>>, vector<8x2048xf32>
    %swap3A_1517 = arith.constant 0 : index
    %swap3A_1518 = arith.constant 864 : index
    %swap3A_1519 = arith.constant 0 : index
    %swap3A_1520 = vector.load %arg3[%swap3A_1517, %swap3A_1518, %swap3A_1519] : memref<1x1024x2048xf32, #tpu.memory_space<vmem>>, vector<1x8x2048xf32>
    %swap3A_1521 = vector.shape_cast %swap3A_1520 : vector<1x8x2048xf32> to vector<8x2048xf32>
    %swap3A_1522 = vector.shape_cast %get3A_1516 : vector<8x2048xf32> to vector<1x8x2048xf32>
    tpu.vector_store %arg3[%swap3A_1517, %swap3A_1518, %swap3A_1519], %swap3A_1522 {strides = array<i32>} : memref<1x1024x2048xf32, #tpu.memory_space<vmem>>, vector<1x8x2048xf32>,
    %mul3A_1523 = arith.constant 1024 : i32
    %mul3A_1524 = arith.muli %arg1, %mul3A_1523 : i32
    %sub3A_1525 = arith.constant 1152 : i32
    %sub3A_1526 = arith.subi %sub3A_1525, %mul3A_1524 : i32
    %multiple_of3A_1527 = tpu.assume_multiple %sub3A_1526, 128 : i32
    %get3A_1528 = arith.constant 16 : index
    %get3A_1529 = arith.index_cast %multiple_of3A_1527 : i32 to index
    %get3A_1530 = vector.load %arg4[%get3A_1528, %get3A_1529] : memref<128x4096xf32, #tpu.memory_space<vmem>>, vector<8x2048xf32>
    %swap3A_1531 = arith.constant 0 : index
    %swap3A_1532 = arith.constant 872 : index
    %swap3A_1533 = arith.constant 0 : index
    %swap3A_1534 = vector.load %arg3[%swap3A_1531, %swap3A_1532, %swap3A_1533] : memref<1x1024x2048xf32, #tpu.memory_space<vmem>>, vector<1x8x2048xf32>
    %swap3A_1535 = vector.shape_cast %swap3A_1534 : vector<1x8x2048xf32> to vector<8x2048xf32>
    %swap3A_1536 = vector.shape_cast %get3A_1530 : vector<8x2048xf32> to vector<1x8x2048xf32>
    tpu.vector_store %arg3[%swap3A_1531, %swap3A_1532, %swap3A_1533], %swap3A_1536 {strides = array<i32>} : memref<1x1024x2048xf32, #tpu.memory_space<vmem>>, vector<1x8x2048xf32>,
    %mul3A_1537 = arith.constant 1024 : i32
    %mul3A_1538 = arith.muli %arg1, %mul3A_1537 : i32
    %sub3A_1539 = arith.constant 1152 : i32
    %sub3A_1540 = arith.subi %sub3A_1539, %mul3A_1538 : i32
    %multiple_of3A_1541 = tpu.assume_multiple %sub3A_1540, 128 : i32
    %get3A_1542 = arith.constant 8 : index
    %get3A_1543 = arith.index_cast %multiple_of3A_1541 : i32 to index
    %get3A_1544 = vector.load %arg4[%get3A_1542, %get3A_1543] : memref<128x4096xf32, #tpu.memory_space<vmem>>, vector<8x2048xf32>
    %swap3A_1545 = arith.constant 0 : index
    %swap3A_1546 = arith.constant 880 : index
    %swap3A_1547 = arith.constant 0 : index
    %swap3A_1548 = vector.load %arg3[%swap3A_1545, %swap3A_1546, %swap3A_1547] : memref<1x1024x2048xf32, #tpu.memory_space<vmem>>, vector<1x8x2048xf32>
    %swap3A_1549 = vector.shape_cast %swap3A_1548 : vector<1x8x2048xf32> to vector<8x2048xf32>
    %swap3A_1550 = vector.shape_cast %get3A_1544 : vector<8x2048xf32> to vector<1x8x2048xf32>
    tpu.vector_store %arg3[%swap3A_1545, %swap3A_1546, %swap3A_1547], %swap3A_1550 {strides = array<i32>} : memref<1x1024x2048xf32, #tpu.memory_space<vmem>>, vector<1x8x2048xf32>,
    %mul3A_1551 = arith.constant 1024 : i32
    %mul3A_1552 = arith.muli %arg1, %mul3A_1551 : i32
    %sub3A_1553 = arith.constant 1152 : i32
    %sub3A_1554 = arith.subi %sub3A_1553, %mul3A_1552 : i32
    %multiple_of3A_1555 = tpu.assume_multiple %sub3A_1554, 128 : i32
    %get3A_1556 = arith.constant 0 : index
    %get3A_1557 = arith.index_cast %multiple_of3A_1555 : i32 to index
    %get3A_1558 = vector.load %arg4[%get3A_1556, %get3A_1557] : memref<128x4096xf32, #tpu.memory_space<vmem>>, vector<8x2048xf32>
    %swap3A_1559 = arith.constant 0 : index
    %swap3A_1560 = arith.constant 888 : index
    %swap3A_1561 = arith.constant 0 : index
    %swap3A_1562 = vector.load %arg3[%swap3A_1559, %swap3A_1560, %swap3A_1561] : memref<1x1024x2048xf32, #tpu.memory_space<vmem>>, vector<1x8x2048xf32>
    %swap3A_1563 = vector.shape_cast %swap3A_1562 : vector<1x8x2048xf32> to vector<8x2048xf32>
    %swap3A_1564 = vector.shape_cast %get3A_1558 : vector<8x2048xf32> to vector<1x8x2048xf32>
    tpu.vector_store %arg3[%swap3A_1559, %swap3A_1560, %swap3A_1561], %swap3A_1564 {strides = array<i32>} : memref<1x1024x2048xf32, #tpu.memory_space<vmem>>, vector<1x8x2048xf32>,
    %mul3A_1565 = arith.constant 1024 : i32
    %mul3A_1566 = arith.muli %arg1, %mul3A_1565 : i32
    %sub3A_1567 = arith.constant 1024 : i32
    %sub3A_1568 = arith.subi %sub3A_1567, %mul3A_1566 : i32
    %multiple_of3A_1569 = tpu.assume_multiple %sub3A_1568, 128 : i32
    %get3A_1570 = arith.constant 120 : index
    %get3A_1571 = arith.index_cast %multiple_of3A_1569 : i32 to index
    %get3A_1572 = vector.load %arg4[%get3A_1570, %get3A_1571] : memref<128x4096xf32, #tpu.memory_space<vmem>>, vector<8x2048xf32>
    %swap3A_1573 = arith.constant 0 : index
    %swap3A_1574 = arith.constant 896 : index
    %swap3A_1575 = arith.constant 0 : index
    %swap3A_1576 = vector.load %arg3[%swap3A_1573, %swap3A_1574, %swap3A_1575] : memref<1x1024x2048xf32, #tpu.memory_space<vmem>>, vector<1x8x2048xf32>
    %swap3A_1577 = vector.shape_cast %swap3A_1576 : vector<1x8x2048xf32> to vector<8x2048xf32>
    %swap3A_1578 = vector.shape_cast %get3A_1572 : vector<8x2048xf32> to vector<1x8x2048xf32>
    tpu.vector_store %arg3[%swap3A_1573, %swap3A_1574, %swap3A_1575], %swap3A_1578 {strides = array<i32>} : memref<1x1024x2048xf32, #tpu.memory_space<vmem>>, vector<1x8x2048xf32>,
    %mul3A_1579 = arith.constant 1024 : i32
    %mul3A_1580 = arith.muli %arg1, %mul3A_1579 : i32
    %sub3A_1581 = arith.constant 1024 : i32
    %sub3A_1582 = arith.subi %sub3A_1581, %mul3A_1580 : i32
    %multiple_of3A_1583 = tpu.assume_multiple %sub3A_1582, 128 : i32
    %get3A_1584 = arith.constant 112 : index
    %get3A_1585 = arith.index_cast %multiple_of3A_1583 : i32 to index
    %get3A_1586 = vector.load %arg4[%get3A_1584, %get3A_1585] : memref<128x4096xf32, #tpu.memory_space<vmem>>, vector<8x2048xf32>
    %swap3A_1587 = arith.constant 0 : index
    %swap3A_1588 = arith.constant 904 : index
    %swap3A_1589 = arith.constant 0 : index
    %swap3A_1590 = vector.load %arg3[%swap3A_1587, %swap3A_1588, %swap3A_1589] : memref<1x1024x2048xf32, #tpu.memory_space<vmem>>, vector<1x8x2048xf32>
    %swap3A_1591 = vector.shape_cast %swap3A_1590 : vector<1x8x2048xf32> to vector<8x2048xf32>
    %swap3A_1592 = vector.shape_cast %get3A_1586 : vector<8x2048xf32> to vector<1x8x2048xf32>
    tpu.vector_store %arg3[%swap3A_1587, %swap3A_1588, %swap3A_1589], %swap3A_1592 {strides = array<i32>} : memref<1x1024x2048xf32, #tpu.memory_space<vmem>>, vector<1x8x2048xf32>,
    %mul3A_1593 = arith.constant 1024 : i32
    %mul3A_1594 = arith.muli %arg1, %mul3A_1593 : i32
    %sub3A_1595 = arith.constant 1024 : i32
    %sub3A_1596 = arith.subi %sub3A_1595, %mul3A_1594 : i32
    %multiple_of3A_1597 = tpu.assume_multiple %sub3A_1596, 128 : i32
    %get3A_1598 = arith.constant 104 : index
    %get3A_1599 = arith.index_cast %multiple_of3A_1597 : i32 to index
    %get3A_1600 = vector.load %arg4[%get3A_1598, %get3A_1599] : memref<128x4096xf32, #tpu.memory_space<vmem>>, vector<8x2048xf32>
    %swap3A_1601 = arith.constant 0 : index
    %swap3A_1602 = arith.constant 912 : index
    %swap3A_1603 = arith.constant 0 : index
    %swap3A_1604 = vector.load %arg3[%swap3A_1601, %swap3A_1602, %swap3A_1603] : memref<1x1024x2048xf32, #tpu.memory_space<vmem>>, vector<1x8x2048xf32>
    %swap3A_1605 = vector.shape_cast %swap3A_1604 : vector<1x8x2048xf32> to vector<8x2048xf32>
    %swap3A_1606 = vector.shape_cast %get3A_1600 : vector<8x2048xf32> to vector<1x8x2048xf32>
    tpu.vector_store %arg3[%swap3A_1601, %swap3A_1602, %swap3A_1603], %swap3A_1606 {strides = array<i32>} : memref<1x1024x2048xf32, #tpu.memory_space<vmem>>, vector<1x8x2048xf32>,
    %mul3A_1607 = arith.constant 1024 : i32
    %mul3A_1608 = arith.muli %arg1, %mul3A_1607 : i32
    %sub3A_1609 = arith.constant 1024 : i32
    %sub3A_1610 = arith.subi %sub3A_1609, %mul3A_1608 : i32
    %multiple_of3A_1611 = tpu.assume_multiple %sub3A_1610, 128 : i32
    %get3A_1612 = arith.constant 96 : index
    %get3A_1613 = arith.index_cast %multiple_of3A_1611 : i32 to index
    %get3A_1614 = vector.load %arg4[%get3A_1612, %get3A_1613] : memref<128x4096xf32, #tpu.memory_space<vmem>>, vector<8x2048xf32>
    %swap3A_1615 = arith.constant 0 : index
    %swap3A_1616 = arith.constant 920 : index
    %swap3A_1617 = arith.constant 0 : index
    %swap3A_1618 = vector.load %arg3[%swap3A_1615, %swap3A_1616, %swap3A_1617] : memref<1x1024x2048xf32, #tpu.memory_space<vmem>>, vector<1x8x2048xf32>
    %swap3A_1619 = vector.shape_cast %swap3A_1618 : vector<1x8x2048xf32> to vector<8x2048xf32>
    %swap3A_1620 = vector.shape_cast %get3A_1614 : vector<8x2048xf32> to vector<1x8x2048xf32>
    tpu.vector_store %arg3[%swap3A_1615, %swap3A_1616, %swap3A_1617], %swap3A_1620 {strides = array<i32>} : memref<1x1024x2048xf32, #tpu.memory_space<vmem>>, vector<1x8x2048xf32>,
    %mul3A_1621 = arith.constant 1024 : i32
    %mul3A_1622 = arith.muli %arg1, %mul3A_1621 : i32
    %sub3A_1623 = arith.constant 1024 : i32
    %sub3A_1624 = arith.subi %sub3A_1623, %mul3A_1622 : i32
    %multiple_of3A_1625 = tpu.assume_multiple %sub3A_1624, 128 : i32
    %get3A_1626 = arith.constant 88 : index
    %get3A_1627 = arith.index_cast %multiple_of3A_1625 : i32 to index
    %get3A_1628 = vector.load %arg4[%get3A_1626, %get3A_1627] : memref<128x4096xf32, #tpu.memory_space<vmem>>, vector<8x2048xf32>
    %swap3A_1629 = arith.constant 0 : index
    %swap3A_1630 = arith.constant 928 : index
    %swap3A_1631 = arith.constant 0 : index
    %swap3A_1632 = vector.load %arg3[%swap3A_1629, %swap3A_1630, %swap3A_1631] : memref<1x1024x2048xf32, #tpu.memory_space<vmem>>, vector<1x8x2048xf32>
    %swap3A_1633 = vector.shape_cast %swap3A_1632 : vector<1x8x2048xf32> to vector<8x2048xf32>
    %swap3A_1634 = vector.shape_cast %get3A_1628 : vector<8x2048xf32> to vector<1x8x2048xf32>
    tpu.vector_store %arg3[%swap3A_1629, %swap3A_1630, %swap3A_1631], %swap3A_1634 {strides = array<i32>} : memref<1x1024x2048xf32, #tpu.memory_space<vmem>>, vector<1x8x2048xf32>,
    %mul3A_1635 = arith.constant 1024 : i32
    %mul3A_1636 = arith.muli %arg1, %mul3A_1635 : i32
    %sub3A_1637 = arith.constant 1024 : i32
    %sub3A_1638 = arith.subi %sub3A_1637, %mul3A_1636 : i32
    %multiple_of3A_1639 = tpu.assume_multiple %sub3A_1638, 128 : i32
    %get3A_1640 = arith.constant 80 : index
    %get3A_1641 = arith.index_cast %multiple_of3A_1639 : i32 to index
    %get3A_1642 = vector.load %arg4[%get3A_1640, %get3A_1641] : memref<128x4096xf32, #tpu.memory_space<vmem>>, vector<8x2048xf32>
    %swap3A_1643 = arith.constant 0 : index
    %swap3A_1644 = arith.constant 936 : index
    %swap3A_1645 = arith.constant 0 : index
    %swap3A_1646 = vector.load %arg3[%swap3A_1643, %swap3A_1644, %swap3A_1645] : memref<1x1024x2048xf32, #tpu.memory_space<vmem>>, vector<1x8x2048xf32>
    %swap3A_1647 = vector.shape_cast %swap3A_1646 : vector<1x8x2048xf32> to vector<8x2048xf32>
    %swap3A_1648 = vector.shape_cast %get3A_1642 : vector<8x2048xf32> to vector<1x8x2048xf32>
    tpu.vector_store %arg3[%swap3A_1643, %swap3A_1644, %swap3A_1645], %swap3A_1648 {strides = array<i32>} : memref<1x1024x2048xf32, #tpu.memory_space<vmem>>, vector<1x8x2048xf32>,
    %mul3A_1649 = arith.constant 1024 : i32
    %mul3A_1650 = arith.muli %arg1, %mul3A_1649 : i32
    %sub3A_1651 = arith.constant 1024 : i32
    %sub3A_1652 = arith.subi %sub3A_1651, %mul3A_1650 : i32
    %multiple_of3A_1653 = tpu.assume_multiple %sub3A_1652, 128 : i32
    %get3A_1654 = arith.constant 72 : index
    %get3A_1655 = arith.index_cast %multiple_of3A_1653 : i32 to index
    %get3A_1656 = vector.load %arg4[%get3A_1654, %get3A_1655] : memref<128x4096xf32, #tpu.memory_space<vmem>>, vector<8x2048xf32>
    %swap3A_1657 = arith.constant 0 : index
    %swap3A_1658 = arith.constant 944 : index
    %swap3A_1659 = arith.constant 0 : index
    %swap3A_1660 = vector.load %arg3[%swap3A_1657, %swap3A_1658, %swap3A_1659] : memref<1x1024x2048xf32, #tpu.memory_space<vmem>>, vector<1x8x2048xf32>
    %swap3A_1661 = vector.shape_cast %swap3A_1660 : vector<1x8x2048xf32> to vector<8x2048xf32>
    %swap3A_1662 = vector.shape_cast %get3A_1656 : vector<8x2048xf32> to vector<1x8x2048xf32>
    tpu.vector_store %arg3[%swap3A_1657, %swap3A_1658, %swap3A_1659], %swap3A_1662 {strides = array<i32>} : memref<1x1024x2048xf32, #tpu.memory_space<vmem>>, vector<1x8x2048xf32>,
    %mul3A_1663 = arith.constant 1024 : i32
    %mul3A_1664 = arith.muli %arg1, %mul3A_1663 : i32
    %sub3A_1665 = arith.constant 1024 : i32
    %sub3A_1666 = arith.subi %sub3A_1665, %mul3A_1664 : i32
    %multiple_of3A_1667 = tpu.assume_multiple %sub3A_1666, 128 : i32
    %get3A_1668 = arith.constant 64 : index
    %get3A_1669 = arith.index_cast %multiple_of3A_1667 : i32 to index
    %get3A_1670 = vector.load %arg4[%get3A_1668, %get3A_1669] : memref<128x4096xf32, #tpu.memory_space<vmem>>, vector<8x2048xf32>
    %swap3A_1671 = arith.constant 0 : index
    %swap3A_1672 = arith.constant 952 : index
    %swap3A_1673 = arith.constant 0 : index
    %swap3A_1674 = vector.load %arg3[%swap3A_1671, %swap3A_1672, %swap3A_1673] : memref<1x1024x2048xf32, #tpu.memory_space<vmem>>, vector<1x8x2048xf32>
    %swap3A_1675 = vector.shape_cast %swap3A_1674 : vector<1x8x2048xf32> to vector<8x2048xf32>
    %swap3A_1676 = vector.shape_cast %get3A_1670 : vector<8x2048xf32> to vector<1x8x2048xf32>
    tpu.vector_store %arg3[%swap3A_1671, %swap3A_1672, %swap3A_1673], %swap3A_1676 {strides = array<i32>} : memref<1x1024x2048xf32, #tpu.memory_space<vmem>>, vector<1x8x2048xf32>,
    %mul3A_1677 = arith.constant 1024 : i32
    %mul3A_1678 = arith.muli %arg1, %mul3A_1677 : i32
    %sub3A_1679 = arith.constant 1024 : i32
    %sub3A_1680 = arith.subi %sub3A_1679, %mul3A_1678 : i32
    %multiple_of3A_1681 = tpu.assume_multiple %sub3A_1680, 128 : i32
    %get3A_1682 = arith.constant 56 : index
    %get3A_1683 = arith.index_cast %multiple_of3A_1681 : i32 to index
    %get3A_1684 = vector.load %arg4[%get3A_1682, %get3A_1683] : memref<128x4096xf32, #tpu.memory_space<vmem>>, vector<8x2048xf32>
    %swap3A_1685 = arith.constant 0 : index
    %swap3A_1686 = arith.constant 960 : index
    %swap3A_1687 = arith.constant 0 : index
    %swap3A_1688 = vector.load %arg3[%swap3A_1685, %swap3A_1686, %swap3A_1687] : memref<1x1024x2048xf32, #tpu.memory_space<vmem>>, vector<1x8x2048xf32>
    %swap3A_1689 = vector.shape_cast %swap3A_1688 : vector<1x8x2048xf32> to vector<8x2048xf32>
    %swap3A_1690 = vector.shape_cast %get3A_1684 : vector<8x2048xf32> to vector<1x8x2048xf32>
    tpu.vector_store %arg3[%swap3A_1685, %swap3A_1686, %swap3A_1687], %swap3A_1690 {strides = array<i32>} : memref<1x1024x2048xf32, #tpu.memory_space<vmem>>, vector<1x8x2048xf32>,
    %mul3A_1691 = arith.constant 1024 : i32
    %mul3A_1692 = arith.muli %arg1, %mul3A_1691 : i32
    %sub3A_1693 = arith.constant 1024 : i32
    %sub3A_1694 = arith.subi %sub3A_1693, %mul3A_1692 : i32
    %multiple_of3A_1695 = tpu.assume_multiple %sub3A_1694, 128 : i32
    %get3A_1696 = arith.constant 48 : index
    %get3A_1697 = arith.index_cast %multiple_of3A_1695 : i32 to index
    %get3A_1698 = vector.load %arg4[%get3A_1696, %get3A_1697] : memref<128x4096xf32, #tpu.memory_space<vmem>>, vector<8x2048xf32>
    %swap3A_1699 = arith.constant 0 : index
    %swap3A_1700 = arith.constant 968 : index
    %swap3A_1701 = arith.constant 0 : index
    %swap3A_1702 = vector.load %arg3[%swap3A_1699, %swap3A_1700, %swap3A_1701] : memref<1x1024x2048xf32, #tpu.memory_space<vmem>>, vector<1x8x2048xf32>
    %swap3A_1703 = vector.shape_cast %swap3A_1702 : vector<1x8x2048xf32> to vector<8x2048xf32>
    %swap3A_1704 = vector.shape_cast %get3A_1698 : vector<8x2048xf32> to vector<1x8x2048xf32>
    tpu.vector_store %arg3[%swap3A_1699, %swap3A_1700, %swap3A_1701], %swap3A_1704 {strides = array<i32>} : memref<1x1024x2048xf32, #tpu.memory_space<vmem>>, vector<1x8x2048xf32>,
    %mul3A_1705 = arith.constant 1024 : i32
    %mul3A_1706 = arith.muli %arg1, %mul3A_1705 : i32
    %sub3A_1707 = arith.constant 1024 : i32
    %sub3A_1708 = arith.subi %sub3A_1707, %mul3A_1706 : i32
    %multiple_of3A_1709 = tpu.assume_multiple %sub3A_1708, 128 : i32
    %get3A_1710 = arith.constant 40 : index
    %get3A_1711 = arith.index_cast %multiple_of3A_1709 : i32 to index
    %get3A_1712 = vector.load %arg4[%get3A_1710, %get3A_1711] : memref<128x4096xf32, #tpu.memory_space<vmem>>, vector<8x2048xf32>
    %swap3A_1713 = arith.constant 0 : index
    %swap3A_1714 = arith.constant 976 : index
    %swap3A_1715 = arith.constant 0 : index
    %swap3A_1716 = vector.load %arg3[%swap3A_1713, %swap3A_1714, %swap3A_1715] : memref<1x1024x2048xf32, #tpu.memory_space<vmem>>, vector<1x8x2048xf32>
    %swap3A_1717 = vector.shape_cast %swap3A_1716 : vector<1x8x2048xf32> to vector<8x2048xf32>
    %swap3A_1718 = vector.shape_cast %get3A_1712 : vector<8x2048xf32> to vector<1x8x2048xf32>
    tpu.vector_store %arg3[%swap3A_1713, %swap3A_1714, %swap3A_1715], %swap3A_1718 {strides = array<i32>} : memref<1x1024x2048xf32, #tpu.memory_space<vmem>>, vector<1x8x2048xf32>,
    %mul3A_1719 = arith.constant 1024 : i32
    %mul3A_1720 = arith.muli %arg1, %mul3A_1719 : i32
    %sub3A_1721 = arith.constant 1024 : i32
    %sub3A_1722 = arith.subi %sub3A_1721, %mul3A_1720 : i32
    %multiple_of3A_1723 = tpu.assume_multiple %sub3A_1722, 128 : i32
    %get3A_1724 = arith.constant 32 : index
    %get3A_1725 = arith.index_cast %multiple_of3A_1723 : i32 to index
    %get3A_1726 = vector.load %arg4[%get3A_1724, %get3A_1725] : memref<128x4096xf32, #tpu.memory_space<vmem>>, vector<8x2048xf32>
    %swap3A_1727 = arith.constant 0 : index
    %swap3A_1728 = arith.constant 984 : index
    %swap3A_1729 = arith.constant 0 : index
    %swap3A_1730 = vector.load %arg3[%swap3A_1727, %swap3A_1728, %swap3A_1729] : memref<1x1024x2048xf32, #tpu.memory_space<vmem>>, vector<1x8x2048xf32>
    %swap3A_1731 = vector.shape_cast %swap3A_1730 : vector<1x8x2048xf32> to vector<8x2048xf32>
    %swap3A_1732 = vector.shape_cast %get3A_1726 : vector<8x2048xf32> to vector<1x8x2048xf32>
    tpu.vector_store %arg3[%swap3A_1727, %swap3A_1728, %swap3A_1729], %swap3A_1732 {strides = array<i32>} : memref<1x1024x2048xf32, #tpu.memory_space<vmem>>, vector<1x8x2048xf32>,
    %mul3A_1733 = arith.constant 1024 : i32
    %mul3A_1734 = arith.muli %arg1, %mul3A_1733 : i32
    %sub3A_1735 = arith.constant 1024 : i32
    %sub3A_1736 = arith.subi %sub3A_1735, %mul3A_1734 : i32
    %multiple_of3A_1737 = tpu.assume_multiple %sub3A_1736, 128 : i32
    %get3A_1738 = arith.constant 24 : index
    %get3A_1739 = arith.index_cast %multiple_of3A_1737 : i32 to index
    %get3A_1740 = vector.load %arg4[%get3A_1738, %get3A_1739] : memref<128x4096xf32, #tpu.memory_space<vmem>>, vector<8x2048xf32>
    %swap3A_1741 = arith.constant 0 : index
    %swap3A_1742 = arith.constant 992 : index
    %swap3A_1743 = arith.constant 0 : index
    %swap3A_1744 = vector.load %arg3[%swap3A_1741, %swap3A_1742, %swap3A_1743] : memref<1x1024x2048xf32, #tpu.memory_space<vmem>>, vector<1x8x2048xf32>
    %swap3A_1745 = vector.shape_cast %swap3A_1744 : vector<1x8x2048xf32> to vector<8x2048xf32>
    %swap3A_1746 = vector.shape_cast %get3A_1740 : vector<8x2048xf32> to vector<1x8x2048xf32>
    tpu.vector_store %arg3[%swap3A_1741, %swap3A_1742, %swap3A_1743], %swap3A_1746 {strides = array<i32>} : memref<1x1024x2048xf32, #tpu.memory_space<vmem>>, vector<1x8x2048xf32>,
    %mul3A_1747 = arith.constant 1024 : i32
    %mul3A_1748 = arith.muli %arg1, %mul3A_1747 : i32
    %sub3A_1749 = arith.constant 1024 : i32
    %sub3A_1750 = arith.subi %sub3A_1749, %mul3A_1748 : i32
    %multiple_of3A_1751 = tpu.assume_multiple %sub3A_1750, 128 : i32
    %get3A_1752 = arith.constant 16 : index
    %get3A_1753 = arith.index_cast %multiple_of3A_1751 : i32 to index
    %get3A_1754 = vector.load %arg4[%get3A_1752, %get3A_1753] : memref<128x4096xf32, #tpu.memory_space<vmem>>, vector<8x2048xf32>
    %swap3A_1755 = arith.constant 0 : index
    %swap3A_1756 = arith.constant 1000 : index
    %swap3A_1757 = arith.constant 0 : index
    %swap3A_1758 = vector.load %arg3[%swap3A_1755, %swap3A_1756, %swap3A_1757] : memref<1x1024x2048xf32, #tpu.memory_space<vmem>>, vector<1x8x2048xf32>
    %swap3A_1759 = vector.shape_cast %swap3A_1758 : vector<1x8x2048xf32> to vector<8x2048xf32>
    %swap3A_1760 = vector.shape_cast %get3A_1754 : vector<8x2048xf32> to vector<1x8x2048xf32>
    tpu.vector_store %arg3[%swap3A_1755, %swap3A_1756, %swap3A_1757], %swap3A_1760 {strides = array<i32>} : memref<1x1024x2048xf32, #tpu.memory_space<vmem>>, vector<1x8x2048xf32>,
    %mul3A_1761 = arith.constant 1024 : i32
    %mul3A_1762 = arith.muli %arg1, %mul3A_1761 : i32
    %sub3A_1763 = arith.constant 1024 : i32
    %sub3A_1764 = arith.subi %sub3A_1763, %mul3A_1762 : i32
    %multiple_of3A_1765 = tpu.assume_multiple %sub3A_1764, 128 : i32
    %get3A_1766 = arith.constant 8 : index
    %get3A_1767 = arith.index_cast %multiple_of3A_1765 : i32 to index
    %get3A_1768 = vector.load %arg4[%get3A_1766, %get3A_1767] : memref<128x4096xf32, #tpu.memory_space<vmem>>, vector<8x2048xf32>
    %swap3A_1769 = arith.constant 0 : index
    %swap3A_1770 = arith.constant 1008 : index
    %swap3A_1771 = arith.constant 0 : index
    %swap3A_1772 = vector.load %arg3[%swap3A_1769, %swap3A_1770, %swap3A_1771] : memref<1x1024x2048xf32, #tpu.memory_space<vmem>>, vector<1x8x2048xf32>
    %swap3A_1773 = vector.shape_cast %swap3A_1772 : vector<1x8x2048xf32> to vector<8x2048xf32>
    %swap3A_1774 = vector.shape_cast %get3A_1768 : vector<8x2048xf32> to vector<1x8x2048xf32>
    tpu.vector_store %arg3[%swap3A_1769, %swap3A_1770, %swap3A_1771], %swap3A_1774 {strides = array<i32>} : memref<1x1024x2048xf32, #tpu.memory_space<vmem>>, vector<1x8x2048xf32>,
    %mul3A_1775 = arith.constant 1024 : i32
    %mul3A_1776 = arith.muli %arg1, %mul3A_1775 : i32
    %sub3A_1777 = arith.constant 1024 : i32
    %sub3A_1778 = arith.subi %sub3A_1777, %mul3A_1776 : i32
    %multiple_of3A_1779 = tpu.assume_multiple %sub3A_1778, 128 : i32
    %get3A_1780 = arith.constant 0 : index
    %get3A_1781 = arith.index_cast %multiple_of3A_1779 : i32 to index
    %get3A_1782 = vector.load %arg4[%get3A_1780, %get3A_1781] : memref<128x4096xf32, #tpu.memory_space<vmem>>, vector<8x2048xf32>
    %swap3A_1783 = arith.constant 0 : index
    %swap3A_1784 = arith.constant 1016 : index
    %swap3A_1785 = arith.constant 0 : index
    %swap3A_1786 = vector.load %arg3[%swap3A_1783, %swap3A_1784, %swap3A_1785] : memref<1x1024x2048xf32, #tpu.memory_space<vmem>>, vector<1x8x2048xf32>
    %swap3A_1787 = vector.shape_cast %swap3A_1786 : vector<1x8x2048xf32> to vector<8x2048xf32>
    %swap3A_1788 = vector.shape_cast %get3A_1782 : vector<8x2048xf32> to vector<1x8x2048xf32>
    tpu.vector_store %arg3[%swap3A_1783, %swap3A_1784, %swap3A_1785], %swap3A_1788 {strides = array<i32>} : memref<1x1024x2048xf32, #tpu.memory_space<vmem>>, vector<1x8x2048xf32>,
    return
  }
  func.func @transform_0(%arg0: i32, %arg1: i32) -> (i32, i32, i32) {
    %c0_i32 = arith.constant 0 : i32
    %c0_i32_0 = arith.constant 0 : i32
    %c0_i32_1 = arith.constant 0 : i32
    return %arg0, %c0_i32, %c0_i32_0 : i32, i32, i32
  }
  func.func @transform_1(%arg0: i32, %arg1: i32) -> (i32, i32, i32) {
    %c0_i32 = arith.constant 0 : i32
    %c0_i32_0 = arith.constant 0 : i32
    return %arg0, %arg1, %c0_i32 : i32, i32, i32
  }
}

</mosaic_0001>

<sc_bundles>
// kernel: kernel.4.cloned.1.call-start
scs
__scs_entry_jumppad:
0x0: {  	(pc) =	sbr.rel $0x88, $3  }
0x1: {  	(tag) =	ssettag $0x0;
	lr =	simm.s32 $0x1  }
0x2: {  	[smem:$0x3FA0] =	sst lr;
	_ =	strace $0xD0000000  }
0x3: {  	_ = 	snop  }
0x4: {  	_ = 	snop  }
0x5: {  	_ = 	snop  }
0x6: {  	_ = 	snop  }
0x7: {  	_ = 	snop  }
__scs_overlays_trampoline_lowered:
0x8: {  	[smem:$0x3FAF] =	sst s0  }
0x9: {  	[smem:$0x3FB0] =	sst s1  }
0xa: {  	[smem:$0x3FB1] =	sst s2  }
0xb: {  	[smem:$0x3FB2] =	sst s3  }
0xc: {  	[smem:$0x3FB3] =	sst s4  }
0xd: {  	[smem:$0x3FB4] =	sst s5  }
0xe: {  	[smem:$0x3FB5] =	sst s6  }
0xf: {  	[smem:$0x3FB6] =	sst s7  }
0x10: {  	[smem:$0x3FB7] =	sst s8  }
0x11: {  	[smem:$0x3FB8] =	sst s9;
	s0 =	simm.s32 @!p0 $0x0  }
0x12: {  	s1 =	sld [smem:$0x3F9E];
	s0 =	simm.s32 @p0 $0x1  }
0x13: {  	[smem:$0x3FB9] =	sst s0;
	s0 =	simm.s32 @!p1 $0x0  }
0x14: {  	s2 =	sld [smem:$0x3F9D];
	s0 =	simm.s32 @p1 $0x1  }
0x15: {  	[smem:$0x3FBA] =	sst s0;
	s0 =	simm.s32 @!p2 $0x0  }
0x16: {  	s3 =	sld [smem:$0x3FDB];
	s0 =	simm.s32 @p2 $0x1  }
0x17: {  	s4 =	simm.s32 $0x1BF5;
	[smem:$0x3FBC] =	sst s0  }
0x18: {  	s0 =	sld [smem:$0x3F9F];
	_ =	swait.ge [sflag:s4], $0x0  }
0x19: {  	s7 =	sld [smem:$0x3FA0]  }
0x1a: {  	s8 =	sadd.s32 $0xFFFFE003, lr  }
0x1b: {  	s9 =	sadd.s32 $0xFFFFFEF7, lr;
	s5 =	simm.s32 $0xFFFFFFFF;
	p2 =	slt.u32 s8, $0xFFFFF086  }
0x1c: {  	p1 =	slt.u32 s9, $0xF7A;
	s5 =	simm.s32 @!p2 $0x0  }
0x1d: {  	s5 =	simm.s32 @p1 $0x1;
	p0 =	seq.s32 s7, s2  }
0x1e: {  	s7 =	smul.u32 @!p0 $0xF7A, s2;
	p2 =	seq.s32 @!p0 s5, $0x0  }
0x1f: {  	s9 =	smul.u32 $0xF7A, s1;
	s8 =	simm.s32 @!p0 $0x1BF5;
	p2 =	por !p2, p0  }
0x20: {  	[sflag:s8] =	ssyncset.s32 @!p0 $0xFFFFF086;
	s6 =	sadd.s32 @!p0 s3, s7;
	s7 =	simm.s32 @!p0 $0x108  }
0x21: {  	s3 =	sadd.s32 s3, s9;
	s6 =	sadd.s32 @!p0 $0x88, s6;
	s7 =	simm.s32 @p2 $0x1082  }
0x22: {  	[simem:s7], [sflag:s8] =	dma.local @!p0 [hbm:s6], $0xF7A  }
0x23: {  	s9 =	sor.u32 $0xD0000000, s2;
	s6 =	simm.s32 $0x108;
	_ =	swait.ge @!p0 [sflag:s8], $0x0  }
0x24: {  	s3 =	sadd.s32 $0x88, s3;
	s6 =	simm.s32 @!p1 $0x1082;
	[sflag:s4] =	ssyncset.s32 $0xFFFFF086  }
0x25: {  	[simem:s6], [sflag:s4] =	dma.local [hbm:s3], $0xF7A  }
0x26: {  	[smem:$0x3FA0] =	sst s1;
	(tag) =	ssettag s2;
	_ =	strace s9  }
0x27: {  	s1 =	sld [smem:$0x3FB0]  }
0x28: {  	s2 =	sld [smem:$0x3FB1]  }
0x29: {  	s4 =	sld [smem:$0x3FB3]  }
0x2a: {  	p0 =	seq.s32 s5, $0x0;
	s5 =	sld [smem:$0x3FB4]  }
0x2b: {  	s6 =	sld [smem:$0x3FB5]  }
0x2c: {  	s7 =	sld [smem:$0x3FB6]  }
0x2d: {  	s3 =	simm.s32 $0x108;
	s8 =	sld [smem:$0x3FB7]  }
0x2e: {  	s3 =	simm.s32 @!p0 $0x1082;
	s9 =	sld [smem:$0x3FB8]  }
0x2f: {  	lr =	sadd.s32 s0, s3;
	s0 =	sld [smem:$0x3FAF]  }
0x30: {  	s3 =	sld [smem:$0x3FB2]  }
0x31: {  	[smem:$0x3FBB] =	sst s10  }
0x32: {  	s10 =	sld [smem:$0x3FB9];
	_ =	sdelay $0x3  }
0x33: {  	p0 =	seq.s32 s10, $0x1;
	s10 =	sld [smem:$0x3FBB];
	_ =	sdelay $0x3  }
0x34: {  	[smem:$0x3FBB] =	sst s10  }
0x35: {  	s10 =	sld [smem:$0x3FBA];
	_ =	sdelay $0x3  }
0x36: {  	p1 =	seq.s32 s10, $0x1;
	s10 =	sld [smem:$0x3FBB];
	_ =	sdelay $0x3  }
0x37: {  	[smem:$0x3FBB] =	sst s10  }
0x38: {  	s10 =	sld [smem:$0x3FBC]  }
0x39: {  	_ = 	snop;
	(pc) =	sbr.ind lr, $3  }
0x3a: {  	_ = 	snop  }
0x3b: {  	_ = 	snop  }
0x3c: {  	p2 =	seq.s32 s10, $0x1;
	s10 =	sld [smem:$0x3FBB]  }
0x3d: {  	_ =	shalt  }
0x3e: {  	_ =	shalt  }
0x3f: {  	_ =	shalt  }
0x40: {  	_ =	shalt  }
0x41: {  	_ =	shalt  }
0x42: {  	_ =	shalt  }
0x43: {  	_ =	shalt  }
0x44: {  	_ =	shalt  }
0x45: {  	_ =	shalt  }
0x46: {  	_ =	shalt  }
0x47: {  	_ =	shalt  }
0x48: {  	_ =	shalt  }
0x49: {  	_ =	shalt  }
0x4a: {  	_ =	shalt  }
0x4b: {  	_ =	shalt  }
0x4c: {  	_ =	shalt  }
0x4d: {  	_ =	shalt  }
0x4e: {  	_ =	shalt  }
0x4f: {  	_ =	shalt  }
0x50: {  	_ =	shalt  }
0x51: {  	_ =	shalt  }
0x52: {  	_ =	shalt  }
0x53: {  	_ =	shalt  }
0x54: {  	_ =	shalt  }
0x55: {  	_ =	shalt  }
0x56: {  	_ =	shalt  }
0x57: {  	_ =	shalt  }
0x58: {  	_ =	shalt  }
0x59: {  	_ =	shalt  }
0x5a: {  	_ =	shalt  }
0x5b: {  	_ =	shalt  }
0x5c: {  	_ =	shalt  }
0x5d: {  	_ =	shalt  }
0x5e: {  	_ =	shalt  }
0x5f: {  	_ =	shalt  }
0x60: {  	_ =	shalt  }
0x61: {  	_ =	shalt  }
0x62: {  	_ =	shalt  }
0x63: {  	_ =	shalt  }
0x64: {  	_ =	shalt  }
0x65: {  	_ =	shalt  }
0x66: {  	_ =	shalt  }
0x67: {  	_ =	shalt  }
0x68: {  	_ =	shalt  }
0x69: {  	_ =	shalt  }
0x6a: {  	_ =	shalt  }
0x6b: {  	_ =	shalt  }
0x6c: {  	_ =	shalt  }
0x6d: {  	_ =	shalt  }
0x6e: {  	_ =	shalt  }
0x6f: {  	_ =	shalt  }
0x70: {  	_ =	shalt  }
0x71: {  	_ =	shalt  }
0x72: {  	_ =	shalt  }
0x73: {  	_ =	shalt  }
0x74: {  	_ =	shalt  }
0x75: {  	_ =	shalt  }
0x76: {  	_ =	shalt  }
0x77: {  	_ =	shalt  }
0x78: {  	_ =	shalt  }
0x79: {  	_ =	shalt  }
0x7a: {  	_ =	shalt  }
0x7b: {  	_ =	shalt  }
0x7c: {  	_ =	shalt  }
0x7d: {  	_ =	shalt  }
0x7e: {  	_ =	shalt  }
0x7f: {  	_ =	shalt  }
0x80: {  	_ =	shalt  }
0x81: {  	_ =	shalt  }
0x82: {  	_ =	shalt  }
0x83: {  	_ =	shalt  }
0x84: {  	_ =	shalt  }
0x85: {  	_ =	shalt  }
0x86: {  	_ =	shalt  }
0x87: {  	_ =	shalt  }
.Lfunc_end0:
.L_simem_size_0:
called_computation_lowered:
.L_overlay_start_0:
0x88: {  	s2 =	sld [smem:$0x3FD9]  }
0x89: {  	s3 =	sld [smem:$0x3FFE];
	_ =	sdelay $0x1  }
0x8a: {  	s1 =	srdreg.scid  }
0x8b: {  	s0 =	sand.u32 $0x1, s1  }
0x8c: {  	s16 =	sshll.u32 s0, $0xA;
	s2 =	sadd.s32 s3, s2  }
0x8d: {  	s2 =	sadd.s32 s2, s16  }
0x8e: {  	[smem:$0x3FC7] =	sst s2  }
0x8f: {  	_ = 	snop  }
0x90: {  	(tm) =	ssettm $0x1  }
0x91: {  	s17 =	sld [smem:$0x3FFB];
	_ =	sdelay $0x3  }
0x92: {  	_ =	strace s17  }
0x93: {  	s2 =	sld [smem:$0x3FFC];
	_ =	sdelay $0x3  }
0x94: {  	_ =	strace s2  }
0x95: {  	s2 =	sld [smem:$0x3FFD];
	_ =	sdelay $0x3  }
0x96: {  	_ =	strace s2  }
0x97: {  	_ =	strace $0x8FFFFFFF  }
0x98: {  	s18 =	sld [smem:$0x3FDB];
	_ =	sdelay $0x1  }
0x99: {  	s19 =	simm.s32 $_scs_section_size  }
0x9a: {  	s4 =	simm.s32 $_size__tile_overlayer_lowered;
	s5 =	simm.s32 $_tile_overlayer_lowered  }
0x9b: {  	s22 =	simm.s32 $0x1BFF;
	s21 =	sshll.u32 s5, $0x1;
	s2 =	sadd.s32 s19, s18  }
0x9c: {  	s6 =	simm.s32 $0x0;
	s20 =	sshll.u32 s4, $0x1;
	s4 =	sadd.s32 s21, s2  }
0x9d: {  	[timem:s6], [sflag:s22] =	dma.local [hbm:s4], s20  }
0x9e: {  	_ =	swait.ge [sflag:s22], s20  }
0x9f: {  	s3 =	ssub.s32 $0x0, s20;
	[sflag:s22] =	ssyncset.done $0x0  }
0xa0: {  	[sflag:s22] =	ssyncadd.s32 s3;
	_ =	sdelay $0x1  }
0xa1: {  	s23 =	simm.s32 $0x1B8B  }
0xa2: {  	_ =	swait.ge [sflag:s23], $0x1  }
0xa3: {  	[sflag:s23] =	ssyncset.done $0x0  }
0xa4: {  	s25 =	simm.s32 $0x1B8E;
	s24 =	sld [smem:$0x3FFE];
	[sflag:s23] =	ssyncadd.s32 $0xFFFFFFFF  }
0xa5: {  	s26 =	simm.s32 $execute0_lowered;
	[smem:$0x3FD2] =	sst s25  }
0xa6: {  	s4 =	sshll.u32 s26, $0x1;
	_ =	strace $0x80000046;
	[dreg:$0x1] =	wrdreg $0xFFFFFFFF  }
0xa7: {  	s28 =	simm.s32 $_size_execute0_lowered;
	s2 =	sadd.s32 s2, s4;
	[dreg:$0x0] =	wrdreg $0x0  }
0xa8: {  	s4 =	sshll.u32 s28, $0x1;
	[dreg:$0x2] =	wrdreg s2  }
0xa9: {  	[dreg:$0x3] =	wrdreg s4  }
0xaa: {  	[dreg:$0x4] =	wrdreg $0xC0  }
0xab: {  	_ =	task [dreg:s6], $0x5FFFF  }
0xac: {  	[dreg:$0x1] =	wrdreg $0xFFFFFFFF  }
0xad: {  	[dreg:$0x0] =	wrdreg $0x60  }
0xae: {  	[dreg:$0x2] =	wrdreg s24  }
0xaf: {  	[dreg:$0x3] =	wrdreg $0x9  }
0xb0: {  	_ =	task.clear_ibuf [dreg:s6], $0x4FFFF;
	_ =	strace $0x90000046  }
0xb1: {  	s29 =	simm.s32 $0x9;
	_ =	strace $0x80000048  }
0xb2: {  	_ =	swait.ge [sflag:s29], $0x1  }
0xb3: {  	[sflag:s29] =	ssyncadd.s32 $0xFFFFFFFF  }
0xb4: {  	_ =	strace $0x90000048  }
0xb5: {  	_ =	sfence  }
0xb6: {  	s30 =	sld [smem:$0x0];
	_ =	sdelay $0x2  }
0xb7: {  	s31 =	sshll.u32 s1, $0xD;
	s1 =	sshrl.u32 s1, $0x2  }
0xb8: {  	s3 =	sand.u32 $0x4000, s31;
	s1 =	sadd.s32 s1, s30  }
0xb9: {  	s0 =	sor.u32 s3, s0;
	s1 =	sshll.u32 s1, $0x11  }
0xba: {  	s0 =	sor.u32 s1, s0  }
0xbb: {  	s0 =	sadd.s32 $0x8F2B, s0  }
0xbc: {  	[sflag:s0] =	ssyncadd.remote.s32 $0x1  }
0xbd: {  	_ =	sfence.sel $0xFFFF  }
0xbe: {  	[dreg:$0x0] =	wrdreg $0xFFFFFFFF;
	(pc) =	sbr.abs _section_cstart, $3  }
0xbf: {  	[dreg:$0x1] =	wrdreg $0xFFFFFFFF  }
0xc0: {  	_ =	task.clear_ibuf [dreg:s6], $0x2FFFF;
	_ =	strace $0x9FFFFFFF  }
0xc1: {  	(tm) =	ssettm $0x7FFFFFFF  }
tec
execute0_lowered:
.L_overlay_start_1:
0x0: {  	(tag) =	ssettag $0x1  }
0x1: {  	s0 =	srdreg.scid  }
0x2: {  	s7 =	rddreg [dreg:$0x0];
	s5 =	stileid.u32  }
0x3: {  	s1 =	simm.s32 $0x0;
	s3 =	sand.u32 $0x1, s0;
	s10 =	sshll.u32 s5, $0x1  }
0x4: {  	s5 =	sshll.u32 s5, $0x8;
	s0 =	ssub.s32 $0x2, s3;
	s3 =	sshll.u32 s3, $0x7  }
0x5: {  	[smem:$0x7FF] =	sst s1;
	s4 =	sshrl.u32 s0, $0x1;
	s3 =	sor.u32 s3, s5  }
0x6: {  	s23 =	sadd.s32 $0x3100, s7;
	s0 =	ssub.s32 s0, s4;
	s5 =	sshll.u32 s3, $0x8  }
0x7: {  	s4 =	sand.u32 $0x10, s10;
	s6 =	sor.u32 $0x1000, s5;
	s8 =	sadd.s32 s5, s23  }
0x8: {  	s9 =	sor.u32 $0x3000, s5;
	[dreg:$0x2] =	wrdreg s8;
	s11 =	sadd.s32 s6, s23  }
0x9: {  	s10 =	sor.u32 $0x4000, s5;
	s12 =	sadd.s32 s9, s23;
	[dreg:$0x3] =	wrdreg s11  }
0xa: {  	s8 =	sor.u32 $0x2000, s5;
	s13 =	sadd.s32 s10, s23;
	[dreg:$0x5] =	wrdreg s12  }
0xb: {  	s11 =	sadd.s32 s8, s23;
	[dreg:$0x6] =	wrdreg s13;
	s12 =	sor.u32 $0x5000, s5  }
0xc: {  	s13 =	sor.u32 $0x6000, s5;
	[dreg:$0x4] =	wrdreg s11;
	s29 =	sadd.s32 s12, s23  }
0xd: {  	s11 =	sor.u32 $0x7000, s5;
	[dreg:$0x7] =	wrdreg s29;
	s29 =	sadd.s32 s13, s23  }
0xe: {  	s24 =	sadd.s32 $0x3000, s7;
	s23 =	sadd.s32 s11, s23;
	[dreg:$0x8] =	wrdreg s29  }
0xf: {  	[dreg:$0x9] =	wrdreg s23;
	s23 =	sadd.s32 s5, s24  }
0x10: {  	[dreg:$0xa] =	wrdreg s23;
	s23 =	sadd.s32 s6, s24  }
0x11: {  	[dreg:$0xb] =	wrdreg s23;
	s23 =	sadd.s32 s8, s24  }
0x12: {  	[dreg:$0xc] =	wrdreg s23;
	s23 =	sadd.s32 s9, s24  }
0x13: {  	[dreg:$0xd] =	wrdreg s23;
	s23 =	sadd.s32 s10, s24  }
0x14: {  	[dreg:$0xe] =	wrdreg s23;
	s23 =	sadd.s32 s12, s24  }
0x15: {  	[dreg:$0xf] =	wrdreg s23;
	s23 =	sadd.s32 s13, s24  }
0x16: {  	s25 =	sadd.s32 $0x2F00, s7;
	s24 =	sadd.s32 s11, s24;
	[dreg:$0x10] =	wrdreg s23  }
0x17: {  	s21 =	sadd.s32 $0x2B00, s7;
	[dreg:$0x11] =	wrdreg s24;
	s24 =	sadd.s32 s5, s25  }
0x18: {  	s23 =	sadd.s32 s8, s21;
	[dreg:$0x12] =	wrdreg s24  }
0x19: {  	s24 =	sadd.s32 s6, s25;
	[smem:$0x746] =	sst s23  }
0x1a: {  	s23 =	sadd.s32 s13, s21;
	[dreg:$0x13] =	wrdreg s24  }
0x1b: {  	s20 =	sadd.s32 $0x2A00, s7;
	s24 =	sadd.s32 s8, s25;
	[smem:$0x74A] =	sst s23  }
0x1c: {  	s23 =	sadd.s32 s10, s20;
	[dreg:$0x14] =	wrdreg s24  }
0x1d: {  	s19 =	sadd.s32 $0x2900, s7;
	s24 =	sadd.s32 s9, s25;
	[smem:$0x750] =	sst s23  }
0x1e: {  	s23 =	sadd.s32 s9, s19;
	[dreg:$0x15] =	wrdreg s24  }
0x1f: {  	s18 =	sadd.s32 $0x2800, s7;
	s24 =	sadd.s32 s10, s25;
	[smem:$0x757] =	sst s23  }
0x20: {  	s2 =	sadd.s32 $0x2200, s7;
	s23 =	sadd.s32 s8, s18;
	[dreg:$0x16] =	wrdreg s24  }
0x21: {  	s17 =	sadd.s32 $0x2700, s7;
	s24 =	sadd.s32 s12, s25;
	[smem:$0x75E] =	sst s23  }
0x22: {  	s26 =	sadd.s32 $0x2E00, s7;
	s23 =	sadd.s32 s8, s17;
	[dreg:$0x17] =	wrdreg s24  }
0x23: {  	s16 =	sadd.s32 $0x2600, s7;
	s24 =	sadd.s32 s13, s25;
	[smem:$0x766] =	sst s23  }
0x24: {  	s28 =	sadd.s32 $0x2D00, s7;
	s23 =	sadd.s32 s9, s16;
	[dreg:$0x18] =	wrdreg s24  }
0x25: {  	s22 =	sadd.s32 $0x2C00, s7;
	s24 =	sadd.s32 s11, s25;
	[smem:$0x76F] =	sst s23  }
0x26: {  	s15 =	sadd.s32 $0x2500, s7;
	s25 =	sadd.s32 s5, s26;
	[dreg:$0x19] =	wrdreg s24  }
0x27: {  	s14 =	sadd.s32 $0x2400, s7;
	s23 =	sadd.s32 s13, s15;
	[dreg:$0x1a] =	wrdreg s25  }
0x28: {  	s4 =	sadd.s32 s4, s7;
	s24 =	sadd.s32 s6, s26;
	[smem:$0x77A] =	sst s23  }
0x29: {  	s7 =	sadd.s32 $0x2300, s7;
	s25 =	sadd.s32 s8, s26;
	[dreg:$0x1b] =	wrdreg s24  }
0x2a: {  	s23 =	sadd.s32 s9, s7;
	[dreg:$0x1c] =	wrdreg s25  }
0x2b: {  	s24 =	sadd.s32 s9, s26;
	[smem:$0x787] =	sst s23  }
0x2c: {  	s25 =	sadd.s32 s10, s26;
	[dreg:$0x1d] =	wrdreg s24  }
0x2d: {  	[dreg:$0x1e] =	wrdreg s25;
	s24 =	sadd.s32 s12, s26  }
0x2e: {  	s25 =	sadd.s32 s13, s26;
	[dreg:$0x1f] =	wrdreg s24  }
0x2f: {  	[smem:$0x732] =	sst s25;
	s24 =	sadd.s32 s11, s26  }
0x30: {  	s25 =	sadd.s32 s5, s28;
	[smem:$0x733] =	sst s24  }
0x31: {  	s26 =	sadd.s32 s6, s28;
	[smem:$0x734] =	sst s25  }
0x32: {  	[smem:$0x735] =	sst s26;
	s24 =	sadd.s32 s8, s28  }
0x33: {  	s25 =	sadd.s32 s9, s28;
	[smem:$0x736] =	sst s24  }
0x34: {  	s26 =	sadd.s32 s10, s28;
	[smem:$0x737] =	sst s25  }
0x35: {  	[smem:$0x738] =	sst s26;
	s24 =	sadd.s32 s12, s28  }
0x36: {  	s25 =	sadd.s32 s13, s28;
	[smem:$0x739] =	sst s24  }
0x37: {  	s26 =	sadd.s32 s11, s28;
	[smem:$0x73A] =	sst s25  }
0x38: {  	[smem:$0x73B] =	sst s26;
	s24 =	sadd.s32 s5, s22  }
0x39: {  	s25 =	sadd.s32 s6, s22;
	[smem:$0x73C] =	sst s24  }
0x3a: {  	s26 =	sadd.s32 s8, s22;
	[smem:$0x73D] =	sst s25  }
0x3b: {  	[smem:$0x73E] =	sst s26;
	s24 =	sadd.s32 s9, s22  }
0x3c: {  	s25 =	sadd.s32 s10, s22;
	[smem:$0x73F] =	sst s24  }
0x3d: {  	s26 =	sadd.s32 s12, s22;
	[smem:$0x740] =	sst s25  }
0x3e: {  	[smem:$0x741] =	sst s26;
	s24 =	sadd.s32 s13, s22  }
0x3f: {  	s22 =	sadd.s32 s11, s22;
	[smem:$0x742] =	sst s24  }
0x40: {  	s25 =	sadd.s32 s5, s21;
	[smem:$0x743] =	sst s22  }
0x41: {  	s26 =	sadd.s32 s6, s21;
	[smem:$0x744] =	sst s25  }
0x42: {  	[smem:$0x745] =	sst s26;
	s24 =	sadd.s32 s9, s21  }
0x43: {  	s25 =	sadd.s32 s10, s21;
	[smem:$0x747] =	sst s24  }
0x44: {  	s26 =	sadd.s32 s12, s21;
	[smem:$0x748] =	sst s25  }
0x45: {  	s21 =	sadd.s32 s11, s21;
	[smem:$0x749] =	sst s26  }
0x46: {  	s22 =	sadd.s32 s9, s20;
	[smem:$0x74B] =	sst s21  }
0x47: {  	s24 =	sadd.s32 s5, s20;
	[smem:$0x74F] =	sst s22  }
0x48: {  	s25 =	sadd.s32 s6, s20;
	[smem:$0x74C] =	sst s24  }
0x49: {  	s26 =	sadd.s32 s8, s20;
	[smem:$0x74D] =	sst s25  }
0x4a: {  	s21 =	sadd.s32 s6, s19;
	[smem:$0x74E] =	sst s26  }
0x4b: {  	s22 =	sadd.s32 s8, s19;
	[smem:$0x755] =	sst s21  }
0x4c: {  	s24 =	sadd.s32 s12, s20;
	[smem:$0x756] =	sst s22  }
0x4d: {  	s25 =	sadd.s32 s13, s20;
	[smem:$0x751] =	sst s24  }
0x4e: {  	s20 =	sadd.s32 s11, s20;
	[smem:$0x752] =	sst s25  }
0x4f: {  	s26 =	sadd.s32 s5, s19;
	[smem:$0x753] =	sst s20  }
0x50: {  	s21 =	sadd.s32 s5, s18;
	[smem:$0x754] =	sst s26  }
0x51: {  	s22 =	sadd.s32 s6, s18;
	[smem:$0x75C] =	sst s21  }
0x52: {  	s24 =	sadd.s32 s10, s19;
	[smem:$0x75D] =	sst s22  }
0x53: {  	s25 =	sadd.s32 s12, s19;
	[smem:$0x758] =	sst s24  }
0x54: {  	s26 =	sadd.s32 s13, s19;
	[smem:$0x759] =	sst s25  }
0x55: {  	s19 =	sadd.s32 s11, s19;
	[smem:$0x75A] =	sst s26  }
0x56: {  	s20 =	sadd.s32 s13, s18;
	[smem:$0x75B] =	sst s19  }
0x57: {  	s21 =	sadd.s32 s5, s17;
	[smem:$0x762] =	sst s20  }
0x58: {  	s22 =	sadd.s32 s6, s17;
	[smem:$0x764] =	sst s21  }
0x59: {  	s24 =	sadd.s32 s9, s18;
	[smem:$0x765] =	sst s22  }
0x5a: {  	s25 =	sadd.s32 s10, s18;
	[smem:$0x75F] =	sst s24  }
0x5b: {  	s26 =	sadd.s32 s12, s18;
	[smem:$0x760] =	sst s25  }
0x5c: {  	s18 =	sadd.s32 s11, s18;
	[smem:$0x761] =	sst s26  }
0x5d: {  	s19 =	sadd.s32 s13, s17;
	[smem:$0x763] =	sst s18  }
0x5e: {  	s20 =	sadd.s32 s5, s16;
	[smem:$0x76A] =	sst s19  }
0x5f: {  	s21 =	sadd.s32 s6, s16;
	[smem:$0x76C] =	sst s20  }
0x60: {  	s22 =	sadd.s32 s8, s16;
	[smem:$0x76D] =	sst s21  }
0x61: {  	s24 =	sadd.s32 s9, s17;
	[smem:$0x76E] =	sst s22  }
0x62: {  	s25 =	sadd.s32 s10, s17;
	[smem:$0x767] =	sst s24  }
0x63: {  	s26 =	sadd.s32 s12, s17;
	[smem:$0x768] =	sst s25  }
0x64: {  	s17 =	sadd.s32 s11, s17;
	[smem:$0x769] =	sst s26  }
0x65: {  	s18 =	sadd.s32 s6, s15;
	[smem:$0x76B] =	sst s17  }
0x66: {  	s19 =	sadd.s32 s8, s15;
	[smem:$0x775] =	sst s18  }
0x67: {  	s20 =	sadd.s32 s9, s15;
	[smem:$0x776] =	sst s19  }
0x68: {  	s21 =	sadd.s32 s10, s15;
	[smem:$0x777] =	sst s20  }
0x69: {  	s22 =	sadd.s32 s12, s15;
	[smem:$0x778] =	sst s21  }
0x6a: {  	s24 =	sadd.s32 s10, s16;
	[smem:$0x779] =	sst s22  }
0x6b: {  	s25 =	sadd.s32 s12, s16;
	[smem:$0x770] =	sst s24  }
0x6c: {  	s26 =	sadd.s32 s13, s16;
	[smem:$0x771] =	sst s25  }
0x6d: {  	s16 =	sadd.s32 s11, s16;
	[smem:$0x772] =	sst s26  }
0x6e: {  	s17 =	sadd.s32 s5, s15;
	[smem:$0x773] =	sst s16  }
0x6f: {  	s15 =	sadd.s32 s11, s15;
	[smem:$0x774] =	sst s17  }
0x70: {  	s18 =	sadd.s32 s12, s14;
	[smem:$0x77B] =	sst s15  }
0x71: {  	s19 =	sadd.s32 s13, s14;
	[smem:$0x781] =	sst s18  }
0x72: {  	s20 =	sadd.s32 s5, s7;
	[smem:$0x782] =	sst s19  }
0x73: {  	s21 =	sadd.s32 s6, s7;
	[smem:$0x784] =	sst s20  }
0x74: {  	s22 =	sadd.s32 s8, s7;
	[smem:$0x785] =	sst s21  }
0x75: {  	s24 =	sadd.s32 s5, s14;
	[smem:$0x786] =	sst s22  }
0x76: {  	s25 =	sadd.s32 s6, s14;
	[smem:$0x77C] =	sst s24  }
0x77: {  	s26 =	sadd.s32 s8, s14;
	[smem:$0x77D] =	sst s25  }
0x78: {  	s16 =	sadd.s32 s9, s14;
	[smem:$0x77E] =	sst s26  }
0x79: {  	s17 =	sadd.s32 s10, s14;
	[smem:$0x77F] =	sst s16  }
0x7a: {  	s14 =	sadd.s32 s11, s14;
	[smem:$0x780] =	sst s17  }
0x7b: {  	s5 =	sadd.s32 s2, s5;
	[smem:$0x783] =	sst s14  }
0x7c: {  	s8 =	sadd.s32 s2, s8;
	[smem:$0x78C] =	sst s5  }
0x7d: {  	s9 =	sadd.s32 s2, s9;
	[smem:$0x78E] =	sst s8  }
0x7e: {  	s15 =	sadd.s32 s2, s12;
	[smem:$0x78F] =	sst s9  }
0x7f: {  	s24 =	sadd.s32 s10, s7;
	[smem:$0x791] =	sst s15  }
0x80: {  	s25 =	sadd.s32 s12, s7;
	[smem:$0x788] =	sst s24  }
0x81: {  	s26 =	sadd.s32 s13, s7;
	[smem:$0x789] =	sst s25  }
0x82: {  	s7 =	sadd.s32 s11, s7;
	[smem:$0x78A] =	sst s26  }
0x83: {  	s14 =	sadd.s32 s2, s10;
	[smem:$0x78B] =	sst s7  }
0x84: {  	s16 =	sadd.s32 s2, s13;
	[smem:$0x790] =	sst s14  }
0x85: {  	s7 =	sadd.s32 s2, s6;
	[smem:$0x792] =	sst s16  }
0x86: {  	s2 =	sadd.s32 s2, s11;
	[smem:$0x78D] =	sst s7  }
0x87: {  	s0 =	smax.u32 s0, $0x1;
	s17 =	sadd.s32 $0x10E0, s4;
	[smem:$0x793] =	sst s2  }
0x88: {  	s19 =	sand.u32 $0x780, s3;
	_ =	strace $0x80000047;
	[smem:$0x794] =	sst s17  }
0x89: {  	s18 =	ssub.s32 $0x1870, s19;
	[smem:$0x795] =	sst s0  }
0x8a: {  	s20 =	ssub.s32 $0x1860, s19;
	[smem:$0x796] =	sst s18  }
0x8b: {  	s21 =	ssub.s32 $0x1850, s19;
	[smem:$0x797] =	sst s20  }
0x8c: {  	s22 =	ssub.s32 $0x1840, s19;
	[smem:$0x798] =	sst s21  }
0x8d: {  	s23 =	ssub.s32 $0x1830, s19;
	[smem:$0x799] =	sst s22  }
0x8e: {  	s24 =	ssub.s32 $0x1820, s19;
	[smem:$0x79A] =	sst s23  }
0x8f: {  	s25 =	ssub.s32 $0x1810, s19;
	[smem:$0x79B] =	sst s24  }
0x90: {  	s26 =	ssub.s32 $0x1800, s19;
	[smem:$0x79C] =	sst s25  }
0x91: {  	s2 =	ssub.s32 $0x2870, s19;
	[smem:$0x79D] =	sst s26  }
0x92: {  	s3 =	ssub.s32 $0x2860, s19;
	[smem:$0x79E] =	sst s2  }
0x93: {  	s4 =	ssub.s32 $0x2850, s19;
	[smem:$0x79F] =	sst s3  }
0x94: {  	s5 =	ssub.s32 $0x2840, s19;
	[smem:$0x7A0] =	sst s4  }
0x95: {  	s6 =	ssub.s32 $0x2830, s19;
	[smem:$0x7A1] =	sst s5  }
0x96: {  	s7 =	ssub.s32 $0x2820, s19;
	[smem:$0x7A2] =	sst s6  }
0x97: {  	s8 =	ssub.s32 $0x2810, s19;
	[smem:$0x7A3] =	sst s7  }
0x98: {  	s9 =	ssub.s32 $0x2800, s19;
	[smem:$0x7A4] =	sst s8  }
0x99: {  	s10 =	ssub.s32 $0x3870, s19;
	[smem:$0x7A5] =	sst s9  }
0x9a: {  	s11 =	ssub.s32 $0x3860, s19;
	[smem:$0x7A6] =	sst s10  }
0x9b: {  	s12 =	ssub.s32 $0x3850, s19;
	[smem:$0x7A7] =	sst s11  }
0x9c: {  	s13 =	ssub.s32 $0x3840, s19;
	[smem:$0x7A8] =	sst s12  }
0x9d: {  	s14 =	ssub.s32 $0x3830, s19;
	[smem:$0x7A9] =	sst s13  }
0x9e: {  	s15 =	ssub.s32 $0x3820, s19;
	[smem:$0x7AA] =	sst s14  }
0x9f: {  	s16 =	ssub.s32 $0x3810, s19;
	[smem:$0x7AB] =	sst s15  }
0xa0: {  	[smem:$0x7AC] =	sst s16;
	s17 =	ssub.s32 $0x3800, s19  }
0xa1: {  	s18 =	ssub.s32 $0x4870, s19;
	[smem:$0x7AD] =	sst s17  }
0xa2: {  	s20 =	ssub.s32 $0x4860, s19;
	[smem:$0x7AE] =	sst s18  }
0xa3: {  	s21 =	ssub.s32 $0x4850, s19;
	[smem:$0x7AF] =	sst s20  }
0xa4: {  	s22 =	ssub.s32 $0x4840, s19;
	[smem:$0x7B0] =	sst s21  }
0xa5: {  	s23 =	ssub.s32 $0x4830, s19;
	[smem:$0x7B1] =	sst s22  }
0xa6: {  	s24 =	ssub.s32 $0x4820, s19;
	[smem:$0x7B2] =	sst s23  }
0xa7: {  	s25 =	ssub.s32 $0x4810, s19;
	[smem:$0x7B3] =	sst s24  }
0xa8: {  	s26 =	ssub.s32 $0x4800, s19;
	[smem:$0x7B4] =	sst s25  }
0xa9: {  	s2 =	ssub.s32 $0x5870, s19;
	[smem:$0x7B5] =	sst s26  }
0xaa: {  	s3 =	ssub.s32 $0x5860, s19;
	[smem:$0x7B6] =	sst s2  }
0xab: {  	s4 =	ssub.s32 $0x5850, s19;
	[smem:$0x7B7] =	sst s3  }
0xac: {  	s5 =	ssub.s32 $0x5840, s19;
	[smem:$0x7B8] =	sst s4  }
0xad: {  	s6 =	ssub.s32 $0x5830, s19;
	[smem:$0x7B9] =	sst s5  }
0xae: {  	s7 =	ssub.s32 $0x5820, s19;
	[smem:$0x7BA] =	sst s6  }
0xaf: {  	s8 =	ssub.s32 $0x5810, s19;
	[smem:$0x7BB] =	sst s7  }
0xb0: {  	s9 =	ssub.s32 $0x5800, s19;
	[smem:$0x7BC] =	sst s8  }
0xb1: {  	s10 =	ssub.s32 $0x6870, s19;
	[smem:$0x7BD] =	sst s9  }
0xb2: {  	s11 =	ssub.s32 $0x6860, s19;
	[smem:$0x7BE] =	sst s10  }
0xb3: {  	s12 =	ssub.s32 $0x6850, s19;
	[smem:$0x7BF] =	sst s11  }
0xb4: {  	s13 =	ssub.s32 $0x6840, s19;
	[smem:$0x7C0] =	sst s12  }
0xb5: {  	s14 =	ssub.s32 $0x6830, s19;
	[smem:$0x7C1] =	sst s13  }
0xb6: {  	s15 =	ssub.s32 $0x6820, s19;
	[smem:$0x7C2] =	sst s14  }
0xb7: {  	s16 =	ssub.s32 $0x6810, s19;
	[smem:$0x7C3] =	sst s15  }
0xb8: {  	[smem:$0x7C4] =	sst s16;
	s17 =	ssub.s32 $0x6800, s19  }
0xb9: {  	s18 =	ssub.s32 $0x7870, s19;
	[smem:$0x7C5] =	sst s17  }
0xba: {  	s20 =	ssub.s32 $0x7860, s19;
	[smem:$0x7C6] =	sst s18  }
0xbb: {  	s21 =	ssub.s32 $0x7850, s19;
	[smem:$0x7C7] =	sst s20  }
0xbc: {  	s22 =	ssub.s32 $0x7840, s19;
	[smem:$0x7C8] =	sst s21  }
0xbd: {  	s23 =	ssub.s32 $0x7830, s19;
	[smem:$0x7C9] =	sst s22  }
0xbe: {  	s24 =	ssub.s32 $0x7820, s19;
	[smem:$0x7CA] =	sst s23  }
0xbf: {  	s25 =	ssub.s32 $0x7810, s19;
	[smem:$0x7CB] =	sst s24  }
0xc0: {  	s26 =	ssub.s32 $0x7800, s19;
	[smem:$0x7CC] =	sst s25  }
0xc1: {  	s2 =	ssub.s32 $0x8870, s19;
	[smem:$0x7CD] =	sst s26  }
0xc2: {  	s3 =	ssub.s32 $0x8860, s19;
	[smem:$0x7CE] =	sst s2  }
0xc3: {  	s4 =	ssub.s32 $0x8850, s19;
	[smem:$0x7CF] =	sst s3  }
0xc4: {  	s5 =	ssub.s32 $0x8840, s19;
	[smem:$0x7D0] =	sst s4  }
0xc5: {  	s6 =	ssub.s32 $0x8830, s19;
	[smem:$0x7D1] =	sst s5  }
0xc6: {  	s7 =	ssub.s32 $0x8820, s19;
	[smem:$0x7D2] =	sst s6  }
0xc7: {  	s8 =	ssub.s32 $0x8810, s19;
	[smem:$0x7D3] =	sst s7  }
0xc8: {  	s9 =	ssub.s32 $0x8800, s19;
	[smem:$0x7D4] =	sst s8  }
0xc9: {  	s10 =	ssub.s32 $0x9870, s19;
	[smem:$0x7D5] =	sst s9  }
0xca: {  	s11 =	ssub.s32 $0x9860, s19;
	[smem:$0x7D6] =	sst s10  }
0xcb: {  	s12 =	ssub.s32 $0x9850, s19;
	[smem:$0x7D7] =	sst s11  }
0xcc: {  	s13 =	ssub.s32 $0x9840, s19;
	[smem:$0x7D8] =	sst s12  }
0xcd: {  	s14 =	ssub.s32 $0x9830, s19;
	[smem:$0x7D9] =	sst s13  }
0xce: {  	s15 =	ssub.s32 $0x9820, s19;
	[smem:$0x7DA] =	sst s14  }
0xcf: {  	s16 =	ssub.s32 $0x9810, s19;
	[smem:$0x7DB] =	sst s15  }
0xd0: {  	[smem:$0x7DC] =	sst s16;
	s17 =	ssub.s32 $0x9800, s19  }
0xd1: {  	s18 =	ssub.s32 $0xA870, s19;
	[smem:$0x7DD] =	sst s17  }
0xd2: {  	s20 =	ssub.s32 $0xA860, s19;
	[smem:$0x7DE] =	sst s18  }
0xd3: {  	s21 =	ssub.s32 $0xA850, s19;
	[smem:$0x7DF] =	sst s20  }
0xd4: {  	s22 =	ssub.s32 $0xA840, s19;
	[smem:$0x7E0] =	sst s21  }
0xd5: {  	s23 =	ssub.s32 $0xA830, s19;
	[smem:$0x7E1] =	sst s22  }
0xd6: {  	s24 =	ssub.s32 $0xA820, s19;
	[smem:$0x7E2] =	sst s23  }
0xd7: {  	s25 =	ssub.s32 $0xA810, s19;
	[smem:$0x7E3] =	sst s24  }
0xd8: {  	s26 =	ssub.s32 $0xA800, s19;
	[smem:$0x7E4] =	sst s25  }
0xd9: {  	s2 =	ssub.s32 $0xB870, s19;
	[smem:$0x7E5] =	sst s26  }
0xda: {  	s3 =	ssub.s32 $0xB860, s19;
	[smem:$0x7E6] =	sst s2  }
0xdb: {  	s4 =	ssub.s32 $0xB850, s19;
	[smem:$0x7E7] =	sst s3  }
0xdc: {  	s5 =	ssub.s32 $0xB840, s19;
	[smem:$0x7E8] =	sst s4  }
0xdd: {  	s6 =	ssub.s32 $0xB830, s19;
	[smem:$0x7E9] =	sst s5  }
0xde: {  	s7 =	ssub.s32 $0xB820, s19;
	[smem:$0x7EA] =	sst s6  }
0xdf: {  	s8 =	ssub.s32 $0xB810, s19;
	[smem:$0x7EB] =	sst s7  }
0xe0: {  	s9 =	ssub.s32 $0xB800, s19;
	[smem:$0x7EC] =	sst s8  }
0xe1: {  	s10 =	ssub.s32 $0xC870, s19;
	[smem:$0x7ED] =	sst s9  }
0xe2: {  	s11 =	ssub.s32 $0xC860, s19;
	[smem:$0x7EE] =	sst s10  }
0xe3: {  	s28 =	ssub.s32 $0xE860, s19;
	s12 =	ssub.s32 $0xC850, s19;
	[smem:$0x7EF] =	sst s11  }
0xe4: {  	s29 =	ssub.s32 $0xE850, s19;
	s13 =	ssub.s32 $0xC840, s19;
	[smem:$0x7F0] =	sst s12  }
0xe5: {  	s30 =	ssub.s32 $0xE840, s19;
	s14 =	ssub.s32 $0xC830, s19;
	[smem:$0x7F1] =	sst s13  }
0xe6: {  	s31 =	ssub.s32 $0xE830, s19;
	s15 =	ssub.s32 $0xC820, s19;
	[smem:$0x7F2] =	sst s14  }
0xe7: {  	s0 =	ssub.s32 $0xE820, s19;
	s16 =	ssub.s32 $0xC810, s19;
	[smem:$0x7F3] =	sst s15  }
0xe8: {  	[smem:$0x7F4] =	sst s16;
	s17 =	ssub.s32 $0xC800, s19;
	s18 =	ssub.s32 $0xD870, s19  }
0xe9: {  	s20 =	ssub.s32 $0xD860, s19;
	s21 =	ssub.s32 $0xD850, s19;
	s22 =	ssub.s32 $0xD840, s19  }
0xea: {  	s23 =	ssub.s32 $0xD830, s19;
	s24 =	ssub.s32 $0xD820, s19;
	s25 =	ssub.s32 $0xD810, s19  }
0xeb: {  	s26 =	ssub.s32 $0xD800, s19;
	s2 =	ssub.s32 $0xE810, s19;
	[smem:$0x7F5] =	sst s17  }
0xec: {  	s3 =	ssub.s32 $0xE800, s19;
	s4 =	ssub.s32 $0xF870, s19;
	[smem:$0x7F6] =	sst s18  }
0xed: {  	s5 =	ssub.s32 $0xF860, s19;
	s6 =	ssub.s32 $0xF850, s19;
	[smem:$0x7F7] =	sst s20  }
0xee: {  	s7 =	ssub.s32 $0xF840, s19;
	s8 =	ssub.s32 $0xF830, s19;
	[smem:$0x7F8] =	sst s21  }
0xef: {  	s9 =	ssub.s32 $0xF820, s19;
	s10 =	ssub.s32 $0xF810, s19;
	[smem:$0x7F9] =	sst s22  }
0xf0: {  	s11 =	ssub.s32 $0xF800, s19;
	s12 =	ssub.s32 $0x10870, s19;
	[smem:$0x7FA] =	sst s23  }
0xf1: {  	s13 =	ssub.s32 $0x10860, s19;
	s14 =	ssub.s32 $0x10850, s19;
	[smem:$0x7FB] =	sst s24  }
0xf2: {  	s15 =	ssub.s32 $0x10840, s19;
	s16 =	ssub.s32 $0x10830, s19;
	[smem:$0x7FC] =	sst s25  }
0xf3: {  	[smem:$0x7FD] =	sst s26;
	s26 =	ssub.s32 $0xE870, s19;
	s17 =	ssub.s32 $0x10820, s19  }
0xf4: {  	s18 =	ssub.s32 $0x10810, s19;
	s19 =	ssub.s32 $0x10800, s19;
	s20 =	simm.s32 $0x2  }
0xf5: {  	s21 =	simm.s32 $0x1;
	s22 =	simm.s32 $0x0;
	s25 =	simm.s32 $0x400  }
.LBB2_1:
0xf6: {  	s23 =	sld [smem:$0x794];
	_ =	sdelay $0x1  }
0xf7: {  	s24 =	simm.s32 $0x80  }
0xf8: {  	[tilespmem:s1], [sflag:$0x2] =	stream.strided.gather [hbm4b:s23+s24], $0x1080, s25, s24, $0x38;
	[tilespmem:$0x11080] =	vst v63  }
0xf9: {  	_ =	swait.ge [sflag:s20], $0x1080  }
0xfa: {  	[sflag:s20] =	ssyncset.done $0x0  }
0xfb: {  	s23 =	simm.s32 $0x0;
	[sflag:s20] =	ssyncadd.s32 $0xFFFFEF80  }
0xfc: {  	v0 =	vld [tilespmem:s23+$0x0];
	_ =	sdelay $0x3  }
0xfd: {  	s24 =	simm.s32 $0x40  }
.LBB2_2:
0xfe: {  	p0 =	sne.s32 s24, $0x3FC0;
	[tilespmem:s23+$0x1080] =	vst v0;
	s23 =	sshra.s32 s24, $0x2;
	s24 =	sadd.s32 $0x40, s24  }
.Ltmp0:
0xff: {  	v0 =	vld [tilespmem:s23+$0x0];
	(pc) =	sbr.rel @p0 .LBB2_2-.Ltmp0, $1  }
0x100: {  	_ =	sdelay $0x3  }
0x101: {  	[tilespmem:s23+$0x1080] =	vst v0;
	s23 =	simm.s32 $0x0  }
0x102: {  	s24 =	simm.s32 $0x40;
	v0 =	vld [tilespmem:s23+$0x1]  }
.LBB2_4:
0x103: {  	p0 =	sne.s32 s24, $0x3FC0  }
.Ltmp1:
0x104: {  	_ = 	snop;
	(pc) =	sbr.rel @p0 .LBB2_4-.Ltmp1, $3  }
0x105: {  	_ =	sdelay $0x1  }
0x106: {  	[tilespmem:s23+$0x2080] =	vst v0;
	s23 =	sshra.s32 s24, $0x2;
	s24 =	sadd.s32 $0x40, s24  }
0x107: {  	v0 =	vld [tilespmem:s23+$0x1]  }
0x108: {  	_ =	sdelay $0x3  }
0x109: {  	[tilespmem:s23+$0x2080] =	vst v0;
	s23 =	simm.s32 $0x0  }
0x10a: {  	v0 =	vld [tilespmem:s23+$0x2];
	_ =	sdelay $0x3  }
0x10b: {  	s24 =	simm.s32 $0x40  }
.LBB2_6:
0x10c: {  	p0 =	sne.s32 s24, $0x3FC0;
	[tilespmem:s23+$0x3080] =	vst v0;
	s23 =	sshra.s32 s24, $0x2;
	s24 =	sadd.s32 $0x40, s24  }
.Ltmp2:
0x10d: {  	v0 =	vld [tilespmem:s23+$0x2];
	(pc) =	sbr.rel @p0 .LBB2_6-.Ltmp2, $1  }
0x10e: {  	_ =	sdelay $0x3  }
0x10f: {  	[tilespmem:s23+$0x3080] =	vst v0;
	s23 =	simm.s32 $0x0  }
0x110: {  	s24 =	simm.s32 $0x40;
	v0 =	vld [tilespmem:s23+$0x3]  }
.LBB2_8:
0x111: {  	p0 =	sne.s32 s24, $0x3FC0  }
.Ltmp3:
0x112: {  	_ = 	snop;
	(pc) =	sbr.rel @p0 .LBB2_8-.Ltmp3, $3  }
0x113: {  	_ =	sdelay $0x1  }
0x114: {  	[tilespmem:s23+$0x4080] =	vst v0;
	s23 =	sshra.s32 s24, $0x2;
	s24 =	sadd.s32 $0x40, s24  }
0x115: {  	v0 =	vld [tilespmem:s23+$0x3]  }
0x116: {  	_ =	sdelay $0x3  }
0x117: {  	[tilespmem:s23+$0x4080] =	vst v0;
	s23 =	simm.s32 $0x0  }
0x118: {  	v0 =	vld [tilespmem:s23+$0x4];
	_ =	sdelay $0x3  }
0x119: {  	s24 =	simm.s32 $0x40  }
.LBB2_10:
0x11a: {  	p0 =	sne.s32 s24, $0x3FC0;
	[tilespmem:s23+$0x5080] =	vst v0;
	s23 =	sshra.s32 s24, $0x2;
	s24 =	sadd.s32 $0x40, s24  }
.Ltmp4:
0x11b: {  	v0 =	vld [tilespmem:s23+$0x4];
	(pc) =	sbr.rel @p0 .LBB2_10-.Ltmp4, $1  }
0x11c: {  	_ =	sdelay $0x3  }
0x11d: {  	[tilespmem:s23+$0x5080] =	vst v0;
	s23 =	simm.s32 $0x0  }
0x11e: {  	s24 =	simm.s32 $0x40;
	v0 =	vld [tilespmem:s23+$0x5]  }
.LBB2_12:
0x11f: {  	p0 =	sne.s32 s24, $0x3FC0  }
.Ltmp5:
0x120: {  	_ = 	snop;
	(pc) =	sbr.rel @p0 .LBB2_12-.Ltmp5, $3  }
0x121: {  	_ =	sdelay $0x1  }
0x122: {  	[tilespmem:s23+$0x6080] =	vst v0;
	s23 =	sshra.s32 s24, $0x2;
	s24 =	sadd.s32 $0x40, s24  }
0x123: {  	v0 =	vld [tilespmem:s23+$0x5]  }
0x124: {  	_ =	sdelay $0x3  }
0x125: {  	[tilespmem:s23+$0x6080] =	vst v0;
	s23 =	simm.s32 $0x0  }
0x126: {  	v0 =	vld [tilespmem:s23+$0x6];
	_ =	sdelay $0x3  }
0x127: {  	s24 =	simm.s32 $0x40  }
.LBB2_14:
0x128: {  	p0 =	sne.s32 s24, $0x3FC0;
	[tilespmem:s23+$0x7080] =	vst v0;
	s23 =	sshra.s32 s24, $0x2;
	s24 =	sadd.s32 $0x40, s24  }
.Ltmp6:
0x129: {  	v0 =	vld [tilespmem:s23+$0x6];
	(pc) =	sbr.rel @p0 .LBB2_14-.Ltmp6, $1  }
0x12a: {  	_ =	sdelay $0x3  }
0x12b: {  	[tilespmem:s23+$0x7080] =	vst v0;
	s23 =	simm.s32 $0x0  }
0x12c: {  	s24 =	simm.s32 $0x40;
	v0 =	vld [tilespmem:s23+$0x7]  }
.LBB2_16:
0x12d: {  	p0 =	sne.s32 s24, $0x3FC0  }
.Ltmp7:
0x12e: {  	_ = 	snop;
	(pc) =	sbr.rel @p0 .LBB2_16-.Ltmp7, $3  }
0x12f: {  	_ =	sdelay $0x1  }
0x130: {  	[tilespmem:s23+$0x8080] =	vst v0;
	s23 =	sshra.s32 s24, $0x2;
	s24 =	sadd.s32 $0x40, s24  }
0x131: {  	v0 =	vld [tilespmem:s23+$0x7]  }
0x132: {  	_ =	sdelay $0x3  }
0x133: {  	[tilespmem:s23+$0x8080] =	vst v0;
	s23 =	simm.s32 $0x0  }
0x134: {  	v0 =	vld [tilespmem:s23+$0x8];
	_ =	sdelay $0x3  }
0x135: {  	s24 =	simm.s32 $0x40  }
.LBB2_18:
0x136: {  	p0 =	sne.s32 s24, $0x3FC0;
	[tilespmem:s23+$0x9080] =	vst v0;
	s23 =	sshra.s32 s24, $0x2;
	s24 =	sadd.s32 $0x40, s24  }
.Ltmp8:
0x137: {  	v0 =	vld [tilespmem:s23+$0x8];
	(pc) =	sbr.rel @p0 .LBB2_18-.Ltmp8, $1  }
0x138: {  	_ =	sdelay $0x3  }
0x139: {  	[tilespmem:s23+$0x9080] =	vst v0;
	s23 =	simm.s32 $0x0  }
0x13a: {  	s24 =	simm.s32 $0x40;
	v0 =	vld [tilespmem:s23+$0x9]  }
.LBB2_20:
0x13b: {  	p0 =	sne.s32 s24, $0x3FC0  }
.Ltmp9:
0x13c: {  	_ = 	snop;
	(pc) =	sbr.rel @p0 .LBB2_20-.Ltmp9, $3  }
0x13d: {  	_ =	sdelay $0x1  }
0x13e: {  	[tilespmem:s23+$0xA080] =	vst v0;
	s23 =	sshra.s32 s24, $0x2;
	s24 =	sadd.s32 $0x40, s24  }
0x13f: {  	v0 =	vld [tilespmem:s23+$0x9]  }
0x140: {  	_ =	sdelay $0x3  }
0x141: {  	[tilespmem:s23+$0xA080] =	vst v0;
	s23 =	simm.s32 $0x0  }
0x142: {  	v0 =	vld [tilespmem:s23+$0xA];
	_ =	sdelay $0x3  }
0x143: {  	s24 =	simm.s32 $0x40  }
.LBB2_22:
0x144: {  	p0 =	sne.s32 s24, $0x3FC0;
	[tilespmem:s23+$0xB080] =	vst v0;
	s23 =	sshra.s32 s24, $0x2;
	s24 =	sadd.s32 $0x40, s24  }
.Ltmp10:
0x145: {  	v0 =	vld [tilespmem:s23+$0xA];
	(pc) =	sbr.rel @p0 .LBB2_22-.Ltmp10, $1  }
0x146: {  	_ =	sdelay $0x3  }
0x147: {  	[tilespmem:s23+$0xB080] =	vst v0;
	s23 =	simm.s32 $0x0  }
0x148: {  	s24 =	simm.s32 $0x40;
	v0 =	vld [tilespmem:s23+$0xB]  }
.LBB2_24:
0x149: {  	p0 =	sne.s32 s24, $0x3FC0  }
.Ltmp11:
0x14a: {  	_ = 	snop;
	(pc) =	sbr.rel @p0 .LBB2_24-.Ltmp11, $3  }
0x14b: {  	_ =	sdelay $0x1  }
0x14c: {  	[tilespmem:s23+$0xC080] =	vst v0;
	s23 =	sshra.s32 s24, $0x2;
	s24 =	sadd.s32 $0x40, s24  }
0x14d: {  	v0 =	vld [tilespmem:s23+$0xB]  }
0x14e: {  	_ =	sdelay $0x3  }
0x14f: {  	[tilespmem:s23+$0xC080] =	vst v0;
	s23 =	simm.s32 $0x0  }
0x150: {  	v0 =	vld [tilespmem:s23+$0xC];
	_ =	sdelay $0x3  }
0x151: {  	s24 =	simm.s32 $0x40  }
.LBB2_26:
0x152: {  	p0 =	sne.s32 s24, $0x3FC0;
	[tilespmem:s23+$0xD080] =	vst v0;
	s23 =	sshra.s32 s24, $0x2;
	s24 =	sadd.s32 $0x40, s24  }
.Ltmp12:
0x153: {  	v0 =	vld [tilespmem:s23+$0xC];
	(pc) =	sbr.rel @p0 .LBB2_26-.Ltmp12, $1  }
0x154: {  	_ =	sdelay $0x3  }
0x155: {  	[tilespmem:s23+$0xD080] =	vst v0;
	s23 =	simm.s32 $0x0  }
0x156: {  	s24 =	simm.s32 $0x40;
	v0 =	vld [tilespmem:s23+$0xD]  }
.LBB2_28:
0x157: {  	p0 =	sne.s32 s24, $0x3FC0  }
.Ltmp13:
0x158: {  	_ = 	snop;
	(pc) =	sbr.rel @p0 .LBB2_28-.Ltmp13, $3  }
0x159: {  	_ =	sdelay $0x1  }
0x15a: {  	[tilespmem:s23+$0xE080] =	vst v0;
	s23 =	sshra.s32 s24, $0x2;
	s24 =	sadd.s32 $0x40, s24  }
0x15b: {  	v0 =	vld [tilespmem:s23+$0xD]  }
0x15c: {  	_ =	sdelay $0x3  }
0x15d: {  	[tilespmem:s23+$0xE080] =	vst v0;
	s23 =	simm.s32 $0x0  }
0x15e: {  	s24 =	simm.s32 $0x40;
	v0 =	vld [tilespmem:s23+$0xE]  }
.LBB2_30:
0x15f: {  	p0 =	sne.s32 s24, $0x3FC0  }
.Ltmp14:
0x160: {  	_ = 	snop;
	(pc) =	sbr.rel @p0 .LBB2_30-.Ltmp14, $3  }
0x161: {  	_ =	sdelay $0x1  }
0x162: {  	[tilespmem:s23+$0xF080] =	vst v0;
	s23 =	sshra.s32 s24, $0x2;
	s24 =	sadd.s32 $0x40, s24  }
0x163: {  	v0 =	vld [tilespmem:s23+$0xE]  }
0x164: {  	_ =	sdelay $0x3  }
0x165: {  	[tilespmem:s23+$0xF080] =	vst v0;
	s23 =	simm.s32 $0x0  }
0x166: {  	s24 =	simm.s32 $0x40;
	v0 =	vld [tilespmem:s23+$0xF]  }
.LBB2_32:
0x167: {  	p0 =	sne.s32 s24, $0x3FC0  }
.Ltmp15:
0x168: {  	_ = 	snop;
	(pc) =	sbr.rel @p0 .LBB2_32-.Ltmp15, $3  }
0x169: {  	_ =	sdelay $0x1  }
0x16a: {  	[tilespmem:s23+$0x10080] =	vst v0;
	s23 =	sshra.s32 s24, $0x2;
	s24 =	sadd.s32 $0x40, s24  }
0x16b: {  	v0 =	vld [tilespmem:s23+$0xF]  }
0x16c: {  	_ =	sdelay $0x1  }
0x16d: {  	s24 =	sld [smem:$0x796];
	_ =	sdelay $0x1  }
0x16e: {  	[tilespmem:s23+$0x10080] =	vst v0;
	s23 =	rddreg [dreg:$0x2]  }
0x16f: {  	[hbm4b:s23+s1] =	stream.linear.scatter [tilespmem:s24], [sflag:$0x1], $0x800, $0x38;
	[tilespmem:$0x11080] =	vst v63  }
0x170: {  	s24 =	sld [smem:$0x797];
	_ =	sdelay $0x1  }
0x171: {  	s23 =	rddreg [dreg:$0x3]  }
0x172: {  	[hbm4b:s23+s1] =	stream.linear.scatter [tilespmem:s24], [sflag:$0x1], $0x800, $0x38;
	[tilespmem:$0x11080] =	vst v63  }
0x173: {  	s24 =	sld [smem:$0x798];
	_ =	sdelay $0x1  }
0x174: {  	s23 =	rddreg [dreg:$0x4]  }
0x175: {  	[hbm4b:s23+s1] =	stream.linear.scatter [tilespmem:s24], [sflag:$0x1], $0x800, $0x38;
	[tilespmem:$0x11080] =	vst v63  }
0x176: {  	s24 =	sld [smem:$0x799];
	_ =	sdelay $0x1  }
0x177: {  	s23 =	rddreg [dreg:$0x5]  }
0x178: {  	[hbm4b:s23+s1] =	stream.linear.scatter [tilespmem:s24], [sflag:$0x1], $0x800, $0x38;
	[tilespmem:$0x11080] =	vst v63  }
0x179: {  	s24 =	sld [smem:$0x79A];
	_ =	sdelay $0x1  }
0x17a: {  	s23 =	rddreg [dreg:$0x6]  }
0x17b: {  	[hbm4b:s23+s1] =	stream.linear.scatter [tilespmem:s24], [sflag:$0x1], $0x800, $0x38;
	[tilespmem:$0x11080] =	vst v63  }
0x17c: {  	s24 =	sld [smem:$0x79B];
	_ =	sdelay $0x1  }
0x17d: {  	s23 =	rddreg [dreg:$0x7]  }
0x17e: {  	[hbm4b:s23+s1] =	stream.linear.scatter [tilespmem:s24], [sflag:$0x1], $0x800, $0x38;
	[tilespmem:$0x11080] =	vst v63  }
0x17f: {  	s24 =	sld [smem:$0x79C];
	_ =	sdelay $0x1  }
0x180: {  	s23 =	rddreg [dreg:$0x8]  }
0x181: {  	[hbm4b:s23+s1] =	stream.linear.scatter [tilespmem:s24], [sflag:$0x1], $0x800, $0x38;
	[tilespmem:$0x11080] =	vst v63  }
0x182: {  	s24 =	sld [smem:$0x79D];
	_ =	sdelay $0x1  }
0x183: {  	s23 =	rddreg [dreg:$0x9]  }
0x184: {  	[hbm4b:s23+s1] =	stream.linear.scatter [tilespmem:s24], [sflag:$0x1], $0x800, $0x38;
	[tilespmem:$0x11080] =	vst v63  }
0x185: {  	s24 =	sld [smem:$0x79E];
	_ =	sdelay $0x1  }
0x186: {  	s23 =	rddreg [dreg:$0xa]  }
0x187: {  	[hbm4b:s23+s1] =	stream.linear.scatter [tilespmem:s24], [sflag:$0x1], $0x800, $0x38;
	[tilespmem:$0x11080] =	vst v63  }
0x188: {  	s24 =	sld [smem:$0x79F];
	_ =	sdelay $0x1  }
0x189: {  	s23 =	rddreg [dreg:$0xb]  }
0x18a: {  	[hbm4b:s23+s1] =	stream.linear.scatter [tilespmem:s24], [sflag:$0x1], $0x800, $0x38;
	[tilespmem:$0x11080] =	vst v63  }
0x18b: {  	s24 =	sld [smem:$0x7A0];
	_ =	sdelay $0x1  }
0x18c: {  	s23 =	rddreg [dreg:$0xc]  }
0x18d: {  	[hbm4b:s23+s1] =	stream.linear.scatter [tilespmem:s24], [sflag:$0x1], $0x800, $0x38;
	[tilespmem:$0x11080] =	vst v63  }
0x18e: {  	s24 =	sld [smem:$0x7A1];
	_ =	sdelay $0x1  }
0x18f: {  	s23 =	rddreg [dreg:$0xd]  }
0x190: {  	[hbm4b:s23+s1] =	stream.linear.scatter [tilespmem:s24], [sflag:$0x1], $0x800, $0x38;
	[tilespmem:$0x11080] =	vst v63  }
0x191: {  	s24 =	sld [smem:$0x7A2];
	_ =	sdelay $0x1  }
0x192: {  	s23 =	rddreg [dreg:$0xe]  }
0x193: {  	[hbm4b:s23+s1] =	stream.linear.scatter [tilespmem:s24], [sflag:$0x1], $0x800, $0x38;
	[tilespmem:$0x11080] =	vst v63  }
0x194: {  	s24 =	sld [smem:$0x7A3];
	_ =	sdelay $0x1  }
0x195: {  	s23 =	rddreg [dreg:$0xf]  }
0x196: {  	[hbm4b:s23+s1] =	stream.linear.scatter [tilespmem:s24], [sflag:$0x1], $0x800, $0x38;
	[tilespmem:$0x11080] =	vst v63  }
0x197: {  	s24 =	sld [smem:$0x7A4];
	_ =	sdelay $0x1  }
0x198: {  	s23 =	rddreg [dreg:$0x10]  }
0x199: {  	[hbm4b:s23+s1] =	stream.linear.scatter [tilespmem:s24], [sflag:$0x1], $0x800, $0x38;
	[tilespmem:$0x11080] =	vst v63  }
0x19a: {  	s24 =	sld [smem:$0x7A5];
	_ =	sdelay $0x1  }
0x19b: {  	s23 =	rddreg [dreg:$0x11]  }
0x19c: {  	[hbm4b:s23+s1] =	stream.linear.scatter [tilespmem:s24], [sflag:$0x1], $0x800, $0x38;
	[tilespmem:$0x11080] =	vst v63  }
0x19d: {  	s24 =	sld [smem:$0x7A6];
	_ =	sdelay $0x1  }
0x19e: {  	s23 =	rddreg [dreg:$0x12]  }
0x19f: {  	[hbm4b:s23+s1] =	stream.linear.scatter [tilespmem:s24], [sflag:$0x1], $0x800, $0x38;
	[tilespmem:$0x11080] =	vst v63  }
0x1a0: {  	s24 =	sld [smem:$0x7A7];
	_ =	sdelay $0x1  }
0x1a1: {  	s23 =	rddreg [dreg:$0x13]  }
0x1a2: {  	[hbm4b:s23+s1] =	stream.linear.scatter [tilespmem:s24], [sflag:$0x1], $0x800, $0x38;
	[tilespmem:$0x11080] =	vst v63  }
0x1a3: {  	s24 =	sld [smem:$0x7A8];
	_ =	sdelay $0x1  }
0x1a4: {  	s23 =	rddreg [dreg:$0x14]  }
0x1a5: {  	[hbm4b:s23+s1] =	stream.linear.scatter [tilespmem:s24], [sflag:$0x1], $0x800, $0x38;
	[tilespmem:$0x11080] =	vst v63  }
0x1a6: {  	s24 =	sld [smem:$0x7A9];
	_ =	sdelay $0x1  }
0x1a7: {  	s23 =	rddreg [dreg:$0x15]  }
0x1a8: {  	[hbm4b:s23+s1] =	stream.linear.scatter [tilespmem:s24], [sflag:$0x1], $0x800, $0x38;
	[tilespmem:$0x11080] =	vst v63  }
0x1a9: {  	s24 =	sld [smem:$0x7AA];
	_ =	sdelay $0x1  }
0x1aa: {  	s23 =	rddreg [dreg:$0x16]  }
0x1ab: {  	[hbm4b:s23+s1] =	stream.linear.scatter [tilespmem:s24], [sflag:$0x1], $0x800, $0x38;
	[tilespmem:$0x11080] =	vst v63  }
0x1ac: {  	s24 =	sld [smem:$0x7AB];
	_ =	sdelay $0x1  }
0x1ad: {  	s23 =	rddreg [dreg:$0x17]  }
0x1ae: {  	[hbm4b:s23+s1] =	stream.linear.scatter [tilespmem:s24], [sflag:$0x1], $0x800, $0x38;
	[tilespmem:$0x11080] =	vst v63  }
0x1af: {  	s24 =	sld [smem:$0x7AC];
	_ =	sdelay $0x1  }
0x1b0: {  	s23 =	rddreg [dreg:$0x18]  }
0x1b1: {  	[hbm4b:s23+s1] =	stream.linear.scatter [tilespmem:s24], [sflag:$0x1], $0x800, $0x38;
	[tilespmem:$0x11080] =	vst v63  }
0x1b2: {  	s24 =	sld [smem:$0x7AD];
	_ =	sdelay $0x1  }
0x1b3: {  	s23 =	rddreg [dreg:$0x19]  }
0x1b4: {  	[hbm4b:s23+s1] =	stream.linear.scatter [tilespmem:s24], [sflag:$0x1], $0x800, $0x38;
	[tilespmem:$0x11080] =	vst v63  }
0x1b5: {  	s24 =	sld [smem:$0x7AE];
	_ =	sdelay $0x1  }
0x1b6: {  	s23 =	rddreg [dreg:$0x1a]  }
0x1b7: {  	[hbm4b:s23+s1] =	stream.linear.scatter [tilespmem:s24], [sflag:$0x1], $0x800, $0x38;
	[tilespmem:$0x11080] =	vst v63  }
0x1b8: {  	s24 =	sld [smem:$0x7AF];
	_ =	sdelay $0x1  }
0x1b9: {  	s23 =	rddreg [dreg:$0x1b]  }
0x1ba: {  	[hbm4b:s23+s1] =	stream.linear.scatter [tilespmem:s24], [sflag:$0x1], $0x800, $0x38;
	[tilespmem:$0x11080] =	vst v63  }
0x1bb: {  	s24 =	sld [smem:$0x7B0];
	_ =	sdelay $0x1  }
0x1bc: {  	s23 =	rddreg [dreg:$0x1c]  }
0x1bd: {  	[hbm4b:s23+s1] =	stream.linear.scatter [tilespmem:s24], [sflag:$0x1], $0x800, $0x38;
	[tilespmem:$0x11080] =	vst v63  }
0x1be: {  	s24 =	sld [smem:$0x7B1];
	_ =	sdelay $0x1  }
0x1bf: {  	s23 =	rddreg [dreg:$0x1d]  }
0x1c0: {  	[hbm4b:s23+s1] =	stream.linear.scatter [tilespmem:s24], [sflag:$0x1], $0x800, $0x38;
	[tilespmem:$0x11080] =	vst v63  }
0x1c1: {  	s24 =	sld [smem:$0x7B2];
	_ =	sdelay $0x1  }
0x1c2: {  	s23 =	rddreg [dreg:$0x1e]  }
0x1c3: {  	[hbm4b:s23+s1] =	stream.linear.scatter [tilespmem:s24], [sflag:$0x1], $0x800, $0x38;
	[tilespmem:$0x11080] =	vst v63  }
0x1c4: {  	s24 =	sld [smem:$0x7B3];
	_ =	sdelay $0x1  }
0x1c5: {  	s23 =	rddreg [dreg:$0x1f]  }
0x1c6: {  	[hbm4b:s23+s1] =	stream.linear.scatter [tilespmem:s24], [sflag:$0x1], $0x800, $0x38;
	[tilespmem:$0x11080] =	vst v63  }
0x1c7: {  	s23 =	sld [smem:$0x732]  }
0x1c8: {  	s24 =	sld [smem:$0x7B4];
	_ =	sdelay $0x2  }
0x1c9: {  	[hbm4b:s23+s1] =	stream.linear.scatter [tilespmem:s24], [sflag:$0x1], $0x800, $0x38;
	[tilespmem:$0x11080] =	vst v63  }
0x1ca: {  	s23 =	sld [smem:$0x733]  }
0x1cb: {  	s24 =	sld [smem:$0x7B5];
	_ =	sdelay $0x2  }
0x1cc: {  	[hbm4b:s23+s1] =	stream.linear.scatter [tilespmem:s24], [sflag:$0x1], $0x800, $0x38;
	[tilespmem:$0x11080] =	vst v63  }
0x1cd: {  	s23 =	sld [smem:$0x734]  }
0x1ce: {  	s24 =	sld [smem:$0x7B6];
	_ =	sdelay $0x2  }
0x1cf: {  	[hbm4b:s23+s1] =	stream.linear.scatter [tilespmem:s24], [sflag:$0x1], $0x800, $0x38;
	[tilespmem:$0x11080] =	vst v63  }
0x1d0: {  	s23 =	sld [smem:$0x735]  }
0x1d1: {  	s24 =	sld [smem:$0x7B7];
	_ =	sdelay $0x2  }
0x1d2: {  	[hbm4b:s23+s1] =	stream.linear.scatter [tilespmem:s24], [sflag:$0x1], $0x800, $0x38;
	[tilespmem:$0x11080] =	vst v63  }
0x1d3: {  	s23 =	sld [smem:$0x736]  }
0x1d4: {  	s24 =	sld [smem:$0x7B8];
	_ =	sdelay $0x2  }
0x1d5: {  	[hbm4b:s23+s1] =	stream.linear.scatter [tilespmem:s24], [sflag:$0x1], $0x800, $0x38;
	[tilespmem:$0x11080] =	vst v63  }
0x1d6: {  	s23 =	sld [smem:$0x737]  }
0x1d7: {  	s24 =	sld [smem:$0x7B9];
	_ =	sdelay $0x2  }
0x1d8: {  	[hbm4b:s23+s1] =	stream.linear.scatter [tilespmem:s24], [sflag:$0x1], $0x800, $0x38;
	[tilespmem:$0x11080] =	vst v63  }
0x1d9: {  	s23 =	sld [smem:$0x738]  }
0x1da: {  	s24 =	sld [smem:$0x7BA];
	_ =	sdelay $0x2  }
0x1db: {  	[hbm4b:s23+s1] =	stream.linear.scatter [tilespmem:s24], [sflag:$0x1], $0x800, $0x38;
	[tilespmem:$0x11080] =	vst v63  }
0x1dc: {  	s23 =	sld [smem:$0x739]  }
0x1dd: {  	s24 =	sld [smem:$0x7BB];
	_ =	sdelay $0x2  }
0x1de: {  	[hbm4b:s23+s1] =	stream.linear.scatter [tilespmem:s24], [sflag:$0x1], $0x800, $0x38;
	[tilespmem:$0x11080] =	vst v63  }
0x1df: {  	s23 =	sld [smem:$0x73A]  }
0x1e0: {  	s24 =	sld [smem:$0x7BC];
	_ =	sdelay $0x2  }
0x1e1: {  	[hbm4b:s23+s1] =	stream.linear.scatter [tilespmem:s24], [sflag:$0x1], $0x800, $0x38;
	[tilespmem:$0x11080] =	vst v63  }
0x1e2: {  	s23 =	sld [smem:$0x73B]  }
0x1e3: {  	s24 =	sld [smem:$0x7BD];
	_ =	sdelay $0x2  }
0x1e4: {  	[hbm4b:s23+s1] =	stream.linear.scatter [tilespmem:s24], [sflag:$0x1], $0x800, $0x38;
	[tilespmem:$0x11080] =	vst v63  }
0x1e5: {  	s23 =	sld [smem:$0x73C]  }
0x1e6: {  	s24 =	sld [smem:$0x7BE];
	_ =	sdelay $0x2  }
0x1e7: {  	[hbm4b:s23+s1] =	stream.linear.scatter [tilespmem:s24], [sflag:$0x1], $0x800, $0x38;
	[tilespmem:$0x11080] =	vst v63  }
0x1e8: {  	s23 =	sld [smem:$0x73D]  }
0x1e9: {  	s24 =	sld [smem:$0x7BF];
	_ =	sdelay $0x2  }
0x1ea: {  	[hbm4b:s23+s1] =	stream.linear.scatter [tilespmem:s24], [sflag:$0x1], $0x800, $0x38;
	[tilespmem:$0x11080] =	vst v63  }
0x1eb: {  	s23 =	sld [smem:$0x73E]  }
0x1ec: {  	s24 =	sld [smem:$0x7C0];
	_ =	sdelay $0x2  }
0x1ed: {  	[hbm4b:s23+s1] =	stream.linear.scatter [tilespmem:s24], [sflag:$0x1], $0x800, $0x38;
	[tilespmem:$0x11080] =	vst v63  }
0x1ee: {  	s23 =	sld [smem:$0x73F]  }
0x1ef: {  	s24 =	sld [smem:$0x7C1];
	_ =	sdelay $0x2  }
0x1f0: {  	[hbm4b:s23+s1] =	stream.linear.scatter [tilespmem:s24], [sflag:$0x1], $0x800, $0x38;
	[tilespmem:$0x11080] =	vst v63  }
0x1f1: {  	s23 =	sld [smem:$0x740]  }
0x1f2: {  	s24 =	sld [smem:$0x7C2];
	_ =	sdelay $0x2  }
0x1f3: {  	[hbm4b:s23+s1] =	stream.linear.scatter [tilespmem:s24], [sflag:$0x1], $0x800, $0x38;
	[tilespmem:$0x11080] =	vst v63  }
0x1f4: {  	s23 =	sld [smem:$0x741]  }
0x1f5: {  	s24 =	sld [smem:$0x7C3];
	_ =	sdelay $0x2  }
0x1f6: {  	[hbm4b:s23+s1] =	stream.linear.scatter [tilespmem:s24], [sflag:$0x1], $0x800, $0x38;
	[tilespmem:$0x11080] =	vst v63  }
0x1f7: {  	s23 =	sld [smem:$0x742]  }
0x1f8: {  	s24 =	sld [smem:$0x7C4];
	_ =	sdelay $0x2  }
0x1f9: {  	[hbm4b:s23+s1] =	stream.linear.scatter [tilespmem:s24], [sflag:$0x1], $0x800, $0x38;
	[tilespmem:$0x11080] =	vst v63  }
0x1fa: {  	s23 =	sld [smem:$0x743]  }
0x1fb: {  	s24 =	sld [smem:$0x7C5];
	_ =	sdelay $0x2  }
0x1fc: {  	[hbm4b:s23+s1] =	stream.linear.scatter [tilespmem:s24], [sflag:$0x1], $0x800, $0x38;
	[tilespmem:$0x11080] =	vst v63  }
0x1fd: {  	s23 =	sld [smem:$0x744]  }
0x1fe: {  	s24 =	sld [smem:$0x7C6];
	_ =	sdelay $0x2  }
0x1ff: {  	[hbm4b:s23+s1] =	stream.linear.scatter [tilespmem:s24], [sflag:$0x1], $0x800, $0x38;
	[tilespmem:$0x11080] =	vst v63  }
0x200: {  	s23 =	sld [smem:$0x745]  }
0x201: {  	s24 =	sld [smem:$0x7C7];
	_ =	sdelay $0x2  }
0x202: {  	[hbm4b:s23+s1] =	stream.linear.scatter [tilespmem:s24], [sflag:$0x1], $0x800, $0x38;
	[tilespmem:$0x11080] =	vst v63  }
0x203: {  	s23 =	sld [smem:$0x746]  }
0x204: {  	s24 =	sld [smem:$0x7C8];
	_ =	sdelay $0x2  }
0x205: {  	[hbm4b:s23+s1] =	stream.linear.scatter [tilespmem:s24], [sflag:$0x1], $0x800, $0x38;
	[tilespmem:$0x11080] =	vst v63  }
0x206: {  	s23 =	sld [smem:$0x747]  }
0x207: {  	s24 =	sld [smem:$0x7C9];
	_ =	sdelay $0x2  }
0x208: {  	[hbm4b:s23+s1] =	stream.linear.scatter [tilespmem:s24], [sflag:$0x1], $0x800, $0x38;
	[tilespmem:$0x11080] =	vst v63  }
0x209: {  	s23 =	sld [smem:$0x748]  }
0x20a: {  	s24 =	sld [smem:$0x7CA];
	_ =	sdelay $0x2  }
0x20b: {  	[hbm4b:s23+s1] =	stream.linear.scatter [tilespmem:s24], [sflag:$0x1], $0x800, $0x38;
	[tilespmem:$0x11080] =	vst v63  }
0x20c: {  	s23 =	sld [smem:$0x749]  }
0x20d: {  	s24 =	sld [smem:$0x7CB];
	_ =	sdelay $0x2  }
0x20e: {  	[hbm4b:s23+s1] =	stream.linear.scatter [tilespmem:s24], [sflag:$0x1], $0x800, $0x38;
	[tilespmem:$0x11080] =	vst v63  }
0x20f: {  	s23 =	sld [smem:$0x74A]  }
0x210: {  	s24 =	sld [smem:$0x7CC];
	_ =	sdelay $0x2  }
0x211: {  	[hbm4b:s23+s1] =	stream.linear.scatter [tilespmem:s24], [sflag:$0x1], $0x800, $0x38;
	[tilespmem:$0x11080] =	vst v63  }
0x212: {  	s23 =	sld [smem:$0x74B]  }
0x213: {  	s24 =	sld [smem:$0x7CD];
	_ =	sdelay $0x2  }
0x214: {  	[hbm4b:s23+s1] =	stream.linear.scatter [tilespmem:s24], [sflag:$0x1], $0x800, $0x38;
	[tilespmem:$0x11080] =	vst v63  }
0x215: {  	s23 =	sld [smem:$0x74C]  }
0x216: {  	s24 =	sld [smem:$0x7CE];
	_ =	sdelay $0x2  }
0x217: {  	[hbm4b:s23+s1] =	stream.linear.scatter [tilespmem:s24], [sflag:$0x1], $0x800, $0x38;
	[tilespmem:$0x11080] =	vst v63  }
0x218: {  	s23 =	sld [smem:$0x74D]  }
0x219: {  	s24 =	sld [smem:$0x7CF];
	_ =	sdelay $0x2  }
0x21a: {  	[hbm4b:s23+s1] =	stream.linear.scatter [tilespmem:s24], [sflag:$0x1], $0x800, $0x38;
	[tilespmem:$0x11080] =	vst v63  }
0x21b: {  	s23 =	sld [smem:$0x74E]  }
0x21c: {  	s24 =	sld [smem:$0x7D0];
	_ =	sdelay $0x2  }
0x21d: {  	[hbm4b:s23+s1] =	stream.linear.scatter [tilespmem:s24], [sflag:$0x1], $0x800, $0x38;
	[tilespmem:$0x11080] =	vst v63  }
0x21e: {  	s23 =	sld [smem:$0x74F]  }
0x21f: {  	s24 =	sld [smem:$0x7D1];
	_ =	sdelay $0x2  }
0x220: {  	[hbm4b:s23+s1] =	stream.linear.scatter [tilespmem:s24], [sflag:$0x1], $0x800, $0x38;
	[tilespmem:$0x11080] =	vst v63  }
0x221: {  	s23 =	sld [smem:$0x750]  }
0x222: {  	s24 =	sld [smem:$0x7D2];
	_ =	sdelay $0x2  }
0x223: {  	[hbm4b:s23+s1] =	stream.linear.scatter [tilespmem:s24], [sflag:$0x1], $0x800, $0x38;
	[tilespmem:$0x11080] =	vst v63  }
0x224: {  	s23 =	sld [smem:$0x751]  }
0x225: {  	s24 =	sld [smem:$0x7D3];
	_ =	sdelay $0x2  }
0x226: {  	[hbm4b:s23+s1] =	stream.linear.scatter [tilespmem:s24], [sflag:$0x1], $0x800, $0x38;
	[tilespmem:$0x11080] =	vst v63  }
0x227: {  	s23 =	sld [smem:$0x752]  }
0x228: {  	s24 =	sld [smem:$0x7D4];
	_ =	sdelay $0x2  }
0x229: {  	[hbm4b:s23+s1] =	stream.linear.scatter [tilespmem:s24], [sflag:$0x1], $0x800, $0x38;
	[tilespmem:$0x11080] =	vst v63  }
0x22a: {  	s23 =	sld [smem:$0x753]  }
0x22b: {  	s24 =	sld [smem:$0x7D5];
	_ =	sdelay $0x2  }
0x22c: {  	[hbm4b:s23+s1] =	stream.linear.scatter [tilespmem:s24], [sflag:$0x1], $0x800, $0x38;
	[tilespmem:$0x11080] =	vst v63  }
0x22d: {  	s23 =	sld [smem:$0x754]  }
0x22e: {  	s24 =	sld [smem:$0x7D6];
	_ =	sdelay $0x2  }
0x22f: {  	[hbm4b:s23+s1] =	stream.linear.scatter [tilespmem:s24], [sflag:$0x1], $0x800, $0x38;
	[tilespmem:$0x11080] =	vst v63  }
0x230: {  	s23 =	sld [smem:$0x755]  }
0x231: {  	s24 =	sld [smem:$0x7D7];
	_ =	sdelay $0x2  }
0x232: {  	[hbm4b:s23+s1] =	stream.linear.scatter [tilespmem:s24], [sflag:$0x1], $0x800, $0x38;
	[tilespmem:$0x11080] =	vst v63  }
0x233: {  	s23 =	sld [smem:$0x756]  }
0x234: {  	s24 =	sld [smem:$0x7D8];
	_ =	sdelay $0x2  }
0x235: {  	[hbm4b:s23+s1] =	stream.linear.scatter [tilespmem:s24], [sflag:$0x1], $0x800, $0x38;
	[tilespmem:$0x11080] =	vst v63  }
0x236: {  	s23 =	sld [smem:$0x757]  }
0x237: {  	s24 =	sld [smem:$0x7D9];
	_ =	sdelay $0x2  }
0x238: {  	[hbm4b:s23+s1] =	stream.linear.scatter [tilespmem:s24], [sflag:$0x1], $0x800, $0x38;
	[tilespmem:$0x11080] =	vst v63  }
0x239: {  	s23 =	sld [smem:$0x758]  }
0x23a: {  	s24 =	sld [smem:$0x7DA];
	_ =	sdelay $0x2  }
0x23b: {  	[hbm4b:s23+s1] =	stream.linear.scatter [tilespmem:s24], [sflag:$0x1], $0x800, $0x38;
	[tilespmem:$0x11080] =	vst v63  }
0x23c: {  	s23 =	sld [smem:$0x759]  }
0x23d: {  	s24 =	sld [smem:$0x7DB];
	_ =	sdelay $0x2  }
0x23e: {  	[hbm4b:s23+s1] =	stream.linear.scatter [tilespmem:s24], [sflag:$0x1], $0x800, $0x38;
	[tilespmem:$0x11080] =	vst v63  }
0x23f: {  	s23 =	sld [smem:$0x75A]  }
0x240: {  	s24 =	sld [smem:$0x7DC];
	_ =	sdelay $0x2  }
0x241: {  	[hbm4b:s23+s1] =	stream.linear.scatter [tilespmem:s24], [sflag:$0x1], $0x800, $0x38;
	[tilespmem:$0x11080] =	vst v63  }
0x242: {  	s23 =	sld [smem:$0x75B]  }
0x243: {  	s24 =	sld [smem:$0x7DD];
	_ =	sdelay $0x2  }
0x244: {  	[hbm4b:s23+s1] =	stream.linear.scatter [tilespmem:s24], [sflag:$0x1], $0x800, $0x38;
	[tilespmem:$0x11080] =	vst v63  }
0x245: {  	s23 =	sld [smem:$0x75C]  }
0x246: {  	s24 =	sld [smem:$0x7DE];
	_ =	sdelay $0x2  }
0x247: {  	[hbm4b:s23+s1] =	stream.linear.scatter [tilespmem:s24], [sflag:$0x1], $0x800, $0x38;
	[tilespmem:$0x11080] =	vst v63  }
0x248: {  	s23 =	sld [smem:$0x75D]  }
0x249: {  	s24 =	sld [smem:$0x7DF];
	_ =	sdelay $0x2  }
0x24a: {  	[hbm4b:s23+s1] =	stream.linear.scatter [tilespmem:s24], [sflag:$0x1], $0x800, $0x38;
	[tilespmem:$0x11080] =	vst v63  }
0x24b: {  	s23 =	sld [smem:$0x75E]  }
0x24c: {  	s24 =	sld [smem:$0x7E0];
	_ =	sdelay $0x2  }
0x24d: {  	[hbm4b:s23+s1] =	stream.linear.scatter [tilespmem:s24], [sflag:$0x1], $0x800, $0x38;
	[tilespmem:$0x11080] =	vst v63  }
0x24e: {  	s23 =	sld [smem:$0x75F]  }
0x24f: {  	s24 =	sld [smem:$0x7E1];
	_ =	sdelay $0x2  }
0x250: {  	[hbm4b:s23+s1] =	stream.linear.scatter [tilespmem:s24], [sflag:$0x1], $0x800, $0x38;
	[tilespmem:$0x11080] =	vst v63  }
0x251: {  	s23 =	sld [smem:$0x760]  }
0x252: {  	s24 =	sld [smem:$0x7E2];
	_ =	sdelay $0x2  }
0x253: {  	[hbm4b:s23+s1] =	stream.linear.scatter [tilespmem:s24], [sflag:$0x1], $0x800, $0x38;
	[tilespmem:$0x11080] =	vst v63  }
0x254: {  	s23 =	sld [smem:$0x761]  }
0x255: {  	s24 =	sld [smem:$0x7E3];
	_ =	sdelay $0x2  }
0x256: {  	[hbm4b:s23+s1] =	stream.linear.scatter [tilespmem:s24], [sflag:$0x1], $0x800, $0x38;
	[tilespmem:$0x11080] =	vst v63  }
0x257: {  	s23 =	sld [smem:$0x762]  }
0x258: {  	s24 =	sld [smem:$0x7E4];
	_ =	sdelay $0x2  }
0x259: {  	[hbm4b:s23+s1] =	stream.linear.scatter [tilespmem:s24], [sflag:$0x1], $0x800, $0x38;
	[tilespmem:$0x11080] =	vst v63  }
0x25a: {  	s23 =	sld [smem:$0x763]  }
0x25b: {  	s24 =	sld [smem:$0x7E5];
	_ =	sdelay $0x2  }
0x25c: {  	[hbm4b:s23+s1] =	stream.linear.scatter [tilespmem:s24], [sflag:$0x1], $0x800, $0x38;
	[tilespmem:$0x11080] =	vst v63  }
0x25d: {  	s23 =	sld [smem:$0x764]  }
0x25e: {  	s24 =	sld [smem:$0x7E6];
	_ =	sdelay $0x2  }
0x25f: {  	[hbm4b:s23+s1] =	stream.linear.scatter [tilespmem:s24], [sflag:$0x1], $0x800, $0x38;
	[tilespmem:$0x11080] =	vst v63  }
0x260: {  	s23 =	sld [smem:$0x765]  }
0x261: {  	s24 =	sld [smem:$0x7E7];
	_ =	sdelay $0x2  }
0x262: {  	[hbm4b:s23+s1] =	stream.linear.scatter [tilespmem:s24], [sflag:$0x1], $0x800, $0x38;
	[tilespmem:$0x11080] =	vst v63  }
0x263: {  	s23 =	sld [smem:$0x766]  }
0x264: {  	s24 =	sld [smem:$0x7E8];
	_ =	sdelay $0x2  }
0x265: {  	[hbm4b:s23+s1] =	stream.linear.scatter [tilespmem:s24], [sflag:$0x1], $0x800, $0x38;
	[tilespmem:$0x11080] =	vst v63  }
0x266: {  	s23 =	sld [smem:$0x767]  }
0x267: {  	s24 =	sld [smem:$0x7E9];
	_ =	sdelay $0x2  }
0x268: {  	[hbm4b:s23+s1] =	stream.linear.scatter [tilespmem:s24], [sflag:$0x1], $0x800, $0x38;
	[tilespmem:$0x11080] =	vst v63  }
0x269: {  	s23 =	sld [smem:$0x768]  }
0x26a: {  	s24 =	sld [smem:$0x7EA];
	_ =	sdelay $0x2  }
0x26b: {  	[hbm4b:s23+s1] =	stream.linear.scatter [tilespmem:s24], [sflag:$0x1], $0x800, $0x38;
	[tilespmem:$0x11080] =	vst v63  }
0x26c: {  	s23 =	sld [smem:$0x769]  }
0x26d: {  	s24 =	sld [smem:$0x7EB];
	_ =	sdelay $0x2  }
0x26e: {  	[hbm4b:s23+s1] =	stream.linear.scatter [tilespmem:s24], [sflag:$0x1], $0x800, $0x38;
	[tilespmem:$0x11080] =	vst v63  }
0x26f: {  	s23 =	sld [smem:$0x76A]  }
0x270: {  	s24 =	sld [smem:$0x7EC];
	_ =	sdelay $0x2  }
0x271: {  	[hbm4b:s23+s1] =	stream.linear.scatter [tilespmem:s24], [sflag:$0x1], $0x800, $0x38;
	[tilespmem:$0x11080] =	vst v63  }
0x272: {  	s23 =	sld [smem:$0x76B]  }
0x273: {  	s24 =	sld [smem:$0x7ED];
	_ =	sdelay $0x2  }
0x274: {  	[hbm4b:s23+s1] =	stream.linear.scatter [tilespmem:s24], [sflag:$0x1], $0x800, $0x38;
	[tilespmem:$0x11080] =	vst v63  }
0x275: {  	s23 =	sld [smem:$0x76C]  }
0x276: {  	s24 =	sld [smem:$0x7EE];
	_ =	sdelay $0x2  }
0x277: {  	[hbm4b:s23+s1] =	stream.linear.scatter [tilespmem:s24], [sflag:$0x1], $0x800, $0x38;
	[tilespmem:$0x11080] =	vst v63  }
0x278: {  	s23 =	sld [smem:$0x76D]  }
0x279: {  	s24 =	sld [smem:$0x7EF];
	_ =	sdelay $0x2  }
0x27a: {  	[hbm4b:s23+s1] =	stream.linear.scatter [tilespmem:s24], [sflag:$0x1], $0x800, $0x38;
	[tilespmem:$0x11080] =	vst v63  }
0x27b: {  	s23 =	sld [smem:$0x76E]  }
0x27c: {  	s24 =	sld [smem:$0x7F0];
	_ =	sdelay $0x2  }
0x27d: {  	[hbm4b:s23+s1] =	stream.linear.scatter [tilespmem:s24], [sflag:$0x1], $0x800, $0x38;
	[tilespmem:$0x11080] =	vst v63  }
0x27e: {  	s23 =	sld [smem:$0x76F]  }
0x27f: {  	s24 =	sld [smem:$0x7F1];
	_ =	sdelay $0x2  }
0x280: {  	[hbm4b:s23+s1] =	stream.linear.scatter [tilespmem:s24], [sflag:$0x1], $0x800, $0x38;
	[tilespmem:$0x11080] =	vst v63  }
0x281: {  	s23 =	sld [smem:$0x770]  }
0x282: {  	s24 =	sld [smem:$0x7F2];
	_ =	sdelay $0x2  }
0x283: {  	[hbm4b:s23+s1] =	stream.linear.scatter [tilespmem:s24], [sflag:$0x1], $0x800, $0x38;
	[tilespmem:$0x11080] =	vst v63  }
0x284: {  	s23 =	sld [smem:$0x771]  }
0x285: {  	s24 =	sld [smem:$0x7F3];
	_ =	sdelay $0x2  }
0x286: {  	[hbm4b:s23+s1] =	stream.linear.scatter [tilespmem:s24], [sflag:$0x1], $0x800, $0x38;
	[tilespmem:$0x11080] =	vst v63  }
0x287: {  	s23 =	sld [smem:$0x772]  }
0x288: {  	s24 =	sld [smem:$0x7F4];
	_ =	sdelay $0x2  }
0x289: {  	[hbm4b:s23+s1] =	stream.linear.scatter [tilespmem:s24], [sflag:$0x1], $0x800, $0x38;
	[tilespmem:$0x11080] =	vst v63  }
0x28a: {  	s23 =	sld [smem:$0x773]  }
0x28b: {  	s24 =	sld [smem:$0x7F5];
	_ =	sdelay $0x2  }
0x28c: {  	[hbm4b:s23+s1] =	stream.linear.scatter [tilespmem:s24], [sflag:$0x1], $0x800, $0x38;
	[tilespmem:$0x11080] =	vst v63  }
0x28d: {  	s23 =	sld [smem:$0x774]  }
0x28e: {  	s24 =	sld [smem:$0x7F6];
	_ =	sdelay $0x2  }
0x28f: {  	[hbm4b:s23+s1] =	stream.linear.scatter [tilespmem:s24], [sflag:$0x1], $0x800, $0x38;
	[tilespmem:$0x11080] =	vst v63  }
0x290: {  	s23 =	sld [smem:$0x775]  }
0x291: {  	s24 =	sld [smem:$0x7F7];
	_ =	sdelay $0x2  }
0x292: {  	[hbm4b:s23+s1] =	stream.linear.scatter [tilespmem:s24], [sflag:$0x1], $0x800, $0x38;
	[tilespmem:$0x11080] =	vst v63  }
0x293: {  	s23 =	sld [smem:$0x776]  }
0x294: {  	s24 =	sld [smem:$0x7F8];
	_ =	sdelay $0x2  }
0x295: {  	[hbm4b:s23+s1] =	stream.linear.scatter [tilespmem:s24], [sflag:$0x1], $0x800, $0x38;
	[tilespmem:$0x11080] =	vst v63  }
0x296: {  	s23 =	sld [smem:$0x777]  }
0x297: {  	s24 =	sld [smem:$0x7F9];
	_ =	sdelay $0x2  }
0x298: {  	[hbm4b:s23+s1] =	stream.linear.scatter [tilespmem:s24], [sflag:$0x1], $0x800, $0x38;
	[tilespmem:$0x11080] =	vst v63  }
0x299: {  	s23 =	sld [smem:$0x778]  }
0x29a: {  	s24 =	sld [smem:$0x7FA];
	_ =	sdelay $0x2  }
0x29b: {  	[hbm4b:s23+s1] =	stream.linear.scatter [tilespmem:s24], [sflag:$0x1], $0x800, $0x38;
	[tilespmem:$0x11080] =	vst v63  }
0x29c: {  	s23 =	sld [smem:$0x779]  }
0x29d: {  	s24 =	sld [smem:$0x7FB];
	_ =	sdelay $0x2  }
0x29e: {  	[hbm4b:s23+s1] =	stream.linear.scatter [tilespmem:s24], [sflag:$0x1], $0x800, $0x38;
	[tilespmem:$0x11080] =	vst v63  }
0x29f: {  	s23 =	sld [smem:$0x77A]  }
0x2a0: {  	s24 =	sld [smem:$0x7FC];
	_ =	sdelay $0x2  }
0x2a1: {  	[hbm4b:s23+s1] =	stream.linear.scatter [tilespmem:s24], [sflag:$0x1], $0x800, $0x38;
	[tilespmem:$0x11080] =	vst v63  }
0x2a2: {  	s23 =	sld [smem:$0x77B]  }
0x2a3: {  	s24 =	sld [smem:$0x7FD];
	_ =	sdelay $0x2  }
0x2a4: {  	[hbm4b:s23+s1] =	stream.linear.scatter [tilespmem:s24], [sflag:$0x1], $0x800, $0x38;
	[tilespmem:$0x11080] =	vst v63  }
0x2a5: {  	s24 =	sld [smem:$0x77C];
	_ =	sdelay $0x2  }
0x2a6: {  	[hbm4b:s24+s1] =	stream.linear.scatter [tilespmem:s26], [sflag:$0x1], $0x800, $0x38;
	[tilespmem:$0x11080] =	vst v63  }
0x2a7: {  	s24 =	sld [smem:$0x77D];
	_ =	sdelay $0x2  }
0x2a8: {  	[hbm4b:s24+s1] =	stream.linear.scatter [tilespmem:s28], [sflag:$0x1], $0x800, $0x38;
	[tilespmem:$0x11080] =	vst v63  }
0x2a9: {  	s24 =	sld [smem:$0x77E];
	_ =	sdelay $0x2  }
0x2aa: {  	[hbm4b:s24+s1] =	stream.linear.scatter [tilespmem:s29], [sflag:$0x1], $0x800, $0x38;
	[tilespmem:$0x11080] =	vst v63  }
0x2ab: {  	s24 =	sld [smem:$0x77F];
	_ =	sdelay $0x2  }
0x2ac: {  	[hbm4b:s24+s1] =	stream.linear.scatter [tilespmem:s30], [sflag:$0x1], $0x800, $0x38;
	[tilespmem:$0x11080] =	vst v63  }
0x2ad: {  	s24 =	sld [smem:$0x780];
	_ =	sdelay $0x2  }
0x2ae: {  	[hbm4b:s24+s1] =	stream.linear.scatter [tilespmem:s31], [sflag:$0x1], $0x800, $0x38;
	[tilespmem:$0x11080] =	vst v63  }
0x2af: {  	s24 =	sld [smem:$0x781];
	_ =	sdelay $0x2  }
0x2b0: {  	[hbm4b:s24+s1] =	stream.linear.scatter [tilespmem:s0], [sflag:$0x1], $0x800, $0x38;
	[tilespmem:$0x11080] =	vst v63  }
0x2b1: {  	s24 =	sld [smem:$0x782];
	_ =	sdelay $0x2  }
0x2b2: {  	[hbm4b:s24+s1] =	stream.linear.scatter [tilespmem:s2], [sflag:$0x1], $0x800, $0x38;
	[tilespmem:$0x11080] =	vst v63  }
0x2b3: {  	s24 =	sld [smem:$0x783];
	_ =	sdelay $0x2  }
0x2b4: {  	[hbm4b:s24+s1] =	stream.linear.scatter [tilespmem:s3], [sflag:$0x1], $0x800, $0x38;
	[tilespmem:$0x11080] =	vst v63  }
0x2b5: {  	s24 =	sld [smem:$0x784];
	_ =	sdelay $0x2  }
0x2b6: {  	[hbm4b:s24+s1] =	stream.linear.scatter [tilespmem:s4], [sflag:$0x1], $0x800, $0x38;
	[tilespmem:$0x11080] =	vst v63  }
0x2b7: {  	s24 =	sld [smem:$0x785];
	_ =	sdelay $0x2  }
0x2b8: {  	[hbm4b:s24+s1] =	stream.linear.scatter [tilespmem:s5], [sflag:$0x1], $0x800, $0x38;
	[tilespmem:$0x11080] =	vst v63  }
0x2b9: {  	s24 =	sld [smem:$0x786];
	_ =	sdelay $0x2  }
0x2ba: {  	[hbm4b:s24+s1] =	stream.linear.scatter [tilespmem:s6], [sflag:$0x1], $0x800, $0x38;
	[tilespmem:$0x11080] =	vst v63  }
0x2bb: {  	s24 =	sld [smem:$0x787];
	_ =	sdelay $0x2  }
0x2bc: {  	[hbm4b:s24+s1] =	stream.linear.scatter [tilespmem:s7], [sflag:$0x1], $0x800, $0x38;
	[tilespmem:$0x11080] =	vst v63  }
0x2bd: {  	s24 =	sld [smem:$0x788];
	_ =	sdelay $0x2  }
0x2be: {  	[hbm4b:s24+s1] =	stream.linear.scatter [tilespmem:s8], [sflag:$0x1], $0x800, $0x38;
	[tilespmem:$0x11080] =	vst v63  }
0x2bf: {  	s24 =	sld [smem:$0x789];
	_ =	sdelay $0x2  }
0x2c0: {  	[hbm4b:s24+s1] =	stream.linear.scatter [tilespmem:s9], [sflag:$0x1], $0x800, $0x38;
	[tilespmem:$0x11080] =	vst v63  }
0x2c1: {  	s24 =	sld [smem:$0x78A];
	_ =	sdelay $0x2  }
0x2c2: {  	[hbm4b:s24+s1] =	stream.linear.scatter [tilespmem:s10], [sflag:$0x1], $0x800, $0x38;
	[tilespmem:$0x11080] =	vst v63  }
0x2c3: {  	s24 =	sld [smem:$0x78B];
	_ =	sdelay $0x2  }
0x2c4: {  	[hbm4b:s24+s1] =	stream.linear.scatter [tilespmem:s11], [sflag:$0x1], $0x800, $0x38;
	[tilespmem:$0x11080] =	vst v63  }
0x2c5: {  	s24 =	sld [smem:$0x78C];
	_ =	sdelay $0x2  }
0x2c6: {  	[hbm4b:s24+s1] =	stream.linear.scatter [tilespmem:s12], [sflag:$0x1], $0x800, $0x38;
	[tilespmem:$0x11080] =	vst v63  }
0x2c7: {  	s24 =	sld [smem:$0x78D];
	_ =	sdelay $0x2  }
0x2c8: {  	[hbm4b:s24+s1] =	stream.linear.scatter [tilespmem:s13], [sflag:$0x1], $0x800, $0x38;
	[tilespmem:$0x11080] =	vst v63  }
0x2c9: {  	s24 =	sld [smem:$0x78E];
	_ =	sdelay $0x2  }
0x2ca: {  	[hbm4b:s24+s1] =	stream.linear.scatter [tilespmem:s14], [sflag:$0x1], $0x800, $0x38;
	[tilespmem:$0x11080] =	vst v63  }
0x2cb: {  	s24 =	sld [smem:$0x78F];
	_ =	sdelay $0x2  }
0x2cc: {  	[hbm4b:s24+s1] =	stream.linear.scatter [tilespmem:s15], [sflag:$0x1], $0x800, $0x38;
	[tilespmem:$0x11080] =	vst v63  }
0x2cd: {  	s24 =	sld [smem:$0x790];
	_ =	sdelay $0x2  }
0x2ce: {  	[hbm4b:s24+s1] =	stream.linear.scatter [tilespmem:s16], [sflag:$0x1], $0x800, $0x38;
	[tilespmem:$0x11080] =	vst v63  }
0x2cf: {  	s24 =	sld [smem:$0x791];
	_ =	sdelay $0x2  }
0x2d0: {  	[hbm4b:s24+s1] =	stream.linear.scatter [tilespmem:s17], [sflag:$0x1], $0x800, $0x38;
	[tilespmem:$0x11080] =	vst v63  }
0x2d1: {  	s24 =	sld [smem:$0x792];
	_ =	sdelay $0x2  }
0x2d2: {  	[hbm4b:s24+s1] =	stream.linear.scatter [tilespmem:s18], [sflag:$0x1], $0x800, $0x38;
	[tilespmem:$0x11080] =	vst v63  }
0x2d3: {  	s24 =	sld [smem:$0x793];
	_ =	sdelay $0x2  }
0x2d4: {  	[hbm4b:s24+s1] =	stream.linear.scatter [tilespmem:s19], [sflag:$0x1], $0x800, $0x38;
	[tilespmem:$0x11080] =	vst v63  }
0x2d5: {  	_ =	swait.ge [sflag:s21], $0x800  }
0x2d6: {  	s23 =	simm.s32 $0x7F;
	[sflag:s21] =	ssyncset.done $0x0  }
.LBB2_34:
0x2d7: {  	p0 =	sne.s32 s23, $0x1;
	s23 =	sadd.s32 $0xFFFFFFFF, s23;
	[sflag:s21] =	ssyncadd.s32 $0xFFFFF800  }
.Ltmp16:
0x2d8: {  	(pc) =	sbr.rel @p0 .LBB2_34-.Ltmp16, $3  }
0x2d9: {  	_ =	sdelay $0x1  }
0x2da: {  	_ =	swait.ge [sflag:s21], $0x800  }
0x2db: {  	[sflag:s21] =	ssyncset.done $0x0  }
0x2dc: {  	s23 =	sld [smem:$0x795];
	_ =	sdelay $0x1  }
0x2dd: {  	s22 =	sadd.s32 $0x1, s22  }
0x2de: {  	p0 =	sne.s32 s22, s23  }
.Ltmp17:
0x2df: {  	_ = 	snop;
	(pc) =	sbr.rel @p0 .LBB2_1-.Ltmp17, $2  }
0x2e0: {  	_ =	sdelay $0x2  }
0x2e1: {  	[sflag:s21] =	ssyncadd.s32 $0xFFFFF800  }
0x2e2: {  	_ =	sfence.sel $0x180000  }
0x2e3: {  	[bflag:$0x0] =	sbarrier.arrive $0xFFFF  }
0x2e4: {  	_ =	strace $0x90000047  }
0x2e5: {  	s0 =	stileid.u32;
	[bflag:$0x2] =	sbarrier.arrive $0xFFFF  }
0x2e6: {  	p0 =	sne.s32 s0, $0x0;
	s0 =	rddreg [dreg:$0x1]  }
0x2e7: {  	s0 =	sadd.s32 @!p0 $0x100000, s0  }
0x2e8: {  	[sflag:s0] =	ssyncadd.tile.s32 @!p0 $0x1;
	_ =	shalt  }
.Lfunc_end2:
_tile_overlayer_lowered:
.L_overlay_start_2:
0x2e9: {  	(tag) =	ssettag $0x2  }
0x2ea: {  	s0 =	rddreg [dreg:$0x0];
	s2 =	stileid.u32  }
0x2eb: {  	s1 =	rddreg [dreg:$0x1];
	p0 =	sne.s32 s2, $0x0  }
0x2ec: {  	s3 =	rddreg [dreg:$0x2];
	[bflag:$0x3] =	sbarrier.arrive $0xFFFF;
	s2 =	simm.s32 @!p0 $0x1C02  }
0x2ed: {  	[timem:s3], [sflag:s2] =	dma.local @!p0 [hbm:s0], s1  }
0x2ee: {  	s0 =	simm.s32 @!p0 $0x2  }
0x2ef: {  	_ =	swait.ge @!p0 [sflag:s0], s1  }
0x2f0: {  	s1 =	ssub.s32 @!p0 $0x0, s1;
	[sflag:s0] =	ssyncset.done @!p0 $0x0  }
0x2f1: {  	[sflag:s0] =	ssyncadd.s32 @!p0 s1  }
0x2f2: {  	[bflag:$0x3] =	sbarrier.arrive $0xFFFF  }
0x2f3: {  	_ =	shalt  }

</sc_bundles>
